<compile_context>
chip_gen: v7x
topology: tpu7x:2x2x1
jax: 0.10.2.dev20260603
libtpu: 0.0.44.dev20260713+nightly
codegen_flags: <defaults>
</compile_context>

<pallas_src>
import functools

import jax
import jax.numpy as jnp
from jax import lax
from jax.experimental import pallas as pl
from jax.experimental.pallas import tpu as pltpu
from jax.experimental.pallas import tpu_sc as plsc

N = 10000
E = 320000
NC = 2
NS = 16
NW = NC * NS
CHUNK = 128
NCHUNKS = E // CHUNK
CH_PER_W = NCHUNKS // NW
EXTRA_CHUNKS = NCHUNKS - CH_PER_W * NW
ROWS_PER_TILE = 624
EXTRA_ROWS = N - NS * ROWS_PER_TILE


def _make_seg_sum(F):
    mesh = plsc.VectorSubcoreMesh(core_axis_name="c", subcore_axis_name="s")

    @functools.partial(
        pl.kernel,
        mesh=mesh,
        compiler_params=pltpu.CompilerParams(use_tc_tiling_on_sc=False),
        out_type=(jax.ShapeDtypeStruct((N, F), jnp.float32),
                  jax.ShapeDtypeStruct((N, F), jnp.float32)),
        scratch_types=[
            pltpu.VMEM((CH_PER_W * CHUNK,), jnp.int32),
            pltpu.VMEM((2, CHUNK), jnp.int32),
            pltpu.VMEM((CHUNK, F), jnp.float32),
            pltpu.VMEM((CHUNK, F), jnp.float32),
            pltpu.VMEM_SHARED((N, F), jnp.float32),
            pltpu.SemaphoreType.DMA,
            pltpu.SemaphoreType.DMA,
            pltpu.SemaphoreType.DMA,
            pltpu.SemaphoreType.DMA,
        ],
    )
    def seg_sum(h_hbm, src_hbm, dst2d_hbm, out0_hbm, out1_hbm,
                idx_s, idx_d, rows0, rows1, acc,
                semg0, semg1, semd0, semd1):
        c = lax.axis_index("c")
        s = lax.axis_index("s")
        wid = s * NC + c
        cbase = wid * CH_PER_W
        rbase = s * ROWS_PER_TILE

        nfullcopy = ROWS_PER_TILE // CHUNK
        rem = ROWS_PER_TILE - nfullcopy * CHUNK

        @pl.when(c == 0)
        def _init_h():
            pltpu.sync_copy(h_hbm.at[pl.ds(rbase, ROWS_PER_TILE)],
                            acc.at[pl.ds(rbase, ROWS_PER_TILE)])

            @pl.when(s == NS - 1)
            def _init_h_extra():
                pltpu.sync_copy(h_hbm.at[pl.ds(NS * ROWS_PER_TILE, EXTRA_ROWS)],
                                acc.at[pl.ds(NS * ROWS_PER_TILE, EXTRA_ROWS)])

        @pl.when(c == 1)
        def _init_zero():
            zeros16 = jnp.zeros((16,), jnp.float32)
            fvec = F // 16

            @pl.loop(0, CHUNK * fvec, unroll=8)
            def _zero(i):
                rows0[i // fvec, pl.ds((i % fvec) * 16, 16)] = zeros16

            for j in range(nfullcopy):
                pltpu.sync_copy(rows0, acc.at[pl.ds(rbase + j * CHUNK, CHUNK)])
            if rem:
                pltpu.sync_copy(rows0.at[pl.ds(0, rem)],
                                acc.at[pl.ds(rbase + nfullcopy * CHUNK, rem)])

            @pl.when(s == NS - 1)
            def _zero_extra():
                pltpu.sync_copy(rows0.at[pl.ds(0, EXTRA_ROWS)],
                                acc.at[pl.ds(NS * ROWS_PER_TILE, EXTRA_ROWS)])

        pltpu.sync_copy(src_hbm.at[pl.ds(cbase * CHUNK, CH_PER_W * CHUNK)],
                        idx_s)

        rows = (rows0, rows1)
        semg = (semg0, semg1)
        semd = (semd0, semd1)
        pltpu.async_copy(h_hbm.at[idx_s.at[pl.ds(0, CHUNK)]], rows0, semg0)
        pltpu.async_copy(dst2d_hbm.at[pl.ds(cbase, 1)],
                         idx_d.at[pl.ds(0, 1)], semd0)
        plsc.subcore_barrier()

        @pl.loop(0, CH_PER_W, step=2)
        def _go(i):
            for b in range(2):
                cc = i + b
                nxt = 1 - b

                def _issue(nc=cc + 1, nb=nxt):
                    pltpu.async_copy(
                        h_hbm.at[idx_s.at[pl.ds(nc * CHUNK, CHUNK)]],
                        rows[nb], semg[nb])
                    pltpu.async_copy(dst2d_hbm.at[pl.ds(cbase + nc, 1)],
                                     idx_d.at[pl.ds(nb, 1)], semd[nb])

                if b == 0:
                    _issue()
                else:
                    pl.when(i < CH_PER_W - 2)(_issue)
                pltpu.make_async_copy(h_hbm.at[idx_s.at[pl.ds(0, CHUNK)]],
                                      rows[b], semg[b]).wait()
                pltpu.make_async_copy(dst2d_hbm.at[pl.ds(0, 1)],
                                      idx_d.at[pl.ds(b, 1)], semd[b]).wait()
                pltpu.sync_copy(rows[b], acc.at[idx_d.at[b]], add=True)

        @pl.when(wid < EXTRA_CHUNKS)
        def _extra():
            ck = NW * CH_PER_W + wid
            pltpu.sync_copy(src_hbm.at[pl.ds(ck * CHUNK, CHUNK)],
                            idx_s.at[pl.ds(0, CHUNK)])
            pltpu.sync_copy(dst2d_hbm.at[pl.ds(ck, 1)], idx_d.at[pl.ds(0, 1)])
            pltpu.async_copy(h_hbm.at[idx_s.at[pl.ds(0, CHUNK)]], rows0,
                             semg0).wait()
            pltpu.sync_copy(rows0, acc.at[idx_d.at[0]], add=True)

        plsc.subcore_barrier()

        for cc_, out_ in ((0, out0_hbm), (1, out1_hbm)):
            @pl.when(c == cc_)
            def _write(out_=out_):
                pltpu.sync_copy(acc.at[pl.ds(rbase, ROWS_PER_TILE)],
                                out_.at[pl.ds(rbase, ROWS_PER_TILE)])

                @pl.when(s == NS - 1)
                def _write_extra():
                    pltpu.sync_copy(
                        acc.at[pl.ds(NS * ROWS_PER_TILE, EXTRA_ROWS)],
                        out_.at[pl.ds(NS * ROWS_PER_TILE, EXTRA_ROWS)])

    return seg_sum


def _make_mlp(Fin, R=1000):
    H = 64
    NBLK = N // R

    def body(g0_hbm, g1_hbm, w1_ref, b1_ref, w2_ref, b2_ref, o_hbm,
             a0b0, a0b1, a1b0, a1b1, ob0, ob1,
             sa00, sa01, sa10, sa11, so0, so1):
        k = pl.program_id(0)
        a0bufs = (a0b0, a0b1)
        a1bufs = (a1b0, a1b1)
        obufs = (ob0, ob1)
        sa0 = (sa00, sa01)
        sa1 = (sa10, sa11)
        so = (so0, so1)

        def issue_load(blk, slot):
            pltpu.async_copy(g0_hbm.at[pl.ds(blk * R, R)],
                             a0bufs[slot], sa0[slot])
            pltpu.async_copy(g1_hbm.at[pl.ds(blk * R, R)],
                             a1bufs[slot], sa1[slot])

        @pl.when(k == 0)
        def _prologue():
            issue_load(0, 0)
            issue_load(1, 1)

        for slot in range(2):
            blk = 2 * k + slot
            pltpu.make_async_copy(g0_hbm.at[pl.ds(0, R)],
                                  a0bufs[slot], sa0[slot]).wait()
            pltpu.make_async_copy(g1_hbm.at[pl.ds(0, R)],
                                  a1bufs[slot], sa1[slot]).wait()
            u = a0bufs[slot][...] + a1bufs[slot][...]
            z = jnp.dot(u, w1_ref[...], preferred_element_type=jnp.float32)
            z = jnp.maximum(z + b1_ref[...], 0.0)
            o = jnp.dot(z, w2_ref[...], preferred_element_type=jnp.float32)
            o = jnp.maximum(o + b2_ref[...], 0.0)

            @pl.when(k > 0)
            def _drain_prev_out():
                pltpu.make_async_copy(obufs[slot], o_hbm.at[pl.ds(0, R)],
                                      so[slot]).wait()

            obufs[slot][...] = o
            pltpu.async_copy(obufs[slot], o_hbm.at[pl.ds(blk * R, R)],
                             so[slot])

            @pl.when(k < (NBLK // 2) - 1)
            def _prefetch(slot=slot):
                nblk = 2 * (k + 1) + slot
                pltpu.async_copy(g0_hbm.at[pl.ds(nblk * R, R)],
                                 a0bufs[slot], sa0[slot])
                pltpu.async_copy(g1_hbm.at[pl.ds(nblk * R, R)],
                                 a1bufs[slot], sa1[slot])

        @pl.when(k == (NBLK // 2) - 1)
        def _drain_final_outs():
            for slot in range(2):
                pltpu.make_async_copy(obufs[slot], o_hbm.at[pl.ds(0, R)],
                                      so[slot]).wait()

    grid = (NBLK // 2,)
    return pl.pallas_call(
        body,
        grid=grid,
        in_specs=[
            pl.BlockSpec(memory_space=pltpu.HBM),
            pl.BlockSpec(memory_space=pltpu.HBM),
            pl.BlockSpec((Fin, H), lambda i: (0, 0)),
            pl.BlockSpec((1, H), lambda i: (0, 0)),
            pl.BlockSpec((H, H), lambda i: (0, 0)),
            pl.BlockSpec((1, H), lambda i: (0, 0)),
        ],
        out_specs=pl.BlockSpec(memory_space=pltpu.HBM),
        out_shape=jax.ShapeDtypeStruct((N, H), jnp.float32),
        scratch_shapes=[
            pltpu.VMEM((R, Fin), jnp.float32),
            pltpu.VMEM((R, Fin), jnp.float32),
            pltpu.VMEM((R, Fin), jnp.float32),
            pltpu.VMEM((R, Fin), jnp.float32),
            pltpu.VMEM((R, H), jnp.float32),
            pltpu.VMEM((R, H), jnp.float32),
            pltpu.SemaphoreType.DMA,
            pltpu.SemaphoreType.DMA,
            pltpu.SemaphoreType.DMA,
            pltpu.SemaphoreType.DMA,
            pltpu.SemaphoreType.DMA,
            pltpu.SemaphoreType.DMA,
        ],
    )


def kernel(x, edge_index, W1_0, b1_0, W2_0, b2_0, W1_1, b1_1, W2_1, b2_1,
           W1_2, b1_2, W2_2, b2_2):
    src = edge_index[0]
    dst2d = edge_index[1].reshape(NCHUNKS, CHUNK)
    params = [(W1_0, b1_0, W2_0, b2_0), (W1_1, b1_1, W2_1, b2_1),
              (W1_2, b1_2, W2_2, b2_2)]
    h = x
    outs = []
    for (W1, b1, W2, b2) in params:
        F = h.shape[1]
        g0, g1 = _make_seg_sum(F)(h, src, dst2d)
        h = _make_mlp(F)(g0, g1, W1, b1.reshape(1, -1), W2, b2.reshape(1, -1))
        outs.append(h)
    return jnp.concatenate(outs, axis=1)

# --- scband reference (transcript-rebuilt; emitter-appended) ---
"""Pipeline reference for scband-gin-49100066128327 (READ-ONLY COPY).

The authoritative reference and input builder live on the scoring server;
editing this copy changes nothing except your own understanding.
"""

import jax, jax.numpy as jnp
import numpy as np

N, E, F, H = 10000, 320000, 128, 64


def setup_inputs(seed: int = 0) -> dict:
    key = jax.random.key(seed)
    ks = jax.random.split(key, 16)
    inp = {}
    inp["x"] = jax.random.normal(ks[0], (N, F), dtype=jnp.float32)
    inp["edge_index"] = jax.random.randint(ks[1], (2, E), 0, N, dtype=jnp.int32)
    dims = [(F, H), (H, H), (H, H)]
    k = 2
    for i, (din, h) in enumerate(dims):
        inp[f"W1_{i}"] = jax.random.normal(ks[k], (din, h), dtype=jnp.float32) / np.sqrt(din); k += 1
        inp[f"b1_{i}"] = jnp.zeros((h,), dtype=jnp.float32)
        inp[f"W2_{i}"] = jax.random.normal(ks[k], (h, h), dtype=jnp.float32) / np.sqrt(h); k += 1
        inp[f"b2_{i}"] = jnp.zeros((h,), dtype=jnp.float32)
    return inp


def _gin_conv(x, src, dst, W1, b1, W2, b2):
    # GINConv: MLP((1 + eps) * x + sum_{j in N(i)} x_j), eps = 0 (train_eps=False)
    agg = jax.ops.segment_sum(jnp.take(x, src, axis=0), dst, num_segments=x.shape[0])
    h = x + agg
    h = jnp.maximum(h @ W1 + b1, 0.0)  # MLP layer 1 + ReLU (mlp_layers=2)
    h = h @ W2 + b2                    # MLP layer 2
    return h


def reference(x, edge_index, W1_0, b1_0, W2_0, b2_0, W1_1, b1_1, W2_1, b2_1, W1_2, b1_2, W2_2, b2_2):
    src = edge_index[0]
    dst = edge_index[1]
    params = [(W1_0, b1_0, W2_0, b2_0), (W1_1, b1_1, W2_1, b2_1), (W1_2, b1_2, W2_2, b2_2)]
    h_list = [x]
    for (W1, b1, W2, b2) in params:
        h = _gin_conv(h_list[-1], src, dst, W1, b1, W2, b2)
        # dropout is identity in eval mode
        h = jnp.maximum(h, 0.0)  # torch.relu
        h_list.append(h)
    out = jnp.concatenate(h_list[1:], axis=1)
    return out

if __name__ == "__main__":
    import jax
    _d = setup_inputs()
    print(jax.jit(kernel)(*tuple(_d.values())))

</pallas_src>

<mosaic_0001>
#map = affine_map<(d0, d1) -> (0, 0)>
#map1 = affine_map<(d0, d1) -> (0)>
module attributes {stable_mosaic.version = 14 : i64} {
  func.func @seg_sum(%arg0: i32, %arg1: i32, %arg2: memref<10000x64xf32, #tpu.memory_space<hbm>>, %arg3: memref<320000xi32, #tpu.memory_space<hbm>>, %arg4: memref<2500x128xi32, #tpu.memory_space<hbm>>, %arg5: memref<10000x64xf32, #tpu.memory_space<hbm>>, %arg6: memref<10000x64xf32, #tpu.memory_space<hbm>>, %arg7: memref<9984xi32, #tpu.memory_space<vmem>>, %arg8: memref<2x128xi32, #tpu.memory_space<vmem>>, %arg9: memref<128x64xf32, #tpu.memory_space<vmem>>, %arg10: memref<128x64xf32, #tpu.memory_space<vmem>>, %arg11: memref<10000x64xf32, #tpu.memory_space<vmem_shared>>, %arg12: memref<!tpu.dma_semaphore, #tpu.memory_space<semaphore_mem>>, %arg13: memref<!tpu.dma_semaphore, #tpu.memory_space<semaphore_mem>>, %arg14: memref<!tpu.dma_semaphore, #tpu.memory_space<semaphore_mem>>, %arg15: memref<!tpu.dma_semaphore, #tpu.memory_space<semaphore_mem>>) attributes {dimension_semantics = [#tpu.dimension_semantics<core_parallel>, #tpu.dimension_semantics<subcore_parallel>], iteration_bounds = array<i64: 2, 16>, scalar_prefetch = 0 : i64, scratch_operands = 9 : i64, tpu.core_type = #tpu.core_type<sc_vector_subcore>, window_params = [{transform_indices = #map}, {transform_indices = #map1}, {transform_indices = #map}, {transform_indices = #map}, {transform_indices = #map}]} {
    %mul3A = arith.constant 2 : i32
    %mul3A_0 = arith.muli %arg1, %mul3A : i32
    %add3A = arith.addi %mul3A_0, %arg0 : i32
    %mul3A_1 = arith.constant 78 : i32
    %mul3A_2 = arith.muli %add3A, %mul3A_1 : i32
    %mul3A_3 = arith.constant 624 : i32
    %mul3A_4 = arith.muli %arg1, %mul3A_3 : i32
    %eq3A = arith.constant 0 : i32
    %eq3A_5 = arith.cmpi eq, %arg0, %eq3A : i32
    %convert_element_type3A = arith.extui %eq3A_5 : i1 to i32
    %cond3A = arith.constant 0 : i32
    %cond3A_6 = arith.cmpi ne, %convert_element_type3A, %cond3A : i32
    scf.if %cond3A_6 {
      "tpu.region"() ({
        %run_scoped3A = tpu.sem_alloc : memref<!tpu.dma_semaphore, #tpu.memory_space<semaphore_mem>>
        %dma_start3A_52 = arith.constant 0 : i32
        %dma_start3A_53 = tpu.memref_slice %arg11[%mul3A_4, %dma_start3A_52] : memref<10000x64xf32, #tpu.memory_space<vmem_shared>> -> memref<624x64xf32, #tpu.memory_space<vmem_shared>>
        %dma_start3A_54 = arith.constant 0 : i32
        %dma_start3A_55 = tpu.memref_slice %arg2[%mul3A_4, %dma_start3A_54] : memref<10000x64xf32, #tpu.memory_space<hbm>> -> memref<624x64xf32, #tpu.memory_space<hbm>>
        tpu.enqueue_dma source(%dma_start3A_55 : memref<624x64xf32, #tpu.memory_space<hbm>>) target(%dma_start3A_53 : memref<624x64xf32, #tpu.memory_space<vmem_shared>>) target_semaphore(%run_scoped3A : memref<!tpu.dma_semaphore, #tpu.memory_space<semaphore_mem>>)
        %dma_wait3A = arith.constant 0 : i32
        %dma_wait3A_56 = tpu.memref_slice %arg11[%mul3A_4, %dma_wait3A] : memref<10000x64xf32, #tpu.memory_space<vmem_shared>> -> memref<624x64xf32, #tpu.memory_space<vmem_shared>>
        %dma_wait3A_57 = arith.constant 0 : i32
        %dma_wait3A_58 = tpu.memref_slice %arg2[%mul3A_4, %dma_wait3A_57] : memref<10000x64xf32, #tpu.memory_space<hbm>> -> memref<624x64xf32, #tpu.memory_space<hbm>>
        tpu.wait_dma2 semaphore(%run_scoped3A : memref<!tpu.dma_semaphore, #tpu.memory_space<semaphore_mem>>) src(%dma_wait3A_58 : memref<624x64xf32, #tpu.memory_space<hbm>>) dst(%dma_wait3A_56 : memref<624x64xf32, #tpu.memory_space<vmem_shared>>)
        tpu.yield
      }) : () -> ()
      %eq3A_47 = arith.constant 15 : i32
      %eq3A_48 = arith.cmpi eq, %arg1, %eq3A_47 : i32
      %convert_element_type3A_49 = arith.extui %eq3A_48 : i1 to i32
      %cond3A_50 = arith.constant 0 : i32
      %cond3A_51 = arith.cmpi ne, %convert_element_type3A_49, %cond3A_50 : i32
      scf.if %cond3A_51 {
        "tpu.region"() ({
          %run_scoped3A = tpu.sem_alloc : memref<!tpu.dma_semaphore, #tpu.memory_space<semaphore_mem>>
          %dma_start3A_52 = arith.constant 9984 : i32
          %dma_start3A_53 = arith.constant 0 : i32
          %dma_start3A_54 = tpu.memref_slice %arg11[%dma_start3A_52, %dma_start3A_53] : memref<10000x64xf32, #tpu.memory_space<vmem_shared>> -> memref<16x64xf32, #tpu.memory_space<vmem_shared>>
          %dma_start3A_55 = arith.constant 9984 : i32
          %dma_start3A_56 = arith.constant 0 : i32
          %dma_start3A_57 = tpu.memref_slice %arg2[%dma_start3A_55, %dma_start3A_56] : memref<10000x64xf32, #tpu.memory_space<hbm>> -> memref<16x64xf32, #tpu.memory_space<hbm>>
          tpu.enqueue_dma source(%dma_start3A_57 : memref<16x64xf32, #tpu.memory_space<hbm>>) target(%dma_start3A_54 : memref<16x64xf32, #tpu.memory_space<vmem_shared>>) target_semaphore(%run_scoped3A : memref<!tpu.dma_semaphore, #tpu.memory_space<semaphore_mem>>)
          %dma_wait3A = arith.constant 9984 : i32
          %dma_wait3A_58 = arith.constant 0 : i32
          %dma_wait3A_59 = tpu.memref_slice %arg11[%dma_wait3A, %dma_wait3A_58] : memref<10000x64xf32, #tpu.memory_space<vmem_shared>> -> memref<16x64xf32, #tpu.memory_space<vmem_shared>>
          %dma_wait3A_60 = arith.constant 9984 : i32
          %dma_wait3A_61 = arith.constant 0 : i32
          %dma_wait3A_62 = tpu.memref_slice %arg2[%dma_wait3A_60, %dma_wait3A_61] : memref<10000x64xf32, #tpu.memory_space<hbm>> -> memref<16x64xf32, #tpu.memory_space<hbm>>
          tpu.wait_dma2 semaphore(%run_scoped3A : memref<!tpu.dma_semaphore, #tpu.memory_space<semaphore_mem>>) src(%dma_wait3A_62 : memref<16x64xf32, #tpu.memory_space<hbm>>) dst(%dma_wait3A_59 : memref<16x64xf32, #tpu.memory_space<vmem_shared>>)
          tpu.yield
        }) : () -> ()
      } else {
      }
    } else {
    }
    %eq3A_7 = arith.constant 1 : i32
    %eq3A_8 = arith.cmpi eq, %arg0, %eq3A_7 : i32
    %convert_element_type3A_9 = arith.extui %eq3A_8 : i1 to i32
    %cond3A_10 = arith.constant 0 : i32
    %cond3A_11 = arith.cmpi ne, %convert_element_type3A_9, %cond3A_10 : i32
    scf.if %cond3A_11 {
      %broadcast_in_dim3A = arith.constant 0.000000e+00 : f32
      %broadcast_in_dim3A_47 = vector.broadcast %broadcast_in_dim3A : f32 to vector<16xf32>
      %scan3A_48 = arith.constant 0 : i32
      %scan3A_49 = arith.constant 512 : i32
      %scan3A_50 = arith.addi %scan3A_48, %scan3A_49 : i32
      %scan3A_51 = arith.constant 8 : i32
      scf.for %scan3A_68 = %scan3A_48 to %scan3A_50 step %scan3A_51  : i32 {
        %mul3A_69 = arith.constant 1 : i32
        %mul3A_70 = arith.muli %scan3A_68, %mul3A_69 : i32
        %add3A_71 = arith.constant 0 : i32
        %add3A_72 = arith.addi %add3A_71, %mul3A_70 : i32
        %jit3A = arith.constant 4 : i32
        %div3A = arith.divsi %add3A_72, %jit3A : i32
        %sign3A = arith.constant 0 : i32
        %sign3A_73 = arith.cmpi sgt, %add3A_72, %sign3A : i32
        %sign3A_74 = arith.extui %sign3A_73 : i1 to i32
        %sign3A_75 = arith.constant 0 : i32
        %sign3A_76 = arith.cmpi slt, %add3A_72, %sign3A_75 : i32
        %sign3A_77 = arith.extui %sign3A_76 : i1 to i32
        %sign3A_78 = arith.subi %sign3A_74, %sign3A_77 : i32
        %sign3A_79 = arith.constant 0 : i32
        %sign3A_80 = arith.cmpi sgt, %jit3A, %sign3A_79 : i32
        %sign3A_81 = arith.extui %sign3A_80 : i1 to i32
        %sign3A_82 = arith.constant 0 : i32
        %sign3A_83 = arith.cmpi slt, %jit3A, %sign3A_82 : i32
        %sign3A_84 = arith.extui %sign3A_83 : i1 to i32
        %sign3A_85 = arith.subi %sign3A_81, %sign3A_84 : i32
        %ne3A = arith.cmpi ne, %sign3A_78, %sign3A_85 : i32
        %rem3A = arith.remsi %add3A_72, %jit3A : i32
        %ne3A_86 = arith.constant 0 : i32
        %ne3A_87 = arith.cmpi ne, %rem3A, %ne3A_86 : i32
        %and3A = arith.andi %ne3A, %ne3A_87 : i1
        %sub3A = arith.constant 1 : i32
        %sub3A_88 = arith.subi %div3A, %sub3A : i32
        %select_n3A = arith.select %and3A, %sub3A_88, %div3A : i32
        %jit3A_89 = arith.constant 4 : i32
        %eq3A_90 = arith.constant 0 : i32
        %eq3A_91 = arith.cmpi eq, %jit3A_89, %eq3A_90 : i32
        %jit3A_92 = arith.constant 1 : i32
        %select_n3A_93 = arith.select %eq3A_91, %jit3A_92, %jit3A_89 : i32
        %rem3A_94 = arith.remsi %add3A_72, %select_n3A_93 : i32
        %ne3A_95 = arith.constant 0 : i32
        %ne3A_96 = arith.cmpi ne, %rem3A_94, %ne3A_95 : i32
        %lt3A_97 = arith.constant 0 : i32
        %lt3A_98 = arith.cmpi slt, %rem3A_94, %lt3A_97 : i32
        %lt3A_99 = arith.constant 0 : i32
        %lt3A_100 = arith.cmpi slt, %select_n3A_93, %lt3A_99 : i32
        %ne3A_101 = arith.xori %lt3A_98, %lt3A_100 : i1
        %and3A_102 = arith.andi %ne3A_101, %ne3A_96 : i1
        %add3A_103 = arith.addi %rem3A_94, %select_n3A_93 : i32
        %select_n3A_104 = arith.select %and3A_102, %add3A_103, %rem3A_94 : i32
        %mul3A_105 = arith.constant 16 : i32
        %mul3A_106 = arith.muli %select_n3A_104, %mul3A_105 : i32
        %swap3A = arith.index_cast %select_n3A : i32 to index
        %swap3A_107 = arith.index_cast %mul3A_106 : i32 to index
        %swap3A_108 = tpu.vector_load %arg9[%swap3A, %swap3A_107] {strides = array<i32>} : memref<128x64xf32, #tpu.memory_space<vmem>>, vector<1x16xf32>,
        %swap3A_109 = vector.shape_cast %swap3A_108 : vector<1x16xf32> to vector<16xf32>
        %swap3A_110 = vector.shape_cast %broadcast_in_dim3A_47 : vector<16xf32> to vector<1x16xf32>
        tpu.vector_store %arg9[%swap3A, %swap3A_107], %swap3A_110 {strides = array<i32>} : memref<128x64xf32, #tpu.memory_space<vmem>>, vector<1x16xf32>,
        %scan3A_111 = arith.constant 1 : i32
        %scan3A_112 = arith.addi %scan3A_68, %scan3A_111 : i32
        %mul3A_113 = arith.constant 1 : i32
        %mul3A_114 = arith.muli %scan3A_112, %mul3A_113 : i32
        %add3A_115 = arith.constant 0 : i32
        %add3A_116 = arith.addi %add3A_115, %mul3A_114 : i32
        %jit3A_117 = arith.constant 4 : i32
        %div3A_118 = arith.divsi %add3A_116, %jit3A_117 : i32
        %sign3A_119 = arith.constant 0 : i32
        %sign3A_120 = arith.cmpi sgt, %add3A_116, %sign3A_119 : i32
        %sign3A_121 = arith.extui %sign3A_120 : i1 to i32
        %sign3A_122 = arith.constant 0 : i32
        %sign3A_123 = arith.cmpi slt, %add3A_116, %sign3A_122 : i32
        %sign3A_124 = arith.extui %sign3A_123 : i1 to i32
        %sign3A_125 = arith.subi %sign3A_121, %sign3A_124 : i32
        %sign3A_126 = arith.constant 0 : i32
        %sign3A_127 = arith.cmpi sgt, %jit3A_117, %sign3A_126 : i32
        %sign3A_128 = arith.extui %sign3A_127 : i1 to i32
        %sign3A_129 = arith.constant 0 : i32
        %sign3A_130 = arith.cmpi slt, %jit3A_117, %sign3A_129 : i32
        %sign3A_131 = arith.extui %sign3A_130 : i1 to i32
        %sign3A_132 = arith.subi %sign3A_128, %sign3A_131 : i32
        %ne3A_133 = arith.cmpi ne, %sign3A_125, %sign3A_132 : i32
        %rem3A_134 = arith.remsi %add3A_116, %jit3A_117 : i32
        %ne3A_135 = arith.constant 0 : i32
        %ne3A_136 = arith.cmpi ne, %rem3A_134, %ne3A_135 : i32
        %and3A_137 = arith.andi %ne3A_133, %ne3A_136 : i1
        %sub3A_138 = arith.constant 1 : i32
        %sub3A_139 = arith.subi %div3A_118, %sub3A_138 : i32
        %select_n3A_140 = arith.select %and3A_137, %sub3A_139, %div3A_118 : i32
        %jit3A_141 = arith.constant 4 : i32
        %eq3A_142 = arith.constant 0 : i32
        %eq3A_143 = arith.cmpi eq, %jit3A_141, %eq3A_142 : i32
        %jit3A_144 = arith.constant 1 : i32
        %select_n3A_145 = arith.select %eq3A_143, %jit3A_144, %jit3A_141 : i32
        %rem3A_146 = arith.remsi %add3A_116, %select_n3A_145 : i32
        %ne3A_147 = arith.constant 0 : i32
        %ne3A_148 = arith.cmpi ne, %rem3A_146, %ne3A_147 : i32
        %lt3A_149 = arith.constant 0 : i32
        %lt3A_150 = arith.cmpi slt, %rem3A_146, %lt3A_149 : i32
        %lt3A_151 = arith.constant 0 : i32
        %lt3A_152 = arith.cmpi slt, %select_n3A_145, %lt3A_151 : i32
        %ne3A_153 = arith.xori %lt3A_150, %lt3A_152 : i1
        %and3A_154 = arith.andi %ne3A_153, %ne3A_148 : i1
        %add3A_155 = arith.addi %rem3A_146, %select_n3A_145 : i32
        %select_n3A_156 = arith.select %and3A_154, %add3A_155, %rem3A_146 : i32
        %mul3A_157 = arith.constant 16 : i32
        %mul3A_158 = arith.muli %select_n3A_156, %mul3A_157 : i32
        %swap3A_159 = arith.index_cast %select_n3A_140 : i32 to index
        %swap3A_160 = arith.index_cast %mul3A_158 : i32 to index
        %swap3A_161 = tpu.vector_load %arg9[%swap3A_159, %swap3A_160] {strides = array<i32>} : memref<128x64xf32, #tpu.memory_space<vmem>>, vector<1x16xf32>,
        %swap3A_162 = vector.shape_cast %swap3A_161 : vector<1x16xf32> to vector<16xf32>
        %swap3A_163 = vector.shape_cast %broadcast_in_dim3A_47 : vector<16xf32> to vector<1x16xf32>
        tpu.vector_store %arg9[%swap3A_159, %swap3A_160], %swap3A_163 {strides = array<i32>} : memref<128x64xf32, #tpu.memory_space<vmem>>, vector<1x16xf32>,
        %scan3A_164 = arith.constant 2 : i32
        %scan3A_165 = arith.addi %scan3A_68, %scan3A_164 : i32
        %mul3A_166 = arith.constant 1 : i32
        %mul3A_167 = arith.muli %scan3A_165, %mul3A_166 : i32
        %add3A_168 = arith.constant 0 : i32
        %add3A_169 = arith.addi %add3A_168, %mul3A_167 : i32
        %jit3A_170 = arith.constant 4 : i32
        %div3A_171 = arith.divsi %add3A_169, %jit3A_170 : i32
        %sign3A_172 = arith.constant 0 : i32
        %sign3A_173 = arith.cmpi sgt, %add3A_169, %sign3A_172 : i32
        %sign3A_174 = arith.extui %sign3A_173 : i1 to i32
        %sign3A_175 = arith.constant 0 : i32
        %sign3A_176 = arith.cmpi slt, %add3A_169, %sign3A_175 : i32
        %sign3A_177 = arith.extui %sign3A_176 : i1 to i32
        %sign3A_178 = arith.subi %sign3A_174, %sign3A_177 : i32
        %sign3A_179 = arith.constant 0 : i32
        %sign3A_180 = arith.cmpi sgt, %jit3A_170, %sign3A_179 : i32
        %sign3A_181 = arith.extui %sign3A_180 : i1 to i32
        %sign3A_182 = arith.constant 0 : i32
        %sign3A_183 = arith.cmpi slt, %jit3A_170, %sign3A_182 : i32
        %sign3A_184 = arith.extui %sign3A_183 : i1 to i32
        %sign3A_185 = arith.subi %sign3A_181, %sign3A_184 : i32
        %ne3A_186 = arith.cmpi ne, %sign3A_178, %sign3A_185 : i32
        %rem3A_187 = arith.remsi %add3A_169, %jit3A_170 : i32
        %ne3A_188 = arith.constant 0 : i32
        %ne3A_189 = arith.cmpi ne, %rem3A_187, %ne3A_188 : i32
        %and3A_190 = arith.andi %ne3A_186, %ne3A_189 : i1
        %sub3A_191 = arith.constant 1 : i32
        %sub3A_192 = arith.subi %div3A_171, %sub3A_191 : i32
        %select_n3A_193 = arith.select %and3A_190, %sub3A_192, %div3A_171 : i32
        %jit3A_194 = arith.constant 4 : i32
        %eq3A_195 = arith.constant 0 : i32
        %eq3A_196 = arith.cmpi eq, %jit3A_194, %eq3A_195 : i32
        %jit3A_197 = arith.constant 1 : i32
        %select_n3A_198 = arith.select %eq3A_196, %jit3A_197, %jit3A_194 : i32
        %rem3A_199 = arith.remsi %add3A_169, %select_n3A_198 : i32
        %ne3A_200 = arith.constant 0 : i32
        %ne3A_201 = arith.cmpi ne, %rem3A_199, %ne3A_200 : i32
        %lt3A_202 = arith.constant 0 : i32
        %lt3A_203 = arith.cmpi slt, %rem3A_199, %lt3A_202 : i32
        %lt3A_204 = arith.constant 0 : i32
        %lt3A_205 = arith.cmpi slt, %select_n3A_198, %lt3A_204 : i32
        %ne3A_206 = arith.xori %lt3A_203, %lt3A_205 : i1
        %and3A_207 = arith.andi %ne3A_206, %ne3A_201 : i1
        %add3A_208 = arith.addi %rem3A_199, %select_n3A_198 : i32
        %select_n3A_209 = arith.select %and3A_207, %add3A_208, %rem3A_199 : i32
        %mul3A_210 = arith.constant 16 : i32
        %mul3A_211 = arith.muli %select_n3A_209, %mul3A_210 : i32
        %swap3A_212 = arith.index_cast %select_n3A_193 : i32 to index
        %swap3A_213 = arith.index_cast %mul3A_211 : i32 to index
        %swap3A_214 = tpu.vector_load %arg9[%swap3A_212, %swap3A_213] {strides = array<i32>} : memref<128x64xf32, #tpu.memory_space<vmem>>, vector<1x16xf32>,
        %swap3A_215 = vector.shape_cast %swap3A_214 : vector<1x16xf32> to vector<16xf32>
        %swap3A_216 = vector.shape_cast %broadcast_in_dim3A_47 : vector<16xf32> to vector<1x16xf32>
        tpu.vector_store %arg9[%swap3A_212, %swap3A_213], %swap3A_216 {strides = array<i32>} : memref<128x64xf32, #tpu.memory_space<vmem>>, vector<1x16xf32>,
        %scan3A_217 = arith.constant 3 : i32
        %scan3A_218 = arith.addi %scan3A_68, %scan3A_217 : i32
        %mul3A_219 = arith.constant 1 : i32
        %mul3A_220 = arith.muli %scan3A_218, %mul3A_219 : i32
        %add3A_221 = arith.constant 0 : i32
        %add3A_222 = arith.addi %add3A_221, %mul3A_220 : i32
        %jit3A_223 = arith.constant 4 : i32
        %div3A_224 = arith.divsi %add3A_222, %jit3A_223 : i32
        %sign3A_225 = arith.constant 0 : i32
        %sign3A_226 = arith.cmpi sgt, %add3A_222, %sign3A_225 : i32
        %sign3A_227 = arith.extui %sign3A_226 : i1 to i32
        %sign3A_228 = arith.constant 0 : i32
        %sign3A_229 = arith.cmpi slt, %add3A_222, %sign3A_228 : i32
        %sign3A_230 = arith.extui %sign3A_229 : i1 to i32
        %sign3A_231 = arith.subi %sign3A_227, %sign3A_230 : i32
        %sign3A_232 = arith.constant 0 : i32
        %sign3A_233 = arith.cmpi sgt, %jit3A_223, %sign3A_232 : i32
        %sign3A_234 = arith.extui %sign3A_233 : i1 to i32
        %sign3A_235 = arith.constant 0 : i32
        %sign3A_236 = arith.cmpi slt, %jit3A_223, %sign3A_235 : i32
        %sign3A_237 = arith.extui %sign3A_236 : i1 to i32
        %sign3A_238 = arith.subi %sign3A_234, %sign3A_237 : i32
        %ne3A_239 = arith.cmpi ne, %sign3A_231, %sign3A_238 : i32
        %rem3A_240 = arith.remsi %add3A_222, %jit3A_223 : i32
        %ne3A_241 = arith.constant 0 : i32
        %ne3A_242 = arith.cmpi ne, %rem3A_240, %ne3A_241 : i32
        %and3A_243 = arith.andi %ne3A_239, %ne3A_242 : i1
        %sub3A_244 = arith.constant 1 : i32
        %sub3A_245 = arith.subi %div3A_224, %sub3A_244 : i32
        %select_n3A_246 = arith.select %and3A_243, %sub3A_245, %div3A_224 : i32
        %jit3A_247 = arith.constant 4 : i32
        %eq3A_248 = arith.constant 0 : i32
        %eq3A_249 = arith.cmpi eq, %jit3A_247, %eq3A_248 : i32
        %jit3A_250 = arith.constant 1 : i32
        %select_n3A_251 = arith.select %eq3A_249, %jit3A_250, %jit3A_247 : i32
        %rem3A_252 = arith.remsi %add3A_222, %select_n3A_251 : i32
        %ne3A_253 = arith.constant 0 : i32
        %ne3A_254 = arith.cmpi ne, %rem3A_252, %ne3A_253 : i32
        %lt3A_255 = arith.constant 0 : i32
        %lt3A_256 = arith.cmpi slt, %rem3A_252, %lt3A_255 : i32
        %lt3A_257 = arith.constant 0 : i32
        %lt3A_258 = arith.cmpi slt, %select_n3A_251, %lt3A_257 : i32
        %ne3A_259 = arith.xori %lt3A_256, %lt3A_258 : i1
        %and3A_260 = arith.andi %ne3A_259, %ne3A_254 : i1
        %add3A_261 = arith.addi %rem3A_252, %select_n3A_251 : i32
        %select_n3A_262 = arith.select %and3A_260, %add3A_261, %rem3A_252 : i32
        %mul3A_263 = arith.constant 16 : i32
        %mul3A_264 = arith.muli %select_n3A_262, %mul3A_263 : i32
        %swap3A_265 = arith.index_cast %select_n3A_246 : i32 to index
        %swap3A_266 = arith.index_cast %mul3A_264 : i32 to index
        %swap3A_267 = tpu.vector_load %arg9[%swap3A_265, %swap3A_266] {strides = array<i32>} : memref<128x64xf32, #tpu.memory_space<vmem>>, vector<1x16xf32>,
        %swap3A_268 = vector.shape_cast %swap3A_267 : vector<1x16xf32> to vector<16xf32>
        %swap3A_269 = vector.shape_cast %broadcast_in_dim3A_47 : vector<16xf32> to vector<1x16xf32>
        tpu.vector_store %arg9[%swap3A_265, %swap3A_266], %swap3A_269 {strides = array<i32>} : memref<128x64xf32, #tpu.memory_space<vmem>>, vector<1x16xf32>,
        %scan3A_270 = arith.constant 4 : i32
        %scan3A_271 = arith.addi %scan3A_68, %scan3A_270 : i32
        %mul3A_272 = arith.constant 1 : i32
        %mul3A_273 = arith.muli %scan3A_271, %mul3A_272 : i32
        %add3A_274 = arith.constant 0 : i32
        %add3A_275 = arith.addi %add3A_274, %mul3A_273 : i32
        %jit3A_276 = arith.constant 4 : i32
        %div3A_277 = arith.divsi %add3A_275, %jit3A_276 : i32
        %sign3A_278 = arith.constant 0 : i32
        %sign3A_279 = arith.cmpi sgt, %add3A_275, %sign3A_278 : i32
        %sign3A_280 = arith.extui %sign3A_279 : i1 to i32
        %sign3A_281 = arith.constant 0 : i32
        %sign3A_282 = arith.cmpi slt, %add3A_275, %sign3A_281 : i32
        %sign3A_283 = arith.extui %sign3A_282 : i1 to i32
        %sign3A_284 = arith.subi %sign3A_280, %sign3A_283 : i32
        %sign3A_285 = arith.constant 0 : i32
        %sign3A_286 = arith.cmpi sgt, %jit3A_276, %sign3A_285 : i32
        %sign3A_287 = arith.extui %sign3A_286 : i1 to i32
        %sign3A_288 = arith.constant 0 : i32
        %sign3A_289 = arith.cmpi slt, %jit3A_276, %sign3A_288 : i32
        %sign3A_290 = arith.extui %sign3A_289 : i1 to i32
        %sign3A_291 = arith.subi %sign3A_287, %sign3A_290 : i32
        %ne3A_292 = arith.cmpi ne, %sign3A_284, %sign3A_291 : i32
        %rem3A_293 = arith.remsi %add3A_275, %jit3A_276 : i32
        %ne3A_294 = arith.constant 0 : i32
        %ne3A_295 = arith.cmpi ne, %rem3A_293, %ne3A_294 : i32
        %and3A_296 = arith.andi %ne3A_292, %ne3A_295 : i1
        %sub3A_297 = arith.constant 1 : i32
        %sub3A_298 = arith.subi %div3A_277, %sub3A_297 : i32
        %select_n3A_299 = arith.select %and3A_296, %sub3A_298, %div3A_277 : i32
        %jit3A_300 = arith.constant 4 : i32
        %eq3A_301 = arith.constant 0 : i32
        %eq3A_302 = arith.cmpi eq, %jit3A_300, %eq3A_301 : i32
        %jit3A_303 = arith.constant 1 : i32
        %select_n3A_304 = arith.select %eq3A_302, %jit3A_303, %jit3A_300 : i32
        %rem3A_305 = arith.remsi %add3A_275, %select_n3A_304 : i32
        %ne3A_306 = arith.constant 0 : i32
        %ne3A_307 = arith.cmpi ne, %rem3A_305, %ne3A_306 : i32
        %lt3A_308 = arith.constant 0 : i32
        %lt3A_309 = arith.cmpi slt, %rem3A_305, %lt3A_308 : i32
        %lt3A_310 = arith.constant 0 : i32
        %lt3A_311 = arith.cmpi slt, %select_n3A_304, %lt3A_310 : i32
        %ne3A_312 = arith.xori %lt3A_309, %lt3A_311 : i1
        %and3A_313 = arith.andi %ne3A_312, %ne3A_307 : i1
        %add3A_314 = arith.addi %rem3A_305, %select_n3A_304 : i32
        %select_n3A_315 = arith.select %and3A_313, %add3A_314, %rem3A_305 : i32
        %mul3A_316 = arith.constant 16 : i32
        %mul3A_317 = arith.muli %select_n3A_315, %mul3A_316 : i32
        %swap3A_318 = arith.index_cast %select_n3A_299 : i32 to index
        %swap3A_319 = arith.index_cast %mul3A_317 : i32 to index
        %swap3A_320 = tpu.vector_load %arg9[%swap3A_318, %swap3A_319] {strides = array<i32>} : memref<128x64xf32, #tpu.memory_space<vmem>>, vector<1x16xf32>,
        %swap3A_321 = vector.shape_cast %swap3A_320 : vector<1x16xf32> to vector<16xf32>
        %swap3A_322 = vector.shape_cast %broadcast_in_dim3A_47 : vector<16xf32> to vector<1x16xf32>
        tpu.vector_store %arg9[%swap3A_318, %swap3A_319], %swap3A_322 {strides = array<i32>} : memref<128x64xf32, #tpu.memory_space<vmem>>, vector<1x16xf32>,
        %scan3A_323 = arith.constant 5 : i32
        %scan3A_324 = arith.addi %scan3A_68, %scan3A_323 : i32
        %mul3A_325 = arith.constant 1 : i32
        %mul3A_326 = arith.muli %scan3A_324, %mul3A_325 : i32
        %add3A_327 = arith.constant 0 : i32
        %add3A_328 = arith.addi %add3A_327, %mul3A_326 : i32
        %jit3A_329 = arith.constant 4 : i32
        %div3A_330 = arith.divsi %add3A_328, %jit3A_329 : i32
        %sign3A_331 = arith.constant 0 : i32
        %sign3A_332 = arith.cmpi sgt, %add3A_328, %sign3A_331 : i32
        %sign3A_333 = arith.extui %sign3A_332 : i1 to i32
        %sign3A_334 = arith.constant 0 : i32
        %sign3A_335 = arith.cmpi slt, %add3A_328, %sign3A_334 : i32
        %sign3A_336 = arith.extui %sign3A_335 : i1 to i32
        %sign3A_337 = arith.subi %sign3A_333, %sign3A_336 : i32
        %sign3A_338 = arith.constant 0 : i32
        %sign3A_339 = arith.cmpi sgt, %jit3A_329, %sign3A_338 : i32
        %sign3A_340 = arith.extui %sign3A_339 : i1 to i32
        %sign3A_341 = arith.constant 0 : i32
        %sign3A_342 = arith.cmpi slt, %jit3A_329, %sign3A_341 : i32
        %sign3A_343 = arith.extui %sign3A_342 : i1 to i32
        %sign3A_344 = arith.subi %sign3A_340, %sign3A_343 : i32
        %ne3A_345 = arith.cmpi ne, %sign3A_337, %sign3A_344 : i32
        %rem3A_346 = arith.remsi %add3A_328, %jit3A_329 : i32
        %ne3A_347 = arith.constant 0 : i32
        %ne3A_348 = arith.cmpi ne, %rem3A_346, %ne3A_347 : i32
        %and3A_349 = arith.andi %ne3A_345, %ne3A_348 : i1
        %sub3A_350 = arith.constant 1 : i32
        %sub3A_351 = arith.subi %div3A_330, %sub3A_350 : i32
        %select_n3A_352 = arith.select %and3A_349, %sub3A_351, %div3A_330 : i32
        %jit3A_353 = arith.constant 4 : i32
        %eq3A_354 = arith.constant 0 : i32
        %eq3A_355 = arith.cmpi eq, %jit3A_353, %eq3A_354 : i32
        %jit3A_356 = arith.constant 1 : i32
        %select_n3A_357 = arith.select %eq3A_355, %jit3A_356, %jit3A_353 : i32
        %rem3A_358 = arith.remsi %add3A_328, %select_n3A_357 : i32
        %ne3A_359 = arith.constant 0 : i32
        %ne3A_360 = arith.cmpi ne, %rem3A_358, %ne3A_359 : i32
        %lt3A_361 = arith.constant 0 : i32
        %lt3A_362 = arith.cmpi slt, %rem3A_358, %lt3A_361 : i32
        %lt3A_363 = arith.constant 0 : i32
        %lt3A_364 = arith.cmpi slt, %select_n3A_357, %lt3A_363 : i32
        %ne3A_365 = arith.xori %lt3A_362, %lt3A_364 : i1
        %and3A_366 = arith.andi %ne3A_365, %ne3A_360 : i1
        %add3A_367 = arith.addi %rem3A_358, %select_n3A_357 : i32
        %select_n3A_368 = arith.select %and3A_366, %add3A_367, %rem3A_358 : i32
        %mul3A_369 = arith.constant 16 : i32
        %mul3A_370 = arith.muli %select_n3A_368, %mul3A_369 : i32
        %swap3A_371 = arith.index_cast %select_n3A_352 : i32 to index
        %swap3A_372 = arith.index_cast %mul3A_370 : i32 to index
        %swap3A_373 = tpu.vector_load %arg9[%swap3A_371, %swap3A_372] {strides = array<i32>} : memref<128x64xf32, #tpu.memory_space<vmem>>, vector<1x16xf32>,
        %swap3A_374 = vector.shape_cast %swap3A_373 : vector<1x16xf32> to vector<16xf32>
        %swap3A_375 = vector.shape_cast %broadcast_in_dim3A_47 : vector<16xf32> to vector<1x16xf32>
        tpu.vector_store %arg9[%swap3A_371, %swap3A_372], %swap3A_375 {strides = array<i32>} : memref<128x64xf32, #tpu.memory_space<vmem>>, vector<1x16xf32>,
        %scan3A_376 = arith.constant 6 : i32
        %scan3A_377 = arith.addi %scan3A_68, %scan3A_376 : i32
        %mul3A_378 = arith.constant 1 : i32
        %mul3A_379 = arith.muli %scan3A_377, %mul3A_378 : i32
        %add3A_380 = arith.constant 0 : i32
        %add3A_381 = arith.addi %add3A_380, %mul3A_379 : i32
        %jit3A_382 = arith.constant 4 : i32
        %div3A_383 = arith.divsi %add3A_381, %jit3A_382 : i32
        %sign3A_384 = arith.constant 0 : i32
        %sign3A_385 = arith.cmpi sgt, %add3A_381, %sign3A_384 : i32
        %sign3A_386 = arith.extui %sign3A_385 : i1 to i32
        %sign3A_387 = arith.constant 0 : i32
        %sign3A_388 = arith.cmpi slt, %add3A_381, %sign3A_387 : i32
        %sign3A_389 = arith.extui %sign3A_388 : i1 to i32
        %sign3A_390 = arith.subi %sign3A_386, %sign3A_389 : i32
        %sign3A_391 = arith.constant 0 : i32
        %sign3A_392 = arith.cmpi sgt, %jit3A_382, %sign3A_391 : i32
        %sign3A_393 = arith.extui %sign3A_392 : i1 to i32
        %sign3A_394 = arith.constant 0 : i32
        %sign3A_395 = arith.cmpi slt, %jit3A_382, %sign3A_394 : i32
        %sign3A_396 = arith.extui %sign3A_395 : i1 to i32
        %sign3A_397 = arith.subi %sign3A_393, %sign3A_396 : i32
        %ne3A_398 = arith.cmpi ne, %sign3A_390, %sign3A_397 : i32
        %rem3A_399 = arith.remsi %add3A_381, %jit3A_382 : i32
        %ne3A_400 = arith.constant 0 : i32
        %ne3A_401 = arith.cmpi ne, %rem3A_399, %ne3A_400 : i32
        %and3A_402 = arith.andi %ne3A_398, %ne3A_401 : i1
        %sub3A_403 = arith.constant 1 : i32
        %sub3A_404 = arith.subi %div3A_383, %sub3A_403 : i32
        %select_n3A_405 = arith.select %and3A_402, %sub3A_404, %div3A_383 : i32
        %jit3A_406 = arith.constant 4 : i32
        %eq3A_407 = arith.constant 0 : i32
        %eq3A_408 = arith.cmpi eq, %jit3A_406, %eq3A_407 : i32
        %jit3A_409 = arith.constant 1 : i32
        %select_n3A_410 = arith.select %eq3A_408, %jit3A_409, %jit3A_406 : i32
        %rem3A_411 = arith.remsi %add3A_381, %select_n3A_410 : i32
        %ne3A_412 = arith.constant 0 : i32
        %ne3A_413 = arith.cmpi ne, %rem3A_411, %ne3A_412 : i32
        %lt3A_414 = arith.constant 0 : i32
        %lt3A_415 = arith.cmpi slt, %rem3A_411, %lt3A_414 : i32
        %lt3A_416 = arith.constant 0 : i32
        %lt3A_417 = arith.cmpi slt, %select_n3A_410, %lt3A_416 : i32
        %ne3A_418 = arith.xori %lt3A_415, %lt3A_417 : i1
        %and3A_419 = arith.andi %ne3A_418, %ne3A_413 : i1
        %add3A_420 = arith.addi %rem3A_411, %select_n3A_410 : i32
        %select_n3A_421 = arith.select %and3A_419, %add3A_420, %rem3A_411 : i32
        %mul3A_422 = arith.constant 16 : i32
        %mul3A_423 = arith.muli %select_n3A_421, %mul3A_422 : i32
        %swap3A_424 = arith.index_cast %select_n3A_405 : i32 to index
        %swap3A_425 = arith.index_cast %mul3A_423 : i32 to index
        %swap3A_426 = tpu.vector_load %arg9[%swap3A_424, %swap3A_425] {strides = array<i32>} : memref<128x64xf32, #tpu.memory_space<vmem>>, vector<1x16xf32>,
        %swap3A_427 = vector.shape_cast %swap3A_426 : vector<1x16xf32> to vector<16xf32>
        %swap3A_428 = vector.shape_cast %broadcast_in_dim3A_47 : vector<16xf32> to vector<1x16xf32>
        tpu.vector_store %arg9[%swap3A_424, %swap3A_425], %swap3A_428 {strides = array<i32>} : memref<128x64xf32, #tpu.memory_space<vmem>>, vector<1x16xf32>,
        %scan3A_429 = arith.constant 7 : i32
        %scan3A_430 = arith.addi %scan3A_68, %scan3A_429 : i32
        %mul3A_431 = arith.constant 1 : i32
        %mul3A_432 = arith.muli %scan3A_430, %mul3A_431 : i32
        %add3A_433 = arith.constant 0 : i32
        %add3A_434 = arith.addi %add3A_433, %mul3A_432 : i32
        %jit3A_435 = arith.constant 4 : i32
        %div3A_436 = arith.divsi %add3A_434, %jit3A_435 : i32
        %sign3A_437 = arith.constant 0 : i32
        %sign3A_438 = arith.cmpi sgt, %add3A_434, %sign3A_437 : i32
        %sign3A_439 = arith.extui %sign3A_438 : i1 to i32
        %sign3A_440 = arith.constant 0 : i32
        %sign3A_441 = arith.cmpi slt, %add3A_434, %sign3A_440 : i32
        %sign3A_442 = arith.extui %sign3A_441 : i1 to i32
        %sign3A_443 = arith.subi %sign3A_439, %sign3A_442 : i32
        %sign3A_444 = arith.constant 0 : i32
        %sign3A_445 = arith.cmpi sgt, %jit3A_435, %sign3A_444 : i32
        %sign3A_446 = arith.extui %sign3A_445 : i1 to i32
        %sign3A_447 = arith.constant 0 : i32
        %sign3A_448 = arith.cmpi slt, %jit3A_435, %sign3A_447 : i32
        %sign3A_449 = arith.extui %sign3A_448 : i1 to i32
        %sign3A_450 = arith.subi %sign3A_446, %sign3A_449 : i32
        %ne3A_451 = arith.cmpi ne, %sign3A_443, %sign3A_450 : i32
        %rem3A_452 = arith.remsi %add3A_434, %jit3A_435 : i32
        %ne3A_453 = arith.constant 0 : i32
        %ne3A_454 = arith.cmpi ne, %rem3A_452, %ne3A_453 : i32
        %and3A_455 = arith.andi %ne3A_451, %ne3A_454 : i1
        %sub3A_456 = arith.constant 1 : i32
        %sub3A_457 = arith.subi %div3A_436, %sub3A_456 : i32
        %select_n3A_458 = arith.select %and3A_455, %sub3A_457, %div3A_436 : i32
        %jit3A_459 = arith.constant 4 : i32
        %eq3A_460 = arith.constant 0 : i32
        %eq3A_461 = arith.cmpi eq, %jit3A_459, %eq3A_460 : i32
        %jit3A_462 = arith.constant 1 : i32
        %select_n3A_463 = arith.select %eq3A_461, %jit3A_462, %jit3A_459 : i32
        %rem3A_464 = arith.remsi %add3A_434, %select_n3A_463 : i32
        %ne3A_465 = arith.constant 0 : i32
        %ne3A_466 = arith.cmpi ne, %rem3A_464, %ne3A_465 : i32
        %lt3A_467 = arith.constant 0 : i32
        %lt3A_468 = arith.cmpi slt, %rem3A_464, %lt3A_467 : i32
        %lt3A_469 = arith.constant 0 : i32
        %lt3A_470 = arith.cmpi slt, %select_n3A_463, %lt3A_469 : i32
        %ne3A_471 = arith.xori %lt3A_468, %lt3A_470 : i1
        %and3A_472 = arith.andi %ne3A_471, %ne3A_466 : i1
        %add3A_473 = arith.addi %rem3A_464, %select_n3A_463 : i32
        %select_n3A_474 = arith.select %and3A_472, %add3A_473, %rem3A_464 : i32
        %mul3A_475 = arith.constant 16 : i32
        %mul3A_476 = arith.muli %select_n3A_474, %mul3A_475 : i32
        %swap3A_477 = arith.index_cast %select_n3A_458 : i32 to index
        %swap3A_478 = arith.index_cast %mul3A_476 : i32 to index
        %swap3A_479 = tpu.vector_load %arg9[%swap3A_477, %swap3A_478] {strides = array<i32>} : memref<128x64xf32, #tpu.memory_space<vmem>>, vector<1x16xf32>,
        %swap3A_480 = vector.shape_cast %swap3A_479 : vector<1x16xf32> to vector<16xf32>
        %swap3A_481 = vector.shape_cast %broadcast_in_dim3A_47 : vector<16xf32> to vector<1x16xf32>
        tpu.vector_store %arg9[%swap3A_477, %swap3A_478], %swap3A_481 {strides = array<i32>} : memref<128x64xf32, #tpu.memory_space<vmem>>, vector<1x16xf32>,
      }
      %scan3A_52 = arith.constant 512 : i32
      %add3A_53 = arith.constant 0 : i32
      %add3A_54 = arith.addi %mul3A_4, %add3A_53 : i32
      "tpu.region"() ({
        %run_scoped3A = tpu.sem_alloc : memref<!tpu.dma_semaphore, #tpu.memory_space<semaphore_mem>>
        %dma_start3A_68 = arith.constant 0 : i32
        %dma_start3A_69 = tpu.memref_slice %arg11[%add3A_54, %dma_start3A_68] : memref<10000x64xf32, #tpu.memory_space<vmem_shared>> -> memref<128x64xf32, #tpu.memory_space<vmem_shared>>
        %dma_start3A_70 = arith.constant 0 : i32
        %dma_start3A_71 = tpu.memref_slice %arg11[%add3A_54, %dma_start3A_70] : memref<10000x64xf32, #tpu.memory_space<vmem_shared>> -> memref<128x64xf32, #tpu.memory_space<vmem_shared>>
        tpu.enqueue_dma source(%arg9 : memref<128x64xf32, #tpu.memory_space<vmem>>) target(%dma_start3A_71 : memref<128x64xf32, #tpu.memory_space<vmem_shared>>) target_semaphore(%run_scoped3A : memref<!tpu.dma_semaphore, #tpu.memory_space<semaphore_mem>>)
        %dma_wait3A = arith.constant 0 : i32
        %dma_wait3A_72 = tpu.memref_slice %arg11[%add3A_54, %dma_wait3A] : memref<10000x64xf32, #tpu.memory_space<vmem_shared>> -> memref<128x64xf32, #tpu.memory_space<vmem_shared>>
        %dma_wait3A_73 = arith.constant 0 : i32
        %dma_wait3A_74 = tpu.memref_slice %arg11[%add3A_54, %dma_wait3A_73] : memref<10000x64xf32, #tpu.memory_space<vmem_shared>> -> memref<128x64xf32, #tpu.memory_space<vmem_shared>>
        tpu.wait_dma2 semaphore(%run_scoped3A : memref<!tpu.dma_semaphore, #tpu.memory_space<semaphore_mem>>) src(%arg9 : memref<128x64xf32, #tpu.memory_space<vmem>>) dst(%dma_wait3A_74 : memref<128x64xf32, #tpu.memory_space<vmem_shared>>)
        tpu.yield
      }) : () -> ()
      %add3A_55 = arith.constant 128 : i32
      %add3A_56 = arith.addi %mul3A_4, %add3A_55 : i32
      "tpu.region"() ({
        %run_scoped3A = tpu.sem_alloc : memref<!tpu.dma_semaphore, #tpu.memory_space<semaphore_mem>>
        %dma_start3A_68 = arith.constant 0 : i32
        %dma_start3A_69 = tpu.memref_slice %arg11[%add3A_56, %dma_start3A_68] : memref<10000x64xf32, #tpu.memory_space<vmem_shared>> -> memref<128x64xf32, #tpu.memory_space<vmem_shared>>
        %dma_start3A_70 = arith.constant 0 : i32
        %dma_start3A_71 = tpu.memref_slice %arg11[%add3A_56, %dma_start3A_70] : memref<10000x64xf32, #tpu.memory_space<vmem_shared>> -> memref<128x64xf32, #tpu.memory_space<vmem_shared>>
        tpu.enqueue_dma source(%arg9 : memref<128x64xf32, #tpu.memory_space<vmem>>) target(%dma_start3A_71 : memref<128x64xf32, #tpu.memory_space<vmem_shared>>) target_semaphore(%run_scoped3A : memref<!tpu.dma_semaphore, #tpu.memory_space<semaphore_mem>>)
        %dma_wait3A = arith.constant 0 : i32
        %dma_wait3A_72 = tpu.memref_slice %arg11[%add3A_56, %dma_wait3A] : memref<10000x64xf32, #tpu.memory_space<vmem_shared>> -> memref<128x64xf32, #tpu.memory_space<vmem_shared>>
        %dma_wait3A_73 = arith.constant 0 : i32
        %dma_wait3A_74 = tpu.memref_slice %arg11[%add3A_56, %dma_wait3A_73] : memref<10000x64xf32, #tpu.memory_space<vmem_shared>> -> memref<128x64xf32, #tpu.memory_space<vmem_shared>>
        tpu.wait_dma2 semaphore(%run_scoped3A : memref<!tpu.dma_semaphore, #tpu.memory_space<semaphore_mem>>) src(%arg9 : memref<128x64xf32, #tpu.memory_space<vmem>>) dst(%dma_wait3A_74 : memref<128x64xf32, #tpu.memory_space<vmem_shared>>)
        tpu.yield
      }) : () -> ()
      %add3A_57 = arith.constant 256 : i32
      %add3A_58 = arith.addi %mul3A_4, %add3A_57 : i32
      "tpu.region"() ({
        %run_scoped3A = tpu.sem_alloc : memref<!tpu.dma_semaphore, #tpu.memory_space<semaphore_mem>>
        %dma_start3A_68 = arith.constant 0 : i32
        %dma_start3A_69 = tpu.memref_slice %arg11[%add3A_58, %dma_start3A_68] : memref<10000x64xf32, #tpu.memory_space<vmem_shared>> -> memref<128x64xf32, #tpu.memory_space<vmem_shared>>
        %dma_start3A_70 = arith.constant 0 : i32
        %dma_start3A_71 = tpu.memref_slice %arg11[%add3A_58, %dma_start3A_70] : memref<10000x64xf32, #tpu.memory_space<vmem_shared>> -> memref<128x64xf32, #tpu.memory_space<vmem_shared>>
        tpu.enqueue_dma source(%arg9 : memref<128x64xf32, #tpu.memory_space<vmem>>) target(%dma_start3A_71 : memref<128x64xf32, #tpu.memory_space<vmem_shared>>) target_semaphore(%run_scoped3A : memref<!tpu.dma_semaphore, #tpu.memory_space<semaphore_mem>>)
        %dma_wait3A = arith.constant 0 : i32
        %dma_wait3A_72 = tpu.memref_slice %arg11[%add3A_58, %dma_wait3A] : memref<10000x64xf32, #tpu.memory_space<vmem_shared>> -> memref<128x64xf32, #tpu.memory_space<vmem_shared>>
        %dma_wait3A_73 = arith.constant 0 : i32
        %dma_wait3A_74 = tpu.memref_slice %arg11[%add3A_58, %dma_wait3A_73] : memref<10000x64xf32, #tpu.memory_space<vmem_shared>> -> memref<128x64xf32, #tpu.memory_space<vmem_shared>>
        tpu.wait_dma2 semaphore(%run_scoped3A : memref<!tpu.dma_semaphore, #tpu.memory_space<semaphore_mem>>) src(%arg9 : memref<128x64xf32, #tpu.memory_space<vmem>>) dst(%dma_wait3A_74 : memref<128x64xf32, #tpu.memory_space<vmem_shared>>)
        tpu.yield
      }) : () -> ()
      %add3A_59 = arith.constant 384 : i32
      %add3A_60 = arith.addi %mul3A_4, %add3A_59 : i32
      "tpu.region"() ({
        %run_scoped3A = tpu.sem_alloc : memref<!tpu.dma_semaphore, #tpu.memory_space<semaphore_mem>>
        %dma_start3A_68 = arith.constant 0 : i32
        %dma_start3A_69 = tpu.memref_slice %arg11[%add3A_60, %dma_start3A_68] : memref<10000x64xf32, #tpu.memory_space<vmem_shared>> -> memref<128x64xf32, #tpu.memory_space<vmem_shared>>
        %dma_start3A_70 = arith.constant 0 : i32
        %dma_start3A_71 = tpu.memref_slice %arg11[%add3A_60, %dma_start3A_70] : memref<10000x64xf32, #tpu.memory_space<vmem_shared>> -> memref<128x64xf32, #tpu.memory_space<vmem_shared>>
        tpu.enqueue_dma source(%arg9 : memref<128x64xf32, #tpu.memory_space<vmem>>) target(%dma_start3A_71 : memref<128x64xf32, #tpu.memory_space<vmem_shared>>) target_semaphore(%run_scoped3A : memref<!tpu.dma_semaphore, #tpu.memory_space<semaphore_mem>>)
        %dma_wait3A = arith.constant 0 : i32
        %dma_wait3A_72 = tpu.memref_slice %arg11[%add3A_60, %dma_wait3A] : memref<10000x64xf32, #tpu.memory_space<vmem_shared>> -> memref<128x64xf32, #tpu.memory_space<vmem_shared>>
        %dma_wait3A_73 = arith.constant 0 : i32
        %dma_wait3A_74 = tpu.memref_slice %arg11[%add3A_60, %dma_wait3A_73] : memref<10000x64xf32, #tpu.memory_space<vmem_shared>> -> memref<128x64xf32, #tpu.memory_space<vmem_shared>>
        tpu.wait_dma2 semaphore(%run_scoped3A : memref<!tpu.dma_semaphore, #tpu.memory_space<semaphore_mem>>) src(%arg9 : memref<128x64xf32, #tpu.memory_space<vmem>>) dst(%dma_wait3A_74 : memref<128x64xf32, #tpu.memory_space<vmem_shared>>)
        tpu.yield
      }) : () -> ()
      %add3A_61 = arith.constant 512 : i32
      %add3A_62 = arith.addi %mul3A_4, %add3A_61 : i32
      "tpu.region"() ({
        %run_scoped3A = tpu.sem_alloc : memref<!tpu.dma_semaphore, #tpu.memory_space<semaphore_mem>>
        %dma_start3A_68 = arith.constant 0 : i32
        %dma_start3A_69 = arith.constant 0 : i32
        %dma_start3A_70 = tpu.memref_slice %arg9[%dma_start3A_68, %dma_start3A_69] : memref<128x64xf32, #tpu.memory_space<vmem>> -> memref<112x64xf32, #tpu.memory_space<vmem>>
        %dma_start3A_71 = arith.constant 0 : i32
        %dma_start3A_72 = tpu.memref_slice %arg11[%add3A_62, %dma_start3A_71] : memref<10000x64xf32, #tpu.memory_space<vmem_shared>> -> memref<112x64xf32, #tpu.memory_space<vmem_shared>>
        %dma_start3A_73 = arith.constant 0 : i32
        %dma_start3A_74 = tpu.memref_slice %arg11[%add3A_62, %dma_start3A_73] : memref<10000x64xf32, #tpu.memory_space<vmem_shared>> -> memref<112x64xf32, #tpu.memory_space<vmem_shared>>
        %dma_start3A_75 = arith.constant 0 : i32
        %dma_start3A_76 = arith.constant 0 : i32
        %dma_start3A_77 = tpu.memref_slice %arg9[%dma_start3A_75, %dma_start3A_76] : memref<128x64xf32, #tpu.memory_space<vmem>> -> memref<112x64xf32, #tpu.memory_space<vmem>>
        tpu.enqueue_dma source(%dma_start3A_77 : memref<112x64xf32, #tpu.memory_space<vmem>>) target(%dma_start3A_74 : memref<112x64xf32, #tpu.memory_space<vmem_shared>>) target_semaphore(%run_scoped3A : memref<!tpu.dma_semaphore, #tpu.memory_space<semaphore_mem>>)
        %dma_wait3A = arith.constant 0 : i32
        %dma_wait3A_78 = arith.constant 0 : i32
        %dma_wait3A_79 = tpu.memref_slice %arg9[%dma_wait3A, %dma_wait3A_78] : memref<128x64xf32, #tpu.memory_space<vmem>> -> memref<112x64xf32, #tpu.memory_space<vmem>>
        %dma_wait3A_80 = arith.constant 0 : i32
        %dma_wait3A_81 = tpu.memref_slice %arg11[%add3A_62, %dma_wait3A_80] : memref<10000x64xf32, #tpu.memory_space<vmem_shared>> -> memref<112x64xf32, #tpu.memory_space<vmem_shared>>
        %dma_wait3A_82 = arith.constant 0 : i32
        %dma_wait3A_83 = tpu.memref_slice %arg11[%add3A_62, %dma_wait3A_82] : memref<10000x64xf32, #tpu.memory_space<vmem_shared>> -> memref<112x64xf32, #tpu.memory_space<vmem_shared>>
        %dma_wait3A_84 = arith.constant 0 : i32
        %dma_wait3A_85 = arith.constant 0 : i32
        %dma_wait3A_86 = tpu.memref_slice %arg9[%dma_wait3A_84, %dma_wait3A_85] : memref<128x64xf32, #tpu.memory_space<vmem>> -> memref<112x64xf32, #tpu.memory_space<vmem>>
        tpu.wait_dma2 semaphore(%run_scoped3A : memref<!tpu.dma_semaphore, #tpu.memory_space<semaphore_mem>>) src(%dma_wait3A_86 : memref<112x64xf32, #tpu.memory_space<vmem>>) dst(%dma_wait3A_83 : memref<112x64xf32, #tpu.memory_space<vmem_shared>>)
        tpu.yield
      }) : () -> ()
      %eq3A_63 = arith.constant 15 : i32
      %eq3A_64 = arith.cmpi eq, %arg1, %eq3A_63 : i32
      %convert_element_type3A_65 = arith.extui %eq3A_64 : i1 to i32
      %cond3A_66 = arith.constant 0 : i32
      %cond3A_67 = arith.cmpi ne, %convert_element_type3A_65, %cond3A_66 : i32
      scf.if %cond3A_67 {
        "tpu.region"() ({
          %run_scoped3A = tpu.sem_alloc : memref<!tpu.dma_semaphore, #tpu.memory_space<semaphore_mem>>
          %dma_start3A_68 = arith.constant 0 : i32
          %dma_start3A_69 = arith.constant 0 : i32
          %dma_start3A_70 = tpu.memref_slice %arg9[%dma_start3A_68, %dma_start3A_69] : memref<128x64xf32, #tpu.memory_space<vmem>> -> memref<16x64xf32, #tpu.memory_space<vmem>>
          %dma_start3A_71 = arith.constant 9984 : i32
          %dma_start3A_72 = arith.constant 0 : i32
          %dma_start3A_73 = tpu.memref_slice %arg11[%dma_start3A_71, %dma_start3A_72] : memref<10000x64xf32, #tpu.memory_space<vmem_shared>> -> memref<16x64xf32, #tpu.memory_space<vmem_shared>>
          %dma_start3A_74 = arith.constant 9984 : i32
          %dma_start3A_75 = arith.constant 0 : i32
          %dma_start3A_76 = tpu.memref_slice %arg11[%dma_start3A_74, %dma_start3A_75] : memref<10000x64xf32, #tpu.memory_space<vmem_shared>> -> memref<16x64xf32, #tpu.memory_space<vmem_shared>>
          %dma_start3A_77 = arith.constant 0 : i32
          %dma_start3A_78 = arith.constant 0 : i32
          %dma_start3A_79 = tpu.memref_slice %arg9[%dma_start3A_77, %dma_start3A_78] : memref<128x64xf32, #tpu.memory_space<vmem>> -> memref<16x64xf32, #tpu.memory_space<vmem>>
          tpu.enqueue_dma source(%dma_start3A_79 : memref<16x64xf32, #tpu.memory_space<vmem>>) target(%dma_start3A_76 : memref<16x64xf32, #tpu.memory_space<vmem_shared>>) target_semaphore(%run_scoped3A : memref<!tpu.dma_semaphore, #tpu.memory_space<semaphore_mem>>)
          %dma_wait3A = arith.constant 0 : i32
          %dma_wait3A_80 = arith.constant 0 : i32
          %dma_wait3A_81 = tpu.memref_slice %arg9[%dma_wait3A, %dma_wait3A_80] : memref<128x64xf32, #tpu.memory_space<vmem>> -> memref<16x64xf32, #tpu.memory_space<vmem>>
          %dma_wait3A_82 = arith.constant 9984 : i32
          %dma_wait3A_83 = arith.constant 0 : i32
          %dma_wait3A_84 = tpu.memref_slice %arg11[%dma_wait3A_82, %dma_wait3A_83] : memref<10000x64xf32, #tpu.memory_space<vmem_shared>> -> memref<16x64xf32, #tpu.memory_space<vmem_shared>>
          %dma_wait3A_85 = arith.constant 9984 : i32
          %dma_wait3A_86 = arith.constant 0 : i32
          %dma_wait3A_87 = tpu.memref_slice %arg11[%dma_wait3A_85, %dma_wait3A_86] : memref<10000x64xf32, #tpu.memory_space<vmem_shared>> -> memref<16x64xf32, #tpu.memory_space<vmem_shared>>
          %dma_wait3A_88 = arith.constant 0 : i32
          %dma_wait3A_89 = arith.constant 0 : i32
          %dma_wait3A_90 = tpu.memref_slice %arg9[%dma_wait3A_88, %dma_wait3A_89] : memref<128x64xf32, #tpu.memory_space<vmem>> -> memref<16x64xf32, #tpu.memory_space<vmem>>
          tpu.wait_dma2 semaphore(%run_scoped3A : memref<!tpu.dma_semaphore, #tpu.memory_space<semaphore_mem>>) src(%dma_wait3A_90 : memref<16x64xf32, #tpu.memory_space<vmem>>) dst(%dma_wait3A_87 : memref<16x64xf32, #tpu.memory_space<vmem_shared>>)
          tpu.yield
        }) : () -> ()
      } else {
      }
    } else {
    }
    %mul3A_12 = arith.constant 128 : i32
    %mul3A_13 = arith.muli %mul3A_2, %mul3A_12 : i32
    "tpu.region"() ({
      %run_scoped3A = tpu.sem_alloc : memref<!tpu.dma_semaphore, #tpu.memory_space<semaphore_mem>>
      %dma_start3A_47 = tpu.memref_slice %arg3[%mul3A_13] : memref<320000xi32, #tpu.memory_space<hbm>> -> memref<9984xi32, #tpu.memory_space<hbm>>
      %dma_start3A_48 = tpu.memref_slice %arg3[%mul3A_13] : memref<320000xi32, #tpu.memory_space<hbm>> -> memref<9984xi32, #tpu.memory_space<hbm>>
      tpu.enqueue_dma source(%dma_start3A_48 : memref<9984xi32, #tpu.memory_space<hbm>>) target(%arg7 : memref<9984xi32, #tpu.memory_space<vmem>>) target_semaphore(%run_scoped3A : memref<!tpu.dma_semaphore, #tpu.memory_space<semaphore_mem>>)
      %dma_wait3A = tpu.memref_slice %arg3[%mul3A_13] : memref<320000xi32, #tpu.memory_space<hbm>> -> memref<9984xi32, #tpu.memory_space<hbm>>
      %dma_wait3A_49 = tpu.memref_slice %arg3[%mul3A_13] : memref<320000xi32, #tpu.memory_space<hbm>> -> memref<9984xi32, #tpu.memory_space<hbm>>
      tpu.wait_dma2 semaphore(%run_scoped3A : memref<!tpu.dma_semaphore, #tpu.memory_space<semaphore_mem>>) src(%dma_wait3A_49 : memref<9984xi32, #tpu.memory_space<hbm>>) dst(%arg7 : memref<9984xi32, #tpu.memory_space<vmem>>)
      tpu.yield
    }) : () -> ()
    %dma_start3A = arith.constant 0 : i32
    %dma_start3A_14 = tpu.memref_slice %arg7[%dma_start3A] : memref<9984xi32, #tpu.memory_space<vmem>> -> memref<128xi32, #tpu.memory_space<vmem>>
    %dma_start3A_15 = arith.constant 0 : i32
    %dma_start3A_16 = arith.constant 0 : i32
    %dma_start3A_17 = tpu.memref_slice %arg2[%dma_start3A_15, %dma_start3A_16] : memref<10000x64xf32, #tpu.memory_space<hbm>> -> memref<10000x64xf32, #tpu.memory_space<hbm>>
    tpu.enqueue_indirect_dma source(%dma_start3A_17 : memref<10000x64xf32, #tpu.memory_space<hbm>>) target(%arg9 : memref<128x64xf32, #tpu.memory_space<vmem>>) offsets(%dma_start3A_14 : memref<128xi32, #tpu.memory_space<vmem>>) semaphore(%arg12 : memref<!tpu.dma_semaphore, #tpu.memory_space<semaphore_mem>>)
    %dma_start3A_18 = arith.constant 0 : i32
    %dma_start3A_19 = arith.constant 0 : i32
    %dma_start3A_20 = tpu.memref_slice %arg8[%dma_start3A_18, %dma_start3A_19] : memref<2x128xi32, #tpu.memory_space<vmem>> -> memref<1x128xi32, #tpu.memory_space<vmem>>
    %dma_start3A_21 = arith.constant 0 : i32
    %dma_start3A_22 = tpu.memref_slice %arg4[%mul3A_2, %dma_start3A_21] : memref<2500x128xi32, #tpu.memory_space<hbm>> -> memref<1x128xi32, #tpu.memory_space<hbm>>
    %dma_start3A_23 = arith.constant 0 : i32
    %dma_start3A_24 = arith.constant 0 : i32
    %dma_start3A_25 = tpu.memref_slice %arg8[%dma_start3A_23, %dma_start3A_24] : memref<2x128xi32, #tpu.memory_space<vmem>> -> memref<1x128xi32, #tpu.memory_space<vmem>>
    %dma_start3A_26 = arith.constant 0 : i32
    %dma_start3A_27 = tpu.memref_slice %arg4[%mul3A_2, %dma_start3A_26] : memref<2500x128xi32, #tpu.memory_space<hbm>> -> memref<1x128xi32, #tpu.memory_space<hbm>>
    tpu.enqueue_dma source(%dma_start3A_27 : memref<1x128xi32, #tpu.memory_space<hbm>>) target(%dma_start3A_25 : memref<1x128xi32, #tpu.memory_space<vmem>>) target_semaphore(%arg14 : memref<!tpu.dma_semaphore, #tpu.memory_space<semaphore_mem>>)
    %barrier3A = arith.constant 0 : index
    tpu.barrier barrier_id(%barrier3A)
    %scan3A = arith.constant 0 : i32
    %scan3A_28 = arith.constant 39 : i32
    %scan3A_29 = arith.addi %scan3A, %scan3A_28 : i32
    %scan3A_30 = arith.constant 1 : i32
    scf.for %scan3A_47 = %scan3A to %scan3A_29 step %scan3A_30  : i32 {
      %mul3A_48 = arith.constant 2 : i32
      %mul3A_49 = arith.muli %scan3A_47, %mul3A_48 : i32
      %add3A_50 = arith.constant 0 : i32
      %add3A_51 = arith.addi %add3A_50, %mul3A_49 : i32
      %add3A_52 = arith.constant 0 : i32
      %add3A_53 = arith.addi %add3A_51, %add3A_52 : i32
      %add3A_54 = arith.constant 1 : i32
      %add3A_55 = arith.addi %add3A_53, %add3A_54 : i32
      %mul3A_56 = arith.constant 128 : i32
      %mul3A_57 = arith.muli %add3A_55, %mul3A_56 : i32
      %dma_start3A_58 = tpu.memref_slice %arg7[%mul3A_57] : memref<9984xi32, #tpu.memory_space<vmem>> -> memref<128xi32, #tpu.memory_space<vmem>>
      %dma_start3A_59 = arith.constant 0 : i32
      %dma_start3A_60 = arith.constant 0 : i32
      %dma_start3A_61 = tpu.memref_slice %arg2[%dma_start3A_59, %dma_start3A_60] : memref<10000x64xf32, #tpu.memory_space<hbm>> -> memref<10000x64xf32, #tpu.memory_space<hbm>>
      tpu.enqueue_indirect_dma source(%dma_start3A_61 : memref<10000x64xf32, #tpu.memory_space<hbm>>) target(%arg10 : memref<128x64xf32, #tpu.memory_space<vmem>>) offsets(%dma_start3A_58 : memref<128xi32, #tpu.memory_space<vmem>>) semaphore(%arg13 : memref<!tpu.dma_semaphore, #tpu.memory_space<semaphore_mem>>)
      %add3A_62 = arith.addi %mul3A_2, %add3A_55 : i32
      %dma_start3A_63 = arith.constant 1 : i32
      %dma_start3A_64 = arith.constant 0 : i32
      %dma_start3A_65 = tpu.memref_slice %arg8[%dma_start3A_63, %dma_start3A_64] : memref<2x128xi32, #tpu.memory_space<vmem>> -> memref<1x128xi32, #tpu.memory_space<vmem>>
      %dma_start3A_66 = arith.constant 0 : i32
      %dma_start3A_67 = tpu.memref_slice %arg4[%add3A_62, %dma_start3A_66] : memref<2500x128xi32, #tpu.memory_space<hbm>> -> memref<1x128xi32, #tpu.memory_space<hbm>>
      %dma_start3A_68 = arith.constant 1 : i32
      %dma_start3A_69 = arith.constant 0 : i32
      %dma_start3A_70 = tpu.memref_slice %arg8[%dma_start3A_68, %dma_start3A_69] : memref<2x128xi32, #tpu.memory_space<vmem>> -> memref<1x128xi32, #tpu.memory_space<vmem>>
      %dma_start3A_71 = arith.constant 0 : i32
      %dma_start3A_72 = tpu.memref_slice %arg4[%add3A_62, %dma_start3A_71] : memref<2500x128xi32, #tpu.memory_space<hbm>> -> memref<1x128xi32, #tpu.memory_space<hbm>>
      tpu.enqueue_dma source(%dma_start3A_72 : memref<1x128xi32, #tpu.memory_space<hbm>>) target(%dma_start3A_70 : memref<1x128xi32, #tpu.memory_space<vmem>>) target_semaphore(%arg15 : memref<!tpu.dma_semaphore, #tpu.memory_space<semaphore_mem>>)
      %dma_wait3A = arith.constant 0 : i32
      %dma_wait3A_73 = tpu.memref_slice %arg7[%dma_wait3A] : memref<9984xi32, #tpu.memory_space<vmem>> -> memref<128xi32, #tpu.memory_space<vmem>>
      %dma_wait3A_74 = arith.constant 0 : i32
      %dma_wait3A_75 = arith.constant 0 : i32
      %dma_wait3A_76 = tpu.memref_slice %arg2[%dma_wait3A_74, %dma_wait3A_75] : memref<10000x64xf32, #tpu.memory_space<hbm>> -> memref<10000x64xf32, #tpu.memory_space<hbm>>
      tpu.wait_indirect_dma semaphore(%arg12 : memref<!tpu.dma_semaphore, #tpu.memory_space<semaphore_mem>>) src(%dma_wait3A_76 : memref<10000x64xf32, #tpu.memory_space<hbm>>) dst(%arg9 : memref<128x64xf32, #tpu.memory_space<vmem>>)
      %dma_wait3A_77 = arith.constant 0 : i32
      %dma_wait3A_78 = arith.constant 0 : i32
      %dma_wait3A_79 = tpu.memref_slice %arg8[%dma_wait3A_77, %dma_wait3A_78] : memref<2x128xi32, #tpu.memory_space<vmem>> -> memref<1x128xi32, #tpu.memory_space<vmem>>
      %dma_wait3A_80 = arith.constant 0 : i32
      %dma_wait3A_81 = arith.constant 0 : i32
      %dma_wait3A_82 = tpu.memref_slice %arg4[%dma_wait3A_80, %dma_wait3A_81] : memref<2500x128xi32, #tpu.memory_space<hbm>> -> memref<1x128xi32, #tpu.memory_space<hbm>>
      %dma_wait3A_83 = arith.constant 0 : i32
      %dma_wait3A_84 = arith.constant 0 : i32
      %dma_wait3A_85 = tpu.memref_slice %arg8[%dma_wait3A_83, %dma_wait3A_84] : memref<2x128xi32, #tpu.memory_space<vmem>> -> memref<1x128xi32, #tpu.memory_space<vmem>>
      %dma_wait3A_86 = arith.constant 0 : i32
      %dma_wait3A_87 = arith.constant 0 : i32
      %dma_wait3A_88 = tpu.memref_slice %arg4[%dma_wait3A_86, %dma_wait3A_87] : memref<2500x128xi32, #tpu.memory_space<hbm>> -> memref<1x128xi32, #tpu.memory_space<hbm>>
      tpu.wait_dma2 semaphore(%arg14 : memref<!tpu.dma_semaphore, #tpu.memory_space<semaphore_mem>>) src(%dma_wait3A_88 : memref<1x128xi32, #tpu.memory_space<hbm>>) dst(%dma_wait3A_85 : memref<1x128xi32, #tpu.memory_space<vmem>>)
      %run_scoped3A = arith.constant 0 : i32
      "tpu.region"() ({
        %run_scoped3A_116 = tpu.sem_alloc : memref<!tpu.dma_semaphore, #tpu.memory_space<semaphore_mem>>
        %dma_start3A_117 = arith.constant 0 : i32
        %dma_start3A_118 = tpu.memref_slice %arg8[%run_scoped3A, %dma_start3A_117] : memref<2x128xi32, #tpu.memory_space<vmem>> -> memref<1x128xi32, #tpu.memory_space<vmem>>
        %dma_start3A_119 = tpu.memref_squeeze %dma_start3A_118 : memref<1x128xi32, #tpu.memory_space<vmem>> -> memref<128xi32, #tpu.memory_space<vmem>>
        %dma_start3A_120 = arith.constant 0 : i32
        %dma_start3A_121 = arith.constant 0 : i32
        %dma_start3A_122 = tpu.memref_slice %arg11[%dma_start3A_120, %dma_start3A_121] : memref<10000x64xf32, #tpu.memory_space<vmem_shared>> -> memref<10000x64xf32, #tpu.memory_space<vmem_shared>>
        tpu.enqueue_indirect_dma source(%arg9 : memref<128x64xf32, #tpu.memory_space<vmem>>) target(%dma_start3A_122 : memref<10000x64xf32, #tpu.memory_space<vmem_shared>>) offsets(%dma_start3A_119 : memref<128xi32, #tpu.memory_space<vmem>>) semaphore(%run_scoped3A_116 : memref<!tpu.dma_semaphore, #tpu.memory_space<semaphore_mem>>) {add = true}
        %dma_wait3A_123 = arith.constant 0 : i32
        %dma_wait3A_124 = tpu.memref_slice %arg8[%run_scoped3A, %dma_wait3A_123] : memref<2x128xi32, #tpu.memory_space<vmem>> -> memref<1x128xi32, #tpu.memory_space<vmem>>
        %dma_wait3A_125 = tpu.memref_squeeze %dma_wait3A_124 : memref<1x128xi32, #tpu.memory_space<vmem>> -> memref<128xi32, #tpu.memory_space<vmem>>
        %dma_wait3A_126 = arith.constant 0 : i32
        %dma_wait3A_127 = arith.constant 0 : i32
        %dma_wait3A_128 = tpu.memref_slice %arg11[%dma_wait3A_126, %dma_wait3A_127] : memref<10000x64xf32, #tpu.memory_space<vmem_shared>> -> memref<10000x64xf32, #tpu.memory_space<vmem_shared>>
        tpu.wait_indirect_dma semaphore(%run_scoped3A_116 : memref<!tpu.dma_semaphore, #tpu.memory_space<semaphore_mem>>) src(%arg9 : memref<128x64xf32, #tpu.memory_space<vmem>>) dst(%dma_wait3A_128 : memref<10000x64xf32, #tpu.memory_space<vmem_shared>>)
        tpu.yield
      }) : () -> ()
      %add3A_89 = arith.constant 1 : i32
      %add3A_90 = arith.addi %add3A_51, %add3A_89 : i32
      %add3A_91 = arith.constant 1 : i32
      %add3A_92 = arith.addi %add3A_90, %add3A_91 : i32
      %lt3A_93 = arith.constant 76 : i32
      %lt3A_94 = arith.cmpi slt, %add3A_51, %lt3A_93 : i32
      %convert_element_type3A_95 = arith.extui %lt3A_94 : i1 to i32
      %cond3A_96 = arith.constant 0 : i32
      %cond3A_97 = arith.cmpi ne, %convert_element_type3A_95, %cond3A_96 : i32
      scf.if %cond3A_97 {
        %mul3A_116 = arith.constant 128 : i32
        %mul3A_117 = arith.muli %add3A_92, %mul3A_116 : i32
        %dma_start3A_118 = tpu.memref_slice %arg7[%mul3A_117] : memref<9984xi32, #tpu.memory_space<vmem>> -> memref<128xi32, #tpu.memory_space<vmem>>
        %dma_start3A_119 = arith.constant 0 : i32
        %dma_start3A_120 = arith.constant 0 : i32
        %dma_start3A_121 = tpu.memref_slice %arg2[%dma_start3A_119, %dma_start3A_120] : memref<10000x64xf32, #tpu.memory_space<hbm>> -> memref<10000x64xf32, #tpu.memory_space<hbm>>
        tpu.enqueue_indirect_dma source(%dma_start3A_121 : memref<10000x64xf32, #tpu.memory_space<hbm>>) target(%arg9 : memref<128x64xf32, #tpu.memory_space<vmem>>) offsets(%dma_start3A_118 : memref<128xi32, #tpu.memory_space<vmem>>) semaphore(%arg12 : memref<!tpu.dma_semaphore, #tpu.memory_space<semaphore_mem>>)
        %add3A_122 = arith.addi %mul3A_2, %add3A_92 : i32
        %dma_start3A_123 = arith.constant 0 : i32
        %dma_start3A_124 = arith.constant 0 : i32
        %dma_start3A_125 = tpu.memref_slice %arg8[%dma_start3A_123, %dma_start3A_124] : memref<2x128xi32, #tpu.memory_space<vmem>> -> memref<1x128xi32, #tpu.memory_space<vmem>>
        %dma_start3A_126 = arith.constant 0 : i32
        %dma_start3A_127 = tpu.memref_slice %arg4[%add3A_122, %dma_start3A_126] : memref<2500x128xi32, #tpu.memory_space<hbm>> -> memref<1x128xi32, #tpu.memory_space<hbm>>
        %dma_start3A_128 = arith.constant 0 : i32
        %dma_start3A_129 = arith.constant 0 : i32
        %dma_start3A_130 = tpu.memref_slice %arg8[%dma_start3A_128, %dma_start3A_129] : memref<2x128xi32, #tpu.memory_space<vmem>> -> memref<1x128xi32, #tpu.memory_space<vmem>>
        %dma_start3A_131 = arith.constant 0 : i32
        %dma_start3A_132 = tpu.memref_slice %arg4[%add3A_122, %dma_start3A_131] : memref<2500x128xi32, #tpu.memory_space<hbm>> -> memref<1x128xi32, #tpu.memory_space<hbm>>
        tpu.enqueue_dma source(%dma_start3A_132 : memref<1x128xi32, #tpu.memory_space<hbm>>) target(%dma_start3A_130 : memref<1x128xi32, #tpu.memory_space<vmem>>) target_semaphore(%arg14 : memref<!tpu.dma_semaphore, #tpu.memory_space<semaphore_mem>>)
      } else {
      }
      %dma_wait3A_98 = arith.constant 0 : i32
      %dma_wait3A_99 = tpu.memref_slice %arg7[%dma_wait3A_98] : memref<9984xi32, #tpu.memory_space<vmem>> -> memref<128xi32, #tpu.memory_space<vmem>>
      %dma_wait3A_100 = arith.constant 0 : i32
      %dma_wait3A_101 = arith.constant 0 : i32
      %dma_wait3A_102 = tpu.memref_slice %arg2[%dma_wait3A_100, %dma_wait3A_101] : memref<10000x64xf32, #tpu.memory_space<hbm>> -> memref<10000x64xf32, #tpu.memory_space<hbm>>
      tpu.wait_indirect_dma semaphore(%arg13 : memref<!tpu.dma_semaphore, #tpu.memory_space<semaphore_mem>>) src(%dma_wait3A_102 : memref<10000x64xf32, #tpu.memory_space<hbm>>) dst(%arg10 : memref<128x64xf32, #tpu.memory_space<vmem>>)
      %dma_wait3A_103 = arith.constant 1 : i32
      %dma_wait3A_104 = arith.constant 0 : i32
      %dma_wait3A_105 = tpu.memref_slice %arg8[%dma_wait3A_103, %dma_wait3A_104] : memref<2x128xi32, #tpu.memory_space<vmem>> -> memref<1x128xi32, #tpu.memory_space<vmem>>
      %dma_wait3A_106 = arith.constant 0 : i32
      %dma_wait3A_107 = arith.constant 0 : i32
      %dma_wait3A_108 = tpu.memref_slice %arg4[%dma_wait3A_106, %dma_wait3A_107] : memref<2500x128xi32, #tpu.memory_space<hbm>> -> memref<1x128xi32, #tpu.memory_space<hbm>>
      %dma_wait3A_109 = arith.constant 1 : i32
      %dma_wait3A_110 = arith.constant 0 : i32
      %dma_wait3A_111 = tpu.memref_slice %arg8[%dma_wait3A_109, %dma_wait3A_110] : memref<2x128xi32, #tpu.memory_space<vmem>> -> memref<1x128xi32, #tpu.memory_space<vmem>>
      %dma_wait3A_112 = arith.constant 0 : i32
      %dma_wait3A_113 = arith.constant 0 : i32
      %dma_wait3A_114 = tpu.memref_slice %arg4[%dma_wait3A_112, %dma_wait3A_113] : memref<2500x128xi32, #tpu.memory_space<hbm>> -> memref<1x128xi32, #tpu.memory_space<hbm>>
      tpu.wait_dma2 semaphore(%arg15 : memref<!tpu.dma_semaphore, #tpu.memory_space<semaphore_mem>>) src(%dma_wait3A_114 : memref<1x128xi32, #tpu.memory_space<hbm>>) dst(%dma_wait3A_111 : memref<1x128xi32, #tpu.memory_space<vmem>>)
      %run_scoped3A_115 = arith.constant 1 : i32
      "tpu.region"() ({
        %run_scoped3A_116 = tpu.sem_alloc : memref<!tpu.dma_semaphore, #tpu.memory_space<semaphore_mem>>
        %dma_start3A_117 = arith.constant 0 : i32
        %dma_start3A_118 = tpu.memref_slice %arg8[%run_scoped3A_115, %dma_start3A_117] : memref<2x128xi32, #tpu.memory_space<vmem>> -> memref<1x128xi32, #tpu.memory_space<vmem>>
        %dma_start3A_119 = tpu.memref_squeeze %dma_start3A_118 : memref<1x128xi32, #tpu.memory_space<vmem>> -> memref<128xi32, #tpu.memory_space<vmem>>
        %dma_start3A_120 = arith.constant 0 : i32
        %dma_start3A_121 = arith.constant 0 : i32
        %dma_start3A_122 = tpu.memref_slice %arg11[%dma_start3A_120, %dma_start3A_121] : memref<10000x64xf32, #tpu.memory_space<vmem_shared>> -> memref<10000x64xf32, #tpu.memory_space<vmem_shared>>
        tpu.enqueue_indirect_dma source(%arg10 : memref<128x64xf32, #tpu.memory_space<vmem>>) target(%dma_start3A_122 : memref<10000x64xf32, #tpu.memory_space<vmem_shared>>) offsets(%dma_start3A_119 : memref<128xi32, #tpu.memory_space<vmem>>) semaphore(%run_scoped3A_116 : memref<!tpu.dma_semaphore, #tpu.memory_space<semaphore_mem>>) {add = true}
        %dma_wait3A_123 = arith.constant 0 : i32
        %dma_wait3A_124 = tpu.memref_slice %arg8[%run_scoped3A_115, %dma_wait3A_123] : memref<2x128xi32, #tpu.memory_space<vmem>> -> memref<1x128xi32, #tpu.memory_space<vmem>>
        %dma_wait3A_125 = tpu.memref_squeeze %dma_wait3A_124 : memref<1x128xi32, #tpu.memory_space<vmem>> -> memref<128xi32, #tpu.memory_space<vmem>>
        %dma_wait3A_126 = arith.constant 0 : i32
        %dma_wait3A_127 = arith.constant 0 : i32
        %dma_wait3A_128 = tpu.memref_slice %arg11[%dma_wait3A_126, %dma_wait3A_127] : memref<10000x64xf32, #tpu.memory_space<vmem_shared>> -> memref<10000x64xf32, #tpu.memory_space<vmem_shared>>
        tpu.wait_indirect_dma semaphore(%run_scoped3A_116 : memref<!tpu.dma_semaphore, #tpu.memory_space<semaphore_mem>>) src(%arg10 : memref<128x64xf32, #tpu.memory_space<vmem>>) dst(%dma_wait3A_128 : memref<10000x64xf32, #tpu.memory_space<vmem_shared>>)
        tpu.yield
      }) : () -> ()
    }
    %scan3A_31 = arith.constant 39 : i32
    %lt3A = arith.constant 4 : i32
    %lt3A_32 = arith.cmpi slt, %add3A, %lt3A : i32
    %convert_element_type3A_33 = arith.extui %lt3A_32 : i1 to i32
    %cond3A_34 = arith.constant 0 : i32
    %cond3A_35 = arith.cmpi ne, %convert_element_type3A_33, %cond3A_34 : i32
    scf.if %cond3A_35 {
      %add3A_47 = arith.constant 2496 : i32
      %add3A_48 = arith.addi %add3A_47, %add3A : i32
      %mul3A_49 = arith.constant 128 : i32
      %mul3A_50 = arith.muli %add3A_48, %mul3A_49 : i32
      "tpu.region"() ({
        %run_scoped3A_60 = tpu.sem_alloc : memref<!tpu.dma_semaphore, #tpu.memory_space<semaphore_mem>>
        %dma_start3A_61 = arith.constant 0 : i32
        %dma_start3A_62 = tpu.memref_slice %arg7[%dma_start3A_61] : memref<9984xi32, #tpu.memory_space<vmem>> -> memref<128xi32, #tpu.memory_space<vmem>>
        %dma_start3A_63 = tpu.memref_slice %arg3[%mul3A_50] : memref<320000xi32, #tpu.memory_space<hbm>> -> memref<128xi32, #tpu.memory_space<hbm>>
        %dma_start3A_64 = arith.constant 0 : i32
        %dma_start3A_65 = tpu.memref_slice %arg7[%dma_start3A_64] : memref<9984xi32, #tpu.memory_space<vmem>> -> memref<128xi32, #tpu.memory_space<vmem>>
        %dma_start3A_66 = tpu.memref_slice %arg3[%mul3A_50] : memref<320000xi32, #tpu.memory_space<hbm>> -> memref<128xi32, #tpu.memory_space<hbm>>
        tpu.enqueue_dma source(%dma_start3A_66 : memref<128xi32, #tpu.memory_space<hbm>>) target(%dma_start3A_65 : memref<128xi32, #tpu.memory_space<vmem>>) target_semaphore(%run_scoped3A_60 : memref<!tpu.dma_semaphore, #tpu.memory_space<semaphore_mem>>)
        %dma_wait3A_67 = arith.constant 0 : i32
        %dma_wait3A_68 = tpu.memref_slice %arg7[%dma_wait3A_67] : memref<9984xi32, #tpu.memory_space<vmem>> -> memref<128xi32, #tpu.memory_space<vmem>>
        %dma_wait3A_69 = tpu.memref_slice %arg3[%mul3A_50] : memref<320000xi32, #tpu.memory_space<hbm>> -> memref<128xi32, #tpu.memory_space<hbm>>
        %dma_wait3A_70 = arith.constant 0 : i32
        %dma_wait3A_71 = tpu.memref_slice %arg7[%dma_wait3A_70] : memref<9984xi32, #tpu.memory_space<vmem>> -> memref<128xi32, #tpu.memory_space<vmem>>
        %dma_wait3A_72 = tpu.memref_slice %arg3[%mul3A_50] : memref<320000xi32, #tpu.memory_space<hbm>> -> memref<128xi32, #tpu.memory_space<hbm>>
        tpu.wait_dma2 semaphore(%run_scoped3A_60 : memref<!tpu.dma_semaphore, #tpu.memory_space<semaphore_mem>>) src(%dma_wait3A_72 : memref<128xi32, #tpu.memory_space<hbm>>) dst(%dma_wait3A_71 : memref<128xi32, #tpu.memory_space<vmem>>)
        tpu.yield
      }) : () -> ()
      "tpu.region"() ({
        %run_scoped3A_60 = tpu.sem_alloc : memref<!tpu.dma_semaphore, #tpu.memory_space<semaphore_mem>>
        %dma_start3A_61 = arith.constant 0 : i32
        %dma_start3A_62 = arith.constant 0 : i32
        %dma_start3A_63 = tpu.memref_slice %arg8[%dma_start3A_61, %dma_start3A_62] : memref<2x128xi32, #tpu.memory_space<vmem>> -> memref<1x128xi32, #tpu.memory_space<vmem>>
        %dma_start3A_64 = arith.constant 0 : i32
        %dma_start3A_65 = tpu.memref_slice %arg4[%add3A_48, %dma_start3A_64] : memref<2500x128xi32, #tpu.memory_space<hbm>> -> memref<1x128xi32, #tpu.memory_space<hbm>>
        %dma_start3A_66 = arith.constant 0 : i32
        %dma_start3A_67 = arith.constant 0 : i32
        %dma_start3A_68 = tpu.memref_slice %arg8[%dma_start3A_66, %dma_start3A_67] : memref<2x128xi32, #tpu.memory_space<vmem>> -> memref<1x128xi32, #tpu.memory_space<vmem>>
        %dma_start3A_69 = arith.constant 0 : i32
        %dma_start3A_70 = tpu.memref_slice %arg4[%add3A_48, %dma_start3A_69] : memref<2500x128xi32, #tpu.memory_space<hbm>> -> memref<1x128xi32, #tpu.memory_space<hbm>>
        tpu.enqueue_dma source(%dma_start3A_70 : memref<1x128xi32, #tpu.memory_space<hbm>>) target(%dma_start3A_68 : memref<1x128xi32, #tpu.memory_space<vmem>>) target_semaphore(%run_scoped3A_60 : memref<!tpu.dma_semaphore, #tpu.memory_space<semaphore_mem>>)
        %dma_wait3A_71 = arith.constant 0 : i32
        %dma_wait3A_72 = arith.constant 0 : i32
        %dma_wait3A_73 = tpu.memref_slice %arg8[%dma_wait3A_71, %dma_wait3A_72] : memref<2x128xi32, #tpu.memory_space<vmem>> -> memref<1x128xi32, #tpu.memory_space<vmem>>
        %dma_wait3A_74 = arith.constant 0 : i32
        %dma_wait3A_75 = tpu.memref_slice %arg4[%add3A_48, %dma_wait3A_74] : memref<2500x128xi32, #tpu.memory_space<hbm>> -> memref<1x128xi32, #tpu.memory_space<hbm>>
        %dma_wait3A_76 = arith.constant 0 : i32
        %dma_wait3A_77 = arith.constant 0 : i32
        %dma_wait3A_78 = tpu.memref_slice %arg8[%dma_wait3A_76, %dma_wait3A_77] : memref<2x128xi32, #tpu.memory_space<vmem>> -> memref<1x128xi32, #tpu.memory_space<vmem>>
        %dma_wait3A_79 = arith.constant 0 : i32
        %dma_wait3A_80 = tpu.memref_slice %arg4[%add3A_48, %dma_wait3A_79] : memref<2500x128xi32, #tpu.memory_space<hbm>> -> memref<1x128xi32, #tpu.memory_space<hbm>>
        tpu.wait_dma2 semaphore(%run_scoped3A_60 : memref<!tpu.dma_semaphore, #tpu.memory_space<semaphore_mem>>) src(%dma_wait3A_80 : memref<1x128xi32, #tpu.memory_space<hbm>>) dst(%dma_wait3A_78 : memref<1x128xi32, #tpu.memory_space<vmem>>)
        tpu.yield
      }) : () -> ()
      %dma_start3A_51 = arith.constant 0 : i32
      %dma_start3A_52 = tpu.memref_slice %arg7[%dma_start3A_51] : memref<9984xi32, #tpu.memory_space<vmem>> -> memref<128xi32, #tpu.memory_space<vmem>>
      %dma_start3A_53 = arith.constant 0 : i32
      %dma_start3A_54 = arith.constant 0 : i32
      %dma_start3A_55 = tpu.memref_slice %arg2[%dma_start3A_53, %dma_start3A_54] : memref<10000x64xf32, #tpu.memory_space<hbm>> -> memref<10000x64xf32, #tpu.memory_space<hbm>>
      tpu.enqueue_indirect_dma source(%dma_start3A_55 : memref<10000x64xf32, #tpu.memory_space<hbm>>) target(%arg9 : memref<128x64xf32, #tpu.memory_space<vmem>>) offsets(%dma_start3A_52 : memref<128xi32, #tpu.memory_space<vmem>>) semaphore(%arg12 : memref<!tpu.dma_semaphore, #tpu.memory_space<semaphore_mem>>)
      %dma_wait3A = arith.constant 0 : i32
      %dma_wait3A_56 = tpu.memref_slice %arg7[%dma_wait3A] : memref<9984xi32, #tpu.memory_space<vmem>> -> memref<128xi32, #tpu.memory_space<vmem>>
      %dma_wait3A_57 = arith.constant 0 : i32
      %dma_wait3A_58 = arith.constant 0 : i32
      %dma_wait3A_59 = tpu.memref_slice %arg2[%dma_wait3A_57, %dma_wait3A_58] : memref<10000x64xf32, #tpu.memory_space<hbm>> -> memref<10000x64xf32, #tpu.memory_space<hbm>>
      tpu.wait_indirect_dma semaphore(%arg12 : memref<!tpu.dma_semaphore, #tpu.memory_space<semaphore_mem>>) src(%dma_wait3A_59 : memref<10000x64xf32, #tpu.memory_space<hbm>>) dst(%arg9 : memref<128x64xf32, #tpu.memory_space<vmem>>)
      %run_scoped3A = arith.constant 0 : i32
      "tpu.region"() ({
        %run_scoped3A_60 = tpu.sem_alloc : memref<!tpu.dma_semaphore, #tpu.memory_space<semaphore_mem>>
        %dma_start3A_61 = arith.constant 0 : i32
        %dma_start3A_62 = tpu.memref_slice %arg8[%run_scoped3A, %dma_start3A_61] : memref<2x128xi32, #tpu.memory_space<vmem>> -> memref<1x128xi32, #tpu.memory_space<vmem>>
        %dma_start3A_63 = tpu.memref_squeeze %dma_start3A_62 : memref<1x128xi32, #tpu.memory_space<vmem>> -> memref<128xi32, #tpu.memory_space<vmem>>
        %dma_start3A_64 = arith.constant 0 : i32
        %dma_start3A_65 = arith.constant 0 : i32
        %dma_start3A_66 = tpu.memref_slice %arg11[%dma_start3A_64, %dma_start3A_65] : memref<10000x64xf32, #tpu.memory_space<vmem_shared>> -> memref<10000x64xf32, #tpu.memory_space<vmem_shared>>
        tpu.enqueue_indirect_dma source(%arg9 : memref<128x64xf32, #tpu.memory_space<vmem>>) target(%dma_start3A_66 : memref<10000x64xf32, #tpu.memory_space<vmem_shared>>) offsets(%dma_start3A_63 : memref<128xi32, #tpu.memory_space<vmem>>) semaphore(%run_scoped3A_60 : memref<!tpu.dma_semaphore, #tpu.memory_space<semaphore_mem>>) {add = true}
        %dma_wait3A_67 = arith.constant 0 : i32
        %dma_wait3A_68 = tpu.memref_slice %arg8[%run_scoped3A, %dma_wait3A_67] : memref<2x128xi32, #tpu.memory_space<vmem>> -> memref<1x128xi32, #tpu.memory_space<vmem>>
        %dma_wait3A_69 = tpu.memref_squeeze %dma_wait3A_68 : memref<1x128xi32, #tpu.memory_space<vmem>> -> memref<128xi32, #tpu.memory_space<vmem>>
        %dma_wait3A_70 = arith.constant 0 : i32
        %dma_wait3A_71 = arith.constant 0 : i32
        %dma_wait3A_72 = tpu.memref_slice %arg11[%dma_wait3A_70, %dma_wait3A_71] : memref<10000x64xf32, #tpu.memory_space<vmem_shared>> -> memref<10000x64xf32, #tpu.memory_space<vmem_shared>>
        tpu.wait_indirect_dma semaphore(%run_scoped3A_60 : memref<!tpu.dma_semaphore, #tpu.memory_space<semaphore_mem>>) src(%arg9 : memref<128x64xf32, #tpu.memory_space<vmem>>) dst(%dma_wait3A_72 : memref<10000x64xf32, #tpu.memory_space<vmem_shared>>)
        tpu.yield
      }) : () -> ()
    } else {
    }
    %barrier3A_36 = arith.constant 0 : index
    tpu.barrier barrier_id(%barrier3A_36)
    %eq3A_37 = arith.constant 0 : i32
    %eq3A_38 = arith.cmpi eq, %arg0, %eq3A_37 : i32
    %convert_element_type3A_39 = arith.extui %eq3A_38 : i1 to i32
    %cond3A_40 = arith.constant 0 : i32
    %cond3A_41 = arith.cmpi ne, %convert_element_type3A_39, %cond3A_40 : i32
    scf.if %cond3A_41 {
      "tpu.region"() ({
        %run_scoped3A = tpu.sem_alloc : memref<!tpu.dma_semaphore, #tpu.memory_space<semaphore_mem>>
        %dma_start3A_52 = arith.constant 0 : i32
        %dma_start3A_53 = tpu.memref_slice %arg5[%mul3A_4, %dma_start3A_52] : memref<10000x64xf32, #tpu.memory_space<hbm>> -> memref<624x64xf32, #tpu.memory_space<hbm>>
        %dma_start3A_54 = arith.constant 0 : i32
        %dma_start3A_55 = tpu.memref_slice %arg11[%mul3A_4, %dma_start3A_54] : memref<10000x64xf32, #tpu.memory_space<vmem_shared>> -> memref<624x64xf32, #tpu.memory_space<vmem_shared>>
        tpu.enqueue_dma source(%dma_start3A_55 : memref<624x64xf32, #tpu.memory_space<vmem_shared>>) target(%dma_start3A_53 : memref<624x64xf32, #tpu.memory_space<hbm>>) target_semaphore(%run_scoped3A : memref<!tpu.dma_semaphore, #tpu.memory_space<semaphore_mem>>)
        %dma_wait3A = arith.constant 0 : i32
        %dma_wait3A_56 = tpu.memref_slice %arg5[%mul3A_4, %dma_wait3A] : memref<10000x64xf32, #tpu.memory_space<hbm>> -> memref<624x64xf32, #tpu.memory_space<hbm>>
        %dma_wait3A_57 = arith.constant 0 : i32
        %dma_wait3A_58 = tpu.memref_slice %arg11[%mul3A_4, %dma_wait3A_57] : memref<10000x64xf32, #tpu.memory_space<vmem_shared>> -> memref<624x64xf32, #tpu.memory_space<vmem_shared>>
        tpu.wait_dma2 semaphore(%run_scoped3A : memref<!tpu.dma_semaphore, #tpu.memory_space<semaphore_mem>>) src(%dma_wait3A_58 : memref<624x64xf32, #tpu.memory_space<vmem_shared>>) dst(%dma_wait3A_56 : memref<624x64xf32, #tpu.memory_space<hbm>>)
        tpu.yield
      }) : () -> ()
      %eq3A_47 = arith.constant 15 : i32
      %eq3A_48 = arith.cmpi eq, %arg1, %eq3A_47 : i32
      %convert_element_type3A_49 = arith.extui %eq3A_48 : i1 to i32
      %cond3A_50 = arith.constant 0 : i32
      %cond3A_51 = arith.cmpi ne, %convert_element_type3A_49, %cond3A_50 : i32
      scf.if %cond3A_51 {
        "tpu.region"() ({
          %run_scoped3A = tpu.sem_alloc : memref<!tpu.dma_semaphore, #tpu.memory_space<semaphore_mem>>
          %dma_start3A_52 = arith.constant 9984 : i32
          %dma_start3A_53 = arith.constant 0 : i32
          %dma_start3A_54 = tpu.memref_slice %arg5[%dma_start3A_52, %dma_start3A_53] : memref<10000x64xf32, #tpu.memory_space<hbm>> -> memref<16x64xf32, #tpu.memory_space<hbm>>
          %dma_start3A_55 = arith.constant 9984 : i32
          %dma_start3A_56 = arith.constant 0 : i32
          %dma_start3A_57 = tpu.memref_slice %arg11[%dma_start3A_55, %dma_start3A_56] : memref<10000x64xf32, #tpu.memory_space<vmem_shared>> -> memref<16x64xf32, #tpu.memory_space<vmem_shared>>
          tpu.enqueue_dma source(%dma_start3A_57 : memref<16x64xf32, #tpu.memory_space<vmem_shared>>) target(%dma_start3A_54 : memref<16x64xf32, #tpu.memory_space<hbm>>) target_semaphore(%run_scoped3A : memref<!tpu.dma_semaphore, #tpu.memory_space<semaphore_mem>>)
          %dma_wait3A = arith.constant 9984 : i32
          %dma_wait3A_58 = arith.constant 0 : i32
          %dma_wait3A_59 = tpu.memref_slice %arg5[%dma_wait3A, %dma_wait3A_58] : memref<10000x64xf32, #tpu.memory_space<hbm>> -> memref<16x64xf32, #tpu.memory_space<hbm>>
          %dma_wait3A_60 = arith.constant 9984 : i32
          %dma_wait3A_61 = arith.constant 0 : i32
          %dma_wait3A_62 = tpu.memref_slice %arg11[%dma_wait3A_60, %dma_wait3A_61] : memref<10000x64xf32, #tpu.memory_space<vmem_shared>> -> memref<16x64xf32, #tpu.memory_space<vmem_shared>>
          tpu.wait_dma2 semaphore(%run_scoped3A : memref<!tpu.dma_semaphore, #tpu.memory_space<semaphore_mem>>) src(%dma_wait3A_62 : memref<16x64xf32, #tpu.memory_space<vmem_shared>>) dst(%dma_wait3A_59 : memref<16x64xf32, #tpu.memory_space<hbm>>)
          tpu.yield
        }) : () -> ()
      } else {
      }
    } else {
    }
    %eq3A_42 = arith.constant 1 : i32
    %eq3A_43 = arith.cmpi eq, %arg0, %eq3A_42 : i32
    %convert_element_type3A_44 = arith.extui %eq3A_43 : i1 to i32
    %cond3A_45 = arith.constant 0 : i32
    %cond3A_46 = arith.cmpi ne, %convert_element_type3A_44, %cond3A_45 : i32
    scf.if %cond3A_46 {
      "tpu.region"() ({
        %run_scoped3A = tpu.sem_alloc : memref<!tpu.dma_semaphore, #tpu.memory_space<semaphore_mem>>
        %dma_start3A_52 = arith.constant 0 : i32
        %dma_start3A_53 = tpu.memref_slice %arg6[%mul3A_4, %dma_start3A_52] : memref<10000x64xf32, #tpu.memory_space<hbm>> -> memref<624x64xf32, #tpu.memory_space<hbm>>
        %dma_start3A_54 = arith.constant 0 : i32
        %dma_start3A_55 = tpu.memref_slice %arg11[%mul3A_4, %dma_start3A_54] : memref<10000x64xf32, #tpu.memory_space<vmem_shared>> -> memref<624x64xf32, #tpu.memory_space<vmem_shared>>
        tpu.enqueue_dma source(%dma_start3A_55 : memref<624x64xf32, #tpu.memory_space<vmem_shared>>) target(%dma_start3A_53 : memref<624x64xf32, #tpu.memory_space<hbm>>) target_semaphore(%run_scoped3A : memref<!tpu.dma_semaphore, #tpu.memory_space<semaphore_mem>>)
        %dma_wait3A = arith.constant 0 : i32
        %dma_wait3A_56 = tpu.memref_slice %arg6[%mul3A_4, %dma_wait3A] : memref<10000x64xf32, #tpu.memory_space<hbm>> -> memref<624x64xf32, #tpu.memory_space<hbm>>
        %dma_wait3A_57 = arith.constant 0 : i32
        %dma_wait3A_58 = tpu.memref_slice %arg11[%mul3A_4, %dma_wait3A_57] : memref<10000x64xf32, #tpu.memory_space<vmem_shared>> -> memref<624x64xf32, #tpu.memory_space<vmem_shared>>
        tpu.wait_dma2 semaphore(%run_scoped3A : memref<!tpu.dma_semaphore, #tpu.memory_space<semaphore_mem>>) src(%dma_wait3A_58 : memref<624x64xf32, #tpu.memory_space<vmem_shared>>) dst(%dma_wait3A_56 : memref<624x64xf32, #tpu.memory_space<hbm>>)
        tpu.yield
      }) : () -> ()
      %eq3A_47 = arith.constant 15 : i32
      %eq3A_48 = arith.cmpi eq, %arg1, %eq3A_47 : i32
      %convert_element_type3A_49 = arith.extui %eq3A_48 : i1 to i32
      %cond3A_50 = arith.constant 0 : i32
      %cond3A_51 = arith.cmpi ne, %convert_element_type3A_49, %cond3A_50 : i32
      scf.if %cond3A_51 {
        "tpu.region"() ({
          %run_scoped3A = tpu.sem_alloc : memref<!tpu.dma_semaphore, #tpu.memory_space<semaphore_mem>>
          %dma_start3A_52 = arith.constant 9984 : i32
          %dma_start3A_53 = arith.constant 0 : i32
          %dma_start3A_54 = tpu.memref_slice %arg6[%dma_start3A_52, %dma_start3A_53] : memref<10000x64xf32, #tpu.memory_space<hbm>> -> memref<16x64xf32, #tpu.memory_space<hbm>>
          %dma_start3A_55 = arith.constant 9984 : i32
          %dma_start3A_56 = arith.constant 0 : i32
          %dma_start3A_57 = tpu.memref_slice %arg11[%dma_start3A_55, %dma_start3A_56] : memref<10000x64xf32, #tpu.memory_space<vmem_shared>> -> memref<16x64xf32, #tpu.memory_space<vmem_shared>>
          tpu.enqueue_dma source(%dma_start3A_57 : memref<16x64xf32, #tpu.memory_space<vmem_shared>>) target(%dma_start3A_54 : memref<16x64xf32, #tpu.memory_space<hbm>>) target_semaphore(%run_scoped3A : memref<!tpu.dma_semaphore, #tpu.memory_space<semaphore_mem>>)
          %dma_wait3A = arith.constant 9984 : i32
          %dma_wait3A_58 = arith.constant 0 : i32
          %dma_wait3A_59 = tpu.memref_slice %arg6[%dma_wait3A, %dma_wait3A_58] : memref<10000x64xf32, #tpu.memory_space<hbm>> -> memref<16x64xf32, #tpu.memory_space<hbm>>
          %dma_wait3A_60 = arith.constant 9984 : i32
          %dma_wait3A_61 = arith.constant 0 : i32
          %dma_wait3A_62 = tpu.memref_slice %arg11[%dma_wait3A_60, %dma_wait3A_61] : memref<10000x64xf32, #tpu.memory_space<vmem_shared>> -> memref<16x64xf32, #tpu.memory_space<vmem_shared>>
          tpu.wait_dma2 semaphore(%run_scoped3A : memref<!tpu.dma_semaphore, #tpu.memory_space<semaphore_mem>>) src(%dma_wait3A_62 : memref<16x64xf32, #tpu.memory_space<vmem_shared>>) dst(%dma_wait3A_59 : memref<16x64xf32, #tpu.memory_space<hbm>>)
          tpu.yield
        }) : () -> ()
      } else {
      }
    } else {
    }
    return
  }
}

#map = affine_map<(d0, d1) -> (0, 0)>
#map1 = affine_map<(d0, d1) -> (0)>
module attributes {stable_mosaic.version = 14 : i64} {
  func.func @seg_sum(%arg0: i32, %arg1: i32, %arg2: memref<10000x64xf32, #tpu.memory_space<hbm>>, %arg3: memref<320000xi32, #tpu.memory_space<hbm>>, %arg4: memref<2500x128xi32, #tpu.memory_space<hbm>>, %arg5: memref<10000x64xf32, #tpu.memory_space<hbm>>, %arg6: memref<10000x64xf32, #tpu.memory_space<hbm>>, %arg7: memref<9984xi32, #tpu.memory_space<vmem>>, %arg8: memref<2x128xi32, #tpu.memory_space<vmem>>, %arg9: memref<128x64xf32, #tpu.memory_space<vmem>>, %arg10: memref<128x64xf32, #tpu.memory_space<vmem>>, %arg11: memref<10000x64xf32, #tpu.memory_space<vmem_shared>>, %arg12: memref<!tpu.dma_semaphore, #tpu.memory_space<semaphore_mem>>, %arg13: memref<!tpu.dma_semaphore, #tpu.memory_space<semaphore_mem>>, %arg14: memref<!tpu.dma_semaphore, #tpu.memory_space<semaphore_mem>>, %arg15: memref<!tpu.dma_semaphore, #tpu.memory_space<semaphore_mem>>) attributes {dimension_semantics = [#tpu.dimension_semantics<core_parallel>, #tpu.dimension_semantics<subcore_parallel>], iteration_bounds = array<i64: 2, 16>, scalar_prefetch = 0 : i64, scratch_operands = 9 : i64, tpu.core_type = #tpu.core_type<sc_vector_subcore>, window_params = [{transform_indices = #map}, {transform_indices = #map1}, {transform_indices = #map}, {transform_indices = #map}, {transform_indices = #map}]} {
    %mul3A = arith.constant 2 : i32
    %mul3A_0 = arith.muli %arg1, %mul3A : i32
    %add3A = arith.addi %mul3A_0, %arg0 : i32
    %mul3A_1 = arith.constant 78 : i32
    %mul3A_2 = arith.muli %add3A, %mul3A_1 : i32
    %mul3A_3 = arith.constant 624 : i32
    %mul3A_4 = arith.muli %arg1, %mul3A_3 : i32
    %eq3A = arith.constant 0 : i32
    %eq3A_5 = arith.cmpi eq, %arg0, %eq3A : i32
    %convert_element_type3A = arith.extui %eq3A_5 : i1 to i32
    %cond3A = arith.constant 0 : i32
    %cond3A_6 = arith.cmpi ne, %convert_element_type3A, %cond3A : i32
    scf.if %cond3A_6 {
      "tpu.region"() ({
        %run_scoped3A = tpu.sem_alloc : memref<!tpu.dma_semaphore, #tpu.memory_space<semaphore_mem>>
        %dma_start3A_52 = arith.constant 0 : i32
        %dma_start3A_53 = tpu.memref_slice %arg11[%mul3A_4, %dma_start3A_52] : memref<10000x64xf32, #tpu.memory_space<vmem_shared>> -> memref<624x64xf32, #tpu.memory_space<vmem_shared>>
        %dma_start3A_54 = arith.constant 0 : i32
        %dma_start3A_55 = tpu.memref_slice %arg2[%mul3A_4, %dma_start3A_54] : memref<10000x64xf32, #tpu.memory_space<hbm>> -> memref<624x64xf32, #tpu.memory_space<hbm>>
        tpu.enqueue_dma source(%dma_start3A_55 : memref<624x64xf32, #tpu.memory_space<hbm>>) target(%dma_start3A_53 : memref<624x64xf32, #tpu.memory_space<vmem_shared>>) target_semaphore(%run_scoped3A : memref<!tpu.dma_semaphore, #tpu.memory_space<semaphore_mem>>)
        %dma_wait3A = arith.constant 0 : i32
        %dma_wait3A_56 = tpu.memref_slice %arg11[%mul3A_4, %dma_wait3A] : memref<10000x64xf32, #tpu.memory_space<vmem_shared>> -> memref<624x64xf32, #tpu.memory_space<vmem_shared>>
        %dma_wait3A_57 = arith.constant 0 : i32
        %dma_wait3A_58 = tpu.memref_slice %arg2[%mul3A_4, %dma_wait3A_57] : memref<10000x64xf32, #tpu.memory_space<hbm>> -> memref<624x64xf32, #tpu.memory_space<hbm>>
        tpu.wait_dma2 semaphore(%run_scoped3A : memref<!tpu.dma_semaphore, #tpu.memory_space<semaphore_mem>>) src(%dma_wait3A_58 : memref<624x64xf32, #tpu.memory_space<hbm>>) dst(%dma_wait3A_56 : memref<624x64xf32, #tpu.memory_space<vmem_shared>>)
        tpu.yield
      }) : () -> ()
      %eq3A_47 = arith.constant 15 : i32
      %eq3A_48 = arith.cmpi eq, %arg1, %eq3A_47 : i32
      %convert_element_type3A_49 = arith.extui %eq3A_48 : i1 to i32
      %cond3A_50 = arith.constant 0 : i32
      %cond3A_51 = arith.cmpi ne, %convert_element_type3A_49, %cond3A_50 : i32
      scf.if %cond3A_51 {
        "tpu.region"() ({
          %run_scoped3A = tpu.sem_alloc : memref<!tpu.dma_semaphore, #tpu.memory_space<semaphore_mem>>
          %dma_start3A_52 = arith.constant 9984 : i32
          %dma_start3A_53 = arith.constant 0 : i32
          %dma_start3A_54 = tpu.memref_slice %arg11[%dma_start3A_52, %dma_start3A_53] : memref<10000x64xf32, #tpu.memory_space<vmem_shared>> -> memref<16x64xf32, #tpu.memory_space<vmem_shared>>
          %dma_start3A_55 = arith.constant 9984 : i32
          %dma_start3A_56 = arith.constant 0 : i32
          %dma_start3A_57 = tpu.memref_slice %arg2[%dma_start3A_55, %dma_start3A_56] : memref<10000x64xf32, #tpu.memory_space<hbm>> -> memref<16x64xf32, #tpu.memory_space<hbm>>
          tpu.enqueue_dma source(%dma_start3A_57 : memref<16x64xf32, #tpu.memory_space<hbm>>) target(%dma_start3A_54 : memref<16x64xf32, #tpu.memory_space<vmem_shared>>) target_semaphore(%run_scoped3A : memref<!tpu.dma_semaphore, #tpu.memory_space<semaphore_mem>>)
          %dma_wait3A = arith.constant 9984 : i32
          %dma_wait3A_58 = arith.constant 0 : i32
          %dma_wait3A_59 = tpu.memref_slice %arg11[%dma_wait3A, %dma_wait3A_58] : memref<10000x64xf32, #tpu.memory_space<vmem_shared>> -> memref<16x64xf32, #tpu.memory_space<vmem_shared>>
          %dma_wait3A_60 = arith.constant 9984 : i32
          %dma_wait3A_61 = arith.constant 0 : i32
          %dma_wait3A_62 = tpu.memref_slice %arg2[%dma_wait3A_60, %dma_wait3A_61] : memref<10000x64xf32, #tpu.memory_space<hbm>> -> memref<16x64xf32, #tpu.memory_space<hbm>>
          tpu.wait_dma2 semaphore(%run_scoped3A : memref<!tpu.dma_semaphore, #tpu.memory_space<semaphore_mem>>) src(%dma_wait3A_62 : memref<16x64xf32, #tpu.memory_space<hbm>>) dst(%dma_wait3A_59 : memref<16x64xf32, #tpu.memory_space<vmem_shared>>)
          tpu.yield
        }) : () -> ()
      } else {
      }
    } else {
    }
    %eq3A_7 = arith.constant 1 : i32
    %eq3A_8 = arith.cmpi eq, %arg0, %eq3A_7 : i32
    %convert_element_type3A_9 = arith.extui %eq3A_8 : i1 to i32
    %cond3A_10 = arith.constant 0 : i32
    %cond3A_11 = arith.cmpi ne, %convert_element_type3A_9, %cond3A_10 : i32
    scf.if %cond3A_11 {
      %broadcast_in_dim3A = arith.constant 0.000000e+00 : f32
      %broadcast_in_dim3A_47 = vector.broadcast %broadcast_in_dim3A : f32 to vector<16xf32>
      %scan3A_48 = arith.constant 0 : i32
      %scan3A_49 = arith.constant 512 : i32
      %scan3A_50 = arith.addi %scan3A_48, %scan3A_49 : i32
      %scan3A_51 = arith.constant 8 : i32
      scf.for %scan3A_68 = %scan3A_48 to %scan3A_50 step %scan3A_51  : i32 {
        %mul3A_69 = arith.constant 1 : i32
        %mul3A_70 = arith.muli %scan3A_68, %mul3A_69 : i32
        %add3A_71 = arith.constant 0 : i32
        %add3A_72 = arith.addi %add3A_71, %mul3A_70 : i32
        %jit3A = arith.constant 4 : i32
        %div3A = arith.divsi %add3A_72, %jit3A : i32
        %sign3A = arith.constant 0 : i32
        %sign3A_73 = arith.cmpi sgt, %add3A_72, %sign3A : i32
        %sign3A_74 = arith.extui %sign3A_73 : i1 to i32
        %sign3A_75 = arith.constant 0 : i32
        %sign3A_76 = arith.cmpi slt, %add3A_72, %sign3A_75 : i32
        %sign3A_77 = arith.extui %sign3A_76 : i1 to i32
        %sign3A_78 = arith.subi %sign3A_74, %sign3A_77 : i32
        %sign3A_79 = arith.constant 0 : i32
        %sign3A_80 = arith.cmpi sgt, %jit3A, %sign3A_79 : i32
        %sign3A_81 = arith.extui %sign3A_80 : i1 to i32
        %sign3A_82 = arith.constant 0 : i32
        %sign3A_83 = arith.cmpi slt, %jit3A, %sign3A_82 : i32
        %sign3A_84 = arith.extui %sign3A_83 : i1 to i32
        %sign3A_85 = arith.subi %sign3A_81, %sign3A_84 : i32
        %ne3A = arith.cmpi ne, %sign3A_78, %sign3A_85 : i32
        %rem3A = arith.remsi %add3A_72, %jit3A : i32
        %ne3A_86 = arith.constant 0 : i32
        %ne3A_87 = arith.cmpi ne, %rem3A, %ne3A_86 : i32
        %and3A = arith.andi %ne3A, %ne3A_87 : i1
        %sub3A = arith.constant 1 : i32
        %sub3A_88 = arith.subi %div3A, %sub3A : i32
        %select_n3A = arith.select %and3A, %sub3A_88, %div3A : i32
        %jit3A_89 = arith.constant 4 : i32
        %eq3A_90 = arith.constant 0 : i32
        %eq3A_91 = arith.cmpi eq, %jit3A_89, %eq3A_90 : i32
        %jit3A_92 = arith.constant 1 : i32
        %select_n3A_93 = arith.select %eq3A_91, %jit3A_92, %jit3A_89 : i32
        %rem3A_94 = arith.remsi %add3A_72, %select_n3A_93 : i32
        %ne3A_95 = arith.constant 0 : i32
        %ne3A_96 = arith.cmpi ne, %rem3A_94, %ne3A_95 : i32
        %lt3A_97 = arith.constant 0 : i32
        %lt3A_98 = arith.cmpi slt, %rem3A_94, %lt3A_97 : i32
        %lt3A_99 = arith.constant 0 : i32
        %lt3A_100 = arith.cmpi slt, %select_n3A_93, %lt3A_99 : i32
        %ne3A_101 = arith.xori %lt3A_98, %lt3A_100 : i1
        %and3A_102 = arith.andi %ne3A_101, %ne3A_96 : i1
        %add3A_103 = arith.addi %rem3A_94, %select_n3A_93 : i32
        %select_n3A_104 = arith.select %and3A_102, %add3A_103, %rem3A_94 : i32
        %mul3A_105 = arith.constant 16 : i32
        %mul3A_106 = arith.muli %select_n3A_104, %mul3A_105 : i32
        %swap3A = arith.index_cast %select_n3A : i32 to index
        %swap3A_107 = arith.index_cast %mul3A_106 : i32 to index
        %swap3A_108 = tpu.vector_load %arg9[%swap3A, %swap3A_107] {strides = array<i32>} : memref<128x64xf32, #tpu.memory_space<vmem>>, vector<1x16xf32>,
        %swap3A_109 = vector.shape_cast %swap3A_108 : vector<1x16xf32> to vector<16xf32>
        %swap3A_110 = vector.shape_cast %broadcast_in_dim3A_47 : vector<16xf32> to vector<1x16xf32>
        tpu.vector_store %arg9[%swap3A, %swap3A_107], %swap3A_110 {strides = array<i32>} : memref<128x64xf32, #tpu.memory_space<vmem>>, vector<1x16xf32>,
        %scan3A_111 = arith.constant 1 : i32
        %scan3A_112 = arith.addi %scan3A_68, %scan3A_111 : i32
        %mul3A_113 = arith.constant 1 : i32
        %mul3A_114 = arith.muli %scan3A_112, %mul3A_113 : i32
        %add3A_115 = arith.constant 0 : i32
        %add3A_116 = arith.addi %add3A_115, %mul3A_114 : i32
        %jit3A_117 = arith.constant 4 : i32
        %div3A_118 = arith.divsi %add3A_116, %jit3A_117 : i32
        %sign3A_119 = arith.constant 0 : i32
        %sign3A_120 = arith.cmpi sgt, %add3A_116, %sign3A_119 : i32
        %sign3A_121 = arith.extui %sign3A_120 : i1 to i32
        %sign3A_122 = arith.constant 0 : i32
        %sign3A_123 = arith.cmpi slt, %add3A_116, %sign3A_122 : i32
        %sign3A_124 = arith.extui %sign3A_123 : i1 to i32
        %sign3A_125 = arith.subi %sign3A_121, %sign3A_124 : i32
        %sign3A_126 = arith.constant 0 : i32
        %sign3A_127 = arith.cmpi sgt, %jit3A_117, %sign3A_126 : i32
        %sign3A_128 = arith.extui %sign3A_127 : i1 to i32
        %sign3A_129 = arith.constant 0 : i32
        %sign3A_130 = arith.cmpi slt, %jit3A_117, %sign3A_129 : i32
        %sign3A_131 = arith.extui %sign3A_130 : i1 to i32
        %sign3A_132 = arith.subi %sign3A_128, %sign3A_131 : i32
        %ne3A_133 = arith.cmpi ne, %sign3A_125, %sign3A_132 : i32
        %rem3A_134 = arith.remsi %add3A_116, %jit3A_117 : i32
        %ne3A_135 = arith.constant 0 : i32
        %ne3A_136 = arith.cmpi ne, %rem3A_134, %ne3A_135 : i32
        %and3A_137 = arith.andi %ne3A_133, %ne3A_136 : i1
        %sub3A_138 = arith.constant 1 : i32
        %sub3A_139 = arith.subi %div3A_118, %sub3A_138 : i32
        %select_n3A_140 = arith.select %and3A_137, %sub3A_139, %div3A_118 : i32
        %jit3A_141 = arith.constant 4 : i32
        %eq3A_142 = arith.constant 0 : i32
        %eq3A_143 = arith.cmpi eq, %jit3A_141, %eq3A_142 : i32
        %jit3A_144 = arith.constant 1 : i32
        %select_n3A_145 = arith.select %eq3A_143, %jit3A_144, %jit3A_141 : i32
        %rem3A_146 = arith.remsi %add3A_116, %select_n3A_145 : i32
        %ne3A_147 = arith.constant 0 : i32
        %ne3A_148 = arith.cmpi ne, %rem3A_146, %ne3A_147 : i32
        %lt3A_149 = arith.constant 0 : i32
        %lt3A_150 = arith.cmpi slt, %rem3A_146, %lt3A_149 : i32
        %lt3A_151 = arith.constant 0 : i32
        %lt3A_152 = arith.cmpi slt, %select_n3A_145, %lt3A_151 : i32
        %ne3A_153 = arith.xori %lt3A_150, %lt3A_152 : i1
        %and3A_154 = arith.andi %ne3A_153, %ne3A_148 : i1
        %add3A_155 = arith.addi %rem3A_146, %select_n3A_145 : i32
        %select_n3A_156 = arith.select %and3A_154, %add3A_155, %rem3A_146 : i32
        %mul3A_157 = arith.constant 16 : i32
        %mul3A_158 = arith.muli %select_n3A_156, %mul3A_157 : i32
        %swap3A_159 = arith.index_cast %select_n3A_140 : i32 to index
        %swap3A_160 = arith.index_cast %mul3A_158 : i32 to index
        %swap3A_161 = tpu.vector_load %arg9[%swap3A_159, %swap3A_160] {strides = array<i32>} : memref<128x64xf32, #tpu.memory_space<vmem>>, vector<1x16xf32>,
        %swap3A_162 = vector.shape_cast %swap3A_161 : vector<1x16xf32> to vector<16xf32>
        %swap3A_163 = vector.shape_cast %broadcast_in_dim3A_47 : vector<16xf32> to vector<1x16xf32>
        tpu.vector_store %arg9[%swap3A_159, %swap3A_160], %swap3A_163 {strides = array<i32>} : memref<128x64xf32, #tpu.memory_space<vmem>>, vector<1x16xf32>,
        %scan3A_164 = arith.constant 2 : i32
        %scan3A_165 = arith.addi %scan3A_68, %scan3A_164 : i32
        %mul3A_166 = arith.constant 1 : i32
        %mul3A_167 = arith.muli %scan3A_165, %mul3A_166 : i32
        %add3A_168 = arith.constant 0 : i32
        %add3A_169 = arith.addi %add3A_168, %mul3A_167 : i32
        %jit3A_170 = arith.constant 4 : i32
        %div3A_171 = arith.divsi %add3A_169, %jit3A_170 : i32
        %sign3A_172 = arith.constant 0 : i32
        %sign3A_173 = arith.cmpi sgt, %add3A_169, %sign3A_172 : i32
        %sign3A_174 = arith.extui %sign3A_173 : i1 to i32
        %sign3A_175 = arith.constant 0 : i32
        %sign3A_176 = arith.cmpi slt, %add3A_169, %sign3A_175 : i32
        %sign3A_177 = arith.extui %sign3A_176 : i1 to i32
        %sign3A_178 = arith.subi %sign3A_174, %sign3A_177 : i32
        %sign3A_179 = arith.constant 0 : i32
        %sign3A_180 = arith.cmpi sgt, %jit3A_170, %sign3A_179 : i32
        %sign3A_181 = arith.extui %sign3A_180 : i1 to i32
        %sign3A_182 = arith.constant 0 : i32
        %sign3A_183 = arith.cmpi slt, %jit3A_170, %sign3A_182 : i32
        %sign3A_184 = arith.extui %sign3A_183 : i1 to i32
        %sign3A_185 = arith.subi %sign3A_181, %sign3A_184 : i32
        %ne3A_186 = arith.cmpi ne, %sign3A_178, %sign3A_185 : i32
        %rem3A_187 = arith.remsi %add3A_169, %jit3A_170 : i32
        %ne3A_188 = arith.constant 0 : i32
        %ne3A_189 = arith.cmpi ne, %rem3A_187, %ne3A_188 : i32
        %and3A_190 = arith.andi %ne3A_186, %ne3A_189 : i1
        %sub3A_191 = arith.constant 1 : i32
        %sub3A_192 = arith.subi %div3A_171, %sub3A_191 : i32
        %select_n3A_193 = arith.select %and3A_190, %sub3A_192, %div3A_171 : i32
        %jit3A_194 = arith.constant 4 : i32
        %eq3A_195 = arith.constant 0 : i32
        %eq3A_196 = arith.cmpi eq, %jit3A_194, %eq3A_195 : i32
        %jit3A_197 = arith.constant 1 : i32
        %select_n3A_198 = arith.select %eq3A_196, %jit3A_197, %jit3A_194 : i32
        %rem3A_199 = arith.remsi %add3A_169, %select_n3A_198 : i32
        %ne3A_200 = arith.constant 0 : i32
        %ne3A_201 = arith.cmpi ne, %rem3A_199, %ne3A_200 : i32
        %lt3A_202 = arith.constant 0 : i32
        %lt3A_203 = arith.cmpi slt, %rem3A_199, %lt3A_202 : i32
        %lt3A_204 = arith.constant 0 : i32
        %lt3A_205 = arith.cmpi slt, %select_n3A_198, %lt3A_204 : i32
        %ne3A_206 = arith.xori %lt3A_203, %lt3A_205 : i1
        %and3A_207 = arith.andi %ne3A_206, %ne3A_201 : i1
        %add3A_208 = arith.addi %rem3A_199, %select_n3A_198 : i32
        %select_n3A_209 = arith.select %and3A_207, %add3A_208, %rem3A_199 : i32
        %mul3A_210 = arith.constant 16 : i32
        %mul3A_211 = arith.muli %select_n3A_209, %mul3A_210 : i32
        %swap3A_212 = arith.index_cast %select_n3A_193 : i32 to index
        %swap3A_213 = arith.index_cast %mul3A_211 : i32 to index
        %swap3A_214 = tpu.vector_load %arg9[%swap3A_212, %swap3A_213] {strides = array<i32>} : memref<128x64xf32, #tpu.memory_space<vmem>>, vector<1x16xf32>,
        %swap3A_215 = vector.shape_cast %swap3A_214 : vector<1x16xf32> to vector<16xf32>
        %swap3A_216 = vector.shape_cast %broadcast_in_dim3A_47 : vector<16xf32> to vector<1x16xf32>
        tpu.vector_store %arg9[%swap3A_212, %swap3A_213], %swap3A_216 {strides = array<i32>} : memref<128x64xf32, #tpu.memory_space<vmem>>, vector<1x16xf32>,
        %scan3A_217 = arith.constant 3 : i32
        %scan3A_218 = arith.addi %scan3A_68, %scan3A_217 : i32
        %mul3A_219 = arith.constant 1 : i32
        %mul3A_220 = arith.muli %scan3A_218, %mul3A_219 : i32
        %add3A_221 = arith.constant 0 : i32
        %add3A_222 = arith.addi %add3A_221, %mul3A_220 : i32
        %jit3A_223 = arith.constant 4 : i32
        %div3A_224 = arith.divsi %add3A_222, %jit3A_223 : i32
        %sign3A_225 = arith.constant 0 : i32
        %sign3A_226 = arith.cmpi sgt, %add3A_222, %sign3A_225 : i32
        %sign3A_227 = arith.extui %sign3A_226 : i1 to i32
        %sign3A_228 = arith.constant 0 : i32
        %sign3A_229 = arith.cmpi slt, %add3A_222, %sign3A_228 : i32
        %sign3A_230 = arith.extui %sign3A_229 : i1 to i32
        %sign3A_231 = arith.subi %sign3A_227, %sign3A_230 : i32
        %sign3A_232 = arith.constant 0 : i32
        %sign3A_233 = arith.cmpi sgt, %jit3A_223, %sign3A_232 : i32
        %sign3A_234 = arith.extui %sign3A_233 : i1 to i32
        %sign3A_235 = arith.constant 0 : i32
        %sign3A_236 = arith.cmpi slt, %jit3A_223, %sign3A_235 : i32
        %sign3A_237 = arith.extui %sign3A_236 : i1 to i32
        %sign3A_238 = arith.subi %sign3A_234, %sign3A_237 : i32
        %ne3A_239 = arith.cmpi ne, %sign3A_231, %sign3A_238 : i32
        %rem3A_240 = arith.remsi %add3A_222, %jit3A_223 : i32
        %ne3A_241 = arith.constant 0 : i32
        %ne3A_242 = arith.cmpi ne, %rem3A_240, %ne3A_241 : i32
        %and3A_243 = arith.andi %ne3A_239, %ne3A_242 : i1
        %sub3A_244 = arith.constant 1 : i32
        %sub3A_245 = arith.subi %div3A_224, %sub3A_244 : i32
        %select_n3A_246 = arith.select %and3A_243, %sub3A_245, %div3A_224 : i32
        %jit3A_247 = arith.constant 4 : i32
        %eq3A_248 = arith.constant 0 : i32
        %eq3A_249 = arith.cmpi eq, %jit3A_247, %eq3A_248 : i32
        %jit3A_250 = arith.constant 1 : i32
        %select_n3A_251 = arith.select %eq3A_249, %jit3A_250, %jit3A_247 : i32
        %rem3A_252 = arith.remsi %add3A_222, %select_n3A_251 : i32
        %ne3A_253 = arith.constant 0 : i32
        %ne3A_254 = arith.cmpi ne, %rem3A_252, %ne3A_253 : i32
        %lt3A_255 = arith.constant 0 : i32
        %lt3A_256 = arith.cmpi slt, %rem3A_252, %lt3A_255 : i32
        %lt3A_257 = arith.constant 0 : i32
        %lt3A_258 = arith.cmpi slt, %select_n3A_251, %lt3A_257 : i32
        %ne3A_259 = arith.xori %lt3A_256, %lt3A_258 : i1
        %and3A_260 = arith.andi %ne3A_259, %ne3A_254 : i1
        %add3A_261 = arith.addi %rem3A_252, %select_n3A_251 : i32
        %select_n3A_262 = arith.select %and3A_260, %add3A_261, %rem3A_252 : i32
        %mul3A_263 = arith.constant 16 : i32
        %mul3A_264 = arith.muli %select_n3A_262, %mul3A_263 : i32
        %swap3A_265 = arith.index_cast %select_n3A_246 : i32 to index
        %swap3A_266 = arith.index_cast %mul3A_264 : i32 to index
        %swap3A_267 = tpu.vector_load %arg9[%swap3A_265, %swap3A_266] {strides = array<i32>} : memref<128x64xf32, #tpu.memory_space<vmem>>, vector<1x16xf32>,
        %swap3A_268 = vector.shape_cast %swap3A_267 : vector<1x16xf32> to vector<16xf32>
        %swap3A_269 = vector.shape_cast %broadcast_in_dim3A_47 : vector<16xf32> to vector<1x16xf32>
        tpu.vector_store %arg9[%swap3A_265, %swap3A_266], %swap3A_269 {strides = array<i32>} : memref<128x64xf32, #tpu.memory_space<vmem>>, vector<1x16xf32>,
        %scan3A_270 = arith.constant 4 : i32
        %scan3A_271 = arith.addi %scan3A_68, %scan3A_270 : i32
        %mul3A_272 = arith.constant 1 : i32
        %mul3A_273 = arith.muli %scan3A_271, %mul3A_272 : i32
        %add3A_274 = arith.constant 0 : i32
        %add3A_275 = arith.addi %add3A_274, %mul3A_273 : i32
        %jit3A_276 = arith.constant 4 : i32
        %div3A_277 = arith.divsi %add3A_275, %jit3A_276 : i32
        %sign3A_278 = arith.constant 0 : i32
        %sign3A_279 = arith.cmpi sgt, %add3A_275, %sign3A_278 : i32
        %sign3A_280 = arith.extui %sign3A_279 : i1 to i32
        %sign3A_281 = arith.constant 0 : i32
        %sign3A_282 = arith.cmpi slt, %add3A_275, %sign3A_281 : i32
        %sign3A_283 = arith.extui %sign3A_282 : i1 to i32
        %sign3A_284 = arith.subi %sign3A_280, %sign3A_283 : i32
        %sign3A_285 = arith.constant 0 : i32
        %sign3A_286 = arith.cmpi sgt, %jit3A_276, %sign3A_285 : i32
        %sign3A_287 = arith.extui %sign3A_286 : i1 to i32
        %sign3A_288 = arith.constant 0 : i32
        %sign3A_289 = arith.cmpi slt, %jit3A_276, %sign3A_288 : i32
        %sign3A_290 = arith.extui %sign3A_289 : i1 to i32
        %sign3A_291 = arith.subi %sign3A_287, %sign3A_290 : i32
        %ne3A_292 = arith.cmpi ne, %sign3A_284, %sign3A_291 : i32
        %rem3A_293 = arith.remsi %add3A_275, %jit3A_276 : i32
        %ne3A_294 = arith.constant 0 : i32
        %ne3A_295 = arith.cmpi ne, %rem3A_293, %ne3A_294 : i32
        %and3A_296 = arith.andi %ne3A_292, %ne3A_295 : i1
        %sub3A_297 = arith.constant 1 : i32
        %sub3A_298 = arith.subi %div3A_277, %sub3A_297 : i32
        %select_n3A_299 = arith.select %and3A_296, %sub3A_298, %div3A_277 : i32
        %jit3A_300 = arith.constant 4 : i32
        %eq3A_301 = arith.constant 0 : i32
        %eq3A_302 = arith.cmpi eq, %jit3A_300, %eq3A_301 : i32
        %jit3A_303 = arith.constant 1 : i32
        %select_n3A_304 = arith.select %eq3A_302, %jit3A_303, %jit3A_300 : i32
        %rem3A_305 = arith.remsi %add3A_275, %select_n3A_304 : i32
        %ne3A_306 = arith.constant 0 : i32
        %ne3A_307 = arith.cmpi ne, %rem3A_305, %ne3A_306 : i32
        %lt3A_308 = arith.constant 0 : i32
        %lt3A_309 = arith.cmpi slt, %rem3A_305, %lt3A_308 : i32
        %lt3A_310 = arith.constant 0 : i32
        %lt3A_311 = arith.cmpi slt, %select_n3A_304, %lt3A_310 : i32
        %ne3A_312 = arith.xori %lt3A_309, %lt3A_311 : i1
        %and3A_313 = arith.andi %ne3A_312, %ne3A_307 : i1
        %add3A_314 = arith.addi %rem3A_305, %select_n3A_304 : i32
        %select_n3A_315 = arith.select %and3A_313, %add3A_314, %rem3A_305 : i32
        %mul3A_316 = arith.constant 16 : i32
        %mul3A_317 = arith.muli %select_n3A_315, %mul3A_316 : i32
        %swap3A_318 = arith.index_cast %select_n3A_299 : i32 to index
        %swap3A_319 = arith.index_cast %mul3A_317 : i32 to index
        %swap3A_320 = tpu.vector_load %arg9[%swap3A_318, %swap3A_319] {strides = array<i32>} : memref<128x64xf32, #tpu.memory_space<vmem>>, vector<1x16xf32>,
        %swap3A_321 = vector.shape_cast %swap3A_320 : vector<1x16xf32> to vector<16xf32>
        %swap3A_322 = vector.shape_cast %broadcast_in_dim3A_47 : vector<16xf32> to vector<1x16xf32>
        tpu.vector_store %arg9[%swap3A_318, %swap3A_319], %swap3A_322 {strides = array<i32>} : memref<128x64xf32, #tpu.memory_space<vmem>>, vector<1x16xf32>,
        %scan3A_323 = arith.constant 5 : i32
        %scan3A_324 = arith.addi %scan3A_68, %scan3A_323 : i32
        %mul3A_325 = arith.constant 1 : i32
        %mul3A_326 = arith.muli %scan3A_324, %mul3A_325 : i32
        %add3A_327 = arith.constant 0 : i32
        %add3A_328 = arith.addi %add3A_327, %mul3A_326 : i32
        %jit3A_329 = arith.constant 4 : i32
        %div3A_330 = arith.divsi %add3A_328, %jit3A_329 : i32
        %sign3A_331 = arith.constant 0 : i32
        %sign3A_332 = arith.cmpi sgt, %add3A_328, %sign3A_331 : i32
        %sign3A_333 = arith.extui %sign3A_332 : i1 to i32
        %sign3A_334 = arith.constant 0 : i32
        %sign3A_335 = arith.cmpi slt, %add3A_328, %sign3A_334 : i32
        %sign3A_336 = arith.extui %sign3A_335 : i1 to i32
        %sign3A_337 = arith.subi %sign3A_333, %sign3A_336 : i32
        %sign3A_338 = arith.constant 0 : i32
        %sign3A_339 = arith.cmpi sgt, %jit3A_329, %sign3A_338 : i32
        %sign3A_340 = arith.extui %sign3A_339 : i1 to i32
        %sign3A_341 = arith.constant 0 : i32
        %sign3A_342 = arith.cmpi slt, %jit3A_329, %sign3A_341 : i32
        %sign3A_343 = arith.extui %sign3A_342 : i1 to i32
        %sign3A_344 = arith.subi %sign3A_340, %sign3A_343 : i32
        %ne3A_345 = arith.cmpi ne, %sign3A_337, %sign3A_344 : i32
        %rem3A_346 = arith.remsi %add3A_328, %jit3A_329 : i32
        %ne3A_347 = arith.constant 0 : i32
        %ne3A_348 = arith.cmpi ne, %rem3A_346, %ne3A_347 : i32
        %and3A_349 = arith.andi %ne3A_345, %ne3A_348 : i1
        %sub3A_350 = arith.constant 1 : i32
        %sub3A_351 = arith.subi %div3A_330, %sub3A_350 : i32
        %select_n3A_352 = arith.select %and3A_349, %sub3A_351, %div3A_330 : i32
        %jit3A_353 = arith.constant 4 : i32
        %eq3A_354 = arith.constant 0 : i32
        %eq3A_355 = arith.cmpi eq, %jit3A_353, %eq3A_354 : i32
        %jit3A_356 = arith.constant 1 : i32
        %select_n3A_357 = arith.select %eq3A_355, %jit3A_356, %jit3A_353 : i32
        %rem3A_358 = arith.remsi %add3A_328, %select_n3A_357 : i32
        %ne3A_359 = arith.constant 0 : i32
        %ne3A_360 = arith.cmpi ne, %rem3A_358, %ne3A_359 : i32
        %lt3A_361 = arith.constant 0 : i32
        %lt3A_362 = arith.cmpi slt, %rem3A_358, %lt3A_361 : i32
        %lt3A_363 = arith.constant 0 : i32
        %lt3A_364 = arith.cmpi slt, %select_n3A_357, %lt3A_363 : i32
        %ne3A_365 = arith.xori %lt3A_362, %lt3A_364 : i1
        %and3A_366 = arith.andi %ne3A_365, %ne3A_360 : i1
        %add3A_367 = arith.addi %rem3A_358, %select_n3A_357 : i32
        %select_n3A_368 = arith.select %and3A_366, %add3A_367, %rem3A_358 : i32
        %mul3A_369 = arith.constant 16 : i32
        %mul3A_370 = arith.muli %select_n3A_368, %mul3A_369 : i32
        %swap3A_371 = arith.index_cast %select_n3A_352 : i32 to index
        %swap3A_372 = arith.index_cast %mul3A_370 : i32 to index
        %swap3A_373 = tpu.vector_load %arg9[%swap3A_371, %swap3A_372] {strides = array<i32>} : memref<128x64xf32, #tpu.memory_space<vmem>>, vector<1x16xf32>,
        %swap3A_374 = vector.shape_cast %swap3A_373 : vector<1x16xf32> to vector<16xf32>
        %swap3A_375 = vector.shape_cast %broadcast_in_dim3A_47 : vector<16xf32> to vector<1x16xf32>
        tpu.vector_store %arg9[%swap3A_371, %swap3A_372], %swap3A_375 {strides = array<i32>} : memref<128x64xf32, #tpu.memory_space<vmem>>, vector<1x16xf32>,
        %scan3A_376 = arith.constant 6 : i32
        %scan3A_377 = arith.addi %scan3A_68, %scan3A_376 : i32
        %mul3A_378 = arith.constant 1 : i32
        %mul3A_379 = arith.muli %scan3A_377, %mul3A_378 : i32
        %add3A_380 = arith.constant 0 : i32
        %add3A_381 = arith.addi %add3A_380, %mul3A_379 : i32
        %jit3A_382 = arith.constant 4 : i32
        %div3A_383 = arith.divsi %add3A_381, %jit3A_382 : i32
        %sign3A_384 = arith.constant 0 : i32
        %sign3A_385 = arith.cmpi sgt, %add3A_381, %sign3A_384 : i32
        %sign3A_386 = arith.extui %sign3A_385 : i1 to i32
        %sign3A_387 = arith.constant 0 : i32
        %sign3A_388 = arith.cmpi slt, %add3A_381, %sign3A_387 : i32
        %sign3A_389 = arith.extui %sign3A_388 : i1 to i32
        %sign3A_390 = arith.subi %sign3A_386, %sign3A_389 : i32
        %sign3A_391 = arith.constant 0 : i32
        %sign3A_392 = arith.cmpi sgt, %jit3A_382, %sign3A_391 : i32
        %sign3A_393 = arith.extui %sign3A_392 : i1 to i32
        %sign3A_394 = arith.constant 0 : i32
        %sign3A_395 = arith.cmpi slt, %jit3A_382, %sign3A_394 : i32
        %sign3A_396 = arith.extui %sign3A_395 : i1 to i32
        %sign3A_397 = arith.subi %sign3A_393, %sign3A_396 : i32
        %ne3A_398 = arith.cmpi ne, %sign3A_390, %sign3A_397 : i32
        %rem3A_399 = arith.remsi %add3A_381, %jit3A_382 : i32
        %ne3A_400 = arith.constant 0 : i32
        %ne3A_401 = arith.cmpi ne, %rem3A_399, %ne3A_400 : i32
        %and3A_402 = arith.andi %ne3A_398, %ne3A_401 : i1
        %sub3A_403 = arith.constant 1 : i32
        %sub3A_404 = arith.subi %div3A_383, %sub3A_403 : i32
        %select_n3A_405 = arith.select %and3A_402, %sub3A_404, %div3A_383 : i32
        %jit3A_406 = arith.constant 4 : i32
        %eq3A_407 = arith.constant 0 : i32
        %eq3A_408 = arith.cmpi eq, %jit3A_406, %eq3A_407 : i32
        %jit3A_409 = arith.constant 1 : i32
        %select_n3A_410 = arith.select %eq3A_408, %jit3A_409, %jit3A_406 : i32
        %rem3A_411 = arith.remsi %add3A_381, %select_n3A_410 : i32
        %ne3A_412 = arith.constant 0 : i32
        %ne3A_413 = arith.cmpi ne, %rem3A_411, %ne3A_412 : i32
        %lt3A_414 = arith.constant 0 : i32
        %lt3A_415 = arith.cmpi slt, %rem3A_411, %lt3A_414 : i32
        %lt3A_416 = arith.constant 0 : i32
        %lt3A_417 = arith.cmpi slt, %select_n3A_410, %lt3A_416 : i32
        %ne3A_418 = arith.xori %lt3A_415, %lt3A_417 : i1
        %and3A_419 = arith.andi %ne3A_418, %ne3A_413 : i1
        %add3A_420 = arith.addi %rem3A_411, %select_n3A_410 : i32
        %select_n3A_421 = arith.select %and3A_419, %add3A_420, %rem3A_411 : i32
        %mul3A_422 = arith.constant 16 : i32
        %mul3A_423 = arith.muli %select_n3A_421, %mul3A_422 : i32
        %swap3A_424 = arith.index_cast %select_n3A_405 : i32 to index
        %swap3A_425 = arith.index_cast %mul3A_423 : i32 to index
        %swap3A_426 = tpu.vector_load %arg9[%swap3A_424, %swap3A_425] {strides = array<i32>} : memref<128x64xf32, #tpu.memory_space<vmem>>, vector<1x16xf32>,
        %swap3A_427 = vector.shape_cast %swap3A_426 : vector<1x16xf32> to vector<16xf32>
        %swap3A_428 = vector.shape_cast %broadcast_in_dim3A_47 : vector<16xf32> to vector<1x16xf32>
        tpu.vector_store %arg9[%swap3A_424, %swap3A_425], %swap3A_428 {strides = array<i32>} : memref<128x64xf32, #tpu.memory_space<vmem>>, vector<1x16xf32>,
        %scan3A_429 = arith.constant 7 : i32
        %scan3A_430 = arith.addi %scan3A_68, %scan3A_429 : i32
        %mul3A_431 = arith.constant 1 : i32
        %mul3A_432 = arith.muli %scan3A_430, %mul3A_431 : i32
        %add3A_433 = arith.constant 0 : i32
        %add3A_434 = arith.addi %add3A_433, %mul3A_432 : i32
        %jit3A_435 = arith.constant 4 : i32
        %div3A_436 = arith.divsi %add3A_434, %jit3A_435 : i32
        %sign3A_437 = arith.constant 0 : i32
        %sign3A_438 = arith.cmpi sgt, %add3A_434, %sign3A_437 : i32
        %sign3A_439 = arith.extui %sign3A_438 : i1 to i32
        %sign3A_440 = arith.constant 0 : i32
        %sign3A_441 = arith.cmpi slt, %add3A_434, %sign3A_440 : i32
        %sign3A_442 = arith.extui %sign3A_441 : i1 to i32
        %sign3A_443 = arith.subi %sign3A_439, %sign3A_442 : i32
        %sign3A_444 = arith.constant 0 : i32
        %sign3A_445 = arith.cmpi sgt, %jit3A_435, %sign3A_444 : i32
        %sign3A_446 = arith.extui %sign3A_445 : i1 to i32
        %sign3A_447 = arith.constant 0 : i32
        %sign3A_448 = arith.cmpi slt, %jit3A_435, %sign3A_447 : i32
        %sign3A_449 = arith.extui %sign3A_448 : i1 to i32
        %sign3A_450 = arith.subi %sign3A_446, %sign3A_449 : i32
        %ne3A_451 = arith.cmpi ne, %sign3A_443, %sign3A_450 : i32
        %rem3A_452 = arith.remsi %add3A_434, %jit3A_435 : i32
        %ne3A_453 = arith.constant 0 : i32
        %ne3A_454 = arith.cmpi ne, %rem3A_452, %ne3A_453 : i32
        %and3A_455 = arith.andi %ne3A_451, %ne3A_454 : i1
        %sub3A_456 = arith.constant 1 : i32
        %sub3A_457 = arith.subi %div3A_436, %sub3A_456 : i32
        %select_n3A_458 = arith.select %and3A_455, %sub3A_457, %div3A_436 : i32
        %jit3A_459 = arith.constant 4 : i32
        %eq3A_460 = arith.constant 0 : i32
        %eq3A_461 = arith.cmpi eq, %jit3A_459, %eq3A_460 : i32
        %jit3A_462 = arith.constant 1 : i32
        %select_n3A_463 = arith.select %eq3A_461, %jit3A_462, %jit3A_459 : i32
        %rem3A_464 = arith.remsi %add3A_434, %select_n3A_463 : i32
        %ne3A_465 = arith.constant 0 : i32
        %ne3A_466 = arith.cmpi ne, %rem3A_464, %ne3A_465 : i32
        %lt3A_467 = arith.constant 0 : i32
        %lt3A_468 = arith.cmpi slt, %rem3A_464, %lt3A_467 : i32
        %lt3A_469 = arith.constant 0 : i32
        %lt3A_470 = arith.cmpi slt, %select_n3A_463, %lt3A_469 : i32
        %ne3A_471 = arith.xori %lt3A_468, %lt3A_470 : i1
        %and3A_472 = arith.andi %ne3A_471, %ne3A_466 : i1
        %add3A_473 = arith.addi %rem3A_464, %select_n3A_463 : i32
        %select_n3A_474 = arith.select %and3A_472, %add3A_473, %rem3A_464 : i32
        %mul3A_475 = arith.constant 16 : i32
        %mul3A_476 = arith.muli %select_n3A_474, %mul3A_475 : i32
        %swap3A_477 = arith.index_cast %select_n3A_458 : i32 to index
        %swap3A_478 = arith.index_cast %mul3A_476 : i32 to index
        %swap3A_479 = tpu.vector_load %arg9[%swap3A_477, %swap3A_478] {strides = array<i32>} : memref<128x64xf32, #tpu.memory_space<vmem>>, vector<1x16xf32>,
        %swap3A_480 = vector.shape_cast %swap3A_479 : vector<1x16xf32> to vector<16xf32>
        %swap3A_481 = vector.shape_cast %broadcast_in_dim3A_47 : vector<16xf32> to vector<1x16xf32>
        tpu.vector_store %arg9[%swap3A_477, %swap3A_478], %swap3A_481 {strides = array<i32>} : memref<128x64xf32, #tpu.memory_space<vmem>>, vector<1x16xf32>,
      }
      %scan3A_52 = arith.constant 512 : i32
      %add3A_53 = arith.constant 0 : i32
      %add3A_54 = arith.addi %mul3A_4, %add3A_53 : i32
      "tpu.region"() ({
        %run_scoped3A = tpu.sem_alloc : memref<!tpu.dma_semaphore, #tpu.memory_space<semaphore_mem>>
        %dma_start3A_68 = arith.constant 0 : i32
        %dma_start3A_69 = tpu.memref_slice %arg11[%add3A_54, %dma_start3A_68] : memref<10000x64xf32, #tpu.memory_space<vmem_shared>> -> memref<128x64xf32, #tpu.memory_space<vmem_shared>>
        %dma_start3A_70 = arith.constant 0 : i32
        %dma_start3A_71 = tpu.memref_slice %arg11[%add3A_54, %dma_start3A_70] : memref<10000x64xf32, #tpu.memory_space<vmem_shared>> -> memref<128x64xf32, #tpu.memory_space<vmem_shared>>
        tpu.enqueue_dma source(%arg9 : memref<128x64xf32, #tpu.memory_space<vmem>>) target(%dma_start3A_71 : memref<128x64xf32, #tpu.memory_space<vmem_shared>>) target_semaphore(%run_scoped3A : memref<!tpu.dma_semaphore, #tpu.memory_space<semaphore_mem>>)
        %dma_wait3A = arith.constant 0 : i32
        %dma_wait3A_72 = tpu.memref_slice %arg11[%add3A_54, %dma_wait3A] : memref<10000x64xf32, #tpu.memory_space<vmem_shared>> -> memref<128x64xf32, #tpu.memory_space<vmem_shared>>
        %dma_wait3A_73 = arith.constant 0 : i32
        %dma_wait3A_74 = tpu.memref_slice %arg11[%add3A_54, %dma_wait3A_73] : memref<10000x64xf32, #tpu.memory_space<vmem_shared>> -> memref<128x64xf32, #tpu.memory_space<vmem_shared>>
        tpu.wait_dma2 semaphore(%run_scoped3A : memref<!tpu.dma_semaphore, #tpu.memory_space<semaphore_mem>>) src(%arg9 : memref<128x64xf32, #tpu.memory_space<vmem>>) dst(%dma_wait3A_74 : memref<128x64xf32, #tpu.memory_space<vmem_shared>>)
        tpu.yield
      }) : () -> ()
      %add3A_55 = arith.constant 128 : i32
      %add3A_56 = arith.addi %mul3A_4, %add3A_55 : i32
      "tpu.region"() ({
        %run_scoped3A = tpu.sem_alloc : memref<!tpu.dma_semaphore, #tpu.memory_space<semaphore_mem>>
        %dma_start3A_68 = arith.constant 0 : i32
        %dma_start3A_69 = tpu.memref_slice %arg11[%add3A_56, %dma_start3A_68] : memref<10000x64xf32, #tpu.memory_space<vmem_shared>> -> memref<128x64xf32, #tpu.memory_space<vmem_shared>>
        %dma_start3A_70 = arith.constant 0 : i32
        %dma_start3A_71 = tpu.memref_slice %arg11[%add3A_56, %dma_start3A_70] : memref<10000x64xf32, #tpu.memory_space<vmem_shared>> -> memref<128x64xf32, #tpu.memory_space<vmem_shared>>
        tpu.enqueue_dma source(%arg9 : memref<128x64xf32, #tpu.memory_space<vmem>>) target(%dma_start3A_71 : memref<128x64xf32, #tpu.memory_space<vmem_shared>>) target_semaphore(%run_scoped3A : memref<!tpu.dma_semaphore, #tpu.memory_space<semaphore_mem>>)
        %dma_wait3A = arith.constant 0 : i32
        %dma_wait3A_72 = tpu.memref_slice %arg11[%add3A_56, %dma_wait3A] : memref<10000x64xf32, #tpu.memory_space<vmem_shared>> -> memref<128x64xf32, #tpu.memory_space<vmem_shared>>
        %dma_wait3A_73 = arith.constant 0 : i32
        %dma_wait3A_74 = tpu.memref_slice %arg11[%add3A_56, %dma_wait3A_73] : memref<10000x64xf32, #tpu.memory_space<vmem_shared>> -> memref<128x64xf32, #tpu.memory_space<vmem_shared>>
        tpu.wait_dma2 semaphore(%run_scoped3A : memref<!tpu.dma_semaphore, #tpu.memory_space<semaphore_mem>>) src(%arg9 : memref<128x64xf32, #tpu.memory_space<vmem>>) dst(%dma_wait3A_74 : memref<128x64xf32, #tpu.memory_space<vmem_shared>>)
        tpu.yield
      }) : () -> ()
      %add3A_57 = arith.constant 256 : i32
      %add3A_58 = arith.addi %mul3A_4, %add3A_57 : i32
      "tpu.region"() ({
        %run_scoped3A = tpu.sem_alloc : memref<!tpu.dma_semaphore, #tpu.memory_space<semaphore_mem>>
        %dma_start3A_68 = arith.constant 0 : i32
        %dma_start3A_69 = tpu.memref_slice %arg11[%add3A_58, %dma_start3A_68] : memref<10000x64xf32, #tpu.memory_space<vmem_shared>> -> memref<128x64xf32, #tpu.memory_space<vmem_shared>>
        %dma_start3A_70 = arith.constant 0 : i32
        %dma_start3A_71 = tpu.memref_slice %arg11[%add3A_58, %dma_start3A_70] : memref<10000x64xf32, #tpu.memory_space<vmem_shared>> -> memref<128x64xf32, #tpu.memory_space<vmem_shared>>
        tpu.enqueue_dma source(%arg9 : memref<128x64xf32, #tpu.memory_space<vmem>>) target(%dma_start3A_71 : memref<128x64xf32, #tpu.memory_space<vmem_shared>>) target_semaphore(%run_scoped3A : memref<!tpu.dma_semaphore, #tpu.memory_space<semaphore_mem>>)
        %dma_wait3A = arith.constant 0 : i32
        %dma_wait3A_72 = tpu.memref_slice %arg11[%add3A_58, %dma_wait3A] : memref<10000x64xf32, #tpu.memory_space<vmem_shared>> -> memref<128x64xf32, #tpu.memory_space<vmem_shared>>
        %dma_wait3A_73 = arith.constant 0 : i32
        %dma_wait3A_74 = tpu.memref_slice %arg11[%add3A_58, %dma_wait3A_73] : memref<10000x64xf32, #tpu.memory_space<vmem_shared>> -> memref<128x64xf32, #tpu.memory_space<vmem_shared>>
        tpu.wait_dma2 semaphore(%run_scoped3A : memref<!tpu.dma_semaphore, #tpu.memory_space<semaphore_mem>>) src(%arg9 : memref<128x64xf32, #tpu.memory_space<vmem>>) dst(%dma_wait3A_74 : memref<128x64xf32, #tpu.memory_space<vmem_shared>>)
        tpu.yield
      }) : () -> ()
      %add3A_59 = arith.constant 384 : i32
      %add3A_60 = arith.addi %mul3A_4, %add3A_59 : i32
      "tpu.region"() ({
        %run_scoped3A = tpu.sem_alloc : memref<!tpu.dma_semaphore, #tpu.memory_space<semaphore_mem>>
        %dma_start3A_68 = arith.constant 0 : i32
        %dma_start3A_69 = tpu.memref_slice %arg11[%add3A_60, %dma_start3A_68] : memref<10000x64xf32, #tpu.memory_space<vmem_shared>> -> memref<128x64xf32, #tpu.memory_space<vmem_shared>>
        %dma_start3A_70 = arith.constant 0 : i32
        %dma_start3A_71 = tpu.memref_slice %arg11[%add3A_60, %dma_start3A_70] : memref<10000x64xf32, #tpu.memory_space<vmem_shared>> -> memref<128x64xf32, #tpu.memory_space<vmem_shared>>
        tpu.enqueue_dma source(%arg9 : memref<128x64xf32, #tpu.memory_space<vmem>>) target(%dma_start3A_71 : memref<128x64xf32, #tpu.memory_space<vmem_shared>>) target_semaphore(%run_scoped3A : memref<!tpu.dma_semaphore, #tpu.memory_space<semaphore_mem>>)
        %dma_wait3A = arith.constant 0 : i32
        %dma_wait3A_72 = tpu.memref_slice %arg11[%add3A_60, %dma_wait3A] : memref<10000x64xf32, #tpu.memory_space<vmem_shared>> -> memref<128x64xf32, #tpu.memory_space<vmem_shared>>
        %dma_wait3A_73 = arith.constant 0 : i32
        %dma_wait3A_74 = tpu.memref_slice %arg11[%add3A_60, %dma_wait3A_73] : memref<10000x64xf32, #tpu.memory_space<vmem_shared>> -> memref<128x64xf32, #tpu.memory_space<vmem_shared>>
        tpu.wait_dma2 semaphore(%run_scoped3A : memref<!tpu.dma_semaphore, #tpu.memory_space<semaphore_mem>>) src(%arg9 : memref<128x64xf32, #tpu.memory_space<vmem>>) dst(%dma_wait3A_74 : memref<128x64xf32, #tpu.memory_space<vmem_shared>>)
        tpu.yield
      }) : () -> ()
      %add3A_61 = arith.constant 512 : i32
      %add3A_62 = arith.addi %mul3A_4, %add3A_61 : i32
      "tpu.region"() ({
        %run_scoped3A = tpu.sem_alloc : memref<!tpu.dma_semaphore, #tpu.memory_space<semaphore_mem>>
        %dma_start3A_68 = arith.constant 0 : i32
        %dma_start3A_69 = arith.constant 0 : i32
        %dma_start3A_70 = tpu.memref_slice %arg9[%dma_start3A_68, %dma_start3A_69] : memref<128x64xf32, #tpu.memory_space<vmem>> -> memref<112x64xf32, #tpu.memory_space<vmem>>
        %dma_start3A_71 = arith.constant 0 : i32
        %dma_start3A_72 = tpu.memref_slice %arg11[%add3A_62, %dma_start3A_71] : memref<10000x64xf32, #tpu.memory_space<vmem_shared>> -> memref<112x64xf32, #tpu.memory_space<vmem_shared>>
        %dma_start3A_73 = arith.constant 0 : i32
        %dma_start3A_74 = tpu.memref_slice %arg11[%add3A_62, %dma_start3A_73] : memref<10000x64xf32, #tpu.memory_space<vmem_shared>> -> memref<112x64xf32, #tpu.memory_space<vmem_shared>>
        %dma_start3A_75 = arith.constant 0 : i32
        %dma_start3A_76 = arith.constant 0 : i32
        %dma_start3A_77 = tpu.memref_slice %arg9[%dma_start3A_75, %dma_start3A_76] : memref<128x64xf32, #tpu.memory_space<vmem>> -> memref<112x64xf32, #tpu.memory_space<vmem>>
        tpu.enqueue_dma source(%dma_start3A_77 : memref<112x64xf32, #tpu.memory_space<vmem>>) target(%dma_start3A_74 : memref<112x64xf32, #tpu.memory_space<vmem_shared>>) target_semaphore(%run_scoped3A : memref<!tpu.dma_semaphore, #tpu.memory_space<semaphore_mem>>)
        %dma_wait3A = arith.constant 0 : i32
        %dma_wait3A_78 = arith.constant 0 : i32
        %dma_wait3A_79 = tpu.memref_slice %arg9[%dma_wait3A, %dma_wait3A_78] : memref<128x64xf32, #tpu.memory_space<vmem>> -> memref<112x64xf32, #tpu.memory_space<vmem>>
        %dma_wait3A_80 = arith.constant 0 : i32
        %dma_wait3A_81 = tpu.memref_slice %arg11[%add3A_62, %dma_wait3A_80] : memref<10000x64xf32, #tpu.memory_space<vmem_shared>> -> memref<112x64xf32, #tpu.memory_space<vmem_shared>>
        %dma_wait3A_82 = arith.constant 0 : i32
        %dma_wait3A_83 = tpu.memref_slice %arg11[%add3A_62, %dma_wait3A_82] : memref<10000x64xf32, #tpu.memory_space<vmem_shared>> -> memref<112x64xf32, #tpu.memory_space<vmem_shared>>
        %dma_wait3A_84 = arith.constant 0 : i32
        %dma_wait3A_85 = arith.constant 0 : i32
        %dma_wait3A_86 = tpu.memref_slice %arg9[%dma_wait3A_84, %dma_wait3A_85] : memref<128x64xf32, #tpu.memory_space<vmem>> -> memref<112x64xf32, #tpu.memory_space<vmem>>
        tpu.wait_dma2 semaphore(%run_scoped3A : memref<!tpu.dma_semaphore, #tpu.memory_space<semaphore_mem>>) src(%dma_wait3A_86 : memref<112x64xf32, #tpu.memory_space<vmem>>) dst(%dma_wait3A_83 : memref<112x64xf32, #tpu.memory_space<vmem_shared>>)
        tpu.yield
      }) : () -> ()
      %eq3A_63 = arith.constant 15 : i32
      %eq3A_64 = arith.cmpi eq, %arg1, %eq3A_63 : i32
      %convert_element_type3A_65 = arith.extui %eq3A_64 : i1 to i32
      %cond3A_66 = arith.constant 0 : i32
      %cond3A_67 = arith.cmpi ne, %convert_element_type3A_65, %cond3A_66 : i32
      scf.if %cond3A_67 {
        "tpu.region"() ({
          %run_scoped3A = tpu.sem_alloc : memref<!tpu.dma_semaphore, #tpu.memory_space<semaphore_mem>>
          %dma_start3A_68 = arith.constant 0 : i32
          %dma_start3A_69 = arith.constant 0 : i32
          %dma_start3A_70 = tpu.memref_slice %arg9[%dma_start3A_68, %dma_start3A_69] : memref<128x64xf32, #tpu.memory_space<vmem>> -> memref<16x64xf32, #tpu.memory_space<vmem>>
          %dma_start3A_71 = arith.constant 9984 : i32
          %dma_start3A_72 = arith.constant 0 : i32
          %dma_start3A_73 = tpu.memref_slice %arg11[%dma_start3A_71, %dma_start3A_72] : memref<10000x64xf32, #tpu.memory_space<vmem_shared>> -> memref<16x64xf32, #tpu.memory_space<vmem_shared>>
          %dma_start3A_74 = arith.constant 9984 : i32
          %dma_start3A_75 = arith.constant 0 : i32
          %dma_start3A_76 = tpu.memref_slice %arg11[%dma_start3A_74, %dma_start3A_75] : memref<10000x64xf32, #tpu.memory_space<vmem_shared>> -> memref<16x64xf32, #tpu.memory_space<vmem_shared>>
          %dma_start3A_77 = arith.constant 0 : i32
          %dma_start3A_78 = arith.constant 0 : i32
          %dma_start3A_79 = tpu.memref_slice %arg9[%dma_start3A_77, %dma_start3A_78] : memref<128x64xf32, #tpu.memory_space<vmem>> -> memref<16x64xf32, #tpu.memory_space<vmem>>
          tpu.enqueue_dma source(%dma_start3A_79 : memref<16x64xf32, #tpu.memory_space<vmem>>) target(%dma_start3A_76 : memref<16x64xf32, #tpu.memory_space<vmem_shared>>) target_semaphore(%run_scoped3A : memref<!tpu.dma_semaphore, #tpu.memory_space<semaphore_mem>>)
          %dma_wait3A = arith.constant 0 : i32
          %dma_wait3A_80 = arith.constant 0 : i32
          %dma_wait3A_81 = tpu.memref_slice %arg9[%dma_wait3A, %dma_wait3A_80] : memref<128x64xf32, #tpu.memory_space<vmem>> -> memref<16x64xf32, #tpu.memory_space<vmem>>
          %dma_wait3A_82 = arith.constant 9984 : i32
          %dma_wait3A_83 = arith.constant 0 : i32
          %dma_wait3A_84 = tpu.memref_slice %arg11[%dma_wait3A_82, %dma_wait3A_83] : memref<10000x64xf32, #tpu.memory_space<vmem_shared>> -> memref<16x64xf32, #tpu.memory_space<vmem_shared>>
          %dma_wait3A_85 = arith.constant 9984 : i32
          %dma_wait3A_86 = arith.constant 0 : i32
          %dma_wait3A_87 = tpu.memref_slice %arg11[%dma_wait3A_85, %dma_wait3A_86] : memref<10000x64xf32, #tpu.memory_space<vmem_shared>> -> memref<16x64xf32, #tpu.memory_space<vmem_shared>>
          %dma_wait3A_88 = arith.constant 0 : i32
          %dma_wait3A_89 = arith.constant 0 : i32
          %dma_wait3A_90 = tpu.memref_slice %arg9[%dma_wait3A_88, %dma_wait3A_89] : memref<128x64xf32, #tpu.memory_space<vmem>> -> memref<16x64xf32, #tpu.memory_space<vmem>>
          tpu.wait_dma2 semaphore(%run_scoped3A : memref<!tpu.dma_semaphore, #tpu.memory_space<semaphore_mem>>) src(%dma_wait3A_90 : memref<16x64xf32, #tpu.memory_space<vmem>>) dst(%dma_wait3A_87 : memref<16x64xf32, #tpu.memory_space<vmem_shared>>)
          tpu.yield
        }) : () -> ()
      } else {
      }
    } else {
    }
    %mul3A_12 = arith.constant 128 : i32
    %mul3A_13 = arith.muli %mul3A_2, %mul3A_12 : i32
    "tpu.region"() ({
      %run_scoped3A = tpu.sem_alloc : memref<!tpu.dma_semaphore, #tpu.memory_space<semaphore_mem>>
      %dma_start3A_47 = tpu.memref_slice %arg3[%mul3A_13] : memref<320000xi32, #tpu.memory_space<hbm>> -> memref<9984xi32, #tpu.memory_space<hbm>>
      %dma_start3A_48 = tpu.memref_slice %arg3[%mul3A_13] : memref<320000xi32, #tpu.memory_space<hbm>> -> memref<9984xi32, #tpu.memory_space<hbm>>
      tpu.enqueue_dma source(%dma_start3A_48 : memref<9984xi32, #tpu.memory_space<hbm>>) target(%arg7 : memref<9984xi32, #tpu.memory_space<vmem>>) target_semaphore(%run_scoped3A : memref<!tpu.dma_semaphore, #tpu.memory_space<semaphore_mem>>)
      %dma_wait3A = tpu.memref_slice %arg3[%mul3A_13] : memref<320000xi32, #tpu.memory_space<hbm>> -> memref<9984xi32, #tpu.memory_space<hbm>>
      %dma_wait3A_49 = tpu.memref_slice %arg3[%mul3A_13] : memref<320000xi32, #tpu.memory_space<hbm>> -> memref<9984xi32, #tpu.memory_space<hbm>>
      tpu.wait_dma2 semaphore(%run_scoped3A : memref<!tpu.dma_semaphore, #tpu.memory_space<semaphore_mem>>) src(%dma_wait3A_49 : memref<9984xi32, #tpu.memory_space<hbm>>) dst(%arg7 : memref<9984xi32, #tpu.memory_space<vmem>>)
      tpu.yield
    }) : () -> ()
    %dma_start3A = arith.constant 0 : i32
    %dma_start3A_14 = tpu.memref_slice %arg7[%dma_start3A] : memref<9984xi32, #tpu.memory_space<vmem>> -> memref<128xi32, #tpu.memory_space<vmem>>
    %dma_start3A_15 = arith.constant 0 : i32
    %dma_start3A_16 = arith.constant 0 : i32
    %dma_start3A_17 = tpu.memref_slice %arg2[%dma_start3A_15, %dma_start3A_16] : memref<10000x64xf32, #tpu.memory_space<hbm>> -> memref<10000x64xf32, #tpu.memory_space<hbm>>
    tpu.enqueue_indirect_dma source(%dma_start3A_17 : memref<10000x64xf32, #tpu.memory_space<hbm>>) target(%arg9 : memref<128x64xf32, #tpu.memory_space<vmem>>) offsets(%dma_start3A_14 : memref<128xi32, #tpu.memory_space<vmem>>) semaphore(%arg12 : memref<!tpu.dma_semaphore, #tpu.memory_space<semaphore_mem>>)
    %dma_start3A_18 = arith.constant 0 : i32
    %dma_start3A_19 = arith.constant 0 : i32
    %dma_start3A_20 = tpu.memref_slice %arg8[%dma_start3A_18, %dma_start3A_19] : memref<2x128xi32, #tpu.memory_space<vmem>> -> memref<1x128xi32, #tpu.memory_space<vmem>>
    %dma_start3A_21 = arith.constant 0 : i32
    %dma_start3A_22 = tpu.memref_slice %arg4[%mul3A_2, %dma_start3A_21] : memref<2500x128xi32, #tpu.memory_space<hbm>> -> memref<1x128xi32, #tpu.memory_space<hbm>>
    %dma_start3A_23 = arith.constant 0 : i32
    %dma_start3A_24 = arith.constant 0 : i32
    %dma_start3A_25 = tpu.memref_slice %arg8[%dma_start3A_23, %dma_start3A_24] : memref<2x128xi32, #tpu.memory_space<vmem>> -> memref<1x128xi32, #tpu.memory_space<vmem>>
    %dma_start3A_26 = arith.constant 0 : i32
    %dma_start3A_27 = tpu.memref_slice %arg4[%mul3A_2, %dma_start3A_26] : memref<2500x128xi32, #tpu.memory_space<hbm>> -> memref<1x128xi32, #tpu.memory_space<hbm>>
    tpu.enqueue_dma source(%dma_start3A_27 : memref<1x128xi32, #tpu.memory_space<hbm>>) target(%dma_start3A_25 : memref<1x128xi32, #tpu.memory_space<vmem>>) target_semaphore(%arg14 : memref<!tpu.dma_semaphore, #tpu.memory_space<semaphore_mem>>)
    %barrier3A = arith.constant 0 : index
    tpu.barrier barrier_id(%barrier3A)
    %scan3A = arith.constant 0 : i32
    %scan3A_28 = arith.constant 39 : i32
    %scan3A_29 = arith.addi %scan3A, %scan3A_28 : i32
    %scan3A_30 = arith.constant 1 : i32
    scf.for %scan3A_47 = %scan3A to %scan3A_29 step %scan3A_30  : i32 {
      %mul3A_48 = arith.constant 2 : i32
      %mul3A_49 = arith.muli %scan3A_47, %mul3A_48 : i32
      %add3A_50 = arith.constant 0 : i32
      %add3A_51 = arith.addi %add3A_50, %mul3A_49 : i32
      %add3A_52 = arith.constant 0 : i32
      %add3A_53 = arith.addi %add3A_51, %add3A_52 : i32
      %add3A_54 = arith.constant 1 : i32
      %add3A_55 = arith.addi %add3A_53, %add3A_54 : i32
      %mul3A_56 = arith.constant 128 : i32
      %mul3A_57 = arith.muli %add3A_55, %mul3A_56 : i32
      %dma_start3A_58 = tpu.memref_slice %arg7[%mul3A_57] : memref<9984xi32, #tpu.memory_space<vmem>> -> memref<128xi32, #tpu.memory_space<vmem>>
      %dma_start3A_59 = arith.constant 0 : i32
      %dma_start3A_60 = arith.constant 0 : i32
      %dma_start3A_61 = tpu.memref_slice %arg2[%dma_start3A_59, %dma_start3A_60] : memref<10000x64xf32, #tpu.memory_space<hbm>> -> memref<10000x64xf32, #tpu.memory_space<hbm>>
      tpu.enqueue_indirect_dma source(%dma_start3A_61 : memref<10000x64xf32, #tpu.memory_space<hbm>>) target(%arg10 : memref<128x64xf32, #tpu.memory_space<vmem>>) offsets(%dma_start3A_58 : memref<128xi32, #tpu.memory_space<vmem>>) semaphore(%arg13 : memref<!tpu.dma_semaphore, #tpu.memory_space<semaphore_mem>>)
      %add3A_62 = arith.addi %mul3A_2, %add3A_55 : i32
      %dma_start3A_63 = arith.constant 1 : i32
      %dma_start3A_64 = arith.constant 0 : i32
      %dma_start3A_65 = tpu.memref_slice %arg8[%dma_start3A_63, %dma_start3A_64] : memref<2x128xi32, #tpu.memory_space<vmem>> -> memref<1x128xi32, #tpu.memory_space<vmem>>
      %dma_start3A_66 = arith.constant 0 : i32
      %dma_start3A_67 = tpu.memref_slice %arg4[%add3A_62, %dma_start3A_66] : memref<2500x128xi32, #tpu.memory_space<hbm>> -> memref<1x128xi32, #tpu.memory_space<hbm>>
      %dma_start3A_68 = arith.constant 1 : i32
      %dma_start3A_69 = arith.constant 0 : i32
      %dma_start3A_70 = tpu.memref_slice %arg8[%dma_start3A_68, %dma_start3A_69] : memref<2x128xi32, #tpu.memory_space<vmem>> -> memref<1x128xi32, #tpu.memory_space<vmem>>
      %dma_start3A_71 = arith.constant 0 : i32
      %dma_start3A_72 = tpu.memref_slice %arg4[%add3A_62, %dma_start3A_71] : memref<2500x128xi32, #tpu.memory_space<hbm>> -> memref<1x128xi32, #tpu.memory_space<hbm>>
      tpu.enqueue_dma source(%dma_start3A_72 : memref<1x128xi32, #tpu.memory_space<hbm>>) target(%dma_start3A_70 : memref<1x128xi32, #tpu.memory_space<vmem>>) target_semaphore(%arg15 : memref<!tpu.dma_semaphore, #tpu.memory_space<semaphore_mem>>)
      %dma_wait3A = arith.constant 0 : i32
      %dma_wait3A_73 = tpu.memref_slice %arg7[%dma_wait3A] : memref<9984xi32, #tpu.memory_space<vmem>> -> memref<128xi32, #tpu.memory_space<vmem>>
      %dma_wait3A_74 = arith.constant 0 : i32
      %dma_wait3A_75 = arith.constant 0 : i32
      %dma_wait3A_76 = tpu.memref_slice %arg2[%dma_wait3A_74, %dma_wait3A_75] : memref<10000x64xf32, #tpu.memory_space<hbm>> -> memref<10000x64xf32, #tpu.memory_space<hbm>>
      tpu.wait_indirect_dma semaphore(%arg12 : memref<!tpu.dma_semaphore, #tpu.memory_space<semaphore_mem>>) src(%dma_wait3A_76 : memref<10000x64xf32, #tpu.memory_space<hbm>>) dst(%arg9 : memref<128x64xf32, #tpu.memory_space<vmem>>)
      %dma_wait3A_77 = arith.constant 0 : i32
      %dma_wait3A_78 = arith.constant 0 : i32
      %dma_wait3A_79 = tpu.memref_slice %arg8[%dma_wait3A_77, %dma_wait3A_78] : memref<2x128xi32, #tpu.memory_space<vmem>> -> memref<1x128xi32, #tpu.memory_space<vmem>>
      %dma_wait3A_80 = arith.constant 0 : i32
      %dma_wait3A_81 = arith.constant 0 : i32
      %dma_wait3A_82 = tpu.memref_slice %arg4[%dma_wait3A_80, %dma_wait3A_81] : memref<2500x128xi32, #tpu.memory_space<hbm>> -> memref<1x128xi32, #tpu.memory_space<hbm>>
      %dma_wait3A_83 = arith.constant 0 : i32
      %dma_wait3A_84 = arith.constant 0 : i32
      %dma_wait3A_85 = tpu.memref_slice %arg8[%dma_wait3A_83, %dma_wait3A_84] : memref<2x128xi32, #tpu.memory_space<vmem>> -> memref<1x128xi32, #tpu.memory_space<vmem>>
      %dma_wait3A_86 = arith.constant 0 : i32
      %dma_wait3A_87 = arith.constant 0 : i32
      %dma_wait3A_88 = tpu.memref_slice %arg4[%dma_wait3A_86, %dma_wait3A_87] : memref<2500x128xi32, #tpu.memory_space<hbm>> -> memref<1x128xi32, #tpu.memory_space<hbm>>
      tpu.wait_dma2 semaphore(%arg14 : memref<!tpu.dma_semaphore, #tpu.memory_space<semaphore_mem>>) src(%dma_wait3A_88 : memref<1x128xi32, #tpu.memory_space<hbm>>) dst(%dma_wait3A_85 : memref<1x128xi32, #tpu.memory_space<vmem>>)
      %run_scoped3A = arith.constant 0 : i32
      "tpu.region"() ({
        %run_scoped3A_116 = tpu.sem_alloc : memref<!tpu.dma_semaphore, #tpu.memory_space<semaphore_mem>>
        %dma_start3A_117 = arith.constant 0 : i32
        %dma_start3A_118 = tpu.memref_slice %arg8[%run_scoped3A, %dma_start3A_117] : memref<2x128xi32, #tpu.memory_space<vmem>> -> memref<1x128xi32, #tpu.memory_space<vmem>>
        %dma_start3A_119 = tpu.memref_squeeze %dma_start3A_118 : memref<1x128xi32, #tpu.memory_space<vmem>> -> memref<128xi32, #tpu.memory_space<vmem>>
        %dma_start3A_120 = arith.constant 0 : i32
        %dma_start3A_121 = arith.constant 0 : i32
        %dma_start3A_122 = tpu.memref_slice %arg11[%dma_start3A_120, %dma_start3A_121] : memref<10000x64xf32, #tpu.memory_space<vmem_shared>> -> memref<10000x64xf32, #tpu.memory_space<vmem_shared>>
        tpu.enqueue_indirect_dma source(%arg9 : memref<128x64xf32, #tpu.memory_space<vmem>>) target(%dma_start3A_122 : memref<10000x64xf32, #tpu.memory_space<vmem_shared>>) offsets(%dma_start3A_119 : memref<128xi32, #tpu.memory_space<vmem>>) semaphore(%run_scoped3A_116 : memref<!tpu.dma_semaphore, #tpu.memory_space<semaphore_mem>>) {add = true}
        %dma_wait3A_123 = arith.constant 0 : i32
        %dma_wait3A_124 = tpu.memref_slice %arg8[%run_scoped3A, %dma_wait3A_123] : memref<2x128xi32, #tpu.memory_space<vmem>> -> memref<1x128xi32, #tpu.memory_space<vmem>>
        %dma_wait3A_125 = tpu.memref_squeeze %dma_wait3A_124 : memref<1x128xi32, #tpu.memory_space<vmem>> -> memref<128xi32, #tpu.memory_space<vmem>>
        %dma_wait3A_126 = arith.constant 0 : i32
        %dma_wait3A_127 = arith.constant 0 : i32
        %dma_wait3A_128 = tpu.memref_slice %arg11[%dma_wait3A_126, %dma_wait3A_127] : memref<10000x64xf32, #tpu.memory_space<vmem_shared>> -> memref<10000x64xf32, #tpu.memory_space<vmem_shared>>
        tpu.wait_indirect_dma semaphore(%run_scoped3A_116 : memref<!tpu.dma_semaphore, #tpu.memory_space<semaphore_mem>>) src(%arg9 : memref<128x64xf32, #tpu.memory_space<vmem>>) dst(%dma_wait3A_128 : memref<10000x64xf32, #tpu.memory_space<vmem_shared>>)
        tpu.yield
      }) : () -> ()
      %add3A_89 = arith.constant 1 : i32
      %add3A_90 = arith.addi %add3A_51, %add3A_89 : i32
      %add3A_91 = arith.constant 1 : i32
      %add3A_92 = arith.addi %add3A_90, %add3A_91 : i32
      %lt3A_93 = arith.constant 76 : i32
      %lt3A_94 = arith.cmpi slt, %add3A_51, %lt3A_93 : i32
      %convert_element_type3A_95 = arith.extui %lt3A_94 : i1 to i32
      %cond3A_96 = arith.constant 0 : i32
      %cond3A_97 = arith.cmpi ne, %convert_element_type3A_95, %cond3A_96 : i32
      scf.if %cond3A_97 {
        %mul3A_116 = arith.constant 128 : i32
        %mul3A_117 = arith.muli %add3A_92, %mul3A_116 : i32
        %dma_start3A_118 = tpu.memref_slice %arg7[%mul3A_117] : memref<9984xi32, #tpu.memory_space<vmem>> -> memref<128xi32, #tpu.memory_space<vmem>>
        %dma_start3A_119 = arith.constant 0 : i32
        %dma_start3A_120 = arith.constant 0 : i32
        %dma_start3A_121 = tpu.memref_slice %arg2[%dma_start3A_119, %dma_start3A_120] : memref<10000x64xf32, #tpu.memory_space<hbm>> -> memref<10000x64xf32, #tpu.memory_space<hbm>>
        tpu.enqueue_indirect_dma source(%dma_start3A_121 : memref<10000x64xf32, #tpu.memory_space<hbm>>) target(%arg9 : memref<128x64xf32, #tpu.memory_space<vmem>>) offsets(%dma_start3A_118 : memref<128xi32, #tpu.memory_space<vmem>>) semaphore(%arg12 : memref<!tpu.dma_semaphore, #tpu.memory_space<semaphore_mem>>)
        %add3A_122 = arith.addi %mul3A_2, %add3A_92 : i32
        %dma_start3A_123 = arith.constant 0 : i32
        %dma_start3A_124 = arith.constant 0 : i32
        %dma_start3A_125 = tpu.memref_slice %arg8[%dma_start3A_123, %dma_start3A_124] : memref<2x128xi32, #tpu.memory_space<vmem>> -> memref<1x128xi32, #tpu.memory_space<vmem>>
        %dma_start3A_126 = arith.constant 0 : i32
        %dma_start3A_127 = tpu.memref_slice %arg4[%add3A_122, %dma_start3A_126] : memref<2500x128xi32, #tpu.memory_space<hbm>> -> memref<1x128xi32, #tpu.memory_space<hbm>>
        %dma_start3A_128 = arith.constant 0 : i32
        %dma_start3A_129 = arith.constant 0 : i32
        %dma_start3A_130 = tpu.memref_slice %arg8[%dma_start3A_128, %dma_start3A_129] : memref<2x128xi32, #tpu.memory_space<vmem>> -> memref<1x128xi32, #tpu.memory_space<vmem>>
        %dma_start3A_131 = arith.constant 0 : i32
        %dma_start3A_132 = tpu.memref_slice %arg4[%add3A_122, %dma_start3A_131] : memref<2500x128xi32, #tpu.memory_space<hbm>> -> memref<1x128xi32, #tpu.memory_space<hbm>>
        tpu.enqueue_dma source(%dma_start3A_132 : memref<1x128xi32, #tpu.memory_space<hbm>>) target(%dma_start3A_130 : memref<1x128xi32, #tpu.memory_space<vmem>>) target_semaphore(%arg14 : memref<!tpu.dma_semaphore, #tpu.memory_space<semaphore_mem>>)
      } else {
      }
      %dma_wait3A_98 = arith.constant 0 : i32
      %dma_wait3A_99 = tpu.memref_slice %arg7[%dma_wait3A_98] : memref<9984xi32, #tpu.memory_space<vmem>> -> memref<128xi32, #tpu.memory_space<vmem>>
      %dma_wait3A_100 = arith.constant 0 : i32
      %dma_wait3A_101 = arith.constant 0 : i32
      %dma_wait3A_102 = tpu.memref_slice %arg2[%dma_wait3A_100, %dma_wait3A_101] : memref<10000x64xf32, #tpu.memory_space<hbm>> -> memref<10000x64xf32, #tpu.memory_space<hbm>>
      tpu.wait_indirect_dma semaphore(%arg13 : memref<!tpu.dma_semaphore, #tpu.memory_space<semaphore_mem>>) src(%dma_wait3A_102 : memref<10000x64xf32, #tpu.memory_space<hbm>>) dst(%arg10 : memref<128x64xf32, #tpu.memory_space<vmem>>)
      %dma_wait3A_103 = arith.constant 1 : i32
      %dma_wait3A_104 = arith.constant 0 : i32
      %dma_wait3A_105 = tpu.memref_slice %arg8[%dma_wait3A_103, %dma_wait3A_104] : memref<2x128xi32, #tpu.memory_space<vmem>> -> memref<1x128xi32, #tpu.memory_space<vmem>>
      %dma_wait3A_106 = arith.constant 0 : i32
      %dma_wait3A_107 = arith.constant 0 : i32
      %dma_wait3A_108 = tpu.memref_slice %arg4[%dma_wait3A_106, %dma_wait3A_107] : memref<2500x128xi32, #tpu.memory_space<hbm>> -> memref<1x128xi32, #tpu.memory_space<hbm>>
      %dma_wait3A_109 = arith.constant 1 : i32
      %dma_wait3A_110 = arith.constant 0 : i32
      %dma_wait3A_111 = tpu.memref_slice %arg8[%dma_wait3A_109, %dma_wait3A_110] : memref<2x128xi32, #tpu.memory_space<vmem>> -> memref<1x128xi32, #tpu.memory_space<vmem>>
      %dma_wait3A_112 = arith.constant 0 : i32
      %dma_wait3A_113 = arith.constant 0 : i32
      %dma_wait3A_114 = tpu.memref_slice %arg4[%dma_wait3A_112, %dma_wait3A_113] : memref<2500x128xi32, #tpu.memory_space<hbm>> -> memref<1x128xi32, #tpu.memory_space<hbm>>
      tpu.wait_dma2 semaphore(%arg15 : memref<!tpu.dma_semaphore, #tpu.memory_space<semaphore_mem>>) src(%dma_wait3A_114 : memref<1x128xi32, #tpu.memory_space<hbm>>) dst(%dma_wait3A_111 : memref<1x128xi32, #tpu.memory_space<vmem>>)
      %run_scoped3A_115 = arith.constant 1 : i32
      "tpu.region"() ({
        %run_scoped3A_116 = tpu.sem_alloc : memref<!tpu.dma_semaphore, #tpu.memory_space<semaphore_mem>>
        %dma_start3A_117 = arith.constant 0 : i32
        %dma_start3A_118 = tpu.memref_slice %arg8[%run_scoped3A_115, %dma_start3A_117] : memref<2x128xi32, #tpu.memory_space<vmem>> -> memref<1x128xi32, #tpu.memory_space<vmem>>
        %dma_start3A_119 = tpu.memref_squeeze %dma_start3A_118 : memref<1x128xi32, #tpu.memory_space<vmem>> -> memref<128xi32, #tpu.memory_space<vmem>>
        %dma_start3A_120 = arith.constant 0 : i32
        %dma_start3A_121 = arith.constant 0 : i32
        %dma_start3A_122 = tpu.memref_slice %arg11[%dma_start3A_120, %dma_start3A_121] : memref<10000x64xf32, #tpu.memory_space<vmem_shared>> -> memref<10000x64xf32, #tpu.memory_space<vmem_shared>>
        tpu.enqueue_indirect_dma source(%arg10 : memref<128x64xf32, #tpu.memory_space<vmem>>) target(%dma_start3A_122 : memref<10000x64xf32, #tpu.memory_space<vmem_shared>>) offsets(%dma_start3A_119 : memref<128xi32, #tpu.memory_space<vmem>>) semaphore(%run_scoped3A_116 : memref<!tpu.dma_semaphore, #tpu.memory_space<semaphore_mem>>) {add = true}
        %dma_wait3A_123 = arith.constant 0 : i32
        %dma_wait3A_124 = tpu.memref_slice %arg8[%run_scoped3A_115, %dma_wait3A_123] : memref<2x128xi32, #tpu.memory_space<vmem>> -> memref<1x128xi32, #tpu.memory_space<vmem>>
        %dma_wait3A_125 = tpu.memref_squeeze %dma_wait3A_124 : memref<1x128xi32, #tpu.memory_space<vmem>> -> memref<128xi32, #tpu.memory_space<vmem>>
        %dma_wait3A_126 = arith.constant 0 : i32
        %dma_wait3A_127 = arith.constant 0 : i32
        %dma_wait3A_128 = tpu.memref_slice %arg11[%dma_wait3A_126, %dma_wait3A_127] : memref<10000x64xf32, #tpu.memory_space<vmem_shared>> -> memref<10000x64xf32, #tpu.memory_space<vmem_shared>>
        tpu.wait_indirect_dma semaphore(%run_scoped3A_116 : memref<!tpu.dma_semaphore, #tpu.memory_space<semaphore_mem>>) src(%arg10 : memref<128x64xf32, #tpu.memory_space<vmem>>) dst(%dma_wait3A_128 : memref<10000x64xf32, #tpu.memory_space<vmem_shared>>)
        tpu.yield
      }) : () -> ()
    }
    %scan3A_31 = arith.constant 39 : i32
    %lt3A = arith.constant 4 : i32
    %lt3A_32 = arith.cmpi slt, %add3A, %lt3A : i32
    %convert_element_type3A_33 = arith.extui %lt3A_32 : i1 to i32
    %cond3A_34 = arith.constant 0 : i32
    %cond3A_35 = arith.cmpi ne, %convert_element_type3A_33, %cond3A_34 : i32
    scf.if %cond3A_35 {
      %add3A_47 = arith.constant 2496 : i32
      %add3A_48 = arith.addi %add3A_47, %add3A : i32
      %mul3A_49 = arith.constant 128 : i32
      %mul3A_50 = arith.muli %add3A_48, %mul3A_49 : i32
      "tpu.region"() ({
        %run_scoped3A_60 = tpu.sem_alloc : memref<!tpu.dma_semaphore, #tpu.memory_space<semaphore_mem>>
        %dma_start3A_61 = arith.constant 0 : i32
        %dma_start3A_62 = tpu.memref_slice %arg7[%dma_start3A_61] : memref<9984xi32, #tpu.memory_space<vmem>> -> memref<128xi32, #tpu.memory_space<vmem>>
        %dma_start3A_63 = tpu.memref_slice %arg3[%mul3A_50] : memref<320000xi32, #tpu.memory_space<hbm>> -> memref<128xi32, #tpu.memory_space<hbm>>
        %dma_start3A_64 = arith.constant 0 : i32
        %dma_start3A_65 = tpu.memref_slice %arg7[%dma_start3A_64] : memref<9984xi32, #tpu.memory_space<vmem>> -> memref<128xi32, #tpu.memory_space<vmem>>
        %dma_start3A_66 = tpu.memref_slice %arg3[%mul3A_50] : memref<320000xi32, #tpu.memory_space<hbm>> -> memref<128xi32, #tpu.memory_space<hbm>>
        tpu.enqueue_dma source(%dma_start3A_66 : memref<128xi32, #tpu.memory_space<hbm>>) target(%dma_start3A_65 : memref<128xi32, #tpu.memory_space<vmem>>) target_semaphore(%run_scoped3A_60 : memref<!tpu.dma_semaphore, #tpu.memory_space<semaphore_mem>>)
        %dma_wait3A_67 = arith.constant 0 : i32
        %dma_wait3A_68 = tpu.memref_slice %arg7[%dma_wait3A_67] : memref<9984xi32, #tpu.memory_space<vmem>> -> memref<128xi32, #tpu.memory_space<vmem>>
        %dma_wait3A_69 = tpu.memref_slice %arg3[%mul3A_50] : memref<320000xi32, #tpu.memory_space<hbm>> -> memref<128xi32, #tpu.memory_space<hbm>>
        %dma_wait3A_70 = arith.constant 0 : i32
        %dma_wait3A_71 = tpu.memref_slice %arg7[%dma_wait3A_70] : memref<9984xi32, #tpu.memory_space<vmem>> -> memref<128xi32, #tpu.memory_space<vmem>>
        %dma_wait3A_72 = tpu.memref_slice %arg3[%mul3A_50] : memref<320000xi32, #tpu.memory_space<hbm>> -> memref<128xi32, #tpu.memory_space<hbm>>
        tpu.wait_dma2 semaphore(%run_scoped3A_60 : memref<!tpu.dma_semaphore, #tpu.memory_space<semaphore_mem>>) src(%dma_wait3A_72 : memref<128xi32, #tpu.memory_space<hbm>>) dst(%dma_wait3A_71 : memref<128xi32, #tpu.memory_space<vmem>>)
        tpu.yield
      }) : () -> ()
      "tpu.region"() ({
        %run_scoped3A_60 = tpu.sem_alloc : memref<!tpu.dma_semaphore, #tpu.memory_space<semaphore_mem>>
        %dma_start3A_61 = arith.constant 0 : i32
        %dma_start3A_62 = arith.constant 0 : i32
        %dma_start3A_63 = tpu.memref_slice %arg8[%dma_start3A_61, %dma_start3A_62] : memref<2x128xi32, #tpu.memory_space<vmem>> -> memref<1x128xi32, #tpu.memory_space<vmem>>
        %dma_start3A_64 = arith.constant 0 : i32
        %dma_start3A_65 = tpu.memref_slice %arg4[%add3A_48, %dma_start3A_64] : memref<2500x128xi32, #tpu.memory_space<hbm>> -> memref<1x128xi32, #tpu.memory_space<hbm>>
        %dma_start3A_66 = arith.constant 0 : i32
        %dma_start3A_67 = arith.constant 0 : i32
        %dma_start3A_68 = tpu.memref_slice %arg8[%dma_start3A_66, %dma_start3A_67] : memref<2x128xi32, #tpu.memory_space<vmem>> -> memref<1x128xi32, #tpu.memory_space<vmem>>
        %dma_start3A_69 = arith.constant 0 : i32
        %dma_start3A_70 = tpu.memref_slice %arg4[%add3A_48, %dma_start3A_69] : memref<2500x128xi32, #tpu.memory_space<hbm>> -> memref<1x128xi32, #tpu.memory_space<hbm>>
        tpu.enqueue_dma source(%dma_start3A_70 : memref<1x128xi32, #tpu.memory_space<hbm>>) target(%dma_start3A_68 : memref<1x128xi32, #tpu.memory_space<vmem>>) target_semaphore(%run_scoped3A_60 : memref<!tpu.dma_semaphore, #tpu.memory_space<semaphore_mem>>)
        %dma_wait3A_71 = arith.constant 0 : i32
        %dma_wait3A_72 = arith.constant 0 : i32
        %dma_wait3A_73 = tpu.memref_slice %arg8[%dma_wait3A_71, %dma_wait3A_72] : memref<2x128xi32, #tpu.memory_space<vmem>> -> memref<1x128xi32, #tpu.memory_space<vmem>>
        %dma_wait3A_74 = arith.constant 0 : i32
        %dma_wait3A_75 = tpu.memref_slice %arg4[%add3A_48, %dma_wait3A_74] : memref<2500x128xi32, #tpu.memory_space<hbm>> -> memref<1x128xi32, #tpu.memory_space<hbm>>
        %dma_wait3A_76 = arith.constant 0 : i32
        %dma_wait3A_77 = arith.constant 0 : i32
        %dma_wait3A_78 = tpu.memref_slice %arg8[%dma_wait3A_76, %dma_wait3A_77] : memref<2x128xi32, #tpu.memory_space<vmem>> -> memref<1x128xi32, #tpu.memory_space<vmem>>
        %dma_wait3A_79 = arith.constant 0 : i32
        %dma_wait3A_80 = tpu.memref_slice %arg4[%add3A_48, %dma_wait3A_79] : memref<2500x128xi32, #tpu.memory_space<hbm>> -> memref<1x128xi32, #tpu.memory_space<hbm>>
        tpu.wait_dma2 semaphore(%run_scoped3A_60 : memref<!tpu.dma_semaphore, #tpu.memory_space<semaphore_mem>>) src(%dma_wait3A_80 : memref<1x128xi32, #tpu.memory_space<hbm>>) dst(%dma_wait3A_78 : memref<1x128xi32, #tpu.memory_space<vmem>>)
        tpu.yield
      }) : () -> ()
      %dma_start3A_51 = arith.constant 0 : i32
      %dma_start3A_52 = tpu.memref_slice %arg7[%dma_start3A_51] : memref<9984xi32, #tpu.memory_space<vmem>> -> memref<128xi32, #tpu.memory_space<vmem>>
      %dma_start3A_53 = arith.constant 0 : i32
      %dma_start3A_54 = arith.constant 0 : i32
      %dma_start3A_55 = tpu.memref_slice %arg2[%dma_start3A_53, %dma_start3A_54] : memref<10000x64xf32, #tpu.memory_space<hbm>> -> memref<10000x64xf32, #tpu.memory_space<hbm>>
      tpu.enqueue_indirect_dma source(%dma_start3A_55 : memref<10000x64xf32, #tpu.memory_space<hbm>>) target(%arg9 : memref<128x64xf32, #tpu.memory_space<vmem>>) offsets(%dma_start3A_52 : memref<128xi32, #tpu.memory_space<vmem>>) semaphore(%arg12 : memref<!tpu.dma_semaphore, #tpu.memory_space<semaphore_mem>>)
      %dma_wait3A = arith.constant 0 : i32
      %dma_wait3A_56 = tpu.memref_slice %arg7[%dma_wait3A] : memref<9984xi32, #tpu.memory_space<vmem>> -> memref<128xi32, #tpu.memory_space<vmem>>
      %dma_wait3A_57 = arith.constant 0 : i32
      %dma_wait3A_58 = arith.constant 0 : i32
      %dma_wait3A_59 = tpu.memref_slice %arg2[%dma_wait3A_57, %dma_wait3A_58] : memref<10000x64xf32, #tpu.memory_space<hbm>> -> memref<10000x64xf32, #tpu.memory_space<hbm>>
      tpu.wait_indirect_dma semaphore(%arg12 : memref<!tpu.dma_semaphore, #tpu.memory_space<semaphore_mem>>) src(%dma_wait3A_59 : memref<10000x64xf32, #tpu.memory_space<hbm>>) dst(%arg9 : memref<128x64xf32, #tpu.memory_space<vmem>>)
      %run_scoped3A = arith.constant 0 : i32
      "tpu.region"() ({
        %run_scoped3A_60 = tpu.sem_alloc : memref<!tpu.dma_semaphore, #tpu.memory_space<semaphore_mem>>
        %dma_start3A_61 = arith.constant 0 : i32
        %dma_start3A_62 = tpu.memref_slice %arg8[%run_scoped3A, %dma_start3A_61] : memref<2x128xi32, #tpu.memory_space<vmem>> -> memref<1x128xi32, #tpu.memory_space<vmem>>
        %dma_start3A_63 = tpu.memref_squeeze %dma_start3A_62 : memref<1x128xi32, #tpu.memory_space<vmem>> -> memref<128xi32, #tpu.memory_space<vmem>>
        %dma_start3A_64 = arith.constant 0 : i32
        %dma_start3A_65 = arith.constant 0 : i32
        %dma_start3A_66 = tpu.memref_slice %arg11[%dma_start3A_64, %dma_start3A_65] : memref<10000x64xf32, #tpu.memory_space<vmem_shared>> -> memref<10000x64xf32, #tpu.memory_space<vmem_shared>>
        tpu.enqueue_indirect_dma source(%arg9 : memref<128x64xf32, #tpu.memory_space<vmem>>) target(%dma_start3A_66 : memref<10000x64xf32, #tpu.memory_space<vmem_shared>>) offsets(%dma_start3A_63 : memref<128xi32, #tpu.memory_space<vmem>>) semaphore(%run_scoped3A_60 : memref<!tpu.dma_semaphore, #tpu.memory_space<semaphore_mem>>) {add = true}
        %dma_wait3A_67 = arith.constant 0 : i32
        %dma_wait3A_68 = tpu.memref_slice %arg8[%run_scoped3A, %dma_wait3A_67] : memref<2x128xi32, #tpu.memory_space<vmem>> -> memref<1x128xi32, #tpu.memory_space<vmem>>
        %dma_wait3A_69 = tpu.memref_squeeze %dma_wait3A_68 : memref<1x128xi32, #tpu.memory_space<vmem>> -> memref<128xi32, #tpu.memory_space<vmem>>
        %dma_wait3A_70 = arith.constant 0 : i32
        %dma_wait3A_71 = arith.constant 0 : i32
        %dma_wait3A_72 = tpu.memref_slice %arg11[%dma_wait3A_70, %dma_wait3A_71] : memref<10000x64xf32, #tpu.memory_space<vmem_shared>> -> memref<10000x64xf32, #tpu.memory_space<vmem_shared>>
        tpu.wait_indirect_dma semaphore(%run_scoped3A_60 : memref<!tpu.dma_semaphore, #tpu.memory_space<semaphore_mem>>) src(%arg9 : memref<128x64xf32, #tpu.memory_space<vmem>>) dst(%dma_wait3A_72 : memref<10000x64xf32, #tpu.memory_space<vmem_shared>>)
        tpu.yield
      }) : () -> ()
    } else {
    }
    %barrier3A_36 = arith.constant 0 : index
    tpu.barrier barrier_id(%barrier3A_36)
    %eq3A_37 = arith.constant 0 : i32
    %eq3A_38 = arith.cmpi eq, %arg0, %eq3A_37 : i32
    %convert_element_type3A_39 = arith.extui %eq3A_38 : i1 to i32
    %cond3A_40 = arith.constant 0 : i32
    %cond3A_41 = arith.cmpi ne, %convert_element_type3A_39, %cond3A_40 : i32
    scf.if %cond3A_41 {
      "tpu.region"() ({
        %run_scoped3A = tpu.sem_alloc : memref<!tpu.dma_semaphore, #tpu.memory_space<semaphore_mem>>
        %dma_start3A_52 = arith.constant 0 : i32
        %dma_start3A_53 = tpu.memref_slice %arg5[%mul3A_4, %dma_start3A_52] : memref<10000x64xf32, #tpu.memory_space<hbm>> -> memref<624x64xf32, #tpu.memory_space<hbm>>
        %dma_start3A_54 = arith.constant 0 : i32
        %dma_start3A_55 = tpu.memref_slice %arg11[%mul3A_4, %dma_start3A_54] : memref<10000x64xf32, #tpu.memory_space<vmem_shared>> -> memref<624x64xf32, #tpu.memory_space<vmem_shared>>
        tpu.enqueue_dma source(%dma_start3A_55 : memref<624x64xf32, #tpu.memory_space<vmem_shared>>) target(%dma_start3A_53 : memref<624x64xf32, #tpu.memory_space<hbm>>) target_semaphore(%run_scoped3A : memref<!tpu.dma_semaphore, #tpu.memory_space<semaphore_mem>>)
        %dma_wait3A = arith.constant 0 : i32
        %dma_wait3A_56 = tpu.memref_slice %arg5[%mul3A_4, %dma_wait3A] : memref<10000x64xf32, #tpu.memory_space<hbm>> -> memref<624x64xf32, #tpu.memory_space<hbm>>
        %dma_wait3A_57 = arith.constant 0 : i32
        %dma_wait3A_58 = tpu.memref_slice %arg11[%mul3A_4, %dma_wait3A_57] : memref<10000x64xf32, #tpu.memory_space<vmem_shared>> -> memref<624x64xf32, #tpu.memory_space<vmem_shared>>
        tpu.wait_dma2 semaphore(%run_scoped3A : memref<!tpu.dma_semaphore, #tpu.memory_space<semaphore_mem>>) src(%dma_wait3A_58 : memref<624x64xf32, #tpu.memory_space<vmem_shared>>) dst(%dma_wait3A_56 : memref<624x64xf32, #tpu.memory_space<hbm>>)
        tpu.yield
      }) : () -> ()
      %eq3A_47 = arith.constant 15 : i32
      %eq3A_48 = arith.cmpi eq, %arg1, %eq3A_47 : i32
      %convert_element_type3A_49 = arith.extui %eq3A_48 : i1 to i32
      %cond3A_50 = arith.constant 0 : i32
      %cond3A_51 = arith.cmpi ne, %convert_element_type3A_49, %cond3A_50 : i32
      scf.if %cond3A_51 {
        "tpu.region"() ({
          %run_scoped3A = tpu.sem_alloc : memref<!tpu.dma_semaphore, #tpu.memory_space<semaphore_mem>>
          %dma_start3A_52 = arith.constant 9984 : i32
          %dma_start3A_53 = arith.constant 0 : i32
          %dma_start3A_54 = tpu.memref_slice %arg5[%dma_start3A_52, %dma_start3A_53] : memref<10000x64xf32, #tpu.memory_space<hbm>> -> memref<16x64xf32, #tpu.memory_space<hbm>>
          %dma_start3A_55 = arith.constant 9984 : i32
          %dma_start3A_56 = arith.constant 0 : i32
          %dma_start3A_57 = tpu.memref_slice %arg11[%dma_start3A_55, %dma_start3A_56] : memref<10000x64xf32, #tpu.memory_space<vmem_shared>> -> memref<16x64xf32, #tpu.memory_space<vmem_shared>>
          tpu.enqueue_dma source(%dma_start3A_57 : memref<16x64xf32, #tpu.memory_space<vmem_shared>>) target(%dma_start3A_54 : memref<16x64xf32, #tpu.memory_space<hbm>>) target_semaphore(%run_scoped3A : memref<!tpu.dma_semaphore, #tpu.memory_space<semaphore_mem>>)
          %dma_wait3A = arith.constant 9984 : i32
          %dma_wait3A_58 = arith.constant 0 : i32
          %dma_wait3A_59 = tpu.memref_slice %arg5[%dma_wait3A, %dma_wait3A_58] : memref<10000x64xf32, #tpu.memory_space<hbm>> -> memref<16x64xf32, #tpu.memory_space<hbm>>
          %dma_wait3A_60 = arith.constant 9984 : i32
          %dma_wait3A_61 = arith.constant 0 : i32
          %dma_wait3A_62 = tpu.memref_slice %arg11[%dma_wait3A_60, %dma_wait3A_61] : memref<10000x64xf32, #tpu.memory_space<vmem_shared>> -> memref<16x64xf32, #tpu.memory_space<vmem_shared>>
          tpu.wait_dma2 semaphore(%run_scoped3A : memref<!tpu.dma_semaphore, #tpu.memory_space<semaphore_mem>>) src(%dma_wait3A_62 : memref<16x64xf32, #tpu.memory_space<vmem_shared>>) dst(%dma_wait3A_59 : memref<16x64xf32, #tpu.memory_space<hbm>>)
          tpu.yield
        }) : () -> ()
      } else {
      }
    } else {
    }
    %eq3A_42 = arith.constant 1 : i32
    %eq3A_43 = arith.cmpi eq, %arg0, %eq3A_42 : i32
    %convert_element_type3A_44 = arith.extui %eq3A_43 : i1 to i32
    %cond3A_45 = arith.constant 0 : i32
    %cond3A_46 = arith.cmpi ne, %convert_element_type3A_44, %cond3A_45 : i32
    scf.if %cond3A_46 {
      "tpu.region"() ({
        %run_scoped3A = tpu.sem_alloc : memref<!tpu.dma_semaphore, #tpu.memory_space<semaphore_mem>>
        %dma_start3A_52 = arith.constant 0 : i32
        %dma_start3A_53 = tpu.memref_slice %arg6[%mul3A_4, %dma_start3A_52] : memref<10000x64xf32, #tpu.memory_space<hbm>> -> memref<624x64xf32, #tpu.memory_space<hbm>>
        %dma_start3A_54 = arith.constant 0 : i32
        %dma_start3A_55 = tpu.memref_slice %arg11[%mul3A_4, %dma_start3A_54] : memref<10000x64xf32, #tpu.memory_space<vmem_shared>> -> memref<624x64xf32, #tpu.memory_space<vmem_shared>>
        tpu.enqueue_dma source(%dma_start3A_55 : memref<624x64xf32, #tpu.memory_space<vmem_shared>>) target(%dma_start3A_53 : memref<624x64xf32, #tpu.memory_space<hbm>>) target_semaphore(%run_scoped3A : memref<!tpu.dma_semaphore, #tpu.memory_space<semaphore_mem>>)
        %dma_wait3A = arith.constant 0 : i32
        %dma_wait3A_56 = tpu.memref_slice %arg6[%mul3A_4, %dma_wait3A] : memref<10000x64xf32, #tpu.memory_space<hbm>> -> memref<624x64xf32, #tpu.memory_space<hbm>>
        %dma_wait3A_57 = arith.constant 0 : i32
        %dma_wait3A_58 = tpu.memref_slice %arg11[%mul3A_4, %dma_wait3A_57] : memref<10000x64xf32, #tpu.memory_space<vmem_shared>> -> memref<624x64xf32, #tpu.memory_space<vmem_shared>>
        tpu.wait_dma2 semaphore(%run_scoped3A : memref<!tpu.dma_semaphore, #tpu.memory_space<semaphore_mem>>) src(%dma_wait3A_58 : memref<624x64xf32, #tpu.memory_space<vmem_shared>>) dst(%dma_wait3A_56 : memref<624x64xf32, #tpu.memory_space<hbm>>)
        tpu.yield
      }) : () -> ()
      %eq3A_47 = arith.constant 15 : i32
      %eq3A_48 = arith.cmpi eq, %arg1, %eq3A_47 : i32
      %convert_element_type3A_49 = arith.extui %eq3A_48 : i1 to i32
      %cond3A_50 = arith.constant 0 : i32
      %cond3A_51 = arith.cmpi ne, %convert_element_type3A_49, %cond3A_50 : i32
      scf.if %cond3A_51 {
        "tpu.region"() ({
          %run_scoped3A = tpu.sem_alloc : memref<!tpu.dma_semaphore, #tpu.memory_space<semaphore_mem>>
          %dma_start3A_52 = arith.constant 9984 : i32
          %dma_start3A_53 = arith.constant 0 : i32
          %dma_start3A_54 = tpu.memref_slice %arg6[%dma_start3A_52, %dma_start3A_53] : memref<10000x64xf32, #tpu.memory_space<hbm>> -> memref<16x64xf32, #tpu.memory_space<hbm>>
          %dma_start3A_55 = arith.constant 9984 : i32
          %dma_start3A_56 = arith.constant 0 : i32
          %dma_start3A_57 = tpu.memref_slice %arg11[%dma_start3A_55, %dma_start3A_56] : memref<10000x64xf32, #tpu.memory_space<vmem_shared>> -> memref<16x64xf32, #tpu.memory_space<vmem_shared>>
          tpu.enqueue_dma source(%dma_start3A_57 : memref<16x64xf32, #tpu.memory_space<vmem_shared>>) target(%dma_start3A_54 : memref<16x64xf32, #tpu.memory_space<hbm>>) target_semaphore(%run_scoped3A : memref<!tpu.dma_semaphore, #tpu.memory_space<semaphore_mem>>)
          %dma_wait3A = arith.constant 9984 : i32
          %dma_wait3A_58 = arith.constant 0 : i32
          %dma_wait3A_59 = tpu.memref_slice %arg6[%dma_wait3A, %dma_wait3A_58] : memref<10000x64xf32, #tpu.memory_space<hbm>> -> memref<16x64xf32, #tpu.memory_space<hbm>>
          %dma_wait3A_60 = arith.constant 9984 : i32
          %dma_wait3A_61 = arith.constant 0 : i32
          %dma_wait3A_62 = tpu.memref_slice %arg11[%dma_wait3A_60, %dma_wait3A_61] : memref<10000x64xf32, #tpu.memory_space<vmem_shared>> -> memref<16x64xf32, #tpu.memory_space<vmem_shared>>
          tpu.wait_dma2 semaphore(%run_scoped3A : memref<!tpu.dma_semaphore, #tpu.memory_space<semaphore_mem>>) src(%dma_wait3A_62 : memref<16x64xf32, #tpu.memory_space<vmem_shared>>) dst(%dma_wait3A_59 : memref<16x64xf32, #tpu.memory_space<hbm>>)
          tpu.yield
        }) : () -> ()
      } else {
      }
    } else {
    }
    return
  }
}

#map = affine_map<(d0, d1) -> (0, 0)>
#map1 = affine_map<(d0, d1) -> (0)>
module attributes {stable_mosaic.version = 14 : i64} {
  func.func @seg_sum(%arg0: i32, %arg1: i32, %arg2: memref<10000x128xf32, #tpu.memory_space<hbm>>, %arg3: memref<320000xi32, #tpu.memory_space<hbm>>, %arg4: memref<2500x128xi32, #tpu.memory_space<hbm>>, %arg5: memref<10000x128xf32, #tpu.memory_space<hbm>>, %arg6: memref<10000x128xf32, #tpu.memory_space<hbm>>, %arg7: memref<9984xi32, #tpu.memory_space<vmem>>, %arg8: memref<2x128xi32, #tpu.memory_space<vmem>>, %arg9: memref<128x128xf32, #tpu.memory_space<vmem>>, %arg10: memref<128x128xf32, #tpu.memory_space<vmem>>, %arg11: memref<10000x128xf32, #tpu.memory_space<vmem_shared>>, %arg12: memref<!tpu.dma_semaphore, #tpu.memory_space<semaphore_mem>>, %arg13: memref<!tpu.dma_semaphore, #tpu.memory_space<semaphore_mem>>, %arg14: memref<!tpu.dma_semaphore, #tpu.memory_space<semaphore_mem>>, %arg15: memref<!tpu.dma_semaphore, #tpu.memory_space<semaphore_mem>>) attributes {dimension_semantics = [#tpu.dimension_semantics<core_parallel>, #tpu.dimension_semantics<subcore_parallel>], iteration_bounds = array<i64: 2, 16>, scalar_prefetch = 0 : i64, scratch_operands = 9 : i64, tpu.core_type = #tpu.core_type<sc_vector_subcore>, window_params = [{transform_indices = #map}, {transform_indices = #map1}, {transform_indices = #map}, {transform_indices = #map}, {transform_indices = #map}]} {
    %mul3A = arith.constant 2 : i32
    %mul3A_0 = arith.muli %arg1, %mul3A : i32
    %add3A = arith.addi %mul3A_0, %arg0 : i32
    %mul3A_1 = arith.constant 78 : i32
    %mul3A_2 = arith.muli %add3A, %mul3A_1 : i32
    %mul3A_3 = arith.constant 624 : i32
    %mul3A_4 = arith.muli %arg1, %mul3A_3 : i32
    %eq3A = arith.constant 0 : i32
    %eq3A_5 = arith.cmpi eq, %arg0, %eq3A : i32
    %convert_element_type3A = arith.extui %eq3A_5 : i1 to i32
    %cond3A = arith.constant 0 : i32
    %cond3A_6 = arith.cmpi ne, %convert_element_type3A, %cond3A : i32
    scf.if %cond3A_6 {
      "tpu.region"() ({
        %run_scoped3A = tpu.sem_alloc : memref<!tpu.dma_semaphore, #tpu.memory_space<semaphore_mem>>
        %dma_start3A_52 = arith.constant 0 : i32
        %dma_start3A_53 = tpu.memref_slice %arg11[%mul3A_4, %dma_start3A_52] : memref<10000x128xf32, #tpu.memory_space<vmem_shared>> -> memref<624x128xf32, #tpu.memory_space<vmem_shared>>
        %dma_start3A_54 = arith.constant 0 : i32
        %dma_start3A_55 = tpu.memref_slice %arg2[%mul3A_4, %dma_start3A_54] : memref<10000x128xf32, #tpu.memory_space<hbm>> -> memref<624x128xf32, #tpu.memory_space<hbm>>
        tpu.enqueue_dma source(%dma_start3A_55 : memref<624x128xf32, #tpu.memory_space<hbm>>) target(%dma_start3A_53 : memref<624x128xf32, #tpu.memory_space<vmem_shared>>) target_semaphore(%run_scoped3A : memref<!tpu.dma_semaphore, #tpu.memory_space<semaphore_mem>>)
        %dma_wait3A = arith.constant 0 : i32
        %dma_wait3A_56 = tpu.memref_slice %arg11[%mul3A_4, %dma_wait3A] : memref<10000x128xf32, #tpu.memory_space<vmem_shared>> -> memref<624x128xf32, #tpu.memory_space<vmem_shared>>
        %dma_wait3A_57 = arith.constant 0 : i32
        %dma_wait3A_58 = tpu.memref_slice %arg2[%mul3A_4, %dma_wait3A_57] : memref<10000x128xf32, #tpu.memory_space<hbm>> -> memref<624x128xf32, #tpu.memory_space<hbm>>
        tpu.wait_dma2 semaphore(%run_scoped3A : memref<!tpu.dma_semaphore, #tpu.memory_space<semaphore_mem>>) src(%dma_wait3A_58 : memref<624x128xf32, #tpu.memory_space<hbm>>) dst(%dma_wait3A_56 : memref<624x128xf32, #tpu.memory_space<vmem_shared>>)
        tpu.yield
      }) : () -> ()
      %eq3A_47 = arith.constant 15 : i32
      %eq3A_48 = arith.cmpi eq, %arg1, %eq3A_47 : i32
      %convert_element_type3A_49 = arith.extui %eq3A_48 : i1 to i32
      %cond3A_50 = arith.constant 0 : i32
      %cond3A_51 = arith.cmpi ne, %convert_element_type3A_49, %cond3A_50 : i32
      scf.if %cond3A_51 {
        "tpu.region"() ({
          %run_scoped3A = tpu.sem_alloc : memref<!tpu.dma_semaphore, #tpu.memory_space<semaphore_mem>>
          %dma_start3A_52 = arith.constant 9984 : i32
          %dma_start3A_53 = arith.constant 0 : i32
          %dma_start3A_54 = tpu.memref_slice %arg11[%dma_start3A_52, %dma_start3A_53] : memref<10000x128xf32, #tpu.memory_space<vmem_shared>> -> memref<16x128xf32, #tpu.memory_space<vmem_shared>>
          %dma_start3A_55 = arith.constant 9984 : i32
          %dma_start3A_56 = arith.constant 0 : i32
          %dma_start3A_57 = tpu.memref_slice %arg2[%dma_start3A_55, %dma_start3A_56] : memref<10000x128xf32, #tpu.memory_space<hbm>> -> memref<16x128xf32, #tpu.memory_space<hbm>>
          tpu.enqueue_dma source(%dma_start3A_57 : memref<16x128xf32, #tpu.memory_space<hbm>>) target(%dma_start3A_54 : memref<16x128xf32, #tpu.memory_space<vmem_shared>>) target_semaphore(%run_scoped3A : memref<!tpu.dma_semaphore, #tpu.memory_space<semaphore_mem>>)
          %dma_wait3A = arith.constant 9984 : i32
          %dma_wait3A_58 = arith.constant 0 : i32
          %dma_wait3A_59 = tpu.memref_slice %arg11[%dma_wait3A, %dma_wait3A_58] : memref<10000x128xf32, #tpu.memory_space<vmem_shared>> -> memref<16x128xf32, #tpu.memory_space<vmem_shared>>
          %dma_wait3A_60 = arith.constant 9984 : i32
          %dma_wait3A_61 = arith.constant 0 : i32
          %dma_wait3A_62 = tpu.memref_slice %arg2[%dma_wait3A_60, %dma_wait3A_61] : memref<10000x128xf32, #tpu.memory_space<hbm>> -> memref<16x128xf32, #tpu.memory_space<hbm>>
          tpu.wait_dma2 semaphore(%run_scoped3A : memref<!tpu.dma_semaphore, #tpu.memory_space<semaphore_mem>>) src(%dma_wait3A_62 : memref<16x128xf32, #tpu.memory_space<hbm>>) dst(%dma_wait3A_59 : memref<16x128xf32, #tpu.memory_space<vmem_shared>>)
          tpu.yield
        }) : () -> ()
      } else {
      }
    } else {
    }
    %eq3A_7 = arith.constant 1 : i32
    %eq3A_8 = arith.cmpi eq, %arg0, %eq3A_7 : i32
    %convert_element_type3A_9 = arith.extui %eq3A_8 : i1 to i32
    %cond3A_10 = arith.constant 0 : i32
    %cond3A_11 = arith.cmpi ne, %convert_element_type3A_9, %cond3A_10 : i32
    scf.if %cond3A_11 {
      %broadcast_in_dim3A = arith.constant 0.000000e+00 : f32
      %broadcast_in_dim3A_47 = vector.broadcast %broadcast_in_dim3A : f32 to vector<16xf32>
      %scan3A_48 = arith.constant 0 : i32
      %scan3A_49 = arith.constant 1024 : i32
      %scan3A_50 = arith.addi %scan3A_48, %scan3A_49 : i32
      %scan3A_51 = arith.constant 8 : i32
      scf.for %scan3A_68 = %scan3A_48 to %scan3A_50 step %scan3A_51  : i32 {
        %mul3A_69 = arith.constant 1 : i32
        %mul3A_70 = arith.muli %scan3A_68, %mul3A_69 : i32
        %add3A_71 = arith.constant 0 : i32
        %add3A_72 = arith.addi %add3A_71, %mul3A_70 : i32
        %jit3A = arith.constant 8 : i32
        %div3A = arith.divsi %add3A_72, %jit3A : i32
        %sign3A = arith.constant 0 : i32
        %sign3A_73 = arith.cmpi sgt, %add3A_72, %sign3A : i32
        %sign3A_74 = arith.extui %sign3A_73 : i1 to i32
        %sign3A_75 = arith.constant 0 : i32
        %sign3A_76 = arith.cmpi slt, %add3A_72, %sign3A_75 : i32
        %sign3A_77 = arith.extui %sign3A_76 : i1 to i32
        %sign3A_78 = arith.subi %sign3A_74, %sign3A_77 : i32
        %sign3A_79 = arith.constant 0 : i32
        %sign3A_80 = arith.cmpi sgt, %jit3A, %sign3A_79 : i32
        %sign3A_81 = arith.extui %sign3A_80 : i1 to i32
        %sign3A_82 = arith.constant 0 : i32
        %sign3A_83 = arith.cmpi slt, %jit3A, %sign3A_82 : i32
        %sign3A_84 = arith.extui %sign3A_83 : i1 to i32
        %sign3A_85 = arith.subi %sign3A_81, %sign3A_84 : i32
        %ne3A = arith.cmpi ne, %sign3A_78, %sign3A_85 : i32
        %rem3A = arith.remsi %add3A_72, %jit3A : i32
        %ne3A_86 = arith.constant 0 : i32
        %ne3A_87 = arith.cmpi ne, %rem3A, %ne3A_86 : i32
        %and3A = arith.andi %ne3A, %ne3A_87 : i1
        %sub3A = arith.constant 1 : i32
        %sub3A_88 = arith.subi %div3A, %sub3A : i32
        %select_n3A = arith.select %and3A, %sub3A_88, %div3A : i32
        %jit3A_89 = arith.constant 8 : i32
        %eq3A_90 = arith.constant 0 : i32
        %eq3A_91 = arith.cmpi eq, %jit3A_89, %eq3A_90 : i32
        %jit3A_92 = arith.constant 1 : i32
        %select_n3A_93 = arith.select %eq3A_91, %jit3A_92, %jit3A_89 : i32
        %rem3A_94 = arith.remsi %add3A_72, %select_n3A_93 : i32
        %ne3A_95 = arith.constant 0 : i32
        %ne3A_96 = arith.cmpi ne, %rem3A_94, %ne3A_95 : i32
        %lt3A_97 = arith.constant 0 : i32
        %lt3A_98 = arith.cmpi slt, %rem3A_94, %lt3A_97 : i32
        %lt3A_99 = arith.constant 0 : i32
        %lt3A_100 = arith.cmpi slt, %select_n3A_93, %lt3A_99 : i32
        %ne3A_101 = arith.xori %lt3A_98, %lt3A_100 : i1
        %and3A_102 = arith.andi %ne3A_101, %ne3A_96 : i1
        %add3A_103 = arith.addi %rem3A_94, %select_n3A_93 : i32
        %select_n3A_104 = arith.select %and3A_102, %add3A_103, %rem3A_94 : i32
        %mul3A_105 = arith.constant 16 : i32
        %mul3A_106 = arith.muli %select_n3A_104, %mul3A_105 : i32
        %swap3A = arith.index_cast %select_n3A : i32 to index
        %swap3A_107 = arith.index_cast %mul3A_106 : i32 to index
        %swap3A_108 = tpu.vector_load %arg9[%swap3A, %swap3A_107] {strides = array<i32>} : memref<128x128xf32, #tpu.memory_space<vmem>>, vector<1x16xf32>,
        %swap3A_109 = vector.shape_cast %swap3A_108 : vector<1x16xf32> to vector<16xf32>
        %swap3A_110 = vector.shape_cast %broadcast_in_dim3A_47 : vector<16xf32> to vector<1x16xf32>
        tpu.vector_store %arg9[%swap3A, %swap3A_107], %swap3A_110 {strides = array<i32>} : memref<128x128xf32, #tpu.memory_space<vmem>>, vector<1x16xf32>,
        %scan3A_111 = arith.constant 1 : i32
        %scan3A_112 = arith.addi %scan3A_68, %scan3A_111 : i32
        %mul3A_113 = arith.constant 1 : i32
        %mul3A_114 = arith.muli %scan3A_112, %mul3A_113 : i32
        %add3A_115 = arith.constant 0 : i32
        %add3A_116 = arith.addi %add3A_115, %mul3A_114 : i32
        %jit3A_117 = arith.constant 8 : i32
        %div3A_118 = arith.divsi %add3A_116, %jit3A_117 : i32
        %sign3A_119 = arith.constant 0 : i32
        %sign3A_120 = arith.cmpi sgt, %add3A_116, %sign3A_119 : i32
        %sign3A_121 = arith.extui %sign3A_120 : i1 to i32
        %sign3A_122 = arith.constant 0 : i32
        %sign3A_123 = arith.cmpi slt, %add3A_116, %sign3A_122 : i32
        %sign3A_124 = arith.extui %sign3A_123 : i1 to i32
        %sign3A_125 = arith.subi %sign3A_121, %sign3A_124 : i32
        %sign3A_126 = arith.constant 0 : i32
        %sign3A_127 = arith.cmpi sgt, %jit3A_117, %sign3A_126 : i32
        %sign3A_128 = arith.extui %sign3A_127 : i1 to i32
        %sign3A_129 = arith.constant 0 : i32
        %sign3A_130 = arith.cmpi slt, %jit3A_117, %sign3A_129 : i32
        %sign3A_131 = arith.extui %sign3A_130 : i1 to i32
        %sign3A_132 = arith.subi %sign3A_128, %sign3A_131 : i32
        %ne3A_133 = arith.cmpi ne, %sign3A_125, %sign3A_132 : i32
        %rem3A_134 = arith.remsi %add3A_116, %jit3A_117 : i32
        %ne3A_135 = arith.constant 0 : i32
        %ne3A_136 = arith.cmpi ne, %rem3A_134, %ne3A_135 : i32
        %and3A_137 = arith.andi %ne3A_133, %ne3A_136 : i1
        %sub3A_138 = arith.constant 1 : i32
        %sub3A_139 = arith.subi %div3A_118, %sub3A_138 : i32
        %select_n3A_140 = arith.select %and3A_137, %sub3A_139, %div3A_118 : i32
        %jit3A_141 = arith.constant 8 : i32
        %eq3A_142 = arith.constant 0 : i32
        %eq3A_143 = arith.cmpi eq, %jit3A_141, %eq3A_142 : i32
        %jit3A_144 = arith.constant 1 : i32
        %select_n3A_145 = arith.select %eq3A_143, %jit3A_144, %jit3A_141 : i32
        %rem3A_146 = arith.remsi %add3A_116, %select_n3A_145 : i32
        %ne3A_147 = arith.constant 0 : i32
        %ne3A_148 = arith.cmpi ne, %rem3A_146, %ne3A_147 : i32
        %lt3A_149 = arith.constant 0 : i32
        %lt3A_150 = arith.cmpi slt, %rem3A_146, %lt3A_149 : i32
        %lt3A_151 = arith.constant 0 : i32
        %lt3A_152 = arith.cmpi slt, %select_n3A_145, %lt3A_151 : i32
        %ne3A_153 = arith.xori %lt3A_150, %lt3A_152 : i1
        %and3A_154 = arith.andi %ne3A_153, %ne3A_148 : i1
        %add3A_155 = arith.addi %rem3A_146, %select_n3A_145 : i32
        %select_n3A_156 = arith.select %and3A_154, %add3A_155, %rem3A_146 : i32
        %mul3A_157 = arith.constant 16 : i32
        %mul3A_158 = arith.muli %select_n3A_156, %mul3A_157 : i32
        %swap3A_159 = arith.index_cast %select_n3A_140 : i32 to index
        %swap3A_160 = arith.index_cast %mul3A_158 : i32 to index
        %swap3A_161 = tpu.vector_load %arg9[%swap3A_159, %swap3A_160] {strides = array<i32>} : memref<128x128xf32, #tpu.memory_space<vmem>>, vector<1x16xf32>,
        %swap3A_162 = vector.shape_cast %swap3A_161 : vector<1x16xf32> to vector<16xf32>
        %swap3A_163 = vector.shape_cast %broadcast_in_dim3A_47 : vector<16xf32> to vector<1x16xf32>
        tpu.vector_store %arg9[%swap3A_159, %swap3A_160], %swap3A_163 {strides = array<i32>} : memref<128x128xf32, #tpu.memory_space<vmem>>, vector<1x16xf32>,
        %scan3A_164 = arith.constant 2 : i32
        %scan3A_165 = arith.addi %scan3A_68, %scan3A_164 : i32
        %mul3A_166 = arith.constant 1 : i32
        %mul3A_167 = arith.muli %scan3A_165, %mul3A_166 : i32
        %add3A_168 = arith.constant 0 : i32
        %add3A_169 = arith.addi %add3A_168, %mul3A_167 : i32
        %jit3A_170 = arith.constant 8 : i32
        %div3A_171 = arith.divsi %add3A_169, %jit3A_170 : i32
        %sign3A_172 = arith.constant 0 : i32
        %sign3A_173 = arith.cmpi sgt, %add3A_169, %sign3A_172 : i32
        %sign3A_174 = arith.extui %sign3A_173 : i1 to i32
        %sign3A_175 = arith.constant 0 : i32
        %sign3A_176 = arith.cmpi slt, %add3A_169, %sign3A_175 : i32
        %sign3A_177 = arith.extui %sign3A_176 : i1 to i32
        %sign3A_178 = arith.subi %sign3A_174, %sign3A_177 : i32
        %sign3A_179 = arith.constant 0 : i32
        %sign3A_180 = arith.cmpi sgt, %jit3A_170, %sign3A_179 : i32
        %sign3A_181 = arith.extui %sign3A_180 : i1 to i32
        %sign3A_182 = arith.constant 0 : i32
        %sign3A_183 = arith.cmpi slt, %jit3A_170, %sign3A_182 : i32
        %sign3A_184 = arith.extui %sign3A_183 : i1 to i32
        %sign3A_185 = arith.subi %sign3A_181, %sign3A_184 : i32
        %ne3A_186 = arith.cmpi ne, %sign3A_178, %sign3A_185 : i32
        %rem3A_187 = arith.remsi %add3A_169, %jit3A_170 : i32
        %ne3A_188 = arith.constant 0 : i32
        %ne3A_189 = arith.cmpi ne, %rem3A_187, %ne3A_188 : i32
        %and3A_190 = arith.andi %ne3A_186, %ne3A_189 : i1
        %sub3A_191 = arith.constant 1 : i32
        %sub3A_192 = arith.subi %div3A_171, %sub3A_191 : i32
        %select_n3A_193 = arith.select %and3A_190, %sub3A_192, %div3A_171 : i32
        %jit3A_194 = arith.constant 8 : i32
        %eq3A_195 = arith.constant 0 : i32
        %eq3A_196 = arith.cmpi eq, %jit3A_194, %eq3A_195 : i32
        %jit3A_197 = arith.constant 1 : i32
        %select_n3A_198 = arith.select %eq3A_196, %jit3A_197, %jit3A_194 : i32
        %rem3A_199 = arith.remsi %add3A_169, %select_n3A_198 : i32
        %ne3A_200 = arith.constant 0 : i32
        %ne3A_201 = arith.cmpi ne, %rem3A_199, %ne3A_200 : i32
        %lt3A_202 = arith.constant 0 : i32
        %lt3A_203 = arith.cmpi slt, %rem3A_199, %lt3A_202 : i32
        %lt3A_204 = arith.constant 0 : i32
        %lt3A_205 = arith.cmpi slt, %select_n3A_198, %lt3A_204 : i32
        %ne3A_206 = arith.xori %lt3A_203, %lt3A_205 : i1
        %and3A_207 = arith.andi %ne3A_206, %ne3A_201 : i1
        %add3A_208 = arith.addi %rem3A_199, %select_n3A_198 : i32
        %select_n3A_209 = arith.select %and3A_207, %add3A_208, %rem3A_199 : i32
        %mul3A_210 = arith.constant 16 : i32
        %mul3A_211 = arith.muli %select_n3A_209, %mul3A_210 : i32
        %swap3A_212 = arith.index_cast %select_n3A_193 : i32 to index
        %swap3A_213 = arith.index_cast %mul3A_211 : i32 to index
        %swap3A_214 = tpu.vector_load %arg9[%swap3A_212, %swap3A_213] {strides = array<i32>} : memref<128x128xf32, #tpu.memory_space<vmem>>, vector<1x16xf32>,
        %swap3A_215 = vector.shape_cast %swap3A_214 : vector<1x16xf32> to vector<16xf32>
        %swap3A_216 = vector.shape_cast %broadcast_in_dim3A_47 : vector<16xf32> to vector<1x16xf32>
        tpu.vector_store %arg9[%swap3A_212, %swap3A_213], %swap3A_216 {strides = array<i32>} : memref<128x128xf32, #tpu.memory_space<vmem>>, vector<1x16xf32>,
        %scan3A_217 = arith.constant 3 : i32
        %scan3A_218 = arith.addi %scan3A_68, %scan3A_217 : i32
        %mul3A_219 = arith.constant 1 : i32
        %mul3A_220 = arith.muli %scan3A_218, %mul3A_219 : i32
        %add3A_221 = arith.constant 0 : i32
        %add3A_222 = arith.addi %add3A_221, %mul3A_220 : i32
        %jit3A_223 = arith.constant 8 : i32
        %div3A_224 = arith.divsi %add3A_222, %jit3A_223 : i32
        %sign3A_225 = arith.constant 0 : i32
        %sign3A_226 = arith.cmpi sgt, %add3A_222, %sign3A_225 : i32
        %sign3A_227 = arith.extui %sign3A_226 : i1 to i32
        %sign3A_228 = arith.constant 0 : i32
        %sign3A_229 = arith.cmpi slt, %add3A_222, %sign3A_228 : i32
        %sign3A_230 = arith.extui %sign3A_229 : i1 to i32
        %sign3A_231 = arith.subi %sign3A_227, %sign3A_230 : i32
        %sign3A_232 = arith.constant 0 : i32
        %sign3A_233 = arith.cmpi sgt, %jit3A_223, %sign3A_232 : i32
        %sign3A_234 = arith.extui %sign3A_233 : i1 to i32
        %sign3A_235 = arith.constant 0 : i32
        %sign3A_236 = arith.cmpi slt, %jit3A_223, %sign3A_235 : i32
        %sign3A_237 = arith.extui %sign3A_236 : i1 to i32
        %sign3A_238 = arith.subi %sign3A_234, %sign3A_237 : i32
        %ne3A_239 = arith.cmpi ne, %sign3A_231, %sign3A_238 : i32
        %rem3A_240 = arith.remsi %add3A_222, %jit3A_223 : i32
        %ne3A_241 = arith.constant 0 : i32
        %ne3A_242 = arith.cmpi ne, %rem3A_240, %ne3A_241 : i32
        %and3A_243 = arith.andi %ne3A_239, %ne3A_242 : i1
        %sub3A_244 = arith.constant 1 : i32
        %sub3A_245 = arith.subi %div3A_224, %sub3A_244 : i32
        %select_n3A_246 = arith.select %and3A_243, %sub3A_245, %div3A_224 : i32
        %jit3A_247 = arith.constant 8 : i32
        %eq3A_248 = arith.constant 0 : i32
        %eq3A_249 = arith.cmpi eq, %jit3A_247, %eq3A_248 : i32
        %jit3A_250 = arith.constant 1 : i32
        %select_n3A_251 = arith.select %eq3A_249, %jit3A_250, %jit3A_247 : i32
        %rem3A_252 = arith.remsi %add3A_222, %select_n3A_251 : i32
        %ne3A_253 = arith.constant 0 : i32
        %ne3A_254 = arith.cmpi ne, %rem3A_252, %ne3A_253 : i32
        %lt3A_255 = arith.constant 0 : i32
        %lt3A_256 = arith.cmpi slt, %rem3A_252, %lt3A_255 : i32
        %lt3A_257 = arith.constant 0 : i32
        %lt3A_258 = arith.cmpi slt, %select_n3A_251, %lt3A_257 : i32
        %ne3A_259 = arith.xori %lt3A_256, %lt3A_258 : i1
        %and3A_260 = arith.andi %ne3A_259, %ne3A_254 : i1
        %add3A_261 = arith.addi %rem3A_252, %select_n3A_251 : i32
        %select_n3A_262 = arith.select %and3A_260, %add3A_261, %rem3A_252 : i32
        %mul3A_263 = arith.constant 16 : i32
        %mul3A_264 = arith.muli %select_n3A_262, %mul3A_263 : i32
        %swap3A_265 = arith.index_cast %select_n3A_246 : i32 to index
        %swap3A_266 = arith.index_cast %mul3A_264 : i32 to index
        %swap3A_267 = tpu.vector_load %arg9[%swap3A_265, %swap3A_266] {strides = array<i32>} : memref<128x128xf32, #tpu.memory_space<vmem>>, vector<1x16xf32>,
        %swap3A_268 = vector.shape_cast %swap3A_267 : vector<1x16xf32> to vector<16xf32>
        %swap3A_269 = vector.shape_cast %broadcast_in_dim3A_47 : vector<16xf32> to vector<1x16xf32>
        tpu.vector_store %arg9[%swap3A_265, %swap3A_266], %swap3A_269 {strides = array<i32>} : memref<128x128xf32, #tpu.memory_space<vmem>>, vector<1x16xf32>,
        %scan3A_270 = arith.constant 4 : i32
        %scan3A_271 = arith.addi %scan3A_68, %scan3A_270 : i32
        %mul3A_272 = arith.constant 1 : i32
        %mul3A_273 = arith.muli %scan3A_271, %mul3A_272 : i32
        %add3A_274 = arith.constant 0 : i32
        %add3A_275 = arith.addi %add3A_274, %mul3A_273 : i32
        %jit3A_276 = arith.constant 8 : i32
        %div3A_277 = arith.divsi %add3A_275, %jit3A_276 : i32
        %sign3A_278 = arith.constant 0 : i32
        %sign3A_279 = arith.cmpi sgt, %add3A_275, %sign3A_278 : i32
        %sign3A_280 = arith.extui %sign3A_279 : i1 to i32
        %sign3A_281 = arith.constant 0 : i32
        %sign3A_282 = arith.cmpi slt, %add3A_275, %sign3A_281 : i32
        %sign3A_283 = arith.extui %sign3A_282 : i1 to i32
        %sign3A_284 = arith.subi %sign3A_280, %sign3A_283 : i32
        %sign3A_285 = arith.constant 0 : i32
        %sign3A_286 = arith.cmpi sgt, %jit3A_276, %sign3A_285 : i32
        %sign3A_287 = arith.extui %sign3A_286 : i1 to i32
        %sign3A_288 = arith.constant 0 : i32
        %sign3A_289 = arith.cmpi slt, %jit3A_276, %sign3A_288 : i32
        %sign3A_290 = arith.extui %sign3A_289 : i1 to i32
        %sign3A_291 = arith.subi %sign3A_287, %sign3A_290 : i32
        %ne3A_292 = arith.cmpi ne, %sign3A_284, %sign3A_291 : i32
        %rem3A_293 = arith.remsi %add3A_275, %jit3A_276 : i32
        %ne3A_294 = arith.constant 0 : i32
        %ne3A_295 = arith.cmpi ne, %rem3A_293, %ne3A_294 : i32
        %and3A_296 = arith.andi %ne3A_292, %ne3A_295 : i1
        %sub3A_297 = arith.constant 1 : i32
        %sub3A_298 = arith.subi %div3A_277, %sub3A_297 : i32
        %select_n3A_299 = arith.select %and3A_296, %sub3A_298, %div3A_277 : i32
        %jit3A_300 = arith.constant 8 : i32
        %eq3A_301 = arith.constant 0 : i32
        %eq3A_302 = arith.cmpi eq, %jit3A_300, %eq3A_301 : i32
        %jit3A_303 = arith.constant 1 : i32
        %select_n3A_304 = arith.select %eq3A_302, %jit3A_303, %jit3A_300 : i32
        %rem3A_305 = arith.remsi %add3A_275, %select_n3A_304 : i32
        %ne3A_306 = arith.constant 0 : i32
        %ne3A_307 = arith.cmpi ne, %rem3A_305, %ne3A_306 : i32
        %lt3A_308 = arith.constant 0 : i32
        %lt3A_309 = arith.cmpi slt, %rem3A_305, %lt3A_308 : i32
        %lt3A_310 = arith.constant 0 : i32
        %lt3A_311 = arith.cmpi slt, %select_n3A_304, %lt3A_310 : i32
        %ne3A_312 = arith.xori %lt3A_309, %lt3A_311 : i1
        %and3A_313 = arith.andi %ne3A_312, %ne3A_307 : i1
        %add3A_314 = arith.addi %rem3A_305, %select_n3A_304 : i32
        %select_n3A_315 = arith.select %and3A_313, %add3A_314, %rem3A_305 : i32
        %mul3A_316 = arith.constant 16 : i32
        %mul3A_317 = arith.muli %select_n3A_315, %mul3A_316 : i32
        %swap3A_318 = arith.index_cast %select_n3A_299 : i32 to index
        %swap3A_319 = arith.index_cast %mul3A_317 : i32 to index
        %swap3A_320 = tpu.vector_load %arg9[%swap3A_318, %swap3A_319] {strides = array<i32>} : memref<128x128xf32, #tpu.memory_space<vmem>>, vector<1x16xf32>,
        %swap3A_321 = vector.shape_cast %swap3A_320 : vector<1x16xf32> to vector<16xf32>
        %swap3A_322 = vector.shape_cast %broadcast_in_dim3A_47 : vector<16xf32> to vector<1x16xf32>
        tpu.vector_store %arg9[%swap3A_318, %swap3A_319], %swap3A_322 {strides = array<i32>} : memref<128x128xf32, #tpu.memory_space<vmem>>, vector<1x16xf32>,
        %scan3A_323 = arith.constant 5 : i32
        %scan3A_324 = arith.addi %scan3A_68, %scan3A_323 : i32
        %mul3A_325 = arith.constant 1 : i32
        %mul3A_326 = arith.muli %scan3A_324, %mul3A_325 : i32
        %add3A_327 = arith.constant 0 : i32
        %add3A_328 = arith.addi %add3A_327, %mul3A_326 : i32
        %jit3A_329 = arith.constant 8 : i32
        %div3A_330 = arith.divsi %add3A_328, %jit3A_329 : i32
        %sign3A_331 = arith.constant 0 : i32
        %sign3A_332 = arith.cmpi sgt, %add3A_328, %sign3A_331 : i32
        %sign3A_333 = arith.extui %sign3A_332 : i1 to i32
        %sign3A_334 = arith.constant 0 : i32
        %sign3A_335 = arith.cmpi slt, %add3A_328, %sign3A_334 : i32
        %sign3A_336 = arith.extui %sign3A_335 : i1 to i32
        %sign3A_337 = arith.subi %sign3A_333, %sign3A_336 : i32
        %sign3A_338 = arith.constant 0 : i32
        %sign3A_339 = arith.cmpi sgt, %jit3A_329, %sign3A_338 : i32
        %sign3A_340 = arith.extui %sign3A_339 : i1 to i32
        %sign3A_341 = arith.constant 0 : i32
        %sign3A_342 = arith.cmpi slt, %jit3A_329, %sign3A_341 : i32
        %sign3A_343 = arith.extui %sign3A_342 : i1 to i32
        %sign3A_344 = arith.subi %sign3A_340, %sign3A_343 : i32
        %ne3A_345 = arith.cmpi ne, %sign3A_337, %sign3A_344 : i32
        %rem3A_346 = arith.remsi %add3A_328, %jit3A_329 : i32
        %ne3A_347 = arith.constant 0 : i32
        %ne3A_348 = arith.cmpi ne, %rem3A_346, %ne3A_347 : i32
        %and3A_349 = arith.andi %ne3A_345, %ne3A_348 : i1
        %sub3A_350 = arith.constant 1 : i32
        %sub3A_351 = arith.subi %div3A_330, %sub3A_350 : i32
        %select_n3A_352 = arith.select %and3A_349, %sub3A_351, %div3A_330 : i32
        %jit3A_353 = arith.constant 8 : i32
        %eq3A_354 = arith.constant 0 : i32
        %eq3A_355 = arith.cmpi eq, %jit3A_353, %eq3A_354 : i32
        %jit3A_356 = arith.constant 1 : i32
        %select_n3A_357 = arith.select %eq3A_355, %jit3A_356, %jit3A_353 : i32
        %rem3A_358 = arith.remsi %add3A_328, %select_n3A_357 : i32
        %ne3A_359 = arith.constant 0 : i32
        %ne3A_360 = arith.cmpi ne, %rem3A_358, %ne3A_359 : i32
        %lt3A_361 = arith.constant 0 : i32
        %lt3A_362 = arith.cmpi slt, %rem3A_358, %lt3A_361 : i32
        %lt3A_363 = arith.constant 0 : i32
        %lt3A_364 = arith.cmpi slt, %select_n3A_357, %lt3A_363 : i32
        %ne3A_365 = arith.xori %lt3A_362, %lt3A_364 : i1
        %and3A_366 = arith.andi %ne3A_365, %ne3A_360 : i1
        %add3A_367 = arith.addi %rem3A_358, %select_n3A_357 : i32
        %select_n3A_368 = arith.select %and3A_366, %add3A_367, %rem3A_358 : i32
        %mul3A_369 = arith.constant 16 : i32
        %mul3A_370 = arith.muli %select_n3A_368, %mul3A_369 : i32
        %swap3A_371 = arith.index_cast %select_n3A_352 : i32 to index
        %swap3A_372 = arith.index_cast %mul3A_370 : i32 to index
        %swap3A_373 = tpu.vector_load %arg9[%swap3A_371, %swap3A_372] {strides = array<i32>} : memref<128x128xf32, #tpu.memory_space<vmem>>, vector<1x16xf32>,
        %swap3A_374 = vector.shape_cast %swap3A_373 : vector<1x16xf32> to vector<16xf32>
        %swap3A_375 = vector.shape_cast %broadcast_in_dim3A_47 : vector<16xf32> to vector<1x16xf32>
        tpu.vector_store %arg9[%swap3A_371, %swap3A_372], %swap3A_375 {strides = array<i32>} : memref<128x128xf32, #tpu.memory_space<vmem>>, vector<1x16xf32>,
        %scan3A_376 = arith.constant 6 : i32
        %scan3A_377 = arith.addi %scan3A_68, %scan3A_376 : i32
        %mul3A_378 = arith.constant 1 : i32
        %mul3A_379 = arith.muli %scan3A_377, %mul3A_378 : i32
        %add3A_380 = arith.constant 0 : i32
        %add3A_381 = arith.addi %add3A_380, %mul3A_379 : i32
        %jit3A_382 = arith.constant 8 : i32
        %div3A_383 = arith.divsi %add3A_381, %jit3A_382 : i32
        %sign3A_384 = arith.constant 0 : i32
        %sign3A_385 = arith.cmpi sgt, %add3A_381, %sign3A_384 : i32
        %sign3A_386 = arith.extui %sign3A_385 : i1 to i32
        %sign3A_387 = arith.constant 0 : i32
        %sign3A_388 = arith.cmpi slt, %add3A_381, %sign3A_387 : i32
        %sign3A_389 = arith.extui %sign3A_388 : i1 to i32
        %sign3A_390 = arith.subi %sign3A_386, %sign3A_389 : i32
        %sign3A_391 = arith.constant 0 : i32
        %sign3A_392 = arith.cmpi sgt, %jit3A_382, %sign3A_391 : i32
        %sign3A_393 = arith.extui %sign3A_392 : i1 to i32
        %sign3A_394 = arith.constant 0 : i32
        %sign3A_395 = arith.cmpi slt, %jit3A_382, %sign3A_394 : i32
        %sign3A_396 = arith.extui %sign3A_395 : i1 to i32
        %sign3A_397 = arith.subi %sign3A_393, %sign3A_396 : i32
        %ne3A_398 = arith.cmpi ne, %sign3A_390, %sign3A_397 : i32
        %rem3A_399 = arith.remsi %add3A_381, %jit3A_382 : i32
        %ne3A_400 = arith.constant 0 : i32
        %ne3A_401 = arith.cmpi ne, %rem3A_399, %ne3A_400 : i32
        %and3A_402 = arith.andi %ne3A_398, %ne3A_401 : i1
        %sub3A_403 = arith.constant 1 : i32
        %sub3A_404 = arith.subi %div3A_383, %sub3A_403 : i32
        %select_n3A_405 = arith.select %and3A_402, %sub3A_404, %div3A_383 : i32
        %jit3A_406 = arith.constant 8 : i32
        %eq3A_407 = arith.constant 0 : i32
        %eq3A_408 = arith.cmpi eq, %jit3A_406, %eq3A_407 : i32
        %jit3A_409 = arith.constant 1 : i32
        %select_n3A_410 = arith.select %eq3A_408, %jit3A_409, %jit3A_406 : i32
        %rem3A_411 = arith.remsi %add3A_381, %select_n3A_410 : i32
        %ne3A_412 = arith.constant 0 : i32
        %ne3A_413 = arith.cmpi ne, %rem3A_411, %ne3A_412 : i32
        %lt3A_414 = arith.constant 0 : i32
        %lt3A_415 = arith.cmpi slt, %rem3A_411, %lt3A_414 : i32
        %lt3A_416 = arith.constant 0 : i32
        %lt3A_417 = arith.cmpi slt, %select_n3A_410, %lt3A_416 : i32
        %ne3A_418 = arith.xori %lt3A_415, %lt3A_417 : i1
        %and3A_419 = arith.andi %ne3A_418, %ne3A_413 : i1
        %add3A_420 = arith.addi %rem3A_411, %select_n3A_410 : i32
        %select_n3A_421 = arith.select %and3A_419, %add3A_420, %rem3A_411 : i32
        %mul3A_422 = arith.constant 16 : i32
        %mul3A_423 = arith.muli %select_n3A_421, %mul3A_422 : i32
        %swap3A_424 = arith.index_cast %select_n3A_405 : i32 to index
        %swap3A_425 = arith.index_cast %mul3A_423 : i32 to index
        %swap3A_426 = tpu.vector_load %arg9[%swap3A_424, %swap3A_425] {strides = array<i32>} : memref<128x128xf32, #tpu.memory_space<vmem>>, vector<1x16xf32>,
        %swap3A_427 = vector.shape_cast %swap3A_426 : vector<1x16xf32> to vector<16xf32>
        %swap3A_428 = vector.shape_cast %broadcast_in_dim3A_47 : vector<16xf32> to vector<1x16xf32>
        tpu.vector_store %arg9[%swap3A_424, %swap3A_425], %swap3A_428 {strides = array<i32>} : memref<128x128xf32, #tpu.memory_space<vmem>>, vector<1x16xf32>,
        %scan3A_429 = arith.constant 7 : i32
        %scan3A_430 = arith.addi %scan3A_68, %scan3A_429 : i32
        %mul3A_431 = arith.constant 1 : i32
        %mul3A_432 = arith.muli %scan3A_430, %mul3A_431 : i32
        %add3A_433 = arith.constant 0 : i32
        %add3A_434 = arith.addi %add3A_433, %mul3A_432 : i32
        %jit3A_435 = arith.constant 8 : i32
        %div3A_436 = arith.divsi %add3A_434, %jit3A_435 : i32
        %sign3A_437 = arith.constant 0 : i32
        %sign3A_438 = arith.cmpi sgt, %add3A_434, %sign3A_437 : i32
        %sign3A_439 = arith.extui %sign3A_438 : i1 to i32
        %sign3A_440 = arith.constant 0 : i32
        %sign3A_441 = arith.cmpi slt, %add3A_434, %sign3A_440 : i32
        %sign3A_442 = arith.extui %sign3A_441 : i1 to i32
        %sign3A_443 = arith.subi %sign3A_439, %sign3A_442 : i32
        %sign3A_444 = arith.constant 0 : i32
        %sign3A_445 = arith.cmpi sgt, %jit3A_435, %sign3A_444 : i32
        %sign3A_446 = arith.extui %sign3A_445 : i1 to i32
        %sign3A_447 = arith.constant 0 : i32
        %sign3A_448 = arith.cmpi slt, %jit3A_435, %sign3A_447 : i32
        %sign3A_449 = arith.extui %sign3A_448 : i1 to i32
        %sign3A_450 = arith.subi %sign3A_446, %sign3A_449 : i32
        %ne3A_451 = arith.cmpi ne, %sign3A_443, %sign3A_450 : i32
        %rem3A_452 = arith.remsi %add3A_434, %jit3A_435 : i32
        %ne3A_453 = arith.constant 0 : i32
        %ne3A_454 = arith.cmpi ne, %rem3A_452, %ne3A_453 : i32
        %and3A_455 = arith.andi %ne3A_451, %ne3A_454 : i1
        %sub3A_456 = arith.constant 1 : i32
        %sub3A_457 = arith.subi %div3A_436, %sub3A_456 : i32
        %select_n3A_458 = arith.select %and3A_455, %sub3A_457, %div3A_436 : i32
        %jit3A_459 = arith.constant 8 : i32
        %eq3A_460 = arith.constant 0 : i32
        %eq3A_461 = arith.cmpi eq, %jit3A_459, %eq3A_460 : i32
        %jit3A_462 = arith.constant 1 : i32
        %select_n3A_463 = arith.select %eq3A_461, %jit3A_462, %jit3A_459 : i32
        %rem3A_464 = arith.remsi %add3A_434, %select_n3A_463 : i32
        %ne3A_465 = arith.constant 0 : i32
        %ne3A_466 = arith.cmpi ne, %rem3A_464, %ne3A_465 : i32
        %lt3A_467 = arith.constant 0 : i32
        %lt3A_468 = arith.cmpi slt, %rem3A_464, %lt3A_467 : i32
        %lt3A_469 = arith.constant 0 : i32
        %lt3A_470 = arith.cmpi slt, %select_n3A_463, %lt3A_469 : i32
        %ne3A_471 = arith.xori %lt3A_468, %lt3A_470 : i1
        %and3A_472 = arith.andi %ne3A_471, %ne3A_466 : i1
        %add3A_473 = arith.addi %rem3A_464, %select_n3A_463 : i32
        %select_n3A_474 = arith.select %and3A_472, %add3A_473, %rem3A_464 : i32
        %mul3A_475 = arith.constant 16 : i32
        %mul3A_476 = arith.muli %select_n3A_474, %mul3A_475 : i32
        %swap3A_477 = arith.index_cast %select_n3A_458 : i32 to index
        %swap3A_478 = arith.index_cast %mul3A_476 : i32 to index
        %swap3A_479 = tpu.vector_load %arg9[%swap3A_477, %swap3A_478] {strides = array<i32>} : memref<128x128xf32, #tpu.memory_space<vmem>>, vector<1x16xf32>,
        %swap3A_480 = vector.shape_cast %swap3A_479 : vector<1x16xf32> to vector<16xf32>
        %swap3A_481 = vector.shape_cast %broadcast_in_dim3A_47 : vector<16xf32> to vector<1x16xf32>
        tpu.vector_store %arg9[%swap3A_477, %swap3A_478], %swap3A_481 {strides = array<i32>} : memref<128x128xf32, #tpu.memory_space<vmem>>, vector<1x16xf32>,
      }
      %scan3A_52 = arith.constant 1024 : i32
      %add3A_53 = arith.constant 0 : i32
      %add3A_54 = arith.addi %mul3A_4, %add3A_53 : i32
      "tpu.region"() ({
        %run_scoped3A = tpu.sem_alloc : memref<!tpu.dma_semaphore, #tpu.memory_space<semaphore_mem>>
        %dma_start3A_68 = arith.constant 0 : i32
        %dma_start3A_69 = tpu.memref_slice %arg11[%add3A_54, %dma_start3A_68] : memref<10000x128xf32, #tpu.memory_space<vmem_shared>> -> memref<128x128xf32, #tpu.memory_space<vmem_shared>>
        %dma_start3A_70 = arith.constant 0 : i32
        %dma_start3A_71 = tpu.memref_slice %arg11[%add3A_54, %dma_start3A_70] : memref<10000x128xf32, #tpu.memory_space<vmem_shared>> -> memref<128x128xf32, #tpu.memory_space<vmem_shared>>
        tpu.enqueue_dma source(%arg9 : memref<128x128xf32, #tpu.memory_space<vmem>>) target(%dma_start3A_71 : memref<128x128xf32, #tpu.memory_space<vmem_shared>>) target_semaphore(%run_scoped3A : memref<!tpu.dma_semaphore, #tpu.memory_space<semaphore_mem>>)
        %dma_wait3A = arith.constant 0 : i32
        %dma_wait3A_72 = tpu.memref_slice %arg11[%add3A_54, %dma_wait3A] : memref<10000x128xf32, #tpu.memory_space<vmem_shared>> -> memref<128x128xf32, #tpu.memory_space<vmem_shared>>
        %dma_wait3A_73 = arith.constant 0 : i32
        %dma_wait3A_74 = tpu.memref_slice %arg11[%add3A_54, %dma_wait3A_73] : memref<10000x128xf32, #tpu.memory_space<vmem_shared>> -> memref<128x128xf32, #tpu.memory_space<vmem_shared>>
        tpu.wait_dma2 semaphore(%run_scoped3A : memref<!tpu.dma_semaphore, #tpu.memory_space<semaphore_mem>>) src(%arg9 : memref<128x128xf32, #tpu.memory_space<vmem>>) dst(%dma_wait3A_74 : memref<128x128xf32, #tpu.memory_space<vmem_shared>>)
        tpu.yield
      }) : () -> ()
      %add3A_55 = arith.constant 128 : i32
      %add3A_56 = arith.addi %mul3A_4, %add3A_55 : i32
      "tpu.region"() ({
        %run_scoped3A = tpu.sem_alloc : memref<!tpu.dma_semaphore, #tpu.memory_space<semaphore_mem>>
        %dma_start3A_68 = arith.constant 0 : i32
        %dma_start3A_69 = tpu.memref_slice %arg11[%add3A_56, %dma_start3A_68] : memref<10000x128xf32, #tpu.memory_space<vmem_shared>> -> memref<128x128xf32, #tpu.memory_space<vmem_shared>>
        %dma_start3A_70 = arith.constant 0 : i32
        %dma_start3A_71 = tpu.memref_slice %arg11[%add3A_56, %dma_start3A_70] : memref<10000x128xf32, #tpu.memory_space<vmem_shared>> -> memref<128x128xf32, #tpu.memory_space<vmem_shared>>
        tpu.enqueue_dma source(%arg9 : memref<128x128xf32, #tpu.memory_space<vmem>>) target(%dma_start3A_71 : memref<128x128xf32, #tpu.memory_space<vmem_shared>>) target_semaphore(%run_scoped3A : memref<!tpu.dma_semaphore, #tpu.memory_space<semaphore_mem>>)
        %dma_wait3A = arith.constant 0 : i32
        %dma_wait3A_72 = tpu.memref_slice %arg11[%add3A_56, %dma_wait3A] : memref<10000x128xf32, #tpu.memory_space<vmem_shared>> -> memref<128x128xf32, #tpu.memory_space<vmem_shared>>
        %dma_wait3A_73 = arith.constant 0 : i32
        %dma_wait3A_74 = tpu.memref_slice %arg11[%add3A_56, %dma_wait3A_73] : memref<10000x128xf32, #tpu.memory_space<vmem_shared>> -> memref<128x128xf32, #tpu.memory_space<vmem_shared>>
        tpu.wait_dma2 semaphore(%run_scoped3A : memref<!tpu.dma_semaphore, #tpu.memory_space<semaphore_mem>>) src(%arg9 : memref<128x128xf32, #tpu.memory_space<vmem>>) dst(%dma_wait3A_74 : memref<128x128xf32, #tpu.memory_space<vmem_shared>>)
        tpu.yield
      }) : () -> ()
      %add3A_57 = arith.constant 256 : i32
      %add3A_58 = arith.addi %mul3A_4, %add3A_57 : i32
      "tpu.region"() ({
        %run_scoped3A = tpu.sem_alloc : memref<!tpu.dma_semaphore, #tpu.memory_space<semaphore_mem>>
        %dma_start3A_68 = arith.constant 0 : i32
        %dma_start3A_69 = tpu.memref_slice %arg11[%add3A_58, %dma_start3A_68] : memref<10000x128xf32, #tpu.memory_space<vmem_shared>> -> memref<128x128xf32, #tpu.memory_space<vmem_shared>>
        %dma_start3A_70 = arith.constant 0 : i32
        %dma_start3A_71 = tpu.memref_slice %arg11[%add3A_58, %dma_start3A_70] : memref<10000x128xf32, #tpu.memory_space<vmem_shared>> -> memref<128x128xf32, #tpu.memory_space<vmem_shared>>
        tpu.enqueue_dma source(%arg9 : memref<128x128xf32, #tpu.memory_space<vmem>>) target(%dma_start3A_71 : memref<128x128xf32, #tpu.memory_space<vmem_shared>>) target_semaphore(%run_scoped3A : memref<!tpu.dma_semaphore, #tpu.memory_space<semaphore_mem>>)
        %dma_wait3A = arith.constant 0 : i32
        %dma_wait3A_72 = tpu.memref_slice %arg11[%add3A_58, %dma_wait3A] : memref<10000x128xf32, #tpu.memory_space<vmem_shared>> -> memref<128x128xf32, #tpu.memory_space<vmem_shared>>
        %dma_wait3A_73 = arith.constant 0 : i32
        %dma_wait3A_74 = tpu.memref_slice %arg11[%add3A_58, %dma_wait3A_73] : memref<10000x128xf32, #tpu.memory_space<vmem_shared>> -> memref<128x128xf32, #tpu.memory_space<vmem_shared>>
        tpu.wait_dma2 semaphore(%run_scoped3A : memref<!tpu.dma_semaphore, #tpu.memory_space<semaphore_mem>>) src(%arg9 : memref<128x128xf32, #tpu.memory_space<vmem>>) dst(%dma_wait3A_74 : memref<128x128xf32, #tpu.memory_space<vmem_shared>>)
        tpu.yield
      }) : () -> ()
      %add3A_59 = arith.constant 384 : i32
      %add3A_60 = arith.addi %mul3A_4, %add3A_59 : i32
      "tpu.region"() ({
        %run_scoped3A = tpu.sem_alloc : memref<!tpu.dma_semaphore, #tpu.memory_space<semaphore_mem>>
        %dma_start3A_68 = arith.constant 0 : i32
        %dma_start3A_69 = tpu.memref_slice %arg11[%add3A_60, %dma_start3A_68] : memref<10000x128xf32, #tpu.memory_space<vmem_shared>> -> memref<128x128xf32, #tpu.memory_space<vmem_shared>>
        %dma_start3A_70 = arith.constant 0 : i32
        %dma_start3A_71 = tpu.memref_slice %arg11[%add3A_60, %dma_start3A_70] : memref<10000x128xf32, #tpu.memory_space<vmem_shared>> -> memref<128x128xf32, #tpu.memory_space<vmem_shared>>
        tpu.enqueue_dma source(%arg9 : memref<128x128xf32, #tpu.memory_space<vmem>>) target(%dma_start3A_71 : memref<128x128xf32, #tpu.memory_space<vmem_shared>>) target_semaphore(%run_scoped3A : memref<!tpu.dma_semaphore, #tpu.memory_space<semaphore_mem>>)
        %dma_wait3A = arith.constant 0 : i32
        %dma_wait3A_72 = tpu.memref_slice %arg11[%add3A_60, %dma_wait3A] : memref<10000x128xf32, #tpu.memory_space<vmem_shared>> -> memref<128x128xf32, #tpu.memory_space<vmem_shared>>
        %dma_wait3A_73 = arith.constant 0 : i32
        %dma_wait3A_74 = tpu.memref_slice %arg11[%add3A_60, %dma_wait3A_73] : memref<10000x128xf32, #tpu.memory_space<vmem_shared>> -> memref<128x128xf32, #tpu.memory_space<vmem_shared>>
        tpu.wait_dma2 semaphore(%run_scoped3A : memref<!tpu.dma_semaphore, #tpu.memory_space<semaphore_mem>>) src(%arg9 : memref<128x128xf32, #tpu.memory_space<vmem>>) dst(%dma_wait3A_74 : memref<128x128xf32, #tpu.memory_space<vmem_shared>>)
        tpu.yield
      }) : () -> ()
      %add3A_61 = arith.constant 512 : i32
      %add3A_62 = arith.addi %mul3A_4, %add3A_61 : i32
      "tpu.region"() ({
        %run_scoped3A = tpu.sem_alloc : memref<!tpu.dma_semaphore, #tpu.memory_space<semaphore_mem>>
        %dma_start3A_68 = arith.constant 0 : i32
        %dma_start3A_69 = arith.constant 0 : i32
        %dma_start3A_70 = tpu.memref_slice %arg9[%dma_start3A_68, %dma_start3A_69] : memref<128x128xf32, #tpu.memory_space<vmem>> -> memref<112x128xf32, #tpu.memory_space<vmem>>
        %dma_start3A_71 = arith.constant 0 : i32
        %dma_start3A_72 = tpu.memref_slice %arg11[%add3A_62, %dma_start3A_71] : memref<10000x128xf32, #tpu.memory_space<vmem_shared>> -> memref<112x128xf32, #tpu.memory_space<vmem_shared>>
        %dma_start3A_73 = arith.constant 0 : i32
        %dma_start3A_74 = tpu.memref_slice %arg11[%add3A_62, %dma_start3A_73] : memref<10000x128xf32, #tpu.memory_space<vmem_shared>> -> memref<112x128xf32, #tpu.memory_space<vmem_shared>>
        %dma_start3A_75 = arith.constant 0 : i32
        %dma_start3A_76 = arith.constant 0 : i32
        %dma_start3A_77 = tpu.memref_slice %arg9[%dma_start3A_75, %dma_start3A_76] : memref<128x128xf32, #tpu.memory_space<vmem>> -> memref<112x128xf32, #tpu.memory_space<vmem>>
        tpu.enqueue_dma source(%dma_start3A_77 : memref<112x128xf32, #tpu.memory_space<vmem>>) target(%dma_start3A_74 : memref<112x128xf32, #tpu.memory_space<vmem_shared>>) target_semaphore(%run_scoped3A : memref<!tpu.dma_semaphore, #tpu.memory_space<semaphore_mem>>)
        %dma_wait3A = arith.constant 0 : i32
        %dma_wait3A_78 = arith.constant 0 : i32
        %dma_wait3A_79 = tpu.memref_slice %arg9[%dma_wait3A, %dma_wait3A_78] : memref<128x128xf32, #tpu.memory_space<vmem>> -> memref<112x128xf32, #tpu.memory_space<vmem>>
        %dma_wait3A_80 = arith.constant 0 : i32
        %dma_wait3A_81 = tpu.memref_slice %arg11[%add3A_62, %dma_wait3A_80] : memref<10000x128xf32, #tpu.memory_space<vmem_shared>> -> memref<112x128xf32, #tpu.memory_space<vmem_shared>>
        %dma_wait3A_82 = arith.constant 0 : i32
        %dma_wait3A_83 = tpu.memref_slice %arg11[%add3A_62, %dma_wait3A_82] : memref<10000x128xf32, #tpu.memory_space<vmem_shared>> -> memref<112x128xf32, #tpu.memory_space<vmem_shared>>
        %dma_wait3A_84 = arith.constant 0 : i32
        %dma_wait3A_85 = arith.constant 0 : i32
        %dma_wait3A_86 = tpu.memref_slice %arg9[%dma_wait3A_84, %dma_wait3A_85] : memref<128x128xf32, #tpu.memory_space<vmem>> -> memref<112x128xf32, #tpu.memory_space<vmem>>
        tpu.wait_dma2 semaphore(%run_scoped3A : memref<!tpu.dma_semaphore, #tpu.memory_space<semaphore_mem>>) src(%dma_wait3A_86 : memref<112x128xf32, #tpu.memory_space<vmem>>) dst(%dma_wait3A_83 : memref<112x128xf32, #tpu.memory_space<vmem_shared>>)
        tpu.yield
      }) : () -> ()
      %eq3A_63 = arith.constant 15 : i32
      %eq3A_64 = arith.cmpi eq, %arg1, %eq3A_63 : i32
      %convert_element_type3A_65 = arith.extui %eq3A_64 : i1 to i32
      %cond3A_66 = arith.constant 0 : i32
      %cond3A_67 = arith.cmpi ne, %convert_element_type3A_65, %cond3A_66 : i32
      scf.if %cond3A_67 {
        "tpu.region"() ({
          %run_scoped3A = tpu.sem_alloc : memref<!tpu.dma_semaphore, #tpu.memory_space<semaphore_mem>>
          %dma_start3A_68 = arith.constant 0 : i32
          %dma_start3A_69 = arith.constant 0 : i32
          %dma_start3A_70 = tpu.memref_slice %arg9[%dma_start3A_68, %dma_start3A_69] : memref<128x128xf32, #tpu.memory_space<vmem>> -> memref<16x128xf32, #tpu.memory_space<vmem>>
          %dma_start3A_71 = arith.constant 9984 : i32
          %dma_start3A_72 = arith.constant 0 : i32
          %dma_start3A_73 = tpu.memref_slice %arg11[%dma_start3A_71, %dma_start3A_72] : memref<10000x128xf32, #tpu.memory_space<vmem_shared>> -> memref<16x128xf32, #tpu.memory_space<vmem_shared>>
          %dma_start3A_74 = arith.constant 9984 : i32
          %dma_start3A_75 = arith.constant 0 : i32
          %dma_start3A_76 = tpu.memref_slice %arg11[%dma_start3A_74, %dma_start3A_75] : memref<10000x128xf32, #tpu.memory_space<vmem_shared>> -> memref<16x128xf32, #tpu.memory_space<vmem_shared>>
          %dma_start3A_77 = arith.constant 0 : i32
          %dma_start3A_78 = arith.constant 0 : i32
          %dma_start3A_79 = tpu.memref_slice %arg9[%dma_start3A_77, %dma_start3A_78] : memref<128x128xf32, #tpu.memory_space<vmem>> -> memref<16x128xf32, #tpu.memory_space<vmem>>
          tpu.enqueue_dma source(%dma_start3A_79 : memref<16x128xf32, #tpu.memory_space<vmem>>) target(%dma_start3A_76 : memref<16x128xf32, #tpu.memory_space<vmem_shared>>) target_semaphore(%run_scoped3A : memref<!tpu.dma_semaphore, #tpu.memory_space<semaphore_mem>>)
          %dma_wait3A = arith.constant 0 : i32
          %dma_wait3A_80 = arith.constant 0 : i32
          %dma_wait3A_81 = tpu.memref_slice %arg9[%dma_wait3A, %dma_wait3A_80] : memref<128x128xf32, #tpu.memory_space<vmem>> -> memref<16x128xf32, #tpu.memory_space<vmem>>
          %dma_wait3A_82 = arith.constant 9984 : i32
          %dma_wait3A_83 = arith.constant 0 : i32
          %dma_wait3A_84 = tpu.memref_slice %arg11[%dma_wait3A_82, %dma_wait3A_83] : memref<10000x128xf32, #tpu.memory_space<vmem_shared>> -> memref<16x128xf32, #tpu.memory_space<vmem_shared>>
          %dma_wait3A_85 = arith.constant 9984 : i32
          %dma_wait3A_86 = arith.constant 0 : i32
          %dma_wait3A_87 = tpu.memref_slice %arg11[%dma_wait3A_85, %dma_wait3A_86] : memref<10000x128xf32, #tpu.memory_space<vmem_shared>> -> memref<16x128xf32, #tpu.memory_space<vmem_shared>>
          %dma_wait3A_88 = arith.constant 0 : i32
          %dma_wait3A_89 = arith.constant 0 : i32
          %dma_wait3A_90 = tpu.memref_slice %arg9[%dma_wait3A_88, %dma_wait3A_89] : memref<128x128xf32, #tpu.memory_space<vmem>> -> memref<16x128xf32, #tpu.memory_space<vmem>>
          tpu.wait_dma2 semaphore(%run_scoped3A : memref<!tpu.dma_semaphore, #tpu.memory_space<semaphore_mem>>) src(%dma_wait3A_90 : memref<16x128xf32, #tpu.memory_space<vmem>>) dst(%dma_wait3A_87 : memref<16x128xf32, #tpu.memory_space<vmem_shared>>)
          tpu.yield
        }) : () -> ()
      } else {
      }
    } else {
    }
    %mul3A_12 = arith.constant 128 : i32
    %mul3A_13 = arith.muli %mul3A_2, %mul3A_12 : i32
    "tpu.region"() ({
      %run_scoped3A = tpu.sem_alloc : memref<!tpu.dma_semaphore, #tpu.memory_space<semaphore_mem>>
      %dma_start3A_47 = tpu.memref_slice %arg3[%mul3A_13] : memref<320000xi32, #tpu.memory_space<hbm>> -> memref<9984xi32, #tpu.memory_space<hbm>>
      %dma_start3A_48 = tpu.memref_slice %arg3[%mul3A_13] : memref<320000xi32, #tpu.memory_space<hbm>> -> memref<9984xi32, #tpu.memory_space<hbm>>
      tpu.enqueue_dma source(%dma_start3A_48 : memref<9984xi32, #tpu.memory_space<hbm>>) target(%arg7 : memref<9984xi32, #tpu.memory_space<vmem>>) target_semaphore(%run_scoped3A : memref<!tpu.dma_semaphore, #tpu.memory_space<semaphore_mem>>)
      %dma_wait3A = tpu.memref_slice %arg3[%mul3A_13] : memref<320000xi32, #tpu.memory_space<hbm>> -> memref<9984xi32, #tpu.memory_space<hbm>>
      %dma_wait3A_49 = tpu.memref_slice %arg3[%mul3A_13] : memref<320000xi32, #tpu.memory_space<hbm>> -> memref<9984xi32, #tpu.memory_space<hbm>>
      tpu.wait_dma2 semaphore(%run_scoped3A : memref<!tpu.dma_semaphore, #tpu.memory_space<semaphore_mem>>) src(%dma_wait3A_49 : memref<9984xi32, #tpu.memory_space<hbm>>) dst(%arg7 : memref<9984xi32, #tpu.memory_space<vmem>>)
      tpu.yield
    }) : () -> ()
    %dma_start3A = arith.constant 0 : i32
    %dma_start3A_14 = tpu.memref_slice %arg7[%dma_start3A] : memref<9984xi32, #tpu.memory_space<vmem>> -> memref<128xi32, #tpu.memory_space<vmem>>
    %dma_start3A_15 = arith.constant 0 : i32
    %dma_start3A_16 = arith.constant 0 : i32
    %dma_start3A_17 = tpu.memref_slice %arg2[%dma_start3A_15, %dma_start3A_16] : memref<10000x128xf32, #tpu.memory_space<hbm>> -> memref<10000x128xf32, #tpu.memory_space<hbm>>
    tpu.enqueue_indirect_dma source(%dma_start3A_17 : memref<10000x128xf32, #tpu.memory_space<hbm>>) target(%arg9 : memref<128x128xf32, #tpu.memory_space<vmem>>) offsets(%dma_start3A_14 : memref<128xi32, #tpu.memory_space<vmem>>) semaphore(%arg12 : memref<!tpu.dma_semaphore, #tpu.memory_space<semaphore_mem>>)
    %dma_start3A_18 = arith.constant 0 : i32
    %dma_start3A_19 = arith.constant 0 : i32
    %dma_start3A_20 = tpu.memref_slice %arg8[%dma_start3A_18, %dma_start3A_19] : memref<2x128xi32, #tpu.memory_space<vmem>> -> memref<1x128xi32, #tpu.memory_space<vmem>>
    %dma_start3A_21 = arith.constant 0 : i32
    %dma_start3A_22 = tpu.memref_slice %arg4[%mul3A_2, %dma_start3A_21] : memref<2500x128xi32, #tpu.memory_space<hbm>> -> memref<1x128xi32, #tpu.memory_space<hbm>>
    %dma_start3A_23 = arith.constant 0 : i32
    %dma_start3A_24 = arith.constant 0 : i32
    %dma_start3A_25 = tpu.memref_slice %arg8[%dma_start3A_23, %dma_start3A_24] : memref<2x128xi32, #tpu.memory_space<vmem>> -> memref<1x128xi32, #tpu.memory_space<vmem>>
    %dma_start3A_26 = arith.constant 0 : i32
    %dma_start3A_27 = tpu.memref_slice %arg4[%mul3A_2, %dma_start3A_26] : memref<2500x128xi32, #tpu.memory_space<hbm>> -> memref<1x128xi32, #tpu.memory_space<hbm>>
    tpu.enqueue_dma source(%dma_start3A_27 : memref<1x128xi32, #tpu.memory_space<hbm>>) target(%dma_start3A_25 : memref<1x128xi32, #tpu.memory_space<vmem>>) target_semaphore(%arg14 : memref<!tpu.dma_semaphore, #tpu.memory_space<semaphore_mem>>)
    %barrier3A = arith.constant 0 : index
    tpu.barrier barrier_id(%barrier3A)
    %scan3A = arith.constant 0 : i32
    %scan3A_28 = arith.constant 39 : i32
    %scan3A_29 = arith.addi %scan3A, %scan3A_28 : i32
    %scan3A_30 = arith.constant 1 : i32
    scf.for %scan3A_47 = %scan3A to %scan3A_29 step %scan3A_30  : i32 {
      %mul3A_48 = arith.constant 2 : i32
      %mul3A_49 = arith.muli %scan3A_47, %mul3A_48 : i32
      %add3A_50 = arith.constant 0 : i32
      %add3A_51 = arith.addi %add3A_50, %mul3A_49 : i32
      %add3A_52 = arith.constant 0 : i32
      %add3A_53 = arith.addi %add3A_51, %add3A_52 : i32
      %add3A_54 = arith.constant 1 : i32
      %add3A_55 = arith.addi %add3A_53, %add3A_54 : i32
      %mul3A_56 = arith.constant 128 : i32
      %mul3A_57 = arith.muli %add3A_55, %mul3A_56 : i32
      %dma_start3A_58 = tpu.memref_slice %arg7[%mul3A_57] : memref<9984xi32, #tpu.memory_space<vmem>> -> memref<128xi32, #tpu.memory_space<vmem>>
      %dma_start3A_59 = arith.constant 0 : i32
      %dma_start3A_60 = arith.constant 0 : i32
      %dma_start3A_61 = tpu.memref_slice %arg2[%dma_start3A_59, %dma_start3A_60] : memref<10000x128xf32, #tpu.memory_space<hbm>> -> memref<10000x128xf32, #tpu.memory_space<hbm>>
      tpu.enqueue_indirect_dma source(%dma_start3A_61 : memref<10000x128xf32, #tpu.memory_space<hbm>>) target(%arg10 : memref<128x128xf32, #tpu.memory_space<vmem>>) offsets(%dma_start3A_58 : memref<128xi32, #tpu.memory_space<vmem>>) semaphore(%arg13 : memref<!tpu.dma_semaphore, #tpu.memory_space<semaphore_mem>>)
      %add3A_62 = arith.addi %mul3A_2, %add3A_55 : i32
      %dma_start3A_63 = arith.constant 1 : i32
      %dma_start3A_64 = arith.constant 0 : i32
      %dma_start3A_65 = tpu.memref_slice %arg8[%dma_start3A_63, %dma_start3A_64] : memref<2x128xi32, #tpu.memory_space<vmem>> -> memref<1x128xi32, #tpu.memory_space<vmem>>
      %dma_start3A_66 = arith.constant 0 : i32
      %dma_start3A_67 = tpu.memref_slice %arg4[%add3A_62, %dma_start3A_66] : memref<2500x128xi32, #tpu.memory_space<hbm>> -> memref<1x128xi32, #tpu.memory_space<hbm>>
      %dma_start3A_68 = arith.constant 1 : i32
      %dma_start3A_69 = arith.constant 0 : i32
      %dma_start3A_70 = tpu.memref_slice %arg8[%dma_start3A_68, %dma_start3A_69] : memref<2x128xi32, #tpu.memory_space<vmem>> -> memref<1x128xi32, #tpu.memory_space<vmem>>
      %dma_start3A_71 = arith.constant 0 : i32
      %dma_start3A_72 = tpu.memref_slice %arg4[%add3A_62, %dma_start3A_71] : memref<2500x128xi32, #tpu.memory_space<hbm>> -> memref<1x128xi32, #tpu.memory_space<hbm>>
      tpu.enqueue_dma source(%dma_start3A_72 : memref<1x128xi32, #tpu.memory_space<hbm>>) target(%dma_start3A_70 : memref<1x128xi32, #tpu.memory_space<vmem>>) target_semaphore(%arg15 : memref<!tpu.dma_semaphore, #tpu.memory_space<semaphore_mem>>)
      %dma_wait3A = arith.constant 0 : i32
      %dma_wait3A_73 = tpu.memref_slice %arg7[%dma_wait3A] : memref<9984xi32, #tpu.memory_space<vmem>> -> memref<128xi32, #tpu.memory_space<vmem>>
      %dma_wait3A_74 = arith.constant 0 : i32
      %dma_wait3A_75 = arith.constant 0 : i32
      %dma_wait3A_76 = tpu.memref_slice %arg2[%dma_wait3A_74, %dma_wait3A_75] : memref<10000x128xf32, #tpu.memory_space<hbm>> -> memref<10000x128xf32, #tpu.memory_space<hbm>>
      tpu.wait_indirect_dma semaphore(%arg12 : memref<!tpu.dma_semaphore, #tpu.memory_space<semaphore_mem>>) src(%dma_wait3A_76 : memref<10000x128xf32, #tpu.memory_space<hbm>>) dst(%arg9 : memref<128x128xf32, #tpu.memory_space<vmem>>)
      %dma_wait3A_77 = arith.constant 0 : i32
      %dma_wait3A_78 = arith.constant 0 : i32
      %dma_wait3A_79 = tpu.memref_slice %arg8[%dma_wait3A_77, %dma_wait3A_78] : memref<2x128xi32, #tpu.memory_space<vmem>> -> memref<1x128xi32, #tpu.memory_space<vmem>>
      %dma_wait3A_80 = arith.constant 0 : i32
      %dma_wait3A_81 = arith.constant 0 : i32
      %dma_wait3A_82 = tpu.memref_slice %arg4[%dma_wait3A_80, %dma_wait3A_81] : memref<2500x128xi32, #tpu.memory_space<hbm>> -> memref<1x128xi32, #tpu.memory_space<hbm>>
      %dma_wait3A_83 = arith.constant 0 : i32
      %dma_wait3A_84 = arith.constant 0 : i32
      %dma_wait3A_85 = tpu.memref_slice %arg8[%dma_wait3A_83, %dma_wait3A_84] : memref<2x128xi32, #tpu.memory_space<vmem>> -> memref<1x128xi32, #tpu.memory_space<vmem>>
      %dma_wait3A_86 = arith.constant 0 : i32
      %dma_wait3A_87 = arith.constant 0 : i32
      %dma_wait3A_88 = tpu.memref_slice %arg4[%dma_wait3A_86, %dma_wait3A_87] : memref<2500x128xi32, #tpu.memory_space<hbm>> -> memref<1x128xi32, #tpu.memory_space<hbm>>
      tpu.wait_dma2 semaphore(%arg14 : memref<!tpu.dma_semaphore, #tpu.memory_space<semaphore_mem>>) src(%dma_wait3A_88 : memref<1x128xi32, #tpu.memory_space<hbm>>) dst(%dma_wait3A_85 : memref<1x128xi32, #tpu.memory_space<vmem>>)
      %run_scoped3A = arith.constant 0 : i32
      "tpu.region"() ({
        %run_scoped3A_116 = tpu.sem_alloc : memref<!tpu.dma_semaphore, #tpu.memory_space<semaphore_mem>>
        %dma_start3A_117 = arith.constant 0 : i32
        %dma_start3A_118 = tpu.memref_slice %arg8[%run_scoped3A, %dma_start3A_117] : memref<2x128xi32, #tpu.memory_space<vmem>> -> memref<1x128xi32, #tpu.memory_space<vmem>>
        %dma_start3A_119 = tpu.memref_squeeze %dma_start3A_118 : memref<1x128xi32, #tpu.memory_space<vmem>> -> memref<128xi32, #tpu.memory_space<vmem>>
        %dma_start3A_120 = arith.constant 0 : i32
        %dma_start3A_121 = arith.constant 0 : i32
        %dma_start3A_122 = tpu.memref_slice %arg11[%dma_start3A_120, %dma_start3A_121] : memref<10000x128xf32, #tpu.memory_space<vmem_shared>> -> memref<10000x128xf32, #tpu.memory_space<vmem_shared>>
        tpu.enqueue_indirect_dma source(%arg9 : memref<128x128xf32, #tpu.memory_space<vmem>>) target(%dma_start3A_122 : memref<10000x128xf32, #tpu.memory_space<vmem_shared>>) offsets(%dma_start3A_119 : memref<128xi32, #tpu.memory_space<vmem>>) semaphore(%run_scoped3A_116 : memref<!tpu.dma_semaphore, #tpu.memory_space<semaphore_mem>>) {add = true}
        %dma_wait3A_123 = arith.constant 0 : i32
        %dma_wait3A_124 = tpu.memref_slice %arg8[%run_scoped3A, %dma_wait3A_123] : memref<2x128xi32, #tpu.memory_space<vmem>> -> memref<1x128xi32, #tpu.memory_space<vmem>>
        %dma_wait3A_125 = tpu.memref_squeeze %dma_wait3A_124 : memref<1x128xi32, #tpu.memory_space<vmem>> -> memref<128xi32, #tpu.memory_space<vmem>>
        %dma_wait3A_126 = arith.constant 0 : i32
        %dma_wait3A_127 = arith.constant 0 : i32
        %dma_wait3A_128 = tpu.memref_slice %arg11[%dma_wait3A_126, %dma_wait3A_127] : memref<10000x128xf32, #tpu.memory_space<vmem_shared>> -> memref<10000x128xf32, #tpu.memory_space<vmem_shared>>
        tpu.wait_indirect_dma semaphore(%run_scoped3A_116 : memref<!tpu.dma_semaphore, #tpu.memory_space<semaphore_mem>>) src(%arg9 : memref<128x128xf32, #tpu.memory_space<vmem>>) dst(%dma_wait3A_128 : memref<10000x128xf32, #tpu.memory_space<vmem_shared>>)
        tpu.yield
      }) : () -> ()
      %add3A_89 = arith.constant 1 : i32
      %add3A_90 = arith.addi %add3A_51, %add3A_89 : i32
      %add3A_91 = arith.constant 1 : i32
      %add3A_92 = arith.addi %add3A_90, %add3A_91 : i32
      %lt3A_93 = arith.constant 76 : i32
      %lt3A_94 = arith.cmpi slt, %add3A_51, %lt3A_93 : i32
      %convert_element_type3A_95 = arith.extui %lt3A_94 : i1 to i32
      %cond3A_96 = arith.constant 0 : i32
      %cond3A_97 = arith.cmpi ne, %convert_element_type3A_95, %cond3A_96 : i32
      scf.if %cond3A_97 {
        %mul3A_116 = arith.constant 128 : i32
        %mul3A_117 = arith.muli %add3A_92, %mul3A_116 : i32
        %dma_start3A_118 = tpu.memref_slice %arg7[%mul3A_117] : memref<9984xi32, #tpu.memory_space<vmem>> -> memref<128xi32, #tpu.memory_space<vmem>>
        %dma_start3A_119 = arith.constant 0 : i32
        %dma_start3A_120 = arith.constant 0 : i32
        %dma_start3A_121 = tpu.memref_slice %arg2[%dma_start3A_119, %dma_start3A_120] : memref<10000x128xf32, #tpu.memory_space<hbm>> -> memref<10000x128xf32, #tpu.memory_space<hbm>>
        tpu.enqueue_indirect_dma source(%dma_start3A_121 : memref<10000x128xf32, #tpu.memory_space<hbm>>) target(%arg9 : memref<128x128xf32, #tpu.memory_space<vmem>>) offsets(%dma_start3A_118 : memref<128xi32, #tpu.memory_space<vmem>>) semaphore(%arg12 : memref<!tpu.dma_semaphore, #tpu.memory_space<semaphore_mem>>)
        %add3A_122 = arith.addi %mul3A_2, %add3A_92 : i32
        %dma_start3A_123 = arith.constant 0 : i32
        %dma_start3A_124 = arith.constant 0 : i32
        %dma_start3A_125 = tpu.memref_slice %arg8[%dma_start3A_123, %dma_start3A_124] : memref<2x128xi32, #tpu.memory_space<vmem>> -> memref<1x128xi32, #tpu.memory_space<vmem>>
        %dma_start3A_126 = arith.constant 0 : i32
        %dma_start3A_127 = tpu.memref_slice %arg4[%add3A_122, %dma_start3A_126] : memref<2500x128xi32, #tpu.memory_space<hbm>> -> memref<1x128xi32, #tpu.memory_space<hbm>>
        %dma_start3A_128 = arith.constant 0 : i32
        %dma_start3A_129 = arith.constant 0 : i32
        %dma_start3A_130 = tpu.memref_slice %arg8[%dma_start3A_128, %dma_start3A_129] : memref<2x128xi32, #tpu.memory_space<vmem>> -> memref<1x128xi32, #tpu.memory_space<vmem>>
        %dma_start3A_131 = arith.constant 0 : i32
        %dma_start3A_132 = tpu.memref_slice %arg4[%add3A_122, %dma_start3A_131] : memref<2500x128xi32, #tpu.memory_space<hbm>> -> memref<1x128xi32, #tpu.memory_space<hbm>>
        tpu.enqueue_dma source(%dma_start3A_132 : memref<1x128xi32, #tpu.memory_space<hbm>>) target(%dma_start3A_130 : memref<1x128xi32, #tpu.memory_space<vmem>>) target_semaphore(%arg14 : memref<!tpu.dma_semaphore, #tpu.memory_space<semaphore_mem>>)
      } else {
      }
      %dma_wait3A_98 = arith.constant 0 : i32
      %dma_wait3A_99 = tpu.memref_slice %arg7[%dma_wait3A_98] : memref<9984xi32, #tpu.memory_space<vmem>> -> memref<128xi32, #tpu.memory_space<vmem>>
      %dma_wait3A_100 = arith.constant 0 : i32
      %dma_wait3A_101 = arith.constant 0 : i32
      %dma_wait3A_102 = tpu.memref_slice %arg2[%dma_wait3A_100, %dma_wait3A_101] : memref<10000x128xf32, #tpu.memory_space<hbm>> -> memref<10000x128xf32, #tpu.memory_space<hbm>>
      tpu.wait_indirect_dma semaphore(%arg13 : memref<!tpu.dma_semaphore, #tpu.memory_space<semaphore_mem>>) src(%dma_wait3A_102 : memref<10000x128xf32, #tpu.memory_space<hbm>>) dst(%arg10 : memref<128x128xf32, #tpu.memory_space<vmem>>)
      %dma_wait3A_103 = arith.constant 1 : i32
      %dma_wait3A_104 = arith.constant 0 : i32
      %dma_wait3A_105 = tpu.memref_slice %arg8[%dma_wait3A_103, %dma_wait3A_104] : memref<2x128xi32, #tpu.memory_space<vmem>> -> memref<1x128xi32, #tpu.memory_space<vmem>>
      %dma_wait3A_106 = arith.constant 0 : i32
      %dma_wait3A_107 = arith.constant 0 : i32
      %dma_wait3A_108 = tpu.memref_slice %arg4[%dma_wait3A_106, %dma_wait3A_107] : memref<2500x128xi32, #tpu.memory_space<hbm>> -> memref<1x128xi32, #tpu.memory_space<hbm>>
      %dma_wait3A_109 = arith.constant 1 : i32
      %dma_wait3A_110 = arith.constant 0 : i32
      %dma_wait3A_111 = tpu.memref_slice %arg8[%dma_wait3A_109, %dma_wait3A_110] : memref<2x128xi32, #tpu.memory_space<vmem>> -> memref<1x128xi32, #tpu.memory_space<vmem>>
      %dma_wait3A_112 = arith.constant 0 : i32
      %dma_wait3A_113 = arith.constant 0 : i32
      %dma_wait3A_114 = tpu.memref_slice %arg4[%dma_wait3A_112, %dma_wait3A_113] : memref<2500x128xi32, #tpu.memory_space<hbm>> -> memref<1x128xi32, #tpu.memory_space<hbm>>
      tpu.wait_dma2 semaphore(%arg15 : memref<!tpu.dma_semaphore, #tpu.memory_space<semaphore_mem>>) src(%dma_wait3A_114 : memref<1x128xi32, #tpu.memory_space<hbm>>) dst(%dma_wait3A_111 : memref<1x128xi32, #tpu.memory_space<vmem>>)
      %run_scoped3A_115 = arith.constant 1 : i32
      "tpu.region"() ({
        %run_scoped3A_116 = tpu.sem_alloc : memref<!tpu.dma_semaphore, #tpu.memory_space<semaphore_mem>>
        %dma_start3A_117 = arith.constant 0 : i32
        %dma_start3A_118 = tpu.memref_slice %arg8[%run_scoped3A_115, %dma_start3A_117] : memref<2x128xi32, #tpu.memory_space<vmem>> -> memref<1x128xi32, #tpu.memory_space<vmem>>
        %dma_start3A_119 = tpu.memref_squeeze %dma_start3A_118 : memref<1x128xi32, #tpu.memory_space<vmem>> -> memref<128xi32, #tpu.memory_space<vmem>>
        %dma_start3A_120 = arith.constant 0 : i32
        %dma_start3A_121 = arith.constant 0 : i32
        %dma_start3A_122 = tpu.memref_slice %arg11[%dma_start3A_120, %dma_start3A_121] : memref<10000x128xf32, #tpu.memory_space<vmem_shared>> -> memref<10000x128xf32, #tpu.memory_space<vmem_shared>>
        tpu.enqueue_indirect_dma source(%arg10 : memref<128x128xf32, #tpu.memory_space<vmem>>) target(%dma_start3A_122 : memref<10000x128xf32, #tpu.memory_space<vmem_shared>>) offsets(%dma_start3A_119 : memref<128xi32, #tpu.memory_space<vmem>>) semaphore(%run_scoped3A_116 : memref<!tpu.dma_semaphore, #tpu.memory_space<semaphore_mem>>) {add = true}
        %dma_wait3A_123 = arith.constant 0 : i32
        %dma_wait3A_124 = tpu.memref_slice %arg8[%run_scoped3A_115, %dma_wait3A_123] : memref<2x128xi32, #tpu.memory_space<vmem>> -> memref<1x128xi32, #tpu.memory_space<vmem>>
        %dma_wait3A_125 = tpu.memref_squeeze %dma_wait3A_124 : memref<1x128xi32, #tpu.memory_space<vmem>> -> memref<128xi32, #tpu.memory_space<vmem>>
        %dma_wait3A_126 = arith.constant 0 : i32
        %dma_wait3A_127 = arith.constant 0 : i32
        %dma_wait3A_128 = tpu.memref_slice %arg11[%dma_wait3A_126, %dma_wait3A_127] : memref<10000x128xf32, #tpu.memory_space<vmem_shared>> -> memref<10000x128xf32, #tpu.memory_space<vmem_shared>>
        tpu.wait_indirect_dma semaphore(%run_scoped3A_116 : memref<!tpu.dma_semaphore, #tpu.memory_space<semaphore_mem>>) src(%arg10 : memref<128x128xf32, #tpu.memory_space<vmem>>) dst(%dma_wait3A_128 : memref<10000x128xf32, #tpu.memory_space<vmem_shared>>)
        tpu.yield
      }) : () -> ()
    }
    %scan3A_31 = arith.constant 39 : i32
    %lt3A = arith.constant 4 : i32
    %lt3A_32 = arith.cmpi slt, %add3A, %lt3A : i32
    %convert_element_type3A_33 = arith.extui %lt3A_32 : i1 to i32
    %cond3A_34 = arith.constant 0 : i32
    %cond3A_35 = arith.cmpi ne, %convert_element_type3A_33, %cond3A_34 : i32
    scf.if %cond3A_35 {
      %add3A_47 = arith.constant 2496 : i32
      %add3A_48 = arith.addi %add3A_47, %add3A : i32
      %mul3A_49 = arith.constant 128 : i32
      %mul3A_50 = arith.muli %add3A_48, %mul3A_49 : i32
      "tpu.region"() ({
        %run_scoped3A_60 = tpu.sem_alloc : memref<!tpu.dma_semaphore, #tpu.memory_space<semaphore_mem>>
        %dma_start3A_61 = arith.constant 0 : i32
        %dma_start3A_62 = tpu.memref_slice %arg7[%dma_start3A_61] : memref<9984xi32, #tpu.memory_space<vmem>> -> memref<128xi32, #tpu.memory_space<vmem>>
        %dma_start3A_63 = tpu.memref_slice %arg3[%mul3A_50] : memref<320000xi32, #tpu.memory_space<hbm>> -> memref<128xi32, #tpu.memory_space<hbm>>
        %dma_start3A_64 = arith.constant 0 : i32
        %dma_start3A_65 = tpu.memref_slice %arg7[%dma_start3A_64] : memref<9984xi32, #tpu.memory_space<vmem>> -> memref<128xi32, #tpu.memory_space<vmem>>
        %dma_start3A_66 = tpu.memref_slice %arg3[%mul3A_50] : memref<320000xi32, #tpu.memory_space<hbm>> -> memref<128xi32, #tpu.memory_space<hbm>>
        tpu.enqueue_dma source(%dma_start3A_66 : memref<128xi32, #tpu.memory_space<hbm>>) target(%dma_start3A_65 : memref<128xi32, #tpu.memory_space<vmem>>) target_semaphore(%run_scoped3A_60 : memref<!tpu.dma_semaphore, #tpu.memory_space<semaphore_mem>>)
        %dma_wait3A_67 = arith.constant 0 : i32
        %dma_wait3A_68 = tpu.memref_slice %arg7[%dma_wait3A_67] : memref<9984xi32, #tpu.memory_space<vmem>> -> memref<128xi32, #tpu.memory_space<vmem>>
        %dma_wait3A_69 = tpu.memref_slice %arg3[%mul3A_50] : memref<320000xi32, #tpu.memory_space<hbm>> -> memref<128xi32, #tpu.memory_space<hbm>>
        %dma_wait3A_70 = arith.constant 0 : i32
        %dma_wait3A_71 = tpu.memref_slice %arg7[%dma_wait3A_70] : memref<9984xi32, #tpu.memory_space<vmem>> -> memref<128xi32, #tpu.memory_space<vmem>>
        %dma_wait3A_72 = tpu.memref_slice %arg3[%mul3A_50] : memref<320000xi32, #tpu.memory_space<hbm>> -> memref<128xi32, #tpu.memory_space<hbm>>
        tpu.wait_dma2 semaphore(%run_scoped3A_60 : memref<!tpu.dma_semaphore, #tpu.memory_space<semaphore_mem>>) src(%dma_wait3A_72 : memref<128xi32, #tpu.memory_space<hbm>>) dst(%dma_wait3A_71 : memref<128xi32, #tpu.memory_space<vmem>>)
        tpu.yield
      }) : () -> ()
      "tpu.region"() ({
        %run_scoped3A_60 = tpu.sem_alloc : memref<!tpu.dma_semaphore, #tpu.memory_space<semaphore_mem>>
        %dma_start3A_61 = arith.constant 0 : i32
        %dma_start3A_62 = arith.constant 0 : i32
        %dma_start3A_63 = tpu.memref_slice %arg8[%dma_start3A_61, %dma_start3A_62] : memref<2x128xi32, #tpu.memory_space<vmem>> -> memref<1x128xi32, #tpu.memory_space<vmem>>
        %dma_start3A_64 = arith.constant 0 : i32
        %dma_start3A_65 = tpu.memref_slice %arg4[%add3A_48, %dma_start3A_64] : memref<2500x128xi32, #tpu.memory_space<hbm>> -> memref<1x128xi32, #tpu.memory_space<hbm>>
        %dma_start3A_66 = arith.constant 0 : i32
        %dma_start3A_67 = arith.constant 0 : i32
        %dma_start3A_68 = tpu.memref_slice %arg8[%dma_start3A_66, %dma_start3A_67] : memref<2x128xi32, #tpu.memory_space<vmem>> -> memref<1x128xi32, #tpu.memory_space<vmem>>
        %dma_start3A_69 = arith.constant 0 : i32
        %dma_start3A_70 = tpu.memref_slice %arg4[%add3A_48, %dma_start3A_69] : memref<2500x128xi32, #tpu.memory_space<hbm>> -> memref<1x128xi32, #tpu.memory_space<hbm>>
        tpu.enqueue_dma source(%dma_start3A_70 : memref<1x128xi32, #tpu.memory_space<hbm>>) target(%dma_start3A_68 : memref<1x128xi32, #tpu.memory_space<vmem>>) target_semaphore(%run_scoped3A_60 : memref<!tpu.dma_semaphore, #tpu.memory_space<semaphore_mem>>)
        %dma_wait3A_71 = arith.constant 0 : i32
        %dma_wait3A_72 = arith.constant 0 : i32
        %dma_wait3A_73 = tpu.memref_slice %arg8[%dma_wait3A_71, %dma_wait3A_72] : memref<2x128xi32, #tpu.memory_space<vmem>> -> memref<1x128xi32, #tpu.memory_space<vmem>>
        %dma_wait3A_74 = arith.constant 0 : i32
        %dma_wait3A_75 = tpu.memref_slice %arg4[%add3A_48, %dma_wait3A_74] : memref<2500x128xi32, #tpu.memory_space<hbm>> -> memref<1x128xi32, #tpu.memory_space<hbm>>
        %dma_wait3A_76 = arith.constant 0 : i32
        %dma_wait3A_77 = arith.constant 0 : i32
        %dma_wait3A_78 = tpu.memref_slice %arg8[%dma_wait3A_76, %dma_wait3A_77] : memref<2x128xi32, #tpu.memory_space<vmem>> -> memref<1x128xi32, #tpu.memory_space<vmem>>
        %dma_wait3A_79 = arith.constant 0 : i32
        %dma_wait3A_80 = tpu.memref_slice %arg4[%add3A_48, %dma_wait3A_79] : memref<2500x128xi32, #tpu.memory_space<hbm>> -> memref<1x128xi32, #tpu.memory_space<hbm>>
        tpu.wait_dma2 semaphore(%run_scoped3A_60 : memref<!tpu.dma_semaphore, #tpu.memory_space<semaphore_mem>>) src(%dma_wait3A_80 : memref<1x128xi32, #tpu.memory_space<hbm>>) dst(%dma_wait3A_78 : memref<1x128xi32, #tpu.memory_space<vmem>>)
        tpu.yield
      }) : () -> ()
      %dma_start3A_51 = arith.constant 0 : i32
      %dma_start3A_52 = tpu.memref_slice %arg7[%dma_start3A_51] : memref<9984xi32, #tpu.memory_space<vmem>> -> memref<128xi32, #tpu.memory_space<vmem>>
      %dma_start3A_53 = arith.constant 0 : i32
      %dma_start3A_54 = arith.constant 0 : i32
      %dma_start3A_55 = tpu.memref_slice %arg2[%dma_start3A_53, %dma_start3A_54] : memref<10000x128xf32, #tpu.memory_space<hbm>> -> memref<10000x128xf32, #tpu.memory_space<hbm>>
      tpu.enqueue_indirect_dma source(%dma_start3A_55 : memref<10000x128xf32, #tpu.memory_space<hbm>>) target(%arg9 : memref<128x128xf32, #tpu.memory_space<vmem>>) offsets(%dma_start3A_52 : memref<128xi32, #tpu.memory_space<vmem>>) semaphore(%arg12 : memref<!tpu.dma_semaphore, #tpu.memory_space<semaphore_mem>>)
      %dma_wait3A = arith.constant 0 : i32
      %dma_wait3A_56 = tpu.memref_slice %arg7[%dma_wait3A] : memref<9984xi32, #tpu.memory_space<vmem>> -> memref<128xi32, #tpu.memory_space<vmem>>
      %dma_wait3A_57 = arith.constant 0 : i32
      %dma_wait3A_58 = arith.constant 0 : i32
      %dma_wait3A_59 = tpu.memref_slice %arg2[%dma_wait3A_57, %dma_wait3A_58] : memref<10000x128xf32, #tpu.memory_space<hbm>> -> memref<10000x128xf32, #tpu.memory_space<hbm>>
      tpu.wait_indirect_dma semaphore(%arg12 : memref<!tpu.dma_semaphore, #tpu.memory_space<semaphore_mem>>) src(%dma_wait3A_59 : memref<10000x128xf32, #tpu.memory_space<hbm>>) dst(%arg9 : memref<128x128xf32, #tpu.memory_space<vmem>>)
      %run_scoped3A = arith.constant 0 : i32
      "tpu.region"() ({
        %run_scoped3A_60 = tpu.sem_alloc : memref<!tpu.dma_semaphore, #tpu.memory_space<semaphore_mem>>
        %dma_start3A_61 = arith.constant 0 : i32
        %dma_start3A_62 = tpu.memref_slice %arg8[%run_scoped3A, %dma_start3A_61] : memref<2x128xi32, #tpu.memory_space<vmem>> -> memref<1x128xi32, #tpu.memory_space<vmem>>
        %dma_start3A_63 = tpu.memref_squeeze %dma_start3A_62 : memref<1x128xi32, #tpu.memory_space<vmem>> -> memref<128xi32, #tpu.memory_space<vmem>>
        %dma_start3A_64 = arith.constant 0 : i32
        %dma_start3A_65 = arith.constant 0 : i32
        %dma_start3A_66 = tpu.memref_slice %arg11[%dma_start3A_64, %dma_start3A_65] : memref<10000x128xf32, #tpu.memory_space<vmem_shared>> -> memref<10000x128xf32, #tpu.memory_space<vmem_shared>>
        tpu.enqueue_indirect_dma source(%arg9 : memref<128x128xf32, #tpu.memory_space<vmem>>) target(%dma_start3A_66 : memref<10000x128xf32, #tpu.memory_space<vmem_shared>>) offsets(%dma_start3A_63 : memref<128xi32, #tpu.memory_space<vmem>>) semaphore(%run_scoped3A_60 : memref<!tpu.dma_semaphore, #tpu.memory_space<semaphore_mem>>) {add = true}
        %dma_wait3A_67 = arith.constant 0 : i32
        %dma_wait3A_68 = tpu.memref_slice %arg8[%run_scoped3A, %dma_wait3A_67] : memref<2x128xi32, #tpu.memory_space<vmem>> -> memref<1x128xi32, #tpu.memory_space<vmem>>
        %dma_wait3A_69 = tpu.memref_squeeze %dma_wait3A_68 : memref<1x128xi32, #tpu.memory_space<vmem>> -> memref<128xi32, #tpu.memory_space<vmem>>
        %dma_wait3A_70 = arith.constant 0 : i32
        %dma_wait3A_71 = arith.constant 0 : i32
        %dma_wait3A_72 = tpu.memref_slice %arg11[%dma_wait3A_70, %dma_wait3A_71] : memref<10000x128xf32, #tpu.memory_space<vmem_shared>> -> memref<10000x128xf32, #tpu.memory_space<vmem_shared>>
        tpu.wait_indirect_dma semaphore(%run_scoped3A_60 : memref<!tpu.dma_semaphore, #tpu.memory_space<semaphore_mem>>) src(%arg9 : memref<128x128xf32, #tpu.memory_space<vmem>>) dst(%dma_wait3A_72 : memref<10000x128xf32, #tpu.memory_space<vmem_shared>>)
        tpu.yield
      }) : () -> ()
    } else {
    }
    %barrier3A_36 = arith.constant 0 : index
    tpu.barrier barrier_id(%barrier3A_36)
    %eq3A_37 = arith.constant 0 : i32
    %eq3A_38 = arith.cmpi eq, %arg0, %eq3A_37 : i32
    %convert_element_type3A_39 = arith.extui %eq3A_38 : i1 to i32
    %cond3A_40 = arith.constant 0 : i32
    %cond3A_41 = arith.cmpi ne, %convert_element_type3A_39, %cond3A_40 : i32
    scf.if %cond3A_41 {
      "tpu.region"() ({
        %run_scoped3A = tpu.sem_alloc : memref<!tpu.dma_semaphore, #tpu.memory_space<semaphore_mem>>
        %dma_start3A_52 = arith.constant 0 : i32
        %dma_start3A_53 = tpu.memref_slice %arg5[%mul3A_4, %dma_start3A_52] : memref<10000x128xf32, #tpu.memory_space<hbm>> -> memref<624x128xf32, #tpu.memory_space<hbm>>
        %dma_start3A_54 = arith.constant 0 : i32
        %dma_start3A_55 = tpu.memref_slice %arg11[%mul3A_4, %dma_start3A_54] : memref<10000x128xf32, #tpu.memory_space<vmem_shared>> -> memref<624x128xf32, #tpu.memory_space<vmem_shared>>
        tpu.enqueue_dma source(%dma_start3A_55 : memref<624x128xf32, #tpu.memory_space<vmem_shared>>) target(%dma_start3A_53 : memref<624x128xf32, #tpu.memory_space<hbm>>) target_semaphore(%run_scoped3A : memref<!tpu.dma_semaphore, #tpu.memory_space<semaphore_mem>>)
        %dma_wait3A = arith.constant 0 : i32
        %dma_wait3A_56 = tpu.memref_slice %arg5[%mul3A_4, %dma_wait3A] : memref<10000x128xf32, #tpu.memory_space<hbm>> -> memref<624x128xf32, #tpu.memory_space<hbm>>
        %dma_wait3A_57 = arith.constant 0 : i32
        %dma_wait3A_58 = tpu.memref_slice %arg11[%mul3A_4, %dma_wait3A_57] : memref<10000x128xf32, #tpu.memory_space<vmem_shared>> -> memref<624x128xf32, #tpu.memory_space<vmem_shared>>
        tpu.wait_dma2 semaphore(%run_scoped3A : memref<!tpu.dma_semaphore, #tpu.memory_space<semaphore_mem>>) src(%dma_wait3A_58 : memref<624x128xf32, #tpu.memory_space<vmem_shared>>) dst(%dma_wait3A_56 : memref<624x128xf32, #tpu.memory_space<hbm>>)
        tpu.yield
      }) : () -> ()
      %eq3A_47 = arith.constant 15 : i32
      %eq3A_48 = arith.cmpi eq, %arg1, %eq3A_47 : i32
      %convert_element_type3A_49 = arith.extui %eq3A_48 : i1 to i32
      %cond3A_50 = arith.constant 0 : i32
      %cond3A_51 = arith.cmpi ne, %convert_element_type3A_49, %cond3A_50 : i32
      scf.if %cond3A_51 {
        "tpu.region"() ({
          %run_scoped3A = tpu.sem_alloc : memref<!tpu.dma_semaphore, #tpu.memory_space<semaphore_mem>>
          %dma_start3A_52 = arith.constant 9984 : i32
          %dma_start3A_53 = arith.constant 0 : i32
          %dma_start3A_54 = tpu.memref_slice %arg5[%dma_start3A_52, %dma_start3A_53] : memref<10000x128xf32, #tpu.memory_space<hbm>> -> memref<16x128xf32, #tpu.memory_space<hbm>>
          %dma_start3A_55 = arith.constant 9984 : i32
          %dma_start3A_56 = arith.constant 0 : i32
          %dma_start3A_57 = tpu.memref_slice %arg11[%dma_start3A_55, %dma_start3A_56] : memref<10000x128xf32, #tpu.memory_space<vmem_shared>> -> memref<16x128xf32, #tpu.memory_space<vmem_shared>>
          tpu.enqueue_dma source(%dma_start3A_57 : memref<16x128xf32, #tpu.memory_space<vmem_shared>>) target(%dma_start3A_54 : memref<16x128xf32, #tpu.memory_space<hbm>>) target_semaphore(%run_scoped3A : memref<!tpu.dma_semaphore, #tpu.memory_space<semaphore_mem>>)
          %dma_wait3A = arith.constant 9984 : i32
          %dma_wait3A_58 = arith.constant 0 : i32
          %dma_wait3A_59 = tpu.memref_slice %arg5[%dma_wait3A, %dma_wait3A_58] : memref<10000x128xf32, #tpu.memory_space<hbm>> -> memref<16x128xf32, #tpu.memory_space<hbm>>
          %dma_wait3A_60 = arith.constant 9984 : i32
          %dma_wait3A_61 = arith.constant 0 : i32
          %dma_wait3A_62 = tpu.memref_slice %arg11[%dma_wait3A_60, %dma_wait3A_61] : memref<10000x128xf32, #tpu.memory_space<vmem_shared>> -> memref<16x128xf32, #tpu.memory_space<vmem_shared>>
          tpu.wait_dma2 semaphore(%run_scoped3A : memref<!tpu.dma_semaphore, #tpu.memory_space<semaphore_mem>>) src(%dma_wait3A_62 : memref<16x128xf32, #tpu.memory_space<vmem_shared>>) dst(%dma_wait3A_59 : memref<16x128xf32, #tpu.memory_space<hbm>>)
          tpu.yield
        }) : () -> ()
      } else {
      }
    } else {
    }
    %eq3A_42 = arith.constant 1 : i32
    %eq3A_43 = arith.cmpi eq, %arg0, %eq3A_42 : i32
    %convert_element_type3A_44 = arith.extui %eq3A_43 : i1 to i32
    %cond3A_45 = arith.constant 0 : i32
    %cond3A_46 = arith.cmpi ne, %convert_element_type3A_44, %cond3A_45 : i32
    scf.if %cond3A_46 {
      "tpu.region"() ({
        %run_scoped3A = tpu.sem_alloc : memref<!tpu.dma_semaphore, #tpu.memory_space<semaphore_mem>>
        %dma_start3A_52 = arith.constant 0 : i32
        %dma_start3A_53 = tpu.memref_slice %arg6[%mul3A_4, %dma_start3A_52] : memref<10000x128xf32, #tpu.memory_space<hbm>> -> memref<624x128xf32, #tpu.memory_space<hbm>>
        %dma_start3A_54 = arith.constant 0 : i32
        %dma_start3A_55 = tpu.memref_slice %arg11[%mul3A_4, %dma_start3A_54] : memref<10000x128xf32, #tpu.memory_space<vmem_shared>> -> memref<624x128xf32, #tpu.memory_space<vmem_shared>>
        tpu.enqueue_dma source(%dma_start3A_55 : memref<624x128xf32, #tpu.memory_space<vmem_shared>>) target(%dma_start3A_53 : memref<624x128xf32, #tpu.memory_space<hbm>>) target_semaphore(%run_scoped3A : memref<!tpu.dma_semaphore, #tpu.memory_space<semaphore_mem>>)
        %dma_wait3A = arith.constant 0 : i32
        %dma_wait3A_56 = tpu.memref_slice %arg6[%mul3A_4, %dma_wait3A] : memref<10000x128xf32, #tpu.memory_space<hbm>> -> memref<624x128xf32, #tpu.memory_space<hbm>>
        %dma_wait3A_57 = arith.constant 0 : i32
        %dma_wait3A_58 = tpu.memref_slice %arg11[%mul3A_4, %dma_wait3A_57] : memref<10000x128xf32, #tpu.memory_space<vmem_shared>> -> memref<624x128xf32, #tpu.memory_space<vmem_shared>>
        tpu.wait_dma2 semaphore(%run_scoped3A : memref<!tpu.dma_semaphore, #tpu.memory_space<semaphore_mem>>) src(%dma_wait3A_58 : memref<624x128xf32, #tpu.memory_space<vmem_shared>>) dst(%dma_wait3A_56 : memref<624x128xf32, #tpu.memory_space<hbm>>)
        tpu.yield
      }) : () -> ()
      %eq3A_47 = arith.constant 15 : i32
      %eq3A_48 = arith.cmpi eq, %arg1, %eq3A_47 : i32
      %convert_element_type3A_49 = arith.extui %eq3A_48 : i1 to i32
      %cond3A_50 = arith.constant 0 : i32
      %cond3A_51 = arith.cmpi ne, %convert_element_type3A_49, %cond3A_50 : i32
      scf.if %cond3A_51 {
        "tpu.region"() ({
          %run_scoped3A = tpu.sem_alloc : memref<!tpu.dma_semaphore, #tpu.memory_space<semaphore_mem>>
          %dma_start3A_52 = arith.constant 9984 : i32
          %dma_start3A_53 = arith.constant 0 : i32
          %dma_start3A_54 = tpu.memref_slice %arg6[%dma_start3A_52, %dma_start3A_53] : memref<10000x128xf32, #tpu.memory_space<hbm>> -> memref<16x128xf32, #tpu.memory_space<hbm>>
          %dma_start3A_55 = arith.constant 9984 : i32
          %dma_start3A_56 = arith.constant 0 : i32
          %dma_start3A_57 = tpu.memref_slice %arg11[%dma_start3A_55, %dma_start3A_56] : memref<10000x128xf32, #tpu.memory_space<vmem_shared>> -> memref<16x128xf32, #tpu.memory_space<vmem_shared>>
          tpu.enqueue_dma source(%dma_start3A_57 : memref<16x128xf32, #tpu.memory_space<vmem_shared>>) target(%dma_start3A_54 : memref<16x128xf32, #tpu.memory_space<hbm>>) target_semaphore(%run_scoped3A : memref<!tpu.dma_semaphore, #tpu.memory_space<semaphore_mem>>)
          %dma_wait3A = arith.constant 9984 : i32
          %dma_wait3A_58 = arith.constant 0 : i32
          %dma_wait3A_59 = tpu.memref_slice %arg6[%dma_wait3A, %dma_wait3A_58] : memref<10000x128xf32, #tpu.memory_space<hbm>> -> memref<16x128xf32, #tpu.memory_space<hbm>>
          %dma_wait3A_60 = arith.constant 9984 : i32
          %dma_wait3A_61 = arith.constant 0 : i32
          %dma_wait3A_62 = tpu.memref_slice %arg11[%dma_wait3A_60, %dma_wait3A_61] : memref<10000x128xf32, #tpu.memory_space<vmem_shared>> -> memref<16x128xf32, #tpu.memory_space<vmem_shared>>
          tpu.wait_dma2 semaphore(%run_scoped3A : memref<!tpu.dma_semaphore, #tpu.memory_space<semaphore_mem>>) src(%dma_wait3A_62 : memref<16x128xf32, #tpu.memory_space<vmem_shared>>) dst(%dma_wait3A_59 : memref<16x128xf32, #tpu.memory_space<hbm>>)
          tpu.yield
        }) : () -> ()
      } else {
      }
    } else {
    }
    return
  }
}

module attributes {stable_mosaic.version = 14 : i64} {
  func.func @body(%arg0: i32, %arg1: memref<10000x128xf32, #tpu.memory_space<hbm>>, %arg2: memref<10000x128xf32, #tpu.memory_space<hbm>>, %arg3: memref<128x64xf32, #tpu.memory_space<vmem>>, %arg4: memref<1x64xf32, #tpu.memory_space<vmem>>, %arg5: memref<64x64xf32, #tpu.memory_space<vmem>>, %arg6: memref<1x64xf32, #tpu.memory_space<vmem>>, %arg7: memref<10000x64xf32, #tpu.memory_space<hbm>>, %arg8: memref<1000x128xf32, #tpu.memory_space<vmem>>, %arg9: memref<1000x128xf32, #tpu.memory_space<vmem>>, %arg10: memref<1000x128xf32, #tpu.memory_space<vmem>>, %arg11: memref<1000x128xf32, #tpu.memory_space<vmem>>, %arg12: memref<1000x64xf32, #tpu.memory_space<vmem>>, %arg13: memref<1000x64xf32, #tpu.memory_space<vmem>>, %arg14: memref<!tpu.dma_semaphore, #tpu.memory_space<semaphore_mem>>, %arg15: memref<!tpu.dma_semaphore, #tpu.memory_space<semaphore_mem>>, %arg16: memref<!tpu.dma_semaphore, #tpu.memory_space<semaphore_mem>>, %arg17: memref<!tpu.dma_semaphore, #tpu.memory_space<semaphore_mem>>, %arg18: memref<!tpu.dma_semaphore, #tpu.memory_space<semaphore_mem>>, %arg19: memref<!tpu.dma_semaphore, #tpu.memory_space<semaphore_mem>>) attributes {dimension_semantics = [#tpu.dimension_semantics<arbitrary>], iteration_bounds = array<i64: 5>, scalar_prefetch = 0 : i64, scratch_operands = 12 : i64, tpu.core_type = #tpu.core_type<tc>, window_params = [{}, {}, {pipeline_mode = #tpu.pipeline_mode<synchronous>, transform_indices = @transform_2, window_bounds = array<i64: 128, 64>}, {pipeline_mode = #tpu.pipeline_mode<synchronous>, transform_indices = @transform_3, window_bounds = array<i64: 1, 64>}, {pipeline_mode = #tpu.pipeline_mode<synchronous>, transform_indices = @transform_4, window_bounds = array<i64: 64, 64>}, {pipeline_mode = #tpu.pipeline_mode<synchronous>, transform_indices = @transform_5, window_bounds = array<i64: 1, 64>}, {}]} {
    %eq3A = arith.constant 0 : i32
    %eq3A_0 = arith.cmpi eq, %arg0, %eq3A : i32
    %convert_element_type3A = arith.extui %eq3A_0 : i1 to i32
    %cond3A = arith.constant 0 : i32
    %cond3A_1 = arith.cmpi ne, %convert_element_type3A, %cond3A : i32
    scf.if %cond3A_1 {
      %dma_start3A_117 = arith.constant 0 : i32
      %dma_start3A_118 = arith.constant 0 : i32
      %dma_start3A_119 = tpu.memref_slice %arg1[%dma_start3A_117, %dma_start3A_118] : memref<10000x128xf32, #tpu.memory_space<hbm>> -> memref<1000x128xf32, #tpu.memory_space<hbm>>
      tpu.enqueue_dma source(%dma_start3A_119 : memref<1000x128xf32, #tpu.memory_space<hbm>>) target(%arg8 : memref<1000x128xf32, #tpu.memory_space<vmem>>) target_semaphore(%arg14 : memref<!tpu.dma_semaphore, #tpu.memory_space<semaphore_mem>>)
      %dma_start3A_120 = arith.constant 0 : i32
      %dma_start3A_121 = arith.constant 0 : i32
      %dma_start3A_122 = tpu.memref_slice %arg2[%dma_start3A_120, %dma_start3A_121] : memref<10000x128xf32, #tpu.memory_space<hbm>> -> memref<1000x128xf32, #tpu.memory_space<hbm>>
      tpu.enqueue_dma source(%dma_start3A_122 : memref<1000x128xf32, #tpu.memory_space<hbm>>) target(%arg10 : memref<1000x128xf32, #tpu.memory_space<vmem>>) target_semaphore(%arg16 : memref<!tpu.dma_semaphore, #tpu.memory_space<semaphore_mem>>)
      %dma_start3A_123 = arith.constant 1000 : i32
      %dma_start3A_124 = arith.constant 0 : i32
      %dma_start3A_125 = tpu.memref_slice %arg1[%dma_start3A_123, %dma_start3A_124] : memref<10000x128xf32, #tpu.memory_space<hbm>> -> memref<1000x128xf32, #tpu.memory_space<hbm>>
      tpu.enqueue_dma source(%dma_start3A_125 : memref<1000x128xf32, #tpu.memory_space<hbm>>) target(%arg9 : memref<1000x128xf32, #tpu.memory_space<vmem>>) target_semaphore(%arg15 : memref<!tpu.dma_semaphore, #tpu.memory_space<semaphore_mem>>)
      %dma_start3A_126 = arith.constant 1000 : i32
      %dma_start3A_127 = arith.constant 0 : i32
      %dma_start3A_128 = tpu.memref_slice %arg2[%dma_start3A_126, %dma_start3A_127] : memref<10000x128xf32, #tpu.memory_space<hbm>> -> memref<1000x128xf32, #tpu.memory_space<hbm>>
      tpu.enqueue_dma source(%dma_start3A_128 : memref<1000x128xf32, #tpu.memory_space<hbm>>) target(%arg11 : memref<1000x128xf32, #tpu.memory_space<vmem>>) target_semaphore(%arg17 : memref<!tpu.dma_semaphore, #tpu.memory_space<semaphore_mem>>)
    } else {
    }
    %mul3A = arith.constant 2 : i32
    %mul3A_2 = arith.muli %mul3A, %arg0 : i32
    %add3A = arith.constant 0 : i32
    %add3A_3 = arith.addi %mul3A_2, %add3A : i32
    %dma_wait3A = arith.constant 0 : i32
    %dma_wait3A_4 = arith.constant 0 : i32
    %dma_wait3A_5 = tpu.memref_slice %arg1[%dma_wait3A, %dma_wait3A_4] : memref<10000x128xf32, #tpu.memory_space<hbm>> -> memref<1000x128xf32, #tpu.memory_space<hbm>>
    tpu.wait_dma2 semaphore(%arg14 : memref<!tpu.dma_semaphore, #tpu.memory_space<semaphore_mem>>) src(%dma_wait3A_5 : memref<1000x128xf32, #tpu.memory_space<hbm>>) dst(%arg8 : memref<1000x128xf32, #tpu.memory_space<vmem>>)
    %dma_wait3A_6 = arith.constant 0 : i32
    %dma_wait3A_7 = arith.constant 0 : i32
    %dma_wait3A_8 = tpu.memref_slice %arg2[%dma_wait3A_6, %dma_wait3A_7] : memref<10000x128xf32, #tpu.memory_space<hbm>> -> memref<1000x128xf32, #tpu.memory_space<hbm>>
    tpu.wait_dma2 semaphore(%arg16 : memref<!tpu.dma_semaphore, #tpu.memory_space<semaphore_mem>>) src(%dma_wait3A_8 : memref<1000x128xf32, #tpu.memory_space<hbm>>) dst(%arg10 : memref<1000x128xf32, #tpu.memory_space<vmem>>)
    %get3A = arith.constant 0 : index
    %get3A_9 = arith.constant 0 : index
    %get3A_10 = vector.load %arg8[%get3A, %get3A_9] : memref<1000x128xf32, #tpu.memory_space<vmem>>, vector<1000x128xf32>
    %get3A_11 = arith.constant 0 : index
    %get3A_12 = arith.constant 0 : index
    %get3A_13 = vector.load %arg10[%get3A_11, %get3A_12] : memref<1000x128xf32, #tpu.memory_space<vmem>>, vector<1000x128xf32>
    %add3A_14 = arith.addf %get3A_10, %get3A_13 : vector<1000x128xf32>
    %get3A_15 = arith.constant 0 : index
    %get3A_16 = arith.constant 0 : index
    %get3A_17 = vector.load %arg3[%get3A_15, %get3A_16] : memref<128x64xf32, #tpu.memory_space<vmem>>, vector<128x64xf32>
    %dot_general3A = arith.constant dense<0.000000e+00> : vector<1000x64xf32>
    %dot_general3A_18 = tpu.matmul %add3A_14, %get3A_17, %dot_general3A {dimension_numbers = #tpu.dot_dimension_numbers<[1], [0], [0], [1], [0, 0, 1, 1], [], []>, transpose_lhs_hint = false} : vector<1000x128xf32>, vector<128x64xf32>, vector<1000x64xf32> -> vector<1000x64xf32>
    %get3A_19 = arith.constant 0 : index
    %get3A_20 = arith.constant 0 : index
    %get3A_21 = vector.load %arg4[%get3A_19, %get3A_20] : memref<1x64xf32, #tpu.memory_space<vmem>>, vector<1x64xf32>
    %add3A_22 = vector.broadcast %get3A_21 : vector<1x64xf32> to vector<1000x64xf32>
    %add3A_23 = arith.addf %dot_general3A_18, %add3A_22 : vector<1000x64xf32>
    %max3A = arith.constant 0.000000e+00 : f32
    %max3A_24 = vector.broadcast %max3A : f32 to vector<1000x64xf32>
    %max3A_25 = arith.maximumf %add3A_23, %max3A_24 : vector<1000x64xf32>
    %get3A_26 = arith.constant 0 : index
    %get3A_27 = arith.constant 0 : index
    %get3A_28 = vector.load %arg5[%get3A_26, %get3A_27] : memref<64x64xf32, #tpu.memory_space<vmem>>, vector<64x64xf32>
    %dot_general3A_29 = arith.constant dense<0.000000e+00> : vector<1000x64xf32>
    %dot_general3A_30 = tpu.matmul %max3A_25, %get3A_28, %dot_general3A_29 {dimension_numbers = #tpu.dot_dimension_numbers<[1], [0], [0], [1], [0, 0, 1, 1], [], []>, transpose_lhs_hint = false} : vector<1000x64xf32>, vector<64x64xf32>, vector<1000x64xf32> -> vector<1000x64xf32>
    %get3A_31 = arith.constant 0 : index
    %get3A_32 = arith.constant 0 : index
    %get3A_33 = vector.load %arg6[%get3A_31, %get3A_32] : memref<1x64xf32, #tpu.memory_space<vmem>>, vector<1x64xf32>
    %add3A_34 = vector.broadcast %get3A_33 : vector<1x64xf32> to vector<1000x64xf32>
    %add3A_35 = arith.addf %dot_general3A_30, %add3A_34 : vector<1000x64xf32>
    %max3A_36 = arith.constant 0.000000e+00 : f32
    %max3A_37 = vector.broadcast %max3A_36 : f32 to vector<1000x64xf32>
    %max3A_38 = arith.maximumf %add3A_35, %max3A_37 : vector<1000x64xf32>
    %gt3A = arith.constant 0 : i32
    %gt3A_39 = arith.cmpi sgt, %arg0, %gt3A : i32
    %convert_element_type3A_40 = arith.extui %gt3A_39 : i1 to i32
    %cond3A_41 = arith.constant 0 : i32
    %cond3A_42 = arith.cmpi ne, %convert_element_type3A_40, %cond3A_41 : i32
    scf.if %cond3A_42 {
      %dma_wait3A_117 = arith.constant 0 : i32
      %dma_wait3A_118 = arith.constant 0 : i32
      %dma_wait3A_119 = tpu.memref_slice %arg7[%dma_wait3A_117, %dma_wait3A_118] : memref<10000x64xf32, #tpu.memory_space<hbm>> -> memref<1000x64xf32, #tpu.memory_space<hbm>>
      tpu.wait_dma2 semaphore(%arg18 : memref<!tpu.dma_semaphore, #tpu.memory_space<semaphore_mem>>) src(%arg12 : memref<1000x64xf32, #tpu.memory_space<vmem>>) dst(%dma_wait3A_119 : memref<1000x64xf32, #tpu.memory_space<hbm>>)
    } else {
    }
    %swap3A = arith.constant 0 : index
    %swap3A_43 = arith.constant 0 : index
    %swap3A_44 = vector.load %arg12[%swap3A, %swap3A_43] : memref<1000x64xf32, #tpu.memory_space<vmem>>, vector<1000x64xf32>
    tpu.vector_store %arg12[%swap3A, %swap3A_43], %max3A_38 {strides = array<i32>} : memref<1000x64xf32, #tpu.memory_space<vmem>>, vector<1000x64xf32>,
    %mul3A_45 = arith.constant 1000 : i32
    %mul3A_46 = arith.muli %add3A_3, %mul3A_45 : i32
    %dma_start3A = arith.constant 0 : i32
    %dma_start3A_47 = tpu.memref_slice %arg7[%mul3A_46, %dma_start3A] : memref<10000x64xf32, #tpu.memory_space<hbm>> -> memref<1000x64xf32, #tpu.memory_space<hbm>>
    tpu.enqueue_dma source(%arg12 : memref<1000x64xf32, #tpu.memory_space<vmem>>) target(%dma_start3A_47 : memref<1000x64xf32, #tpu.memory_space<hbm>>) target_semaphore(%arg18 : memref<!tpu.dma_semaphore, #tpu.memory_space<semaphore_mem>>)
    %lt3A = arith.constant 4 : i32
    %lt3A_48 = arith.cmpi slt, %arg0, %lt3A : i32
    %convert_element_type3A_49 = arith.extui %lt3A_48 : i1 to i32
    %cond3A_50 = arith.constant 0 : i32
    %cond3A_51 = arith.cmpi ne, %convert_element_type3A_49, %cond3A_50 : i32
    scf.if %cond3A_51 {
      %add3A_117 = arith.constant 1 : i32
      %add3A_118 = arith.addi %arg0, %add3A_117 : i32
      %mul3A_119 = arith.constant 2 : i32
      %mul3A_120 = arith.muli %mul3A_119, %add3A_118 : i32
      %add3A_121 = arith.constant 0 : i32
      %add3A_122 = arith.addi %mul3A_120, %add3A_121 : i32
      %mul3A_123 = arith.constant 1000 : i32
      %mul3A_124 = arith.muli %add3A_122, %mul3A_123 : i32
      %dma_start3A_125 = arith.constant 0 : i32
      %dma_start3A_126 = tpu.memref_slice %arg1[%mul3A_124, %dma_start3A_125] : memref<10000x128xf32, #tpu.memory_space<hbm>> -> memref<1000x128xf32, #tpu.memory_space<hbm>>
      tpu.enqueue_dma source(%dma_start3A_126 : memref<1000x128xf32, #tpu.memory_space<hbm>>) target(%arg8 : memref<1000x128xf32, #tpu.memory_space<vmem>>) target_semaphore(%arg14 : memref<!tpu.dma_semaphore, #tpu.memory_space<semaphore_mem>>)
      %mul3A_127 = arith.constant 1000 : i32
      %mul3A_128 = arith.muli %add3A_122, %mul3A_127 : i32
      %dma_start3A_129 = arith.constant 0 : i32
      %dma_start3A_130 = tpu.memref_slice %arg2[%mul3A_128, %dma_start3A_129] : memref<10000x128xf32, #tpu.memory_space<hbm>> -> memref<1000x128xf32, #tpu.memory_space<hbm>>
      tpu.enqueue_dma source(%dma_start3A_130 : memref<1000x128xf32, #tpu.memory_space<hbm>>) target(%arg10 : memref<1000x128xf32, #tpu.memory_space<vmem>>) target_semaphore(%arg16 : memref<!tpu.dma_semaphore, #tpu.memory_space<semaphore_mem>>)
    } else {
    }
    %mul3A_52 = arith.constant 2 : i32
    %mul3A_53 = arith.muli %mul3A_52, %arg0 : i32
    %add3A_54 = arith.constant 1 : i32
    %add3A_55 = arith.addi %mul3A_53, %add3A_54 : i32
    %dma_wait3A_56 = arith.constant 0 : i32
    %dma_wait3A_57 = arith.constant 0 : i32
    %dma_wait3A_58 = tpu.memref_slice %arg1[%dma_wait3A_56, %dma_wait3A_57] : memref<10000x128xf32, #tpu.memory_space<hbm>> -> memref<1000x128xf32, #tpu.memory_space<hbm>>
    tpu.wait_dma2 semaphore(%arg15 : memref<!tpu.dma_semaphore, #tpu.memory_space<semaphore_mem>>) src(%dma_wait3A_58 : memref<1000x128xf32, #tpu.memory_space<hbm>>) dst(%arg9 : memref<1000x128xf32, #tpu.memory_space<vmem>>)
    %dma_wait3A_59 = arith.constant 0 : i32
    %dma_wait3A_60 = arith.constant 0 : i32
    %dma_wait3A_61 = tpu.memref_slice %arg2[%dma_wait3A_59, %dma_wait3A_60] : memref<10000x128xf32, #tpu.memory_space<hbm>> -> memref<1000x128xf32, #tpu.memory_space<hbm>>
    tpu.wait_dma2 semaphore(%arg17 : memref<!tpu.dma_semaphore, #tpu.memory_space<semaphore_mem>>) src(%dma_wait3A_61 : memref<1000x128xf32, #tpu.memory_space<hbm>>) dst(%arg11 : memref<1000x128xf32, #tpu.memory_space<vmem>>)
    %get3A_62 = arith.constant 0 : index
    %get3A_63 = arith.constant 0 : index
    %get3A_64 = vector.load %arg9[%get3A_62, %get3A_63] : memref<1000x128xf32, #tpu.memory_space<vmem>>, vector<1000x128xf32>
    %get3A_65 = arith.constant 0 : index
    %get3A_66 = arith.constant 0 : index
    %get3A_67 = vector.load %arg11[%get3A_65, %get3A_66] : memref<1000x128xf32, #tpu.memory_space<vmem>>, vector<1000x128xf32>
    %add3A_68 = arith.addf %get3A_64, %get3A_67 : vector<1000x128xf32>
    %get3A_69 = arith.constant 0 : index
    %get3A_70 = arith.constant 0 : index
    %get3A_71 = vector.load %arg3[%get3A_69, %get3A_70] : memref<128x64xf32, #tpu.memory_space<vmem>>, vector<128x64xf32>
    %dot_general3A_72 = arith.constant dense<0.000000e+00> : vector<1000x64xf32>
    %dot_general3A_73 = tpu.matmul %add3A_68, %get3A_71, %dot_general3A_72 {dimension_numbers = #tpu.dot_dimension_numbers<[1], [0], [0], [1], [0, 0, 1, 1], [], []>, transpose_lhs_hint = false} : vector<1000x128xf32>, vector<128x64xf32>, vector<1000x64xf32> -> vector<1000x64xf32>
    %get3A_74 = arith.constant 0 : index
    %get3A_75 = arith.constant 0 : index
    %get3A_76 = vector.load %arg4[%get3A_74, %get3A_75] : memref<1x64xf32, #tpu.memory_space<vmem>>, vector<1x64xf32>
    %add3A_77 = vector.broadcast %get3A_76 : vector<1x64xf32> to vector<1000x64xf32>
    %add3A_78 = arith.addf %dot_general3A_73, %add3A_77 : vector<1000x64xf32>
    %max3A_79 = arith.constant 0.000000e+00 : f32
    %max3A_80 = vector.broadcast %max3A_79 : f32 to vector<1000x64xf32>
    %max3A_81 = arith.maximumf %add3A_78, %max3A_80 : vector<1000x64xf32>
    %get3A_82 = arith.constant 0 : index
    %get3A_83 = arith.constant 0 : index
    %get3A_84 = vector.load %arg5[%get3A_82, %get3A_83] : memref<64x64xf32, #tpu.memory_space<vmem>>, vector<64x64xf32>
    %dot_general3A_85 = arith.constant dense<0.000000e+00> : vector<1000x64xf32>
    %dot_general3A_86 = tpu.matmul %max3A_81, %get3A_84, %dot_general3A_85 {dimension_numbers = #tpu.dot_dimension_numbers<[1], [0], [0], [1], [0, 0, 1, 1], [], []>, transpose_lhs_hint = false} : vector<1000x64xf32>, vector<64x64xf32>, vector<1000x64xf32> -> vector<1000x64xf32>
    %get3A_87 = arith.constant 0 : index
    %get3A_88 = arith.constant 0 : index
    %get3A_89 = vector.load %arg6[%get3A_87, %get3A_88] : memref<1x64xf32, #tpu.memory_space<vmem>>, vector<1x64xf32>
    %add3A_90 = vector.broadcast %get3A_89 : vector<1x64xf32> to vector<1000x64xf32>
    %add3A_91 = arith.addf %dot_general3A_86, %add3A_90 : vector<1000x64xf32>
    %max3A_92 = arith.constant 0.000000e+00 : f32
    %max3A_93 = vector.broadcast %max3A_92 : f32 to vector<1000x64xf32>
    %max3A_94 = arith.maximumf %add3A_91, %max3A_93 : vector<1000x64xf32>
    %gt3A_95 = arith.constant 0 : i32
    %gt3A_96 = arith.cmpi sgt, %arg0, %gt3A_95 : i32
    %convert_element_type3A_97 = arith.extui %gt3A_96 : i1 to i32
    %cond3A_98 = arith.constant 0 : i32
    %cond3A_99 = arith.cmpi ne, %convert_element_type3A_97, %cond3A_98 : i32
    scf.if %cond3A_99 {
      %dma_wait3A_117 = arith.constant 0 : i32
      %dma_wait3A_118 = arith.constant 0 : i32
      %dma_wait3A_119 = tpu.memref_slice %arg7[%dma_wait3A_117, %dma_wait3A_118] : memref<10000x64xf32, #tpu.memory_space<hbm>> -> memref<1000x64xf32, #tpu.memory_space<hbm>>
      tpu.wait_dma2 semaphore(%arg19 : memref<!tpu.dma_semaphore, #tpu.memory_space<semaphore_mem>>) src(%arg13 : memref<1000x64xf32, #tpu.memory_space<vmem>>) dst(%dma_wait3A_119 : memref<1000x64xf32, #tpu.memory_space<hbm>>)
    } else {
    }
    %swap3A_100 = arith.constant 0 : index
    %swap3A_101 = arith.constant 0 : index
    %swap3A_102 = vector.load %arg13[%swap3A_100, %swap3A_101] : memref<1000x64xf32, #tpu.memory_space<vmem>>, vector<1000x64xf32>
    tpu.vector_store %arg13[%swap3A_100, %swap3A_101], %max3A_94 {strides = array<i32>} : memref<1000x64xf32, #tpu.memory_space<vmem>>, vector<1000x64xf32>,
    %mul3A_103 = arith.constant 1000 : i32
    %mul3A_104 = arith.muli %add3A_55, %mul3A_103 : i32
    %dma_start3A_105 = arith.constant 0 : i32
    %dma_start3A_106 = tpu.memref_slice %arg7[%mul3A_104, %dma_start3A_105] : memref<10000x64xf32, #tpu.memory_space<hbm>> -> memref<1000x64xf32, #tpu.memory_space<hbm>>
    tpu.enqueue_dma source(%arg13 : memref<1000x64xf32, #tpu.memory_space<vmem>>) target(%dma_start3A_106 : memref<1000x64xf32, #tpu.memory_space<hbm>>) target_semaphore(%arg19 : memref<!tpu.dma_semaphore, #tpu.memory_space<semaphore_mem>>)
    %lt3A_107 = arith.constant 4 : i32
    %lt3A_108 = arith.cmpi slt, %arg0, %lt3A_107 : i32
    %convert_element_type3A_109 = arith.extui %lt3A_108 : i1 to i32
    %cond3A_110 = arith.constant 0 : i32
    %cond3A_111 = arith.cmpi ne, %convert_element_type3A_109, %cond3A_110 : i32
    scf.if %cond3A_111 {
      %add3A_117 = arith.constant 1 : i32
      %add3A_118 = arith.addi %arg0, %add3A_117 : i32
      %mul3A_119 = arith.constant 2 : i32
      %mul3A_120 = arith.muli %mul3A_119, %add3A_118 : i32
      %add3A_121 = arith.constant 1 : i32
      %add3A_122 = arith.addi %mul3A_120, %add3A_121 : i32
      %mul3A_123 = arith.constant 1000 : i32
      %mul3A_124 = arith.muli %add3A_122, %mul3A_123 : i32
      %dma_start3A_125 = arith.constant 0 : i32
      %dma_start3A_126 = tpu.memref_slice %arg1[%mul3A_124, %dma_start3A_125] : memref<10000x128xf32, #tpu.memory_space<hbm>> -> memref<1000x128xf32, #tpu.memory_space<hbm>>
      tpu.enqueue_dma source(%dma_start3A_126 : memref<1000x128xf32, #tpu.memory_space<hbm>>) target(%arg9 : memref<1000x128xf32, #tpu.memory_space<vmem>>) target_semaphore(%arg15 : memref<!tpu.dma_semaphore, #tpu.memory_space<semaphore_mem>>)
      %mul3A_127 = arith.constant 1000 : i32
      %mul3A_128 = arith.muli %add3A_122, %mul3A_127 : i32
      %dma_start3A_129 = arith.constant 0 : i32
      %dma_start3A_130 = tpu.memref_slice %arg2[%mul3A_128, %dma_start3A_129] : memref<10000x128xf32, #tpu.memory_space<hbm>> -> memref<1000x128xf32, #tpu.memory_space<hbm>>
      tpu.enqueue_dma source(%dma_start3A_130 : memref<1000x128xf32, #tpu.memory_space<hbm>>) target(%arg11 : memref<1000x128xf32, #tpu.memory_space<vmem>>) target_semaphore(%arg17 : memref<!tpu.dma_semaphore, #tpu.memory_space<semaphore_mem>>)
    } else {
    }
    %eq3A_112 = arith.constant 4 : i32
    %eq3A_113 = arith.cmpi eq, %arg0, %eq3A_112 : i32
    %convert_element_type3A_114 = arith.extui %eq3A_113 : i1 to i32
    %cond3A_115 = arith.constant 0 : i32
    %cond3A_116 = arith.cmpi ne, %convert_element_type3A_114, %cond3A_115 : i32
    scf.if %cond3A_116 {
      %dma_wait3A_117 = arith.constant 0 : i32
      %dma_wait3A_118 = arith.constant 0 : i32
      %dma_wait3A_119 = tpu.memref_slice %arg7[%dma_wait3A_117, %dma_wait3A_118] : memref<10000x64xf32, #tpu.memory_space<hbm>> -> memref<1000x64xf32, #tpu.memory_space<hbm>>
      tpu.wait_dma2 semaphore(%arg18 : memref<!tpu.dma_semaphore, #tpu.memory_space<semaphore_mem>>) src(%arg12 : memref<1000x64xf32, #tpu.memory_space<vmem>>) dst(%dma_wait3A_119 : memref<1000x64xf32, #tpu.memory_space<hbm>>)
      %dma_wait3A_120 = arith.constant 0 : i32
      %dma_wait3A_121 = arith.constant 0 : i32
      %dma_wait3A_122 = tpu.memref_slice %arg7[%dma_wait3A_120, %dma_wait3A_121] : memref<10000x64xf32, #tpu.memory_space<hbm>> -> memref<1000x64xf32, #tpu.memory_space<hbm>>
      tpu.wait_dma2 semaphore(%arg19 : memref<!tpu.dma_semaphore, #tpu.memory_space<semaphore_mem>>) src(%arg13 : memref<1000x64xf32, #tpu.memory_space<vmem>>) dst(%dma_wait3A_122 : memref<1000x64xf32, #tpu.memory_space<hbm>>)
    } else {
    }
    return
  }
  func.func @transform_2(%arg0: i32) -> (i32, i32) {
    %c0_i32 = arith.constant 0 : i32
    %c0_i32_0 = arith.constant 0 : i32
    %c0_i32_1 = arith.constant 0 : i32
    return %c0_i32, %c0_i32_0 : i32, i32
  }
  func.func @transform_3(%arg0: i32) -> (i32, i32) {
    %c0_i32 = arith.constant 0 : i32
    %c0_i32_0 = arith.constant 0 : i32
    %c0_i32_1 = arith.constant 0 : i32
    return %c0_i32, %c0_i32_0 : i32, i32
  }
  func.func @transform_4(%arg0: i32) -> (i32, i32) {
    %c0_i32 = arith.constant 0 : i32
    %c0_i32_0 = arith.constant 0 : i32
    %c0_i32_1 = arith.constant 0 : i32
    return %c0_i32, %c0_i32_0 : i32, i32
  }
  func.func @transform_5(%arg0: i32) -> (i32, i32) {
    %c0_i32 = arith.constant 0 : i32
    %c0_i32_0 = arith.constant 0 : i32
    %c0_i32_1 = arith.constant 0 : i32
    return %c0_i32, %c0_i32_0 : i32, i32
  }
}

module attributes {stable_mosaic.version = 14 : i64} {
  func.func @body(%arg0: i32, %arg1: memref<10000x64xf32, #tpu.memory_space<hbm>>, %arg2: memref<10000x64xf32, #tpu.memory_space<hbm>>, %arg3: memref<64x64xf32, #tpu.memory_space<vmem>>, %arg4: memref<1x64xf32, #tpu.memory_space<vmem>>, %arg5: memref<64x64xf32, #tpu.memory_space<vmem>>, %arg6: memref<1x64xf32, #tpu.memory_space<vmem>>, %arg7: memref<10000x64xf32, #tpu.memory_space<hbm>>, %arg8: memref<1000x64xf32, #tpu.memory_space<vmem>>, %arg9: memref<1000x64xf32, #tpu.memory_space<vmem>>, %arg10: memref<1000x64xf32, #tpu.memory_space<vmem>>, %arg11: memref<1000x64xf32, #tpu.memory_space<vmem>>, %arg12: memref<1000x64xf32, #tpu.memory_space<vmem>>, %arg13: memref<1000x64xf32, #tpu.memory_space<vmem>>, %arg14: memref<!tpu.dma_semaphore, #tpu.memory_space<semaphore_mem>>, %arg15: memref<!tpu.dma_semaphore, #tpu.memory_space<semaphore_mem>>, %arg16: memref<!tpu.dma_semaphore, #tpu.memory_space<semaphore_mem>>, %arg17: memref<!tpu.dma_semaphore, #tpu.memory_space<semaphore_mem>>, %arg18: memref<!tpu.dma_semaphore, #tpu.memory_space<semaphore_mem>>, %arg19: memref<!tpu.dma_semaphore, #tpu.memory_space<semaphore_mem>>) attributes {dimension_semantics = [#tpu.dimension_semantics<arbitrary>], iteration_bounds = array<i64: 5>, scalar_prefetch = 0 : i64, scratch_operands = 12 : i64, tpu.core_type = #tpu.core_type<tc>, window_params = [{}, {}, {pipeline_mode = #tpu.pipeline_mode<synchronous>, transform_indices = @transform_2, window_bounds = array<i64: 64, 64>}, {pipeline_mode = #tpu.pipeline_mode<synchronous>, transform_indices = @transform_3, window_bounds = array<i64: 1, 64>}, {pipeline_mode = #tpu.pipeline_mode<synchronous>, transform_indices = @transform_4, window_bounds = array<i64: 64, 64>}, {pipeline_mode = #tpu.pipeline_mode<synchronous>, transform_indices = @transform_5, window_bounds = array<i64: 1, 64>}, {}]} {
    %eq3A = arith.constant 0 : i32
    %eq3A_0 = arith.cmpi eq, %arg0, %eq3A : i32
    %convert_element_type3A = arith.extui %eq3A_0 : i1 to i32
    %cond3A = arith.constant 0 : i32
    %cond3A_1 = arith.cmpi ne, %convert_element_type3A, %cond3A : i32
    scf.if %cond3A_1 {
      %dma_start3A_117 = arith.constant 0 : i32
      %dma_start3A_118 = arith.constant 0 : i32
      %dma_start3A_119 = tpu.memref_slice %arg1[%dma_start3A_117, %dma_start3A_118] : memref<10000x64xf32, #tpu.memory_space<hbm>> -> memref<1000x64xf32, #tpu.memory_space<hbm>>
      tpu.enqueue_dma source(%dma_start3A_119 : memref<1000x64xf32, #tpu.memory_space<hbm>>) target(%arg8 : memref<1000x64xf32, #tpu.memory_space<vmem>>) target_semaphore(%arg14 : memref<!tpu.dma_semaphore, #tpu.memory_space<semaphore_mem>>)
      %dma_start3A_120 = arith.constant 0 : i32
      %dma_start3A_121 = arith.constant 0 : i32
      %dma_start3A_122 = tpu.memref_slice %arg2[%dma_start3A_120, %dma_start3A_121] : memref<10000x64xf32, #tpu.memory_space<hbm>> -> memref<1000x64xf32, #tpu.memory_space<hbm>>
      tpu.enqueue_dma source(%dma_start3A_122 : memref<1000x64xf32, #tpu.memory_space<hbm>>) target(%arg10 : memref<1000x64xf32, #tpu.memory_space<vmem>>) target_semaphore(%arg16 : memref<!tpu.dma_semaphore, #tpu.memory_space<semaphore_mem>>)
      %dma_start3A_123 = arith.constant 1000 : i32
      %dma_start3A_124 = arith.constant 0 : i32
      %dma_start3A_125 = tpu.memref_slice %arg1[%dma_start3A_123, %dma_start3A_124] : memref<10000x64xf32, #tpu.memory_space<hbm>> -> memref<1000x64xf32, #tpu.memory_space<hbm>>
      tpu.enqueue_dma source(%dma_start3A_125 : memref<1000x64xf32, #tpu.memory_space<hbm>>) target(%arg9 : memref<1000x64xf32, #tpu.memory_space<vmem>>) target_semaphore(%arg15 : memref<!tpu.dma_semaphore, #tpu.memory_space<semaphore_mem>>)
      %dma_start3A_126 = arith.constant 1000 : i32
      %dma_start3A_127 = arith.constant 0 : i32
      %dma_start3A_128 = tpu.memref_slice %arg2[%dma_start3A_126, %dma_start3A_127] : memref<10000x64xf32, #tpu.memory_space<hbm>> -> memref<1000x64xf32, #tpu.memory_space<hbm>>
      tpu.enqueue_dma source(%dma_start3A_128 : memref<1000x64xf32, #tpu.memory_space<hbm>>) target(%arg11 : memref<1000x64xf32, #tpu.memory_space<vmem>>) target_semaphore(%arg17 : memref<!tpu.dma_semaphore, #tpu.memory_space<semaphore_mem>>)
    } else {
    }
    %mul3A = arith.constant 2 : i32
    %mul3A_2 = arith.muli %mul3A, %arg0 : i32
    %add3A = arith.constant 0 : i32
    %add3A_3 = arith.addi %mul3A_2, %add3A : i32
    %dma_wait3A = arith.constant 0 : i32
    %dma_wait3A_4 = arith.constant 0 : i32
    %dma_wait3A_5 = tpu.memref_slice %arg1[%dma_wait3A, %dma_wait3A_4] : memref<10000x64xf32, #tpu.memory_space<hbm>> -> memref<1000x64xf32, #tpu.memory_space<hbm>>
    tpu.wait_dma2 semaphore(%arg14 : memref<!tpu.dma_semaphore, #tpu.memory_space<semaphore_mem>>) src(%dma_wait3A_5 : memref<1000x64xf32, #tpu.memory_space<hbm>>) dst(%arg8 : memref<1000x64xf32, #tpu.memory_space<vmem>>)
    %dma_wait3A_6 = arith.constant 0 : i32
    %dma_wait3A_7 = arith.constant 0 : i32
    %dma_wait3A_8 = tpu.memref_slice %arg2[%dma_wait3A_6, %dma_wait3A_7] : memref<10000x64xf32, #tpu.memory_space<hbm>> -> memref<1000x64xf32, #tpu.memory_space<hbm>>
    tpu.wait_dma2 semaphore(%arg16 : memref<!tpu.dma_semaphore, #tpu.memory_space<semaphore_mem>>) src(%dma_wait3A_8 : memref<1000x64xf32, #tpu.memory_space<hbm>>) dst(%arg10 : memref<1000x64xf32, #tpu.memory_space<vmem>>)
    %get3A = arith.constant 0 : index
    %get3A_9 = arith.constant 0 : index
    %get3A_10 = vector.load %arg8[%get3A, %get3A_9] : memref<1000x64xf32, #tpu.memory_space<vmem>>, vector<1000x64xf32>
    %get3A_11 = arith.constant 0 : index
    %get3A_12 = arith.constant 0 : index
    %get3A_13 = vector.load %arg10[%get3A_11, %get3A_12] : memref<1000x64xf32, #tpu.memory_space<vmem>>, vector<1000x64xf32>
    %add3A_14 = arith.addf %get3A_10, %get3A_13 : vector<1000x64xf32>
    %get3A_15 = arith.constant 0 : index
    %get3A_16 = arith.constant 0 : index
    %get3A_17 = vector.load %arg3[%get3A_15, %get3A_16] : memref<64x64xf32, #tpu.memory_space<vmem>>, vector<64x64xf32>
    %dot_general3A = arith.constant dense<0.000000e+00> : vector<1000x64xf32>
    %dot_general3A_18 = tpu.matmul %add3A_14, %get3A_17, %dot_general3A {dimension_numbers = #tpu.dot_dimension_numbers<[1], [0], [0], [1], [0, 0, 1, 1], [], []>, transpose_lhs_hint = false} : vector<1000x64xf32>, vector<64x64xf32>, vector<1000x64xf32> -> vector<1000x64xf32>
    %get3A_19 = arith.constant 0 : index
    %get3A_20 = arith.constant 0 : index
    %get3A_21 = vector.load %arg4[%get3A_19, %get3A_20] : memref<1x64xf32, #tpu.memory_space<vmem>>, vector<1x64xf32>
    %add3A_22 = vector.broadcast %get3A_21 : vector<1x64xf32> to vector<1000x64xf32>
    %add3A_23 = arith.addf %dot_general3A_18, %add3A_22 : vector<1000x64xf32>
    %max3A = arith.constant 0.000000e+00 : f32
    %max3A_24 = vector.broadcast %max3A : f32 to vector<1000x64xf32>
    %max3A_25 = arith.maximumf %add3A_23, %max3A_24 : vector<1000x64xf32>
    %get3A_26 = arith.constant 0 : index
    %get3A_27 = arith.constant 0 : index
    %get3A_28 = vector.load %arg5[%get3A_26, %get3A_27] : memref<64x64xf32, #tpu.memory_space<vmem>>, vector<64x64xf32>
    %dot_general3A_29 = arith.constant dense<0.000000e+00> : vector<1000x64xf32>
    %dot_general3A_30 = tpu.matmul %max3A_25, %get3A_28, %dot_general3A_29 {dimension_numbers = #tpu.dot_dimension_numbers<[1], [0], [0], [1], [0, 0, 1, 1], [], []>, transpose_lhs_hint = false} : vector<1000x64xf32>, vector<64x64xf32>, vector<1000x64xf32> -> vector<1000x64xf32>
    %get3A_31 = arith.constant 0 : index
    %get3A_32 = arith.constant 0 : index
    %get3A_33 = vector.load %arg6[%get3A_31, %get3A_32] : memref<1x64xf32, #tpu.memory_space<vmem>>, vector<1x64xf32>
    %add3A_34 = vector.broadcast %get3A_33 : vector<1x64xf32> to vector<1000x64xf32>
    %add3A_35 = arith.addf %dot_general3A_30, %add3A_34 : vector<1000x64xf32>
    %max3A_36 = arith.constant 0.000000e+00 : f32
    %max3A_37 = vector.broadcast %max3A_36 : f32 to vector<1000x64xf32>
    %max3A_38 = arith.maximumf %add3A_35, %max3A_37 : vector<1000x64xf32>
    %gt3A = arith.constant 0 : i32
    %gt3A_39 = arith.cmpi sgt, %arg0, %gt3A : i32
    %convert_element_type3A_40 = arith.extui %gt3A_39 : i1 to i32
    %cond3A_41 = arith.constant 0 : i32
    %cond3A_42 = arith.cmpi ne, %convert_element_type3A_40, %cond3A_41 : i32
    scf.if %cond3A_42 {
      %dma_wait3A_117 = arith.constant 0 : i32
      %dma_wait3A_118 = arith.constant 0 : i32
      %dma_wait3A_119 = tpu.memref_slice %arg7[%dma_wait3A_117, %dma_wait3A_118] : memref<10000x64xf32, #tpu.memory_space<hbm>> -> memref<1000x64xf32, #tpu.memory_space<hbm>>
      tpu.wait_dma2 semaphore(%arg18 : memref<!tpu.dma_semaphore, #tpu.memory_space<semaphore_mem>>) src(%arg12 : memref<1000x64xf32, #tpu.memory_space<vmem>>) dst(%dma_wait3A_119 : memref<1000x64xf32, #tpu.memory_space<hbm>>)
    } else {
    }
    %swap3A = arith.constant 0 : index
    %swap3A_43 = arith.constant 0 : index
    %swap3A_44 = vector.load %arg12[%swap3A, %swap3A_43] : memref<1000x64xf32, #tpu.memory_space<vmem>>, vector<1000x64xf32>
    tpu.vector_store %arg12[%swap3A, %swap3A_43], %max3A_38 {strides = array<i32>} : memref<1000x64xf32, #tpu.memory_space<vmem>>, vector<1000x64xf32>,
    %mul3A_45 = arith.constant 1000 : i32
    %mul3A_46 = arith.muli %add3A_3, %mul3A_45 : i32
    %dma_start3A = arith.constant 0 : i32
    %dma_start3A_47 = tpu.memref_slice %arg7[%mul3A_46, %dma_start3A] : memref<10000x64xf32, #tpu.memory_space<hbm>> -> memref<1000x64xf32, #tpu.memory_space<hbm>>
    tpu.enqueue_dma source(%arg12 : memref<1000x64xf32, #tpu.memory_space<vmem>>) target(%dma_start3A_47 : memref<1000x64xf32, #tpu.memory_space<hbm>>) target_semaphore(%arg18 : memref<!tpu.dma_semaphore, #tpu.memory_space<semaphore_mem>>)
    %lt3A = arith.constant 4 : i32
    %lt3A_48 = arith.cmpi slt, %arg0, %lt3A : i32
    %convert_element_type3A_49 = arith.extui %lt3A_48 : i1 to i32
    %cond3A_50 = arith.constant 0 : i32
    %cond3A_51 = arith.cmpi ne, %convert_element_type3A_49, %cond3A_50 : i32
    scf.if %cond3A_51 {
      %add3A_117 = arith.constant 1 : i32
      %add3A_118 = arith.addi %arg0, %add3A_117 : i32
      %mul3A_119 = arith.constant 2 : i32
      %mul3A_120 = arith.muli %mul3A_119, %add3A_118 : i32
      %add3A_121 = arith.constant 0 : i32
      %add3A_122 = arith.addi %mul3A_120, %add3A_121 : i32
      %mul3A_123 = arith.constant 1000 : i32
      %mul3A_124 = arith.muli %add3A_122, %mul3A_123 : i32
      %dma_start3A_125 = arith.constant 0 : i32
      %dma_start3A_126 = tpu.memref_slice %arg1[%mul3A_124, %dma_start3A_125] : memref<10000x64xf32, #tpu.memory_space<hbm>> -> memref<1000x64xf32, #tpu.memory_space<hbm>>
      tpu.enqueue_dma source(%dma_start3A_126 : memref<1000x64xf32, #tpu.memory_space<hbm>>) target(%arg8 : memref<1000x64xf32, #tpu.memory_space<vmem>>) target_semaphore(%arg14 : memref<!tpu.dma_semaphore, #tpu.memory_space<semaphore_mem>>)
      %mul3A_127 = arith.constant 1000 : i32
      %mul3A_128 = arith.muli %add3A_122, %mul3A_127 : i32
      %dma_start3A_129 = arith.constant 0 : i32
      %dma_start3A_130 = tpu.memref_slice %arg2[%mul3A_128, %dma_start3A_129] : memref<10000x64xf32, #tpu.memory_space<hbm>> -> memref<1000x64xf32, #tpu.memory_space<hbm>>
      tpu.enqueue_dma source(%dma_start3A_130 : memref<1000x64xf32, #tpu.memory_space<hbm>>) target(%arg10 : memref<1000x64xf32, #tpu.memory_space<vmem>>) target_semaphore(%arg16 : memref<!tpu.dma_semaphore, #tpu.memory_space<semaphore_mem>>)
    } else {
    }
    %mul3A_52 = arith.constant 2 : i32
    %mul3A_53 = arith.muli %mul3A_52, %arg0 : i32
    %add3A_54 = arith.constant 1 : i32
    %add3A_55 = arith.addi %mul3A_53, %add3A_54 : i32
    %dma_wait3A_56 = arith.constant 0 : i32
    %dma_wait3A_57 = arith.constant 0 : i32
    %dma_wait3A_58 = tpu.memref_slice %arg1[%dma_wait3A_56, %dma_wait3A_57] : memref<10000x64xf32, #tpu.memory_space<hbm>> -> memref<1000x64xf32, #tpu.memory_space<hbm>>
    tpu.wait_dma2 semaphore(%arg15 : memref<!tpu.dma_semaphore, #tpu.memory_space<semaphore_mem>>) src(%dma_wait3A_58 : memref<1000x64xf32, #tpu.memory_space<hbm>>) dst(%arg9 : memref<1000x64xf32, #tpu.memory_space<vmem>>)
    %dma_wait3A_59 = arith.constant 0 : i32
    %dma_wait3A_60 = arith.constant 0 : i32
    %dma_wait3A_61 = tpu.memref_slice %arg2[%dma_wait3A_59, %dma_wait3A_60] : memref<10000x64xf32, #tpu.memory_space<hbm>> -> memref<1000x64xf32, #tpu.memory_space<hbm>>
    tpu.wait_dma2 semaphore(%arg17 : memref<!tpu.dma_semaphore, #tpu.memory_space<semaphore_mem>>) src(%dma_wait3A_61 : memref<1000x64xf32, #tpu.memory_space<hbm>>) dst(%arg11 : memref<1000x64xf32, #tpu.memory_space<vmem>>)
    %get3A_62 = arith.constant 0 : index
    %get3A_63 = arith.constant 0 : index
    %get3A_64 = vector.load %arg9[%get3A_62, %get3A_63] : memref<1000x64xf32, #tpu.memory_space<vmem>>, vector<1000x64xf32>
    %get3A_65 = arith.constant 0 : index
    %get3A_66 = arith.constant 0 : index
    %get3A_67 = vector.load %arg11[%get3A_65, %get3A_66] : memref<1000x64xf32, #tpu.memory_space<vmem>>, vector<1000x64xf32>
    %add3A_68 = arith.addf %get3A_64, %get3A_67 : vector<1000x64xf32>
    %get3A_69 = arith.constant 0 : index
    %get3A_70 = arith.constant 0 : index
    %get3A_71 = vector.load %arg3[%get3A_69, %get3A_70] : memref<64x64xf32, #tpu.memory_space<vmem>>, vector<64x64xf32>
    %dot_general3A_72 = arith.constant dense<0.000000e+00> : vector<1000x64xf32>
    %dot_general3A_73 = tpu.matmul %add3A_68, %get3A_71, %dot_general3A_72 {dimension_numbers = #tpu.dot_dimension_numbers<[1], [0], [0], [1], [0, 0, 1, 1], [], []>, transpose_lhs_hint = false} : vector<1000x64xf32>, vector<64x64xf32>, vector<1000x64xf32> -> vector<1000x64xf32>
    %get3A_74 = arith.constant 0 : index
    %get3A_75 = arith.constant 0 : index
    %get3A_76 = vector.load %arg4[%get3A_74, %get3A_75] : memref<1x64xf32, #tpu.memory_space<vmem>>, vector<1x64xf32>
    %add3A_77 = vector.broadcast %get3A_76 : vector<1x64xf32> to vector<1000x64xf32>
    %add3A_78 = arith.addf %dot_general3A_73, %add3A_77 : vector<1000x64xf32>
    %max3A_79 = arith.constant 0.000000e+00 : f32
    %max3A_80 = vector.broadcast %max3A_79 : f32 to vector<1000x64xf32>
    %max3A_81 = arith.maximumf %add3A_78, %max3A_80 : vector<1000x64xf32>
    %get3A_82 = arith.constant 0 : index
    %get3A_83 = arith.constant 0 : index
    %get3A_84 = vector.load %arg5[%get3A_82, %get3A_83] : memref<64x64xf32, #tpu.memory_space<vmem>>, vector<64x64xf32>
    %dot_general3A_85 = arith.constant dense<0.000000e+00> : vector<1000x64xf32>
    %dot_general3A_86 = tpu.matmul %max3A_81, %get3A_84, %dot_general3A_85 {dimension_numbers = #tpu.dot_dimension_numbers<[1], [0], [0], [1], [0, 0, 1, 1], [], []>, transpose_lhs_hint = false} : vector<1000x64xf32>, vector<64x64xf32>, vector<1000x64xf32> -> vector<1000x64xf32>
    %get3A_87 = arith.constant 0 : index
    %get3A_88 = arith.constant 0 : index
    %get3A_89 = vector.load %arg6[%get3A_87, %get3A_88] : memref<1x64xf32, #tpu.memory_space<vmem>>, vector<1x64xf32>
    %add3A_90 = vector.broadcast %get3A_89 : vector<1x64xf32> to vector<1000x64xf32>
    %add3A_91 = arith.addf %dot_general3A_86, %add3A_90 : vector<1000x64xf32>
    %max3A_92 = arith.constant 0.000000e+00 : f32
    %max3A_93 = vector.broadcast %max3A_92 : f32 to vector<1000x64xf32>
    %max3A_94 = arith.maximumf %add3A_91, %max3A_93 : vector<1000x64xf32>
    %gt3A_95 = arith.constant 0 : i32
    %gt3A_96 = arith.cmpi sgt, %arg0, %gt3A_95 : i32
    %convert_element_type3A_97 = arith.extui %gt3A_96 : i1 to i32
    %cond3A_98 = arith.constant 0 : i32
    %cond3A_99 = arith.cmpi ne, %convert_element_type3A_97, %cond3A_98 : i32
    scf.if %cond3A_99 {
      %dma_wait3A_117 = arith.constant 0 : i32
      %dma_wait3A_118 = arith.constant 0 : i32
      %dma_wait3A_119 = tpu.memref_slice %arg7[%dma_wait3A_117, %dma_wait3A_118] : memref<10000x64xf32, #tpu.memory_space<hbm>> -> memref<1000x64xf32, #tpu.memory_space<hbm>>
      tpu.wait_dma2 semaphore(%arg19 : memref<!tpu.dma_semaphore, #tpu.memory_space<semaphore_mem>>) src(%arg13 : memref<1000x64xf32, #tpu.memory_space<vmem>>) dst(%dma_wait3A_119 : memref<1000x64xf32, #tpu.memory_space<hbm>>)
    } else {
    }
    %swap3A_100 = arith.constant 0 : index
    %swap3A_101 = arith.constant 0 : index
    %swap3A_102 = vector.load %arg13[%swap3A_100, %swap3A_101] : memref<1000x64xf32, #tpu.memory_space<vmem>>, vector<1000x64xf32>
    tpu.vector_store %arg13[%swap3A_100, %swap3A_101], %max3A_94 {strides = array<i32>} : memref<1000x64xf32, #tpu.memory_space<vmem>>, vector<1000x64xf32>,
    %mul3A_103 = arith.constant 1000 : i32
    %mul3A_104 = arith.muli %add3A_55, %mul3A_103 : i32
    %dma_start3A_105 = arith.constant 0 : i32
    %dma_start3A_106 = tpu.memref_slice %arg7[%mul3A_104, %dma_start3A_105] : memref<10000x64xf32, #tpu.memory_space<hbm>> -> memref<1000x64xf32, #tpu.memory_space<hbm>>
    tpu.enqueue_dma source(%arg13 : memref<1000x64xf32, #tpu.memory_space<vmem>>) target(%dma_start3A_106 : memref<1000x64xf32, #tpu.memory_space<hbm>>) target_semaphore(%arg19 : memref<!tpu.dma_semaphore, #tpu.memory_space<semaphore_mem>>)
    %lt3A_107 = arith.constant 4 : i32
    %lt3A_108 = arith.cmpi slt, %arg0, %lt3A_107 : i32
    %convert_element_type3A_109 = arith.extui %lt3A_108 : i1 to i32
    %cond3A_110 = arith.constant 0 : i32
    %cond3A_111 = arith.cmpi ne, %convert_element_type3A_109, %cond3A_110 : i32
    scf.if %cond3A_111 {
      %add3A_117 = arith.constant 1 : i32
      %add3A_118 = arith.addi %arg0, %add3A_117 : i32
      %mul3A_119 = arith.constant 2 : i32
      %mul3A_120 = arith.muli %mul3A_119, %add3A_118 : i32
      %add3A_121 = arith.constant 1 : i32
      %add3A_122 = arith.addi %mul3A_120, %add3A_121 : i32
      %mul3A_123 = arith.constant 1000 : i32
      %mul3A_124 = arith.muli %add3A_122, %mul3A_123 : i32
      %dma_start3A_125 = arith.constant 0 : i32
      %dma_start3A_126 = tpu.memref_slice %arg1[%mul3A_124, %dma_start3A_125] : memref<10000x64xf32, #tpu.memory_space<hbm>> -> memref<1000x64xf32, #tpu.memory_space<hbm>>
      tpu.enqueue_dma source(%dma_start3A_126 : memref<1000x64xf32, #tpu.memory_space<hbm>>) target(%arg9 : memref<1000x64xf32, #tpu.memory_space<vmem>>) target_semaphore(%arg15 : memref<!tpu.dma_semaphore, #tpu.memory_space<semaphore_mem>>)
      %mul3A_127 = arith.constant 1000 : i32
      %mul3A_128 = arith.muli %add3A_122, %mul3A_127 : i32
      %dma_start3A_129 = arith.constant 0 : i32
      %dma_start3A_130 = tpu.memref_slice %arg2[%mul3A_128, %dma_start3A_129] : memref<10000x64xf32, #tpu.memory_space<hbm>> -> memref<1000x64xf32, #tpu.memory_space<hbm>>
      tpu.enqueue_dma source(%dma_start3A_130 : memref<1000x64xf32, #tpu.memory_space<hbm>>) target(%arg11 : memref<1000x64xf32, #tpu.memory_space<vmem>>) target_semaphore(%arg17 : memref<!tpu.dma_semaphore, #tpu.memory_space<semaphore_mem>>)
    } else {
    }
    %eq3A_112 = arith.constant 4 : i32
    %eq3A_113 = arith.cmpi eq, %arg0, %eq3A_112 : i32
    %convert_element_type3A_114 = arith.extui %eq3A_113 : i1 to i32
    %cond3A_115 = arith.constant 0 : i32
    %cond3A_116 = arith.cmpi ne, %convert_element_type3A_114, %cond3A_115 : i32
    scf.if %cond3A_116 {
      %dma_wait3A_117 = arith.constant 0 : i32
      %dma_wait3A_118 = arith.constant 0 : i32
      %dma_wait3A_119 = tpu.memref_slice %arg7[%dma_wait3A_117, %dma_wait3A_118] : memref<10000x64xf32, #tpu.memory_space<hbm>> -> memref<1000x64xf32, #tpu.memory_space<hbm>>
      tpu.wait_dma2 semaphore(%arg18 : memref<!tpu.dma_semaphore, #tpu.memory_space<semaphore_mem>>) src(%arg12 : memref<1000x64xf32, #tpu.memory_space<vmem>>) dst(%dma_wait3A_119 : memref<1000x64xf32, #tpu.memory_space<hbm>>)
      %dma_wait3A_120 = arith.constant 0 : i32
      %dma_wait3A_121 = arith.constant 0 : i32
      %dma_wait3A_122 = tpu.memref_slice %arg7[%dma_wait3A_120, %dma_wait3A_121] : memref<10000x64xf32, #tpu.memory_space<hbm>> -> memref<1000x64xf32, #tpu.memory_space<hbm>>
      tpu.wait_dma2 semaphore(%arg19 : memref<!tpu.dma_semaphore, #tpu.memory_space<semaphore_mem>>) src(%arg13 : memref<1000x64xf32, #tpu.memory_space<vmem>>) dst(%dma_wait3A_122 : memref<1000x64xf32, #tpu.memory_space<hbm>>)
    } else {
    }
    return
  }
  func.func @transform_2(%arg0: i32) -> (i32, i32) {
    %c0_i32 = arith.constant 0 : i32
    %c0_i32_0 = arith.constant 0 : i32
    %c0_i32_1 = arith.constant 0 : i32
    return %c0_i32, %c0_i32_0 : i32, i32
  }
  func.func @transform_3(%arg0: i32) -> (i32, i32) {
    %c0_i32 = arith.constant 0 : i32
    %c0_i32_0 = arith.constant 0 : i32
    %c0_i32_1 = arith.constant 0 : i32
    return %c0_i32, %c0_i32_0 : i32, i32
  }
  func.func @transform_4(%arg0: i32) -> (i32, i32) {
    %c0_i32 = arith.constant 0 : i32
    %c0_i32_0 = arith.constant 0 : i32
    %c0_i32_1 = arith.constant 0 : i32
    return %c0_i32, %c0_i32_0 : i32, i32
  }
  func.func @transform_5(%arg0: i32) -> (i32, i32) {
    %c0_i32 = arith.constant 0 : i32
    %c0_i32_0 = arith.constant 0 : i32
    %c0_i32_1 = arith.constant 0 : i32
    return %c0_i32, %c0_i32_0 : i32, i32
  }
}

</mosaic_0001>

<sc_bundles>
// kernel: kernel.11.cloned.1.call-start
scs
__scs_entry_jumppad:
0x0: {  	(pc) =	sbr.rel $0x88, $3  }
0x1: {  	(tag) =	ssettag $0x0;
	lr =	simm.s32 $0x1  }
0x2: {  	[smem:$0x3F93] =	sst lr;
	_ =	strace $0xD0000000  }
0x3: {  	_ = 	snop  }
0x4: {  	_ = 	snop  }
0x5: {  	_ = 	snop  }
0x6: {  	_ = 	snop  }
0x7: {  	_ = 	snop  }
__scs_overlays_trampoline_lowered:
0x8: {  	[smem:$0x3FA2] =	sst s0  }
0x9: {  	[smem:$0x3FA3] =	sst s1  }
0xa: {  	[smem:$0x3FA4] =	sst s2  }
0xb: {  	[smem:$0x3FA5] =	sst s3  }
0xc: {  	[smem:$0x3FA6] =	sst s4  }
0xd: {  	[smem:$0x3FA7] =	sst s5  }
0xe: {  	[smem:$0x3FA8] =	sst s6  }
0xf: {  	[smem:$0x3FA9] =	sst s7  }
0x10: {  	[smem:$0x3FAA] =	sst s8  }
0x11: {  	[smem:$0x3FAB] =	sst s9;
	s0 =	simm.s32 @!p0 $0x0  }
0x12: {  	s1 =	sld [smem:$0x3F91];
	s0 =	simm.s32 @p0 $0x1  }
0x13: {  	[smem:$0x3FAC] =	sst s0;
	s0 =	simm.s32 @!p1 $0x0  }
0x14: {  	s2 =	sld [smem:$0x3F90];
	s0 =	simm.s32 @p1 $0x1  }
0x15: {  	[smem:$0x3FAD] =	sst s0;
	s0 =	simm.s32 @!p2 $0x0  }
0x16: {  	s3 =	sld [smem:$0x3FDB];
	s0 =	simm.s32 @p2 $0x1  }
0x17: {  	s4 =	simm.s32 $0x1BF5;
	[smem:$0x3FAF] =	sst s0  }
0x18: {  	s0 =	sld [smem:$0x3F92];
	_ =	swait.ge [sflag:s4], $0x0  }
0x19: {  	s7 =	sld [smem:$0x3F93]  }
0x1a: {  	s8 =	sadd.s32 $0xFFFFE003, lr  }
0x1b: {  	s9 =	sadd.s32 $0xFFFFFEF7, lr;
	s5 =	simm.s32 $0xFFFFFFFF;
	p2 =	slt.u32 s8, $0xFFFFF086  }
0x1c: {  	p1 =	slt.u32 s9, $0xF7A;
	s5 =	simm.s32 @!p2 $0x0  }
0x1d: {  	s5 =	simm.s32 @p1 $0x1;
	p0 =	seq.s32 s7, s2  }
0x1e: {  	s7 =	smul.u32 @!p0 $0xF7A, s2;
	p2 =	seq.s32 @!p0 s5, $0x0  }
0x1f: {  	s9 =	smul.u32 $0xF7A, s1;
	s8 =	simm.s32 @!p0 $0x1BF5;
	p2 =	por !p2, p0  }
0x20: {  	[sflag:s8] =	ssyncset.s32 @!p0 $0xFFFFF086;
	s6 =	sadd.s32 @!p0 s3, s7;
	s7 =	simm.s32 @!p0 $0x108  }
0x21: {  	s3 =	sadd.s32 s3, s9;
	s6 =	sadd.s32 @!p0 $0x88, s6;
	s7 =	simm.s32 @p2 $0x1082  }
0x22: {  	[simem:s7], [sflag:s8] =	dma.local @!p0 [hbm:s6], $0xF7A  }
0x23: {  	s9 =	sor.u32 $0xD0000000, s2;
	s6 =	simm.s32 $0x108;
	_ =	swait.ge @!p0 [sflag:s8], $0x0  }
0x24: {  	s3 =	sadd.s32 $0x88, s3;
	s6 =	simm.s32 @!p1 $0x1082;
	[sflag:s4] =	ssyncset.s32 $0xFFFFF086  }
0x25: {  	[simem:s6], [sflag:s4] =	dma.local [hbm:s3], $0xF7A  }
0x26: {  	[smem:$0x3F93] =	sst s1;
	(tag) =	ssettag s2;
	_ =	strace s9  }
0x27: {  	s1 =	sld [smem:$0x3FA3]  }
0x28: {  	s2 =	sld [smem:$0x3FA4]  }
0x29: {  	s4 =	sld [smem:$0x3FA6]  }
0x2a: {  	p0 =	seq.s32 s5, $0x0;
	s5 =	sld [smem:$0x3FA7]  }
0x2b: {  	s6 =	sld [smem:$0x3FA8]  }
0x2c: {  	s7 =	sld [smem:$0x3FA9]  }
0x2d: {  	s3 =	simm.s32 $0x108;
	s8 =	sld [smem:$0x3FAA]  }
0x2e: {  	s3 =	simm.s32 @!p0 $0x1082;
	s9 =	sld [smem:$0x3FAB]  }
0x2f: {  	lr =	sadd.s32 s0, s3;
	s0 =	sld [smem:$0x3FA2]  }
0x30: {  	s3 =	sld [smem:$0x3FA5]  }
0x31: {  	[smem:$0x3FAE] =	sst s10  }
0x32: {  	s10 =	sld [smem:$0x3FAC];
	_ =	sdelay $0x3  }
0x33: {  	p0 =	seq.s32 s10, $0x1;
	s10 =	sld [smem:$0x3FAE];
	_ =	sdelay $0x3  }
0x34: {  	[smem:$0x3FAE] =	sst s10  }
0x35: {  	s10 =	sld [smem:$0x3FAD];
	_ =	sdelay $0x3  }
0x36: {  	p1 =	seq.s32 s10, $0x1;
	s10 =	sld [smem:$0x3FAE];
	_ =	sdelay $0x3  }
0x37: {  	[smem:$0x3FAE] =	sst s10  }
0x38: {  	s10 =	sld [smem:$0x3FAF]  }
0x39: {  	_ = 	snop;
	(pc) =	sbr.ind lr, $3  }
0x3a: {  	_ = 	snop  }
0x3b: {  	_ = 	snop  }
0x3c: {  	p2 =	seq.s32 s10, $0x1;
	s10 =	sld [smem:$0x3FAE]  }
0x3d: {  	_ =	shalt  }
0x3e: {  	_ =	shalt  }
0x3f: {  	_ =	shalt  }
0x40: {  	_ =	shalt  }
0x41: {  	_ =	shalt  }
0x42: {  	_ =	shalt  }
0x43: {  	_ =	shalt  }
0x44: {  	_ =	shalt  }
0x45: {  	_ =	shalt  }
0x46: {  	_ =	shalt  }
0x47: {  	_ =	shalt  }
0x48: {  	_ =	shalt  }
0x49: {  	_ =	shalt  }
0x4a: {  	_ =	shalt  }
0x4b: {  	_ =	shalt  }
0x4c: {  	_ =	shalt  }
0x4d: {  	_ =	shalt  }
0x4e: {  	_ =	shalt  }
0x4f: {  	_ =	shalt  }
0x50: {  	_ =	shalt  }
0x51: {  	_ =	shalt  }
0x52: {  	_ =	shalt  }
0x53: {  	_ =	shalt  }
0x54: {  	_ =	shalt  }
0x55: {  	_ =	shalt  }
0x56: {  	_ =	shalt  }
0x57: {  	_ =	shalt  }
0x58: {  	_ =	shalt  }
0x59: {  	_ =	shalt  }
0x5a: {  	_ =	shalt  }
0x5b: {  	_ =	shalt  }
0x5c: {  	_ =	shalt  }
0x5d: {  	_ =	shalt  }
0x5e: {  	_ =	shalt  }
0x5f: {  	_ =	shalt  }
0x60: {  	_ =	shalt  }
0x61: {  	_ =	shalt  }
0x62: {  	_ =	shalt  }
0x63: {  	_ =	shalt  }
0x64: {  	_ =	shalt  }
0x65: {  	_ =	shalt  }
0x66: {  	_ =	shalt  }
0x67: {  	_ =	shalt  }
0x68: {  	_ =	shalt  }
0x69: {  	_ =	shalt  }
0x6a: {  	_ =	shalt  }
0x6b: {  	_ =	shalt  }
0x6c: {  	_ =	shalt  }
0x6d: {  	_ =	shalt  }
0x6e: {  	_ =	shalt  }
0x6f: {  	_ =	shalt  }
0x70: {  	_ =	shalt  }
0x71: {  	_ =	shalt  }
0x72: {  	_ =	shalt  }
0x73: {  	_ =	shalt  }
0x74: {  	_ =	shalt  }
0x75: {  	_ =	shalt  }
0x76: {  	_ =	shalt  }
0x77: {  	_ =	shalt  }
0x78: {  	_ =	shalt  }
0x79: {  	_ =	shalt  }
0x7a: {  	_ =	shalt  }
0x7b: {  	_ =	shalt  }
0x7c: {  	_ =	shalt  }
0x7d: {  	_ =	shalt  }
0x7e: {  	_ =	shalt  }
0x7f: {  	_ =	shalt  }
0x80: {  	_ =	shalt  }
0x81: {  	_ =	shalt  }
0x82: {  	_ =	shalt  }
0x83: {  	_ =	shalt  }
0x84: {  	_ =	shalt  }
0x85: {  	_ =	shalt  }
0x86: {  	_ =	shalt  }
0x87: {  	_ =	shalt  }
.Lfunc_end0:
.L_simem_size_0:
called_computation.1_lowered:
.L_overlay_start_0:
0x88: {  	s2 =	sld [smem:$0x3FD9]  }
0x89: {  	s3 =	sld [smem:$0x3FFE];
	_ =	sdelay $0x1  }
0x8a: {  	s1 =	srdreg.scid  }
0x8b: {  	s0 =	sand.u32 $0x1, s1  }
0x8c: {  	s17 =	sshll.u32 s0, $0xA;
	s2 =	sadd.s32 s3, s2  }
0x8d: {  	s2 =	sadd.s32 s2, s17  }
0x8e: {  	[smem:$0x3FBA] =	sst s2  }
0x8f: {  	_ = 	snop  }
0x90: {  	s2 =	sld [smem:$0x3FD0];
	(tm) =	ssettm $0x1  }
0x91: {  	s18 =	sld [smem:$0x3FFB];
	_ =	sdelay $0x3  }
0x92: {  	_ =	strace s18  }
0x93: {  	s3 =	sld [smem:$0x3FFC];
	_ =	sdelay $0x3  }
0x94: {  	_ =	strace s3  }
0x95: {  	s3 =	sld [smem:$0x3FFD];
	_ =	sdelay $0x3  }
0x96: {  	_ =	strace s3  }
0x97: {  	_ =	strace $0x8FFFFFFF  }
0x98: {  	s19 =	sld [smem:$0x3FDB];
	_ =	sdelay $0x1  }
0x99: {  	s4 =	simm.s32 $_scs_section_size  }
0x9a: {  	s5 =	simm.s32 $_size__tile_overlayer_lowered;
	s6 =	simm.s32 $_tile_overlayer_lowered  }
0x9b: {  	s22 =	simm.s32 $0x1BFF;
	s21 =	sshll.u32 s6, $0x1;
	s3 =	sadd.s32 s4, s19  }
0x9c: {  	s7 =	simm.s32 $0x0;
	s20 =	sshll.u32 s5, $0x1;
	s5 =	sadd.s32 s21, s3  }
0x9d: {  	[timem:s7], [sflag:s22] =	dma.local [hbm:s5], s20  }
0x9e: {  	_ =	swait.ge [sflag:s22], s20  }
0x9f: {  	s4 =	ssub.s32 $0x0, s20;
	[sflag:s22] =	ssyncset.done $0x0  }
0xa0: {  	[sflag:s22] =	ssyncadd.s32 s4;
	_ =	sdelay $0x1  }
0xa1: {  	s23 =	simm.s32 $0x1B8B  }
0xa2: {  	_ =	swait.ge [sflag:s23], $0x1  }
0xa3: {  	[sflag:s23] =	ssyncset.done $0x0  }
0xa4: {  	s25 =	simm.s32 $0x1B8E;
	s24 =	sld [smem:$0x3FFE];
	[sflag:s23] =	ssyncadd.s32 $0xFFFFFFFF  }
0xa5: {  	s26 =	simm.s32 $execute0_lowered;
	[smem:$0x3FD2] =	sst s25  }
0xa6: {  	s5 =	sshll.u32 s26, $0x1;
	_ =	strace $0x80000049;
	[dreg:$0x1] =	wrdreg $0xFFFFFFFF  }
0xa7: {  	s28 =	simm.s32 $_size_execute0_lowered;
	s3 =	sadd.s32 s3, s5;
	[dreg:$0x0] =	wrdreg $0x0  }
0xa8: {  	s5 =	sshll.u32 s28, $0x1;
	[dreg:$0x2] =	wrdreg s3  }
0xa9: {  	[dreg:$0x3] =	wrdreg s5  }
0xaa: {  	[dreg:$0x4] =	wrdreg $0xC0  }
0xab: {  	_ =	task [dreg:s7], $0x5FFFF  }
0xac: {  	[dreg:$0x1] =	wrdreg $0xFFFFFFFF  }
0xad: {  	[dreg:$0x0] =	wrdreg $0x60  }
0xae: {  	[dreg:$0x2] =	wrdreg s2  }
0xaf: {  	[dreg:$0x3] =	wrdreg s24  }
0xb0: {  	[dreg:$0x4] =	wrdreg $0x68000  }
0xb1: {  	[dreg:$0x5] =	wrdreg $0x9  }
0xb2: {  	_ =	task.clear_ibuf [dreg:s7], $0x6FFFF;
	_ =	strace $0x90000049  }
0xb3: {  	s29 =	simm.s32 $0x9;
	_ =	strace $0x8000004B  }
0xb4: {  	_ =	swait.ge [sflag:s29], $0x1  }
0xb5: {  	[sflag:s29] =	ssyncadd.s32 $0xFFFFFFFF  }
0xb6: {  	_ =	strace $0x9000004B  }
0xb7: {  	_ =	sfence  }
0xb8: {  	s30 =	sld [smem:$0x0];
	_ =	sdelay $0x2  }
0xb9: {  	s31 =	sshll.u32 s1, $0xD;
	s1 =	sshrl.u32 s1, $0x2  }
0xba: {  	s3 =	sand.u32 $0x4000, s31;
	s1 =	sadd.s32 s1, s30  }
0xbb: {  	s0 =	sor.u32 s3, s0;
	s1 =	sshll.u32 s1, $0x11  }
0xbc: {  	s0 =	sor.u32 s1, s0  }
0xbd: {  	s0 =	sadd.s32 $0x8F2B, s0  }
0xbe: {  	[sflag:s0] =	ssyncadd.remote.s32 $0x1  }
0xbf: {  	_ =	sfence.sel $0xFFFF  }
0xc0: {  	[dreg:$0x0] =	wrdreg $0xFFFFFFFF;
	(pc) =	sbr.abs _section_cstart, $3  }
0xc1: {  	[dreg:$0x1] =	wrdreg $0xFFFFFFFF  }
0xc2: {  	_ =	task.clear_ibuf [dreg:s7], $0x2FFFF;
	_ =	strace $0x9FFFFFFF  }
0xc3: {  	(tm) =	ssettm $0x7FFFFFFF  }
tec
execute0_lowered:
.L_overlay_start_1:
0x0: {  	(tag) =	ssettag $0x1  }
0x1: {  	s1 =	rddreg [dreg:$0x0]  }
0x2: {  	s0 =	rddreg [dreg:$0x1]  }
0x3: {  	s2 =	rddreg [dreg:$0x2];
	s4 =	simm.s32 $0x0;
	s3 =	srdreg.scid  }
0x4: {  	s13 =	stileid.u32;
	s28 =	simm.s32 $0x80;
	s29 =	simm.s32 $0x2800  }
0x5: {  	s30 =	simm.s32 $0x2700;
	s31 =	simm.s32 $0x4800;
	[smem:$0x7FF] =	sst s4  }
0x6: {  	s5 =	sadd.s32 $0xCE00, s0;
	s3 =	sand.u32 $0x1, s3;
	s6 =	smul.u32 $0x27000, s13  }
0x7: {  	s8 =	sadd.s32 $0x3000, s0;
	s15 =	sadd.s32 $0x2A600, s0;
	s20 =	sadd.s32 $0x16C00, s0  }
0x8: {  	s9 =	sshll.u32 s13, $0x1;
	s24 =	smul.u32 $0x9C00, s13;
	s12 =	sadd.s32 $0x9C000, s2  }
0x9: {  	s21 =	smul.u32 $0x9C, s13;
	s22 =	sadd.s32 $0x13800, s1;
	p1 =	sne.s32 s13, $0xF  }
0xa: {  	p2 =	sgt.u32 s13, $0x1;
	_ =	strace $0x8000004A;
	[dreg:$0xd] =	wrdreg s22  }
0xb: {  	p3 =	seq.s32 s13, $0xF;
	s7 =	ssub.s32 $0x2, s3;
	[dreg:$0x5] =	wrdreg s20  }
0xc: {  	s17 =	sor.u32 s3, s9;
	[dreg:$0x4] =	wrdreg s15;
	p0 =	sne.s32 s3, $0x0  }
0xd: {  	s9 =	simm.s32 $0x3;
	s14 =	sshrl.u32 s7, $0x1;
	s6 =	sshrl.u32 s6, $0x2  }
0xe: {  	s26 =	sshrl.u32 s24, $0x3;
	s11 =	smul.u32 $0x4E0, s17;
	s18 =	sadd.s32 s24, s2  }
0xf: {  	s0 =	ssub.s32 s7, s14;
	s16 =	sadd.s32 s6, s2;
	[dreg:$0xb] =	wrdreg s18  }
0x10: {  	s19 =	sadd.s32 s1, s26;
	s6 =	sshll.u32 s17, $0x4;
	[dreg:$0x6] =	wrdreg s16  }
0x11: {  	s14 =	smul.u32 $0x4E, s3;
	s24 =	sadd.s32 s20, s26;
	[dreg:$0xc] =	wrdreg s19  }
0x12: {  	s23 =	sadd.s32 $0x2000, s16;
	s10 =	sadd.s32 $0x4000, s16;
	[dreg:$0xe] =	wrdreg s24  }
0x13: {  	s25 =	sadd.s32 $0x6000, s16;
	s7 =	sadd.s32 $0x8000, s16;
	[dreg:$0x7] =	wrdreg s23  }
0x14: {  	s16 =	sadd.s32 s5, s11;
	s17 =	sadd.s32 s8, s11;
	[dreg:$0x8] =	wrdreg s10  }
0x15: {  	s6 =	sor.u32 $0x9C00, s6;
	s22 =	smax.u32 s0, $0x1;
	[dreg:$0x9] =	wrdreg s25  }
0x16: {  	s0 =	simm.s32 $0x2780;
	s11 =	simm.s32 $0x4;
	[dreg:$0xa] =	wrdreg s7  }
.Ltmp0:
0x17: {  	s18 =	sadd.s32 s5, s6;
	s19 =	sadd.s32 s8, s6;
	(pc) =	sbr.rel .LBB2_1-.Ltmp0, $4  }
0x18: {  	s23 =	sadd.s32 s14, s21;
	s25 =	sadd.s32 s15, s26;
	s10 =	simm.s32 $0x2  }
0x19: {  	s15 =	simm.s32 $0x0;
	[dreg:$0xf] =	wrdreg s25;
	s5 =	sshll.u32 s23, $0x4  }
0x1a: {  	s23 =	sadd.s32 $0x4D0, s17;
	s26 =	sadd.s32 s5, s8;
	s8 =	simm.s32 $0x1  }
0x1b: {  	v0 =	vimm.f32 $0.0e+00;
	s24 =	sadd.s32 $0x20, s26;
	s25 =	sadd.s32 $0x10, s26;
	s26 =	simm.s32 $0x5  }
.LBB2_10:
0x1c: {  	s3 =	sadd.s32 $0x13800, s3;
	s6 =	sshrl.u32 s12, $0x3  }
0x1d: {  	[hbm:s3], [sflag:s5] =	dma.local [spmem:s6], $0x80  }
0x1e: {  	_ =	swait.ge [sflag:s26], $0x80  }
0x1f: {  	[sflag:s26] =	ssyncset.done $0x0  }
0x20: {  	[sflag:s26] =	ssyncadd.s32 $0xFFFFFF80  }
.LBB2_11:
0x21: {  	s15 =	sadd.s32 $0x1, s15  }
0x22: {  	p4 =	sne.s32 s15, s22  }
.Ltmp1:
0x23: {  	_ = 	snop;
	(pc) =	sbr.rel @!p4 .LBB2_12-.Ltmp1, $1  }
0x24: {  	_ =	sdelay $0x3  }
.LBB2_1:
.Ltmp2:
0x25: {  	(pc) =	sbr.rel @p0 .LBB2_2-.Ltmp2, $4  }
0x26: {  	_ = 	snop  }
0x27: {  	s3 =	stileid.u32  }
0x28: {  	s21 =	rddreg [dreg:$0xb];
	s20 =	sshll.u32 s3, $0x6  }
0x29: {  	s6 =	sshrl.u32 s21, $0x3;
	s5 =	sor.u32 $0x1C05, s20  }
0x2a: {  	s3 =	sor.u32 $0x1C05, s20;
	s7 =	rddreg [dreg:$0xc]  }
0x2b: {  	[spmem:s6], [sflag:s3] =	dma.local [hbm:s7], $0x1380  }
0x2c: {  	_ =	swait.ge [sflag:s26], $0x1380  }
0x2d: {  	[sflag:s26] =	ssyncset.done $0x0  }
0x2e: {  	s14 =	sshrl.u32 @!p1 s12, $0x3;
	s7 =	rddreg [dreg:$0xd];
	[sflag:s26] =	ssyncadd.s32 $0xFFFFEC80  }
0x2f: {  	[spmem:s14], [sflag:s3] =	dma.local @!p1 [hbm:s7], $0x80  }
.Ltmp3:
0x30: {  	_ = 	snop;
	(pc) =	sbr.rel .LBB2_5-.Ltmp3, $4  }
0x31: {  	s3 =	simm.s32 @!p1 $0x5  }
0x32: {  	_ =	swait.ge @!p1 [sflag:s3], $0x80  }
0x33: {  	[sflag:s3] =	ssyncset.done @!p1 $0x0  }
0x34: {  	[sflag:s3] =	ssyncadd.s32 @!p1 $0xFFFFFF80  }
.LBB2_2:
0x35: {  	s3 =	simm.s32 $0x2840  }
0x36: {  	[tilespmem:s3+$0xFFFFFFC0] =	vst v0  }
0x37: {  	[tilespmem:s3+$0x30] =	vst v0  }
0x38: {  	[tilespmem:s3+$0x20] =	vst v0  }
0x39: {  	[tilespmem:s3+$0x10] =	vst v0  }
0x3a: {  	[tilespmem:s3+$0x0] =	vst v0  }
0x3b: {  	[tilespmem:s3+$0xFFFFFFF0] =	vst v0  }
0x3c: {  	s14 =	simm.s32 $0x0;
	[tilespmem:s3+$0xFFFFFFE0] =	vst v0  }
.LBB2_3:
0x3d: {  	s14 =	sadd.s32 $0x8, s14;
	[tilespmem:s3+$0xFFFFFFD0] =	vst v0;
	s3 =	sadd.s32 $0x80, s3  }
0x3e: {  	[tilespmem:s3+$0xFFFFFFC0] =	vst v0;
	p4 =	slt.u32 s14, $0x1F8  }
0x3f: {  	[tilespmem:s3+$0x30] =	vst v0  }
.Ltmp4:
0x40: {  	[tilespmem:s3+$0x20] =	vst v0;
	(pc) =	sbr.rel @p4 .LBB2_3-.Ltmp4, $4  }
0x41: {  	[tilespmem:s3+$0x10] =	vst v0  }
0x42: {  	[tilespmem:s3+$0x0] =	vst v0  }
0x43: {  	[tilespmem:s3+$0xFFFFFFF0] =	vst v0  }
0x44: {  	[tilespmem:s3+$0xFFFFFFE0] =	vst v0  }
0x45: {  	[tilespmem:s3+$0xFFFFFFD0] =	vst v0;
	s21 =	rddreg [dreg:$0x6]  }
0x46: {  	[spmem:s21] =	stream.linear.scatter [tilespmem:s29], [sflag:$0x5], $0x2000, $0x38;
	[tilespmem:$0x10440] =	vst v63  }
0x47: {  	_ =	swait.ge [sflag:s26], $0x2000  }
0x48: {  	[sflag:s26] =	ssyncset.done $0x0  }
0x49: {  	s7 =	rddreg [dreg:$0x7];
	[sflag:s26] =	ssyncadd.s32 $0xFFFFE000  }
0x4a: {  	[spmem:s7] =	stream.linear.scatter [tilespmem:s29], [sflag:$0x5], $0x2000, $0x38;
	[tilespmem:$0x10440] =	vst v63  }
0x4b: {  	_ =	swait.ge [sflag:s26], $0x2000  }
0x4c: {  	[sflag:s26] =	ssyncset.done $0x0  }
0x4d: {  	s13 =	rddreg [dreg:$0x8];
	[sflag:s26] =	ssyncadd.s32 $0xFFFFE000  }
0x4e: {  	[spmem:s13] =	stream.linear.scatter [tilespmem:s29], [sflag:$0x5], $0x2000, $0x38;
	[tilespmem:$0x10440] =	vst v63  }
0x4f: {  	_ =	swait.ge [sflag:s26], $0x2000  }
0x50: {  	[sflag:s26] =	ssyncset.done $0x0  }
0x51: {  	s14 =	rddreg [dreg:$0x9];
	[sflag:s26] =	ssyncadd.s32 $0xFFFFE000  }
0x52: {  	[spmem:s14] =	stream.linear.scatter [tilespmem:s29], [sflag:$0x5], $0x2000, $0x38;
	[tilespmem:$0x10440] =	vst v63  }
0x53: {  	_ =	swait.ge [sflag:s26], $0x2000  }
0x54: {  	[sflag:s26] =	ssyncset.done $0x0  }
0x55: {  	s21 =	rddreg [dreg:$0xa];
	[sflag:s26] =	ssyncadd.s32 $0xFFFFE000  }
0x56: {  	[spmem:s21] =	stream.linear.scatter [tilespmem:s29], [sflag:$0x5], $0x1C00, $0x38;
	[tilespmem:$0x10440] =	vst v63  }
0x57: {  	_ =	swait.ge [sflag:s26], $0x1C00  }
0x58: {  	[sflag:s26] =	ssyncset.done $0x0  }
0x59: {  	s3 =	simm.s32 @!p1 $0x2800;
	[sflag:s26] =	ssyncadd.s32 $0xFFFFE400  }
0x5a: {  	[spmem:s12] =	stream.linear.scatter @!p1 [tilespmem:s3], [sflag:$0x5], $0x400, $0x38;
	[tilespmem:$0x10440] =	vst v63  }
0x5b: {  	s3 =	simm.s32 @!p1 $0x5  }
0x5c: {  	_ =	swait.ge @!p1 [sflag:s3], $0x400  }
0x5d: {  	[sflag:s3] =	ssyncset.done @!p1 $0x0  }
0x5e: {  	[sflag:s3] =	ssyncadd.s32 @!p1 $0xFFFFFC00  }
.LBB2_5:
0x5f: {  	s3 =	simm.s32 $0x0  }
0x60: {  	[tilespmem:s3], [sflag:$0x5] =	stream.linear.gather [hbm4b:s16+s3], $0x2700, $0x38;
	[tilespmem:$0x10440] =	vst v63  }
0x61: {  	_ =	swait.ge [sflag:s26], $0x2700  }
0x62: {  	[sflag:s26] =	ssyncset.done $0x0  }
0x63: {  	[sflag:s26] =	ssyncadd.s32 $0xFFFFD900  }
0x64: {  	[tilespmem:s29], [sflag:$0x1] =	stream.indirect.gather [hbm4b:s1+s28], $0x40, s3, s28, $0xb8;
	[tilespmem:$0x10440] =	vst v63  }
0x65: {  	_ = 	snop  }
0x66: {  	[tilespmem:s30], [sflag:$0x3] =	stream.linear.gather [hbm4b:s17+s3], $0x80, $0x38;
	[tilespmem:$0x10440] =	vst v63  }
0x67: {  	s7 =	simm.s32 $0x80;
	[bflag:$0x0] =	sbarrier.arrive $0xFFFF  }
0x68: {  	[tilespmem:s31], [sflag:$0x2] =	stream.indirect.gather [hbm4b:s1+s28], $0x40, s7, s28, $0xb8;
	[tilespmem:$0x10440] =	vst v63  }
0x69: {  	s13 =	sadd.s32 $0x0, s25  }
0x6a: {  	[tilespmem:s0], [sflag:$0x4] =	stream.linear.gather [hbm4b:s13+s4], $0x80, $0x38;
	[tilespmem:$0x10440] =	vst v63  }
0x6b: {  	_ =	swait.ge [sflag:s8], $0x2000  }
0x6c: {  	[sflag:s8] =	ssyncset.done $0x0  }
0x6d: {  	[sflag:s8] =	ssyncadd.s32 $0xFFFFE000  }
0x6e: {  	_ =	swait.ge [sflag:s9], $0x80  }
0x6f: {  	[sflag:s9] =	ssyncset.done $0x0  }
0x70: {  	[sflag:s9] =	ssyncadd.s32 $0xFFFFFF80  }
0x71: {  	[spmem:s2] =	stream.indirect.scatter.add.f32 [tilespmem:s29], [sflag:$0x5], $0x40, s30, s28, $0xb8;
	[tilespmem:$0x10440] =	vst v63  }
0x72: {  	_ =	swait.ge [sflag:s26], $0x2000  }
0x73: {  	[sflag:s26] =	ssyncset.done $0x0  }
0x74: {  	s14 =	simm.s32 $0x100;
	[sflag:s26] =	ssyncadd.s32 $0xFFFFE000  }
0x75: {  	[tilespmem:s29], [sflag:$0x1] =	stream.indirect.gather [hbm4b:s1+s28], $0x40, s14, s28, $0xb8;
	[tilespmem:$0x10440] =	vst v63  }
0x76: {  	s21 =	sadd.s32 $0x0, s24  }
0x77: {  	[tilespmem:s30], [sflag:$0x3] =	stream.linear.gather [hbm4b:s21+s4], $0x80, $0x38;
	[tilespmem:$0x10440] =	vst v63  }
0x78: {  	_ =	swait.ge [sflag:s10], $0x2000  }
0x79: {  	[sflag:s10] =	ssyncset.done $0x0  }
0x7a: {  	[sflag:s10] =	ssyncadd.s32 $0xFFFFE000  }
0x7b: {  	_ =	swait.ge [sflag:s11], $0x80  }
0x7c: {  	[sflag:s11] =	ssyncset.done $0x0  }
0x7d: {  	[sflag:s11] =	ssyncadd.s32 $0xFFFFFF80  }
0x7e: {  	[spmem:s2] =	stream.indirect.scatter.add.f32 [tilespmem:s31], [sflag:$0x5], $0x40, s0, s28, $0xb8;
	[tilespmem:$0x10440] =	vst v63  }
0x7f: {  	s3 =	simm.s32 $0x40;
	_ =	swait.ge [sflag:s26], $0x2000  }
0x80: {  	s14 =	simm.s32 $0x200;
	s21 =	simm.s32 $0x20;
	[sflag:s26] =	ssyncset.done $0x0  }
.LBB2_6:
0x81: {  	p4 =	sne.s32 s3, $0x4A0;
	s7 =	sadd.s32 $0xFFFFFF80, s14;
	[sflag:s26] =	ssyncadd.s32 $0xFFFFE000  }
0x82: {  	[tilespmem:s31], [sflag:$0x2] =	stream.indirect.gather [hbm4b:s1+s28], $0x40, s7, s28, $0xb8;
	[tilespmem:$0x10440] =	vst v63  }
0x83: {  	s13 =	smov.u32 s3;
	s3 =	sadd.s32 $0x20, s3;
	s7 =	sadd.s32 s21, s25  }
0x84: {  	[tilespmem:s0], [sflag:$0x4] =	stream.linear.gather [hbm4b:s7+s4], $0x80, $0x38;
	[tilespmem:$0x10440] =	vst v63  }
0x85: {  	_ =	swait.ge [sflag:s8], $0x2000  }
0x86: {  	[sflag:s8] =	ssyncset.done $0x0  }
0x87: {  	[sflag:s8] =	ssyncadd.s32 $0xFFFFE000  }
0x88: {  	_ =	swait.ge [sflag:s9], $0x80  }
0x89: {  	[sflag:s9] =	ssyncset.done $0x0  }
0x8a: {  	[sflag:s9] =	ssyncadd.s32 $0xFFFFFF80  }
0x8b: {  	[spmem:s2] =	stream.indirect.scatter.add.f32 [tilespmem:s29], [sflag:$0x5], $0x40, s30, s28, $0xb8;
	[tilespmem:$0x10440] =	vst v63  }
0x8c: {  	_ =	swait.ge [sflag:s26], $0x2000  }
0x8d: {  	[sflag:s26] =	ssyncset.done $0x0  }
0x8e: {  	[sflag:s26] =	ssyncadd.s32 $0xFFFFE000  }
0x8f: {  	[tilespmem:s29], [sflag:$0x1] =	stream.indirect.gather [hbm4b:s1+s28], $0x40, s14, s28, $0xb8;
	[tilespmem:$0x10440] =	vst v63  }
0x90: {  	s7 =	sadd.s32 s21, s24;
	s21 =	smov.u32 s13  }
0x91: {  	[tilespmem:s30], [sflag:$0x3] =	stream.linear.gather [hbm4b:s7+s4], $0x80, $0x38;
	[tilespmem:$0x10440] =	vst v63  }
0x92: {  	_ =	swait.ge [sflag:s10], $0x2000  }
0x93: {  	[sflag:s10] =	ssyncset.done $0x0  }
0x94: {  	[sflag:s10] =	ssyncadd.s32 $0xFFFFE000  }
0x95: {  	_ =	swait.ge [sflag:s11], $0x80  }
.Ltmp5:
0x96: {  	[sflag:s11] =	ssyncset.done $0x0;
	(pc) =	sbr.rel @p4 .LBB2_6-.Ltmp5, $4  }
0x97: {  	[sflag:s11] =	ssyncadd.s32 $0xFFFFFF80  }
0x98: {  	[spmem:s2] =	stream.indirect.scatter.add.f32 [tilespmem:s31], [sflag:$0x5], $0x40, s0, s28, $0xb8;
	[tilespmem:$0x10440] =	vst v63  }
0x99: {  	_ =	swait.ge [sflag:s26], $0x2000  }
0x9a: {  	s14 =	sadd.s32 $0x100, s14;
	[sflag:s26] =	ssyncset.done $0x0  }
0x9b: {  	s3 =	sadd.s32 $0xFFFFFF80, s14;
	[sflag:s26] =	ssyncadd.s32 $0xFFFFE000  }
0x9c: {  	[tilespmem:s31], [sflag:$0x2] =	stream.indirect.gather [hbm4b:s1+s28], $0x40, s3, s28, $0xb8;
	[tilespmem:$0x10440] =	vst v63  }
0x9d: {  	s13 =	sadd.s32 s21, s25  }
0x9e: {  	[tilespmem:s0], [sflag:$0x4] =	stream.linear.gather [hbm4b:s13+s4], $0x80, $0x38;
	[tilespmem:$0x10440] =	vst v63  }
0x9f: {  	_ =	swait.ge [sflag:s8], $0x2000  }
0xa0: {  	[sflag:s8] =	ssyncset.done $0x0  }
0xa1: {  	[sflag:s8] =	ssyncadd.s32 $0xFFFFE000  }
0xa2: {  	_ =	swait.ge [sflag:s9], $0x80  }
0xa3: {  	[sflag:s9] =	ssyncset.done $0x0  }
0xa4: {  	[sflag:s9] =	ssyncadd.s32 $0xFFFFFF80  }
0xa5: {  	[spmem:s2] =	stream.indirect.scatter.add.f32 [tilespmem:s29], [sflag:$0x5], $0x40, s30, s28, $0xb8;
	[tilespmem:$0x10440] =	vst v63  }
0xa6: {  	_ =	swait.ge [sflag:s26], $0x2000  }
0xa7: {  	[sflag:s26] =	ssyncset.done $0x0  }
0xa8: {  	[sflag:s26] =	ssyncadd.s32 $0xFFFFE000  }
0xa9: {  	[tilespmem:s29], [sflag:$0x1] =	stream.indirect.gather [hbm4b:s1+s28], $0x40, s14, s28, $0xb8;
	[tilespmem:$0x10440] =	vst v63  }
0xaa: {  	s14 =	sadd.s32 s21, s24  }
0xab: {  	[tilespmem:s30], [sflag:$0x3] =	stream.linear.gather [hbm4b:s14+s4], $0x80, $0x38;
	[tilespmem:$0x10440] =	vst v63  }
0xac: {  	_ =	swait.ge [sflag:s10], $0x2000  }
0xad: {  	[sflag:s10] =	ssyncset.done $0x0  }
0xae: {  	[sflag:s10] =	ssyncadd.s32 $0xFFFFE000  }
0xaf: {  	_ =	swait.ge [sflag:s11], $0x80  }
0xb0: {  	[sflag:s11] =	ssyncset.done $0x0  }
0xb1: {  	[sflag:s11] =	ssyncadd.s32 $0xFFFFFF80  }
0xb2: {  	[spmem:s2] =	stream.indirect.scatter.add.f32 [tilespmem:s31], [sflag:$0x5], $0x40, s0, s28, $0xb8;
	[tilespmem:$0x10440] =	vst v63  }
0xb3: {  	_ =	swait.ge [sflag:s26], $0x2000  }
0xb4: {  	[sflag:s26] =	ssyncset.done $0x0  }
0xb5: {  	s21 =	simm.s32 $0x2680;
	[sflag:s26] =	ssyncadd.s32 $0xFFFFE000  }
0xb6: {  	[tilespmem:s31], [sflag:$0x2] =	stream.indirect.gather [hbm4b:s1+s28], $0x40, s21, s28, $0xb8;
	[tilespmem:$0x10440] =	vst v63  }
0xb7: {  	_ = 	snop  }
0xb8: {  	[tilespmem:s0], [sflag:$0x4] =	stream.linear.gather [hbm4b:s23+s4], $0x80, $0x38;
	[tilespmem:$0x10440] =	vst v63  }
0xb9: {  	_ =	swait.ge [sflag:s8], $0x2000  }
0xba: {  	[sflag:s8] =	ssyncset.done $0x0  }
0xbb: {  	[sflag:s8] =	ssyncadd.s32 $0xFFFFE000  }
0xbc: {  	_ =	swait.ge [sflag:s9], $0x80  }
0xbd: {  	[sflag:s9] =	ssyncset.done $0x0  }
0xbe: {  	[sflag:s9] =	ssyncadd.s32 $0xFFFFFF80  }
0xbf: {  	[spmem:s2] =	stream.indirect.scatter.add.f32 [tilespmem:s29], [sflag:$0x5], $0x40, s30, s28, $0xb8;
	[tilespmem:$0x10440] =	vst v63  }
0xc0: {  	_ =	swait.ge [sflag:s26], $0x2000  }
0xc1: {  	[sflag:s26] =	ssyncset.done $0x0  }
0xc2: {  	[sflag:s26] =	ssyncadd.s32 $0xFFFFE000  }
0xc3: {  	_ =	swait.ge [sflag:s10], $0x2000  }
0xc4: {  	[sflag:s10] =	ssyncset.done $0x0  }
0xc5: {  	[sflag:s10] =	ssyncadd.s32 $0xFFFFE000  }
0xc6: {  	_ =	swait.ge [sflag:s11], $0x80  }
0xc7: {  	[sflag:s11] =	ssyncset.done $0x0  }
0xc8: {  	[sflag:s11] =	ssyncadd.s32 $0xFFFFFF80  }
0xc9: {  	[spmem:s2] =	stream.indirect.scatter.add.f32 [tilespmem:s31], [sflag:$0x5], $0x40, s0, s28, $0xb8;
	[tilespmem:$0x10440] =	vst v63  }
0xca: {  	_ =	swait.ge [sflag:s26], $0x2000  }
0xcb: {  	[sflag:s26] =	ssyncset.done $0x0  }
0xcc: {  	s7 =	simm.s32 @!p2 $0x5;
	s3 =	simm.s32 @!p2 $0x0;
	[sflag:s26] =	ssyncadd.s32 $0xFFFFE000  }
0xcd: {  	[tilespmem:s3], [sflag:$0x5] =	stream.linear.gather @!p2 [hbm4b:s18+s3], $0x80, $0x38;
	[tilespmem:$0x10440] =	vst v63  }
0xce: {  	_ =	swait.ge @!p2 [sflag:s7], $0x80  }
0xcf: {  	[sflag:s7] =	ssyncset.done @!p2 $0x0  }
0xd0: {  	s13 =	simm.s32 @!p2 $0x2700;
	[sflag:s7] =	ssyncadd.s32 @!p2 $0xFFFFFF80  }
0xd1: {  	[tilespmem:s13], [sflag:$0x5] =	stream.linear.gather @!p2 [hbm4b:s19+s3], $0x80, $0x38;
	[tilespmem:$0x10440] =	vst v63  }
0xd2: {  	_ =	swait.ge @!p2 [sflag:s7], $0x80  }
0xd3: {  	[sflag:s7] =	ssyncset.done @!p2 $0x0  }
0xd4: {  	s14 =	simm.s32 @!p2 $0x80;
	s21 =	simm.s32 @!p2 $0x2800;
	[sflag:s7] =	ssyncadd.s32 @!p2 $0xFFFFFF80  }
0xd5: {  	[tilespmem:s21], [sflag:$0x1] =	stream.indirect.gather @!p2 [hbm4b:s1+s14], $0x40, s3, s14, $0xb8;
	[tilespmem:$0x10440] =	vst v63  }
0xd6: {  	s3 =	simm.s32 @!p2 $0x1  }
0xd7: {  	_ =	swait.ge @!p2 [sflag:s3], $0x2000  }
0xd8: {  	[sflag:s3] =	ssyncset.done @!p2 $0x0  }
0xd9: {  	[sflag:s3] =	ssyncadd.s32 @!p2 $0xFFFFE000  }
0xda: {  	[spmem:s2] =	stream.indirect.scatter.add.f32 @!p2 [tilespmem:s21], [sflag:$0x5], $0x40, s13, s14, $0xb8;
	[tilespmem:$0x10440] =	vst v63  }
.Ltmp6:
0xdb: {  	_ =	swait.ge @!p2 [sflag:s7], $0x2000;
	(pc) =	sbr.rel @p0 .LBB2_9-.Ltmp6, $3  }
0xdc: {  	[sflag:s7] =	ssyncset.done @!p2 $0x0  }
0xdd: {  	[sflag:s7] =	ssyncadd.s32 @!p2 $0xFFFFE000  }
0xde: {  	[bflag:$0x0] =	sbarrier.arrive $0xFFFF;
	_ =	sdelay $0x1  }
0xdf: {  	s5 =	sor.u32 $0x1C05, s20;
	s3 =	rddreg [dreg:$0xf]  }
0xe0: {  	[hbm:s3], [sflag:s5] =	dma.local [spmem:s6], $0x1380  }
.Ltmp7:
0xe1: {  	_ = 	snop;
	(pc) =	sbr.rel @p3 .LBB2_10-.Ltmp7, $4  }
.Ltmp8:
0xe2: {  	_ = 	snop;
	(pc) =	sbr.rel @!p3 .LBB2_11-.Ltmp8, $4  }
0xe3: {  	_ =	swait.ge [sflag:s26], $0x1380  }
0xe4: {  	[sflag:s26] =	ssyncset.done $0x0  }
0xe5: {  	s3 =	rddreg [dreg:$0x4];
	[sflag:s26] =	ssyncadd.s32 $0xFFFFEC80  }
0xe6: {  	_ = 	snop  }
.LBB2_9:
0xe7: {  	s3 =	rddreg [dreg:$0xe]  }
0xe8: {  	[hbm:s3], [sflag:s5] =	dma.local [spmem:s6], $0x1380  }
.Ltmp9:
0xe9: {  	_ = 	snop;
	(pc) =	sbr.rel @p1 .LBB2_11-.Ltmp9, $4  }
.Ltmp10:
0xea: {  	_ = 	snop;
	(pc) =	sbr.rel @!p1 .LBB2_10-.Ltmp10, $4  }
0xeb: {  	_ =	swait.ge [sflag:s26], $0x1380  }
0xec: {  	[sflag:s26] =	ssyncset.done $0x0  }
0xed: {  	s3 =	rddreg [dreg:$0x5];
	[sflag:s26] =	ssyncadd.s32 $0xFFFFEC80  }
0xee: {  	_ = 	snop  }
.LBB2_12:
0xef: {  	_ =	sfence.sel $0x180000  }
0xf0: {  	[bflag:$0x0] =	sbarrier.arrive $0xFFFF  }
0xf1: {  	_ =	strace $0x9000004A  }
0xf2: {  	s0 =	stileid.u32;
	[bflag:$0x2] =	sbarrier.arrive $0xFFFF  }
0xf3: {  	p0 =	sne.s32 s0, $0x0;
	s0 =	rddreg [dreg:$0x3]  }
0xf4: {  	s0 =	sadd.s32 @!p0 $0x100000, s0  }
0xf5: {  	[sflag:s0] =	ssyncadd.tile.s32 @!p0 $0x1;
	_ =	shalt  }
.Lfunc_end2:
_tile_overlayer_lowered:
.L_overlay_start_2:
0xf6: {  	(tag) =	ssettag $0x2  }
0xf7: {  	s0 =	rddreg [dreg:$0x0];
	s2 =	stileid.u32  }
0xf8: {  	s1 =	rddreg [dreg:$0x1];
	p0 =	sne.s32 s2, $0x0  }
0xf9: {  	s3 =	rddreg [dreg:$0x2];
	[bflag:$0x3] =	sbarrier.arrive $0xFFFF;
	s2 =	simm.s32 @!p0 $0x1C05  }
0xfa: {  	[timem:s3], [sflag:s2] =	dma.local @!p0 [hbm:s0], s1  }
0xfb: {  	s0 =	simm.s32 @!p0 $0x5  }
0xfc: {  	_ =	swait.ge @!p0 [sflag:s0], s1  }
0xfd: {  	s1 =	ssub.s32 @!p0 $0x0, s1;
	[sflag:s0] =	ssyncset.done @!p0 $0x0  }
0xfe: {  	[sflag:s0] =	ssyncadd.s32 @!p0 s1  }
0xff: {  	[bflag:$0x3] =	sbarrier.arrive $0xFFFF  }
0x100: {  	_ =	shalt  }

// kernel: kernel.14.cloned.1.call-start
scs
__scs_entry_jumppad:
0x0: {  	(pc) =	sbr.rel $0x88, $3  }
0x1: {  	(tag) =	ssettag $0x0;
	lr =	simm.s32 $0x1  }
0x2: {  	[smem:$0x3F93] =	sst lr;
	_ =	strace $0xD0000000  }
0x3: {  	_ = 	snop  }
0x4: {  	_ = 	snop  }
0x5: {  	_ = 	snop  }
0x6: {  	_ = 	snop  }
0x7: {  	_ = 	snop  }
__scs_overlays_trampoline_lowered:
0x8: {  	[smem:$0x3FA2] =	sst s0  }
0x9: {  	[smem:$0x3FA3] =	sst s1  }
0xa: {  	[smem:$0x3FA4] =	sst s2  }
0xb: {  	[smem:$0x3FA5] =	sst s3  }
0xc: {  	[smem:$0x3FA6] =	sst s4  }
0xd: {  	[smem:$0x3FA7] =	sst s5  }
0xe: {  	[smem:$0x3FA8] =	sst s6  }
0xf: {  	[smem:$0x3FA9] =	sst s7  }
0x10: {  	[smem:$0x3FAA] =	sst s8  }
0x11: {  	[smem:$0x3FAB] =	sst s9;
	s0 =	simm.s32 @!p0 $0x0  }
0x12: {  	s1 =	sld [smem:$0x3F91];
	s0 =	simm.s32 @p0 $0x1  }
0x13: {  	[smem:$0x3FAC] =	sst s0;
	s0 =	simm.s32 @!p1 $0x0  }
0x14: {  	s2 =	sld [smem:$0x3F90];
	s0 =	simm.s32 @p1 $0x1  }
0x15: {  	[smem:$0x3FAD] =	sst s0;
	s0 =	simm.s32 @!p2 $0x0  }
0x16: {  	s3 =	sld [smem:$0x3FDB];
	s0 =	simm.s32 @p2 $0x1  }
0x17: {  	s4 =	simm.s32 $0x1BF5;
	[smem:$0x3FAF] =	sst s0  }
0x18: {  	s0 =	sld [smem:$0x3F92];
	_ =	swait.ge [sflag:s4], $0x0  }
0x19: {  	s7 =	sld [smem:$0x3F93]  }
0x1a: {  	s8 =	sadd.s32 $0xFFFFE003, lr  }
0x1b: {  	s9 =	sadd.s32 $0xFFFFFEF7, lr;
	s5 =	simm.s32 $0xFFFFFFFF;
	p2 =	slt.u32 s8, $0xFFFFF086  }
0x1c: {  	p1 =	slt.u32 s9, $0xF7A;
	s5 =	simm.s32 @!p2 $0x0  }
0x1d: {  	s5 =	simm.s32 @p1 $0x1;
	p0 =	seq.s32 s7, s2  }
0x1e: {  	s7 =	smul.u32 @!p0 $0xF7A, s2;
	p2 =	seq.s32 @!p0 s5, $0x0  }
0x1f: {  	s9 =	smul.u32 $0xF7A, s1;
	s8 =	simm.s32 @!p0 $0x1BF5;
	p2 =	por !p2, p0  }
0x20: {  	[sflag:s8] =	ssyncset.s32 @!p0 $0xFFFFF086;
	s6 =	sadd.s32 @!p0 s3, s7;
	s7 =	simm.s32 @!p0 $0x108  }
0x21: {  	s3 =	sadd.s32 s3, s9;
	s6 =	sadd.s32 @!p0 $0x88, s6;
	s7 =	simm.s32 @p2 $0x1082  }
0x22: {  	[simem:s7], [sflag:s8] =	dma.local @!p0 [hbm:s6], $0xF7A  }
0x23: {  	s9 =	sor.u32 $0xD0000000, s2;
	s6 =	simm.s32 $0x108;
	_ =	swait.ge @!p0 [sflag:s8], $0x0  }
0x24: {  	s3 =	sadd.s32 $0x88, s3;
	s6 =	simm.s32 @!p1 $0x1082;
	[sflag:s4] =	ssyncset.s32 $0xFFFFF086  }
0x25: {  	[simem:s6], [sflag:s4] =	dma.local [hbm:s3], $0xF7A  }
0x26: {  	[smem:$0x3F93] =	sst s1;
	(tag) =	ssettag s2;
	_ =	strace s9  }
0x27: {  	s1 =	sld [smem:$0x3FA3]  }
0x28: {  	s2 =	sld [smem:$0x3FA4]  }
0x29: {  	s4 =	sld [smem:$0x3FA6]  }
0x2a: {  	p0 =	seq.s32 s5, $0x0;
	s5 =	sld [smem:$0x3FA7]  }
0x2b: {  	s6 =	sld [smem:$0x3FA8]  }
0x2c: {  	s7 =	sld [smem:$0x3FA9]  }
0x2d: {  	s3 =	simm.s32 $0x108;
	s8 =	sld [smem:$0x3FAA]  }
0x2e: {  	s3 =	simm.s32 @!p0 $0x1082;
	s9 =	sld [smem:$0x3FAB]  }
0x2f: {  	lr =	sadd.s32 s0, s3;
	s0 =	sld [smem:$0x3FA2]  }
0x30: {  	s3 =	sld [smem:$0x3FA5]  }
0x31: {  	[smem:$0x3FAE] =	sst s10  }
0x32: {  	s10 =	sld [smem:$0x3FAC];
	_ =	sdelay $0x3  }
0x33: {  	p0 =	seq.s32 s10, $0x1;
	s10 =	sld [smem:$0x3FAE];
	_ =	sdelay $0x3  }
0x34: {  	[smem:$0x3FAE] =	sst s10  }
0x35: {  	s10 =	sld [smem:$0x3FAD];
	_ =	sdelay $0x3  }
0x36: {  	p1 =	seq.s32 s10, $0x1;
	s10 =	sld [smem:$0x3FAE];
	_ =	sdelay $0x3  }
0x37: {  	[smem:$0x3FAE] =	sst s10  }
0x38: {  	s10 =	sld [smem:$0x3FAF]  }
0x39: {  	_ = 	snop;
	(pc) =	sbr.ind lr, $3  }
0x3a: {  	_ = 	snop  }
0x3b: {  	_ = 	snop  }
0x3c: {  	p2 =	seq.s32 s10, $0x1;
	s10 =	sld [smem:$0x3FAE]  }
0x3d: {  	_ =	shalt  }
0x3e: {  	_ =	shalt  }
0x3f: {  	_ =	shalt  }
0x40: {  	_ =	shalt  }
0x41: {  	_ =	shalt  }
0x42: {  	_ =	shalt  }
0x43: {  	_ =	shalt  }
0x44: {  	_ =	shalt  }
0x45: {  	_ =	shalt  }
0x46: {  	_ =	shalt  }
0x47: {  	_ =	shalt  }
0x48: {  	_ =	shalt  }
0x49: {  	_ =	shalt  }
0x4a: {  	_ =	shalt  }
0x4b: {  	_ =	shalt  }
0x4c: {  	_ =	shalt  }
0x4d: {  	_ =	shalt  }
0x4e: {  	_ =	shalt  }
0x4f: {  	_ =	shalt  }
0x50: {  	_ =	shalt  }
0x51: {  	_ =	shalt  }
0x52: {  	_ =	shalt  }
0x53: {  	_ =	shalt  }
0x54: {  	_ =	shalt  }
0x55: {  	_ =	shalt  }
0x56: {  	_ =	shalt  }
0x57: {  	_ =	shalt  }
0x58: {  	_ =	shalt  }
0x59: {  	_ =	shalt  }
0x5a: {  	_ =	shalt  }
0x5b: {  	_ =	shalt  }
0x5c: {  	_ =	shalt  }
0x5d: {  	_ =	shalt  }
0x5e: {  	_ =	shalt  }
0x5f: {  	_ =	shalt  }
0x60: {  	_ =	shalt  }
0x61: {  	_ =	shalt  }
0x62: {  	_ =	shalt  }
0x63: {  	_ =	shalt  }
0x64: {  	_ =	shalt  }
0x65: {  	_ =	shalt  }
0x66: {  	_ =	shalt  }
0x67: {  	_ =	shalt  }
0x68: {  	_ =	shalt  }
0x69: {  	_ =	shalt  }
0x6a: {  	_ =	shalt  }
0x6b: {  	_ =	shalt  }
0x6c: {  	_ =	shalt  }
0x6d: {  	_ =	shalt  }
0x6e: {  	_ =	shalt  }
0x6f: {  	_ =	shalt  }
0x70: {  	_ =	shalt  }
0x71: {  	_ =	shalt  }
0x72: {  	_ =	shalt  }
0x73: {  	_ =	shalt  }
0x74: {  	_ =	shalt  }
0x75: {  	_ =	shalt  }
0x76: {  	_ =	shalt  }
0x77: {  	_ =	shalt  }
0x78: {  	_ =	shalt  }
0x79: {  	_ =	shalt  }
0x7a: {  	_ =	shalt  }
0x7b: {  	_ =	shalt  }
0x7c: {  	_ =	shalt  }
0x7d: {  	_ =	shalt  }
0x7e: {  	_ =	shalt  }
0x7f: {  	_ =	shalt  }
0x80: {  	_ =	shalt  }
0x81: {  	_ =	shalt  }
0x82: {  	_ =	shalt  }
0x83: {  	_ =	shalt  }
0x84: {  	_ =	shalt  }
0x85: {  	_ =	shalt  }
0x86: {  	_ =	shalt  }
0x87: {  	_ =	shalt  }
.Lfunc_end0:
.L_simem_size_0:
called_computation.2_lowered:
.L_overlay_start_0:
0x88: {  	s2 =	sld [smem:$0x3FD9]  }
0x89: {  	s3 =	sld [smem:$0x3FFE];
	_ =	sdelay $0x1  }
0x8a: {  	s1 =	srdreg.scid  }
0x8b: {  	s0 =	sand.u32 $0x1, s1  }
0x8c: {  	s17 =	sshll.u32 s0, $0xA;
	s2 =	sadd.s32 s3, s2  }
0x8d: {  	s2 =	sadd.s32 s2, s17  }
0x8e: {  	[smem:$0x3FBA] =	sst s2  }
0x8f: {  	_ = 	snop  }
0x90: {  	s2 =	sld [smem:$0x3FD0];
	(tm) =	ssettm $0x1  }
0x91: {  	s18 =	sld [smem:$0x3FFB];
	_ =	sdelay $0x3  }
0x92: {  	_ =	strace s18  }
0x93: {  	s3 =	sld [smem:$0x3FFC];
	_ =	sdelay $0x3  }
0x94: {  	_ =	strace s3  }
0x95: {  	s3 =	sld [smem:$0x3FFD];
	_ =	sdelay $0x3  }
0x96: {  	_ =	strace s3  }
0x97: {  	_ =	strace $0x8FFFFFFF  }
0x98: {  	s19 =	sld [smem:$0x3FDB];
	_ =	sdelay $0x1  }
0x99: {  	s4 =	simm.s32 $_scs_section_size  }
0x9a: {  	s5 =	simm.s32 $_size__tile_overlayer_lowered;
	s6 =	simm.s32 $_tile_overlayer_lowered  }
0x9b: {  	s22 =	simm.s32 $0x1BFF;
	s21 =	sshll.u32 s6, $0x1;
	s3 =	sadd.s32 s4, s19  }
0x9c: {  	s7 =	simm.s32 $0x0;
	s20 =	sshll.u32 s5, $0x1;
	s5 =	sadd.s32 s21, s3  }
0x9d: {  	[timem:s7], [sflag:s22] =	dma.local [hbm:s5], s20  }
0x9e: {  	_ =	swait.ge [sflag:s22], s20  }
0x9f: {  	s4 =	ssub.s32 $0x0, s20;
	[sflag:s22] =	ssyncset.done $0x0  }
0xa0: {  	[sflag:s22] =	ssyncadd.s32 s4;
	_ =	sdelay $0x1  }
0xa1: {  	s23 =	simm.s32 $0x1B8B  }
0xa2: {  	_ =	swait.ge [sflag:s23], $0x1  }
0xa3: {  	[sflag:s23] =	ssyncset.done $0x0  }
0xa4: {  	s25 =	simm.s32 $0x1B8E;
	s24 =	sld [smem:$0x3FFE];
	[sflag:s23] =	ssyncadd.s32 $0xFFFFFFFF  }
0xa5: {  	s26 =	simm.s32 $execute0_lowered;
	[smem:$0x3FD2] =	sst s25  }
0xa6: {  	s5 =	sshll.u32 s26, $0x1;
	_ =	strace $0x8000004C;
	[dreg:$0x1] =	wrdreg $0xFFFFFFFF  }
0xa7: {  	s28 =	simm.s32 $_size_execute0_lowered;
	s3 =	sadd.s32 s3, s5;
	[dreg:$0x0] =	wrdreg $0x0  }
0xa8: {  	s5 =	sshll.u32 s28, $0x1;
	[dreg:$0x2] =	wrdreg s3  }
0xa9: {  	[dreg:$0x3] =	wrdreg s5  }
0xaa: {  	[dreg:$0x4] =	wrdreg $0xC0  }
0xab: {  	_ =	task [dreg:s7], $0x5FFFF  }
0xac: {  	[dreg:$0x1] =	wrdreg $0xFFFFFFFF  }
0xad: {  	[dreg:$0x0] =	wrdreg $0x60  }
0xae: {  	[dreg:$0x2] =	wrdreg s2  }
0xaf: {  	[dreg:$0x3] =	wrdreg s24  }
0xb0: {  	[dreg:$0x4] =	wrdreg $0x68000  }
0xb1: {  	[dreg:$0x5] =	wrdreg $0x9  }
0xb2: {  	_ =	task.clear_ibuf [dreg:s7], $0x6FFFF;
	_ =	strace $0x9000004C  }
0xb3: {  	s29 =	simm.s32 $0x9;
	_ =	strace $0x8000004E  }
0xb4: {  	_ =	swait.ge [sflag:s29], $0x1  }
0xb5: {  	[sflag:s29] =	ssyncadd.s32 $0xFFFFFFFF  }
0xb6: {  	_ =	strace $0x9000004E  }
0xb7: {  	_ =	sfence  }
0xb8: {  	s30 =	sld [smem:$0x0];
	_ =	sdelay $0x2  }
0xb9: {  	s31 =	sshll.u32 s1, $0xD;
	s1 =	sshrl.u32 s1, $0x2  }
0xba: {  	s3 =	sand.u32 $0x4000, s31;
	s1 =	sadd.s32 s1, s30  }
0xbb: {  	s0 =	sor.u32 s3, s0;
	s1 =	sshll.u32 s1, $0x11  }
0xbc: {  	s0 =	sor.u32 s1, s0  }
0xbd: {  	s0 =	sadd.s32 $0x8F2B, s0  }
0xbe: {  	[sflag:s0] =	ssyncadd.remote.s32 $0x1  }
0xbf: {  	_ =	sfence.sel $0xFFFF  }
0xc0: {  	[dreg:$0x0] =	wrdreg $0xFFFFFFFF;
	(pc) =	sbr.abs _section_cstart, $3  }
0xc1: {  	[dreg:$0x1] =	wrdreg $0xFFFFFFFF  }
0xc2: {  	_ =	task.clear_ibuf [dreg:s7], $0x2FFFF;
	_ =	strace $0x9FFFFFFF  }
0xc3: {  	(tm) =	ssettm $0x7FFFFFFF  }
tec
execute0_lowered:
.L_overlay_start_1:
0x0: {  	(tag) =	ssettag $0x1  }
0x1: {  	s1 =	rddreg [dreg:$0x0]  }
0x2: {  	s0 =	rddreg [dreg:$0x1]  }
0x3: {  	s2 =	rddreg [dreg:$0x2];
	s4 =	simm.s32 $0x0;
	s3 =	srdreg.scid  }
0x4: {  	s13 =	stileid.u32;
	s28 =	simm.s32 $0x80;
	s29 =	simm.s32 $0x2800  }
0x5: {  	s30 =	simm.s32 $0x2700;
	s31 =	simm.s32 $0x4800;
	[smem:$0x7FF] =	sst s4  }
0x6: {  	s5 =	sadd.s32 $0xCE00, s0;
	s3 =	sand.u32 $0x1, s3;
	s6 =	smul.u32 $0x27000, s13  }
0x7: {  	s8 =	sadd.s32 $0x3000, s0;
	s15 =	sadd.s32 $0x2A600, s0;
	s20 =	sadd.s32 $0x16C00, s0  }
0x8: {  	s9 =	sshll.u32 s13, $0x1;
	s24 =	smul.u32 $0x9C00, s13;
	s12 =	sadd.s32 $0x9C000, s2  }
0x9: {  	s21 =	smul.u32 $0x9C, s13;
	s22 =	sadd.s32 $0x13800, s1;
	p1 =	sne.s32 s13, $0xF  }
0xa: {  	p2 =	sgt.u32 s13, $0x1;
	_ =	strace $0x8000004D;
	[dreg:$0xd] =	wrdreg s22  }
0xb: {  	p3 =	seq.s32 s13, $0xF;
	s7 =	ssub.s32 $0x2, s3;
	[dreg:$0x5] =	wrdreg s20  }
0xc: {  	s17 =	sor.u32 s3, s9;
	[dreg:$0x4] =	wrdreg s15;
	p0 =	sne.s32 s3, $0x0  }
0xd: {  	s9 =	simm.s32 $0x3;
	s14 =	sshrl.u32 s7, $0x1;
	s6 =	sshrl.u32 s6, $0x2  }
0xe: {  	s26 =	sshrl.u32 s24, $0x3;
	s11 =	smul.u32 $0x4E0, s17;
	s18 =	sadd.s32 s24, s2  }
0xf: {  	s0 =	ssub.s32 s7, s14;
	s16 =	sadd.s32 s6, s2;
	[dreg:$0xb] =	wrdreg s18  }
0x10: {  	s19 =	sadd.s32 s1, s26;
	s6 =	sshll.u32 s17, $0x4;
	[dreg:$0x6] =	wrdreg s16  }
0x11: {  	s14 =	smul.u32 $0x4E, s3;
	s24 =	sadd.s32 s20, s26;
	[dreg:$0xc] =	wrdreg s19  }
0x12: {  	s23 =	sadd.s32 $0x2000, s16;
	s10 =	sadd.s32 $0x4000, s16;
	[dreg:$0xe] =	wrdreg s24  }
0x13: {  	s25 =	sadd.s32 $0x6000, s16;
	s7 =	sadd.s32 $0x8000, s16;
	[dreg:$0x7] =	wrdreg s23  }
0x14: {  	s16 =	sadd.s32 s5, s11;
	s17 =	sadd.s32 s8, s11;
	[dreg:$0x8] =	wrdreg s10  }
0x15: {  	s6 =	sor.u32 $0x9C00, s6;
	s22 =	smax.u32 s0, $0x1;
	[dreg:$0x9] =	wrdreg s25  }
0x16: {  	s0 =	simm.s32 $0x2780;
	s11 =	simm.s32 $0x4;
	[dreg:$0xa] =	wrdreg s7  }
.Ltmp0:
0x17: {  	s18 =	sadd.s32 s5, s6;
	s19 =	sadd.s32 s8, s6;
	(pc) =	sbr.rel .LBB2_1-.Ltmp0, $4  }
0x18: {  	s23 =	sadd.s32 s14, s21;
	s25 =	sadd.s32 s15, s26;
	s10 =	simm.s32 $0x2  }
0x19: {  	s15 =	simm.s32 $0x0;
	[dreg:$0xf] =	wrdreg s25;
	s5 =	sshll.u32 s23, $0x4  }
0x1a: {  	s23 =	sadd.s32 $0x4D0, s17;
	s26 =	sadd.s32 s5, s8;
	s8 =	simm.s32 $0x1  }
0x1b: {  	v0 =	vimm.f32 $0.0e+00;
	s24 =	sadd.s32 $0x20, s26;
	s25 =	sadd.s32 $0x10, s26;
	s26 =	simm.s32 $0x5  }
.LBB2_10:
0x1c: {  	s3 =	sadd.s32 $0x13800, s3;
	s6 =	sshrl.u32 s12, $0x3  }
0x1d: {  	[hbm:s3], [sflag:s5] =	dma.local [spmem:s6], $0x80  }
0x1e: {  	_ =	swait.ge [sflag:s26], $0x80  }
0x1f: {  	[sflag:s26] =	ssyncset.done $0x0  }
0x20: {  	[sflag:s26] =	ssyncadd.s32 $0xFFFFFF80  }
.LBB2_11:
0x21: {  	s15 =	sadd.s32 $0x1, s15  }
0x22: {  	p4 =	sne.s32 s15, s22  }
.Ltmp1:
0x23: {  	_ = 	snop;
	(pc) =	sbr.rel @!p4 .LBB2_12-.Ltmp1, $1  }
0x24: {  	_ =	sdelay $0x3  }
.LBB2_1:
.Ltmp2:
0x25: {  	(pc) =	sbr.rel @p0 .LBB2_2-.Ltmp2, $4  }
0x26: {  	_ = 	snop  }
0x27: {  	s3 =	stileid.u32  }
0x28: {  	s21 =	rddreg [dreg:$0xb];
	s20 =	sshll.u32 s3, $0x6  }
0x29: {  	s6 =	sshrl.u32 s21, $0x3;
	s5 =	sor.u32 $0x1C05, s20  }
0x2a: {  	s3 =	sor.u32 $0x1C05, s20;
	s7 =	rddreg [dreg:$0xc]  }
0x2b: {  	[spmem:s6], [sflag:s3] =	dma.local [hbm:s7], $0x1380  }
0x2c: {  	_ =	swait.ge [sflag:s26], $0x1380  }
0x2d: {  	[sflag:s26] =	ssyncset.done $0x0  }
0x2e: {  	s14 =	sshrl.u32 @!p1 s12, $0x3;
	s7 =	rddreg [dreg:$0xd];
	[sflag:s26] =	ssyncadd.s32 $0xFFFFEC80  }
0x2f: {  	[spmem:s14], [sflag:s3] =	dma.local @!p1 [hbm:s7], $0x80  }
.Ltmp3:
0x30: {  	_ = 	snop;
	(pc) =	sbr.rel .LBB2_5-.Ltmp3, $4  }
0x31: {  	s3 =	simm.s32 @!p1 $0x5  }
0x32: {  	_ =	swait.ge @!p1 [sflag:s3], $0x80  }
0x33: {  	[sflag:s3] =	ssyncset.done @!p1 $0x0  }
0x34: {  	[sflag:s3] =	ssyncadd.s32 @!p1 $0xFFFFFF80  }
.LBB2_2:
0x35: {  	s3 =	simm.s32 $0x2840  }
0x36: {  	[tilespmem:s3+$0xFFFFFFC0] =	vst v0  }
0x37: {  	[tilespmem:s3+$0x30] =	vst v0  }
0x38: {  	[tilespmem:s3+$0x20] =	vst v0  }
0x39: {  	[tilespmem:s3+$0x10] =	vst v0  }
0x3a: {  	[tilespmem:s3+$0x0] =	vst v0  }
0x3b: {  	[tilespmem:s3+$0xFFFFFFF0] =	vst v0  }
0x3c: {  	s14 =	simm.s32 $0x0;
	[tilespmem:s3+$0xFFFFFFE0] =	vst v0  }
.LBB2_3:
0x3d: {  	s14 =	sadd.s32 $0x8, s14;
	[tilespmem:s3+$0xFFFFFFD0] =	vst v0;
	s3 =	sadd.s32 $0x80, s3  }
0x3e: {  	[tilespmem:s3+$0xFFFFFFC0] =	vst v0;
	p4 =	slt.u32 s14, $0x1F8  }
0x3f: {  	[tilespmem:s3+$0x30] =	vst v0  }
.Ltmp4:
0x40: {  	[tilespmem:s3+$0x20] =	vst v0;
	(pc) =	sbr.rel @p4 .LBB2_3-.Ltmp4, $4  }
0x41: {  	[tilespmem:s3+$0x10] =	vst v0  }
0x42: {  	[tilespmem:s3+$0x0] =	vst v0  }
0x43: {  	[tilespmem:s3+$0xFFFFFFF0] =	vst v0  }
0x44: {  	[tilespmem:s3+$0xFFFFFFE0] =	vst v0  }
0x45: {  	[tilespmem:s3+$0xFFFFFFD0] =	vst v0;
	s21 =	rddreg [dreg:$0x6]  }
0x46: {  	[spmem:s21] =	stream.linear.scatter [tilespmem:s29], [sflag:$0x5], $0x2000, $0x38;
	[tilespmem:$0x10440] =	vst v63  }
0x47: {  	_ =	swait.ge [sflag:s26], $0x2000  }
0x48: {  	[sflag:s26] =	ssyncset.done $0x0  }
0x49: {  	s7 =	rddreg [dreg:$0x7];
	[sflag:s26] =	ssyncadd.s32 $0xFFFFE000  }
0x4a: {  	[spmem:s7] =	stream.linear.scatter [tilespmem:s29], [sflag:$0x5], $0x2000, $0x38;
	[tilespmem:$0x10440] =	vst v63  }
0x4b: {  	_ =	swait.ge [sflag:s26], $0x2000  }
0x4c: {  	[sflag:s26] =	ssyncset.done $0x0  }
0x4d: {  	s13 =	rddreg [dreg:$0x8];
	[sflag:s26] =	ssyncadd.s32 $0xFFFFE000  }
0x4e: {  	[spmem:s13] =	stream.linear.scatter [tilespmem:s29], [sflag:$0x5], $0x2000, $0x38;
	[tilespmem:$0x10440] =	vst v63  }
0x4f: {  	_ =	swait.ge [sflag:s26], $0x2000  }
0x50: {  	[sflag:s26] =	ssyncset.done $0x0  }
0x51: {  	s14 =	rddreg [dreg:$0x9];
	[sflag:s26] =	ssyncadd.s32 $0xFFFFE000  }
0x52: {  	[spmem:s14] =	stream.linear.scatter [tilespmem:s29], [sflag:$0x5], $0x2000, $0x38;
	[tilespmem:$0x10440] =	vst v63  }
0x53: {  	_ =	swait.ge [sflag:s26], $0x2000  }
0x54: {  	[sflag:s26] =	ssyncset.done $0x0  }
0x55: {  	s21 =	rddreg [dreg:$0xa];
	[sflag:s26] =	ssyncadd.s32 $0xFFFFE000  }
0x56: {  	[spmem:s21] =	stream.linear.scatter [tilespmem:s29], [sflag:$0x5], $0x1C00, $0x38;
	[tilespmem:$0x10440] =	vst v63  }
0x57: {  	_ =	swait.ge [sflag:s26], $0x1C00  }
0x58: {  	[sflag:s26] =	ssyncset.done $0x0  }
0x59: {  	s3 =	simm.s32 @!p1 $0x2800;
	[sflag:s26] =	ssyncadd.s32 $0xFFFFE400  }
0x5a: {  	[spmem:s12] =	stream.linear.scatter @!p1 [tilespmem:s3], [sflag:$0x5], $0x400, $0x38;
	[tilespmem:$0x10440] =	vst v63  }
0x5b: {  	s3 =	simm.s32 @!p1 $0x5  }
0x5c: {  	_ =	swait.ge @!p1 [sflag:s3], $0x400  }
0x5d: {  	[sflag:s3] =	ssyncset.done @!p1 $0x0  }
0x5e: {  	[sflag:s3] =	ssyncadd.s32 @!p1 $0xFFFFFC00  }
.LBB2_5:
0x5f: {  	s3 =	simm.s32 $0x0  }
0x60: {  	[tilespmem:s3], [sflag:$0x5] =	stream.linear.gather [hbm4b:s16+s3], $0x2700, $0x38;
	[tilespmem:$0x10440] =	vst v63  }
0x61: {  	_ =	swait.ge [sflag:s26], $0x2700  }
0x62: {  	[sflag:s26] =	ssyncset.done $0x0  }
0x63: {  	[sflag:s26] =	ssyncadd.s32 $0xFFFFD900  }
0x64: {  	[tilespmem:s29], [sflag:$0x1] =	stream.indirect.gather [hbm4b:s1+s28], $0x40, s3, s28, $0xb8;
	[tilespmem:$0x10440] =	vst v63  }
0x65: {  	_ = 	snop  }
0x66: {  	[tilespmem:s30], [sflag:$0x3] =	stream.linear.gather [hbm4b:s17+s3], $0x80, $0x38;
	[tilespmem:$0x10440] =	vst v63  }
0x67: {  	s7 =	simm.s32 $0x80;
	[bflag:$0x0] =	sbarrier.arrive $0xFFFF  }
0x68: {  	[tilespmem:s31], [sflag:$0x2] =	stream.indirect.gather [hbm4b:s1+s28], $0x40, s7, s28, $0xb8;
	[tilespmem:$0x10440] =	vst v63  }
0x69: {  	s13 =	sadd.s32 $0x0, s25  }
0x6a: {  	[tilespmem:s0], [sflag:$0x4] =	stream.linear.gather [hbm4b:s13+s4], $0x80, $0x38;
	[tilespmem:$0x10440] =	vst v63  }
0x6b: {  	_ =	swait.ge [sflag:s8], $0x2000  }
0x6c: {  	[sflag:s8] =	ssyncset.done $0x0  }
0x6d: {  	[sflag:s8] =	ssyncadd.s32 $0xFFFFE000  }
0x6e: {  	_ =	swait.ge [sflag:s9], $0x80  }
0x6f: {  	[sflag:s9] =	ssyncset.done $0x0  }
0x70: {  	[sflag:s9] =	ssyncadd.s32 $0xFFFFFF80  }
0x71: {  	[spmem:s2] =	stream.indirect.scatter.add.f32 [tilespmem:s29], [sflag:$0x5], $0x40, s30, s28, $0xb8;
	[tilespmem:$0x10440] =	vst v63  }
0x72: {  	_ =	swait.ge [sflag:s26], $0x2000  }
0x73: {  	[sflag:s26] =	ssyncset.done $0x0  }
0x74: {  	s14 =	simm.s32 $0x100;
	[sflag:s26] =	ssyncadd.s32 $0xFFFFE000  }
0x75: {  	[tilespmem:s29], [sflag:$0x1] =	stream.indirect.gather [hbm4b:s1+s28], $0x40, s14, s28, $0xb8;
	[tilespmem:$0x10440] =	vst v63  }
0x76: {  	s21 =	sadd.s32 $0x0, s24  }
0x77: {  	[tilespmem:s30], [sflag:$0x3] =	stream.linear.gather [hbm4b:s21+s4], $0x80, $0x38;
	[tilespmem:$0x10440] =	vst v63  }
0x78: {  	_ =	swait.ge [sflag:s10], $0x2000  }
0x79: {  	[sflag:s10] =	ssyncset.done $0x0  }
0x7a: {  	[sflag:s10] =	ssyncadd.s32 $0xFFFFE000  }
0x7b: {  	_ =	swait.ge [sflag:s11], $0x80  }
0x7c: {  	[sflag:s11] =	ssyncset.done $0x0  }
0x7d: {  	[sflag:s11] =	ssyncadd.s32 $0xFFFFFF80  }
0x7e: {  	[spmem:s2] =	stream.indirect.scatter.add.f32 [tilespmem:s31], [sflag:$0x5], $0x40, s0, s28, $0xb8;
	[tilespmem:$0x10440] =	vst v63  }
0x7f: {  	s3 =	simm.s32 $0x40;
	_ =	swait.ge [sflag:s26], $0x2000  }
0x80: {  	s14 =	simm.s32 $0x200;
	s21 =	simm.s32 $0x20;
	[sflag:s26] =	ssyncset.done $0x0  }
.LBB2_6:
0x81: {  	p4 =	sne.s32 s3, $0x4A0;
	s7 =	sadd.s32 $0xFFFFFF80, s14;
	[sflag:s26] =	ssyncadd.s32 $0xFFFFE000  }
0x82: {  	[tilespmem:s31], [sflag:$0x2] =	stream.indirect.gather [hbm4b:s1+s28], $0x40, s7, s28, $0xb8;
	[tilespmem:$0x10440] =	vst v63  }
0x83: {  	s13 =	smov.u32 s3;
	s3 =	sadd.s32 $0x20, s3;
	s7 =	sadd.s32 s21, s25  }
0x84: {  	[tilespmem:s0], [sflag:$0x4] =	stream.linear.gather [hbm4b:s7+s4], $0x80, $0x38;
	[tilespmem:$0x10440] =	vst v63  }
0x85: {  	_ =	swait.ge [sflag:s8], $0x2000  }
0x86: {  	[sflag:s8] =	ssyncset.done $0x0  }
0x87: {  	[sflag:s8] =	ssyncadd.s32 $0xFFFFE000  }
0x88: {  	_ =	swait.ge [sflag:s9], $0x80  }
0x89: {  	[sflag:s9] =	ssyncset.done $0x0  }
0x8a: {  	[sflag:s9] =	ssyncadd.s32 $0xFFFFFF80  }
0x8b: {  	[spmem:s2] =	stream.indirect.scatter.add.f32 [tilespmem:s29], [sflag:$0x5], $0x40, s30, s28, $0xb8;
	[tilespmem:$0x10440] =	vst v63  }
0x8c: {  	_ =	swait.ge [sflag:s26], $0x2000  }
0x8d: {  	[sflag:s26] =	ssyncset.done $0x0  }
0x8e: {  	[sflag:s26] =	ssyncadd.s32 $0xFFFFE000  }
0x8f: {  	[tilespmem:s29], [sflag:$0x1] =	stream.indirect.gather [hbm4b:s1+s28], $0x40, s14, s28, $0xb8;
	[tilespmem:$0x10440] =	vst v63  }
0x90: {  	s7 =	sadd.s32 s21, s24;
	s21 =	smov.u32 s13  }
0x91: {  	[tilespmem:s30], [sflag:$0x3] =	stream.linear.gather [hbm4b:s7+s4], $0x80, $0x38;
	[tilespmem:$0x10440] =	vst v63  }
0x92: {  	_ =	swait.ge [sflag:s10], $0x2000  }
0x93: {  	[sflag:s10] =	ssyncset.done $0x0  }
0x94: {  	[sflag:s10] =	ssyncadd.s32 $0xFFFFE000  }
0x95: {  	_ =	swait.ge [sflag:s11], $0x80  }
.Ltmp5:
0x96: {  	[sflag:s11] =	ssyncset.done $0x0;
	(pc) =	sbr.rel @p4 .LBB2_6-.Ltmp5, $4  }
0x97: {  	[sflag:s11] =	ssyncadd.s32 $0xFFFFFF80  }
0x98: {  	[spmem:s2] =	stream.indirect.scatter.add.f32 [tilespmem:s31], [sflag:$0x5], $0x40, s0, s28, $0xb8;
	[tilespmem:$0x10440] =	vst v63  }
0x99: {  	_ =	swait.ge [sflag:s26], $0x2000  }
0x9a: {  	s14 =	sadd.s32 $0x100, s14;
	[sflag:s26] =	ssyncset.done $0x0  }
0x9b: {  	s3 =	sadd.s32 $0xFFFFFF80, s14;
	[sflag:s26] =	ssyncadd.s32 $0xFFFFE000  }
0x9c: {  	[tilespmem:s31], [sflag:$0x2] =	stream.indirect.gather [hbm4b:s1+s28], $0x40, s3, s28, $0xb8;
	[tilespmem:$0x10440] =	vst v63  }
0x9d: {  	s13 =	sadd.s32 s21, s25  }
0x9e: {  	[tilespmem:s0], [sflag:$0x4] =	stream.linear.gather [hbm4b:s13+s4], $0x80, $0x38;
	[tilespmem:$0x10440] =	vst v63  }
0x9f: {  	_ =	swait.ge [sflag:s8], $0x2000  }
0xa0: {  	[sflag:s8] =	ssyncset.done $0x0  }
0xa1: {  	[sflag:s8] =	ssyncadd.s32 $0xFFFFE000  }
0xa2: {  	_ =	swait.ge [sflag:s9], $0x80  }
0xa3: {  	[sflag:s9] =	ssyncset.done $0x0  }
0xa4: {  	[sflag:s9] =	ssyncadd.s32 $0xFFFFFF80  }
0xa5: {  	[spmem:s2] =	stream.indirect.scatter.add.f32 [tilespmem:s29], [sflag:$0x5], $0x40, s30, s28, $0xb8;
	[tilespmem:$0x10440] =	vst v63  }
0xa6: {  	_ =	swait.ge [sflag:s26], $0x2000  }
0xa7: {  	[sflag:s26] =	ssyncset.done $0x0  }
0xa8: {  	[sflag:s26] =	ssyncadd.s32 $0xFFFFE000  }
0xa9: {  	[tilespmem:s29], [sflag:$0x1] =	stream.indirect.gather [hbm4b:s1+s28], $0x40, s14, s28, $0xb8;
	[tilespmem:$0x10440] =	vst v63  }
0xaa: {  	s14 =	sadd.s32 s21, s24  }
0xab: {  	[tilespmem:s30], [sflag:$0x3] =	stream.linear.gather [hbm4b:s14+s4], $0x80, $0x38;
	[tilespmem:$0x10440] =	vst v63  }
0xac: {  	_ =	swait.ge [sflag:s10], $0x2000  }
0xad: {  	[sflag:s10] =	ssyncset.done $0x0  }
0xae: {  	[sflag:s10] =	ssyncadd.s32 $0xFFFFE000  }
0xaf: {  	_ =	swait.ge [sflag:s11], $0x80  }
0xb0: {  	[sflag:s11] =	ssyncset.done $0x0  }
0xb1: {  	[sflag:s11] =	ssyncadd.s32 $0xFFFFFF80  }
0xb2: {  	[spmem:s2] =	stream.indirect.scatter.add.f32 [tilespmem:s31], [sflag:$0x5], $0x40, s0, s28, $0xb8;
	[tilespmem:$0x10440] =	vst v63  }
0xb3: {  	_ =	swait.ge [sflag:s26], $0x2000  }
0xb4: {  	[sflag:s26] =	ssyncset.done $0x0  }
0xb5: {  	s21 =	simm.s32 $0x2680;
	[sflag:s26] =	ssyncadd.s32 $0xFFFFE000  }
0xb6: {  	[tilespmem:s31], [sflag:$0x2] =	stream.indirect.gather [hbm4b:s1+s28], $0x40, s21, s28, $0xb8;
	[tilespmem:$0x10440] =	vst v63  }
0xb7: {  	_ = 	snop  }
0xb8: {  	[tilespmem:s0], [sflag:$0x4] =	stream.linear.gather [hbm4b:s23+s4], $0x80, $0x38;
	[tilespmem:$0x10440] =	vst v63  }
0xb9: {  	_ =	swait.ge [sflag:s8], $0x2000  }
0xba: {  	[sflag:s8] =	ssyncset.done $0x0  }
0xbb: {  	[sflag:s8] =	ssyncadd.s32 $0xFFFFE000  }
0xbc: {  	_ =	swait.ge [sflag:s9], $0x80  }
0xbd: {  	[sflag:s9] =	ssyncset.done $0x0  }
0xbe: {  	[sflag:s9] =	ssyncadd.s32 $0xFFFFFF80  }
0xbf: {  	[spmem:s2] =	stream.indirect.scatter.add.f32 [tilespmem:s29], [sflag:$0x5], $0x40, s30, s28, $0xb8;
	[tilespmem:$0x10440] =	vst v63  }
0xc0: {  	_ =	swait.ge [sflag:s26], $0x2000  }
0xc1: {  	[sflag:s26] =	ssyncset.done $0x0  }
0xc2: {  	[sflag:s26] =	ssyncadd.s32 $0xFFFFE000  }
0xc3: {  	_ =	swait.ge [sflag:s10], $0x2000  }
0xc4: {  	[sflag:s10] =	ssyncset.done $0x0  }
0xc5: {  	[sflag:s10] =	ssyncadd.s32 $0xFFFFE000  }
0xc6: {  	_ =	swait.ge [sflag:s11], $0x80  }
0xc7: {  	[sflag:s11] =	ssyncset.done $0x0  }
0xc8: {  	[sflag:s11] =	ssyncadd.s32 $0xFFFFFF80  }
0xc9: {  	[spmem:s2] =	stream.indirect.scatter.add.f32 [tilespmem:s31], [sflag:$0x5], $0x40, s0, s28, $0xb8;
	[tilespmem:$0x10440] =	vst v63  }
0xca: {  	_ =	swait.ge [sflag:s26], $0x2000  }
0xcb: {  	[sflag:s26] =	ssyncset.done $0x0  }
0xcc: {  	s7 =	simm.s32 @!p2 $0x5;
	s3 =	simm.s32 @!p2 $0x0;
	[sflag:s26] =	ssyncadd.s32 $0xFFFFE000  }
0xcd: {  	[tilespmem:s3], [sflag:$0x5] =	stream.linear.gather @!p2 [hbm4b:s18+s3], $0x80, $0x38;
	[tilespmem:$0x10440] =	vst v63  }
0xce: {  	_ =	swait.ge @!p2 [sflag:s7], $0x80  }
0xcf: {  	[sflag:s7] =	ssyncset.done @!p2 $0x0  }
0xd0: {  	s13 =	simm.s32 @!p2 $0x2700;
	[sflag:s7] =	ssyncadd.s32 @!p2 $0xFFFFFF80  }
0xd1: {  	[tilespmem:s13], [sflag:$0x5] =	stream.linear.gather @!p2 [hbm4b:s19+s3], $0x80, $0x38;
	[tilespmem:$0x10440] =	vst v63  }
0xd2: {  	_ =	swait.ge @!p2 [sflag:s7], $0x80  }
0xd3: {  	[sflag:s7] =	ssyncset.done @!p2 $0x0  }
0xd4: {  	s14 =	simm.s32 @!p2 $0x80;
	s21 =	simm.s32 @!p2 $0x2800;
	[sflag:s7] =	ssyncadd.s32 @!p2 $0xFFFFFF80  }
0xd5: {  	[tilespmem:s21], [sflag:$0x1] =	stream.indirect.gather @!p2 [hbm4b:s1+s14], $0x40, s3, s14, $0xb8;
	[tilespmem:$0x10440] =	vst v63  }
0xd6: {  	s3 =	simm.s32 @!p2 $0x1  }
0xd7: {  	_ =	swait.ge @!p2 [sflag:s3], $0x2000  }
0xd8: {  	[sflag:s3] =	ssyncset.done @!p2 $0x0  }
0xd9: {  	[sflag:s3] =	ssyncadd.s32 @!p2 $0xFFFFE000  }
0xda: {  	[spmem:s2] =	stream.indirect.scatter.add.f32 @!p2 [tilespmem:s21], [sflag:$0x5], $0x40, s13, s14, $0xb8;
	[tilespmem:$0x10440] =	vst v63  }
.Ltmp6:
0xdb: {  	_ =	swait.ge @!p2 [sflag:s7], $0x2000;
	(pc) =	sbr.rel @p0 .LBB2_9-.Ltmp6, $3  }
0xdc: {  	[sflag:s7] =	ssyncset.done @!p2 $0x0  }
0xdd: {  	[sflag:s7] =	ssyncadd.s32 @!p2 $0xFFFFE000  }
0xde: {  	[bflag:$0x0] =	sbarrier.arrive $0xFFFF;
	_ =	sdelay $0x1  }
0xdf: {  	s5 =	sor.u32 $0x1C05, s20;
	s3 =	rddreg [dreg:$0xf]  }
0xe0: {  	[hbm:s3], [sflag:s5] =	dma.local [spmem:s6], $0x1380  }
.Ltmp7:
0xe1: {  	_ = 	snop;
	(pc) =	sbr.rel @p3 .LBB2_10-.Ltmp7, $4  }
.Ltmp8:
0xe2: {  	_ = 	snop;
	(pc) =	sbr.rel @!p3 .LBB2_11-.Ltmp8, $4  }
0xe3: {  	_ =	swait.ge [sflag:s26], $0x1380  }
0xe4: {  	[sflag:s26] =	ssyncset.done $0x0  }
0xe5: {  	s3 =	rddreg [dreg:$0x4];
	[sflag:s26] =	ssyncadd.s32 $0xFFFFEC80  }
0xe6: {  	_ = 	snop  }
.LBB2_9:
0xe7: {  	s3 =	rddreg [dreg:$0xe]  }
0xe8: {  	[hbm:s3], [sflag:s5] =	dma.local [spmem:s6], $0x1380  }
.Ltmp9:
0xe9: {  	_ = 	snop;
	(pc) =	sbr.rel @p1 .LBB2_11-.Ltmp9, $4  }
.Ltmp10:
0xea: {  	_ = 	snop;
	(pc) =	sbr.rel @!p1 .LBB2_10-.Ltmp10, $4  }
0xeb: {  	_ =	swait.ge [sflag:s26], $0x1380  }
0xec: {  	[sflag:s26] =	ssyncset.done $0x0  }
0xed: {  	s3 =	rddreg [dreg:$0x5];
	[sflag:s26] =	ssyncadd.s32 $0xFFFFEC80  }
0xee: {  	_ = 	snop  }
.LBB2_12:
0xef: {  	_ =	sfence.sel $0x180000  }
0xf0: {  	[bflag:$0x0] =	sbarrier.arrive $0xFFFF  }
0xf1: {  	_ =	strace $0x9000004D  }
0xf2: {  	s0 =	stileid.u32;
	[bflag:$0x2] =	sbarrier.arrive $0xFFFF  }
0xf3: {  	p0 =	sne.s32 s0, $0x0;
	s0 =	rddreg [dreg:$0x3]  }
0xf4: {  	s0 =	sadd.s32 @!p0 $0x100000, s0  }
0xf5: {  	[sflag:s0] =	ssyncadd.tile.s32 @!p0 $0x1;
	_ =	shalt  }
.Lfunc_end2:
_tile_overlayer_lowered:
.L_overlay_start_2:
0xf6: {  	(tag) =	ssettag $0x2  }
0xf7: {  	s0 =	rddreg [dreg:$0x0];
	s2 =	stileid.u32  }
0xf8: {  	s1 =	rddreg [dreg:$0x1];
	p0 =	sne.s32 s2, $0x0  }
0xf9: {  	s3 =	rddreg [dreg:$0x2];
	[bflag:$0x3] =	sbarrier.arrive $0xFFFF;
	s2 =	simm.s32 @!p0 $0x1C05  }
0xfa: {  	[timem:s3], [sflag:s2] =	dma.local @!p0 [hbm:s0], s1  }
0xfb: {  	s0 =	simm.s32 @!p0 $0x5  }
0xfc: {  	_ =	swait.ge @!p0 [sflag:s0], s1  }
0xfd: {  	s1 =	ssub.s32 @!p0 $0x0, s1;
	[sflag:s0] =	ssyncset.done @!p0 $0x0  }
0xfe: {  	[sflag:s0] =	ssyncadd.s32 @!p0 s1  }
0xff: {  	[bflag:$0x3] =	sbarrier.arrive $0xFFFF  }
0x100: {  	_ =	shalt  }

// kernel: kernel.8.cloned.1.call-start
scs
__scs_entry_jumppad:
0x0: {  	(pc) =	sbr.rel $0x88, $3  }
0x1: {  	(tag) =	ssettag $0x0;
	lr =	simm.s32 $0x1  }
0x2: {  	[smem:$0x3F93] =	sst lr;
	_ =	strace $0xD0000000  }
0x3: {  	_ = 	snop  }
0x4: {  	_ = 	snop  }
0x5: {  	_ = 	snop  }
0x6: {  	_ = 	snop  }
0x7: {  	_ = 	snop  }
__scs_overlays_trampoline_lowered:
0x8: {  	[smem:$0x3FA2] =	sst s0  }
0x9: {  	[smem:$0x3FA3] =	sst s1  }
0xa: {  	[smem:$0x3FA4] =	sst s2  }
0xb: {  	[smem:$0x3FA5] =	sst s3  }
0xc: {  	[smem:$0x3FA6] =	sst s4  }
0xd: {  	[smem:$0x3FA7] =	sst s5  }
0xe: {  	[smem:$0x3FA8] =	sst s6  }
0xf: {  	[smem:$0x3FA9] =	sst s7  }
0x10: {  	[smem:$0x3FAA] =	sst s8  }
0x11: {  	[smem:$0x3FAB] =	sst s9;
	s0 =	simm.s32 @!p0 $0x0  }
0x12: {  	s1 =	sld [smem:$0x3F91];
	s0 =	simm.s32 @p0 $0x1  }
0x13: {  	[smem:$0x3FAC] =	sst s0;
	s0 =	simm.s32 @!p1 $0x0  }
0x14: {  	s2 =	sld [smem:$0x3F90];
	s0 =	simm.s32 @p1 $0x1  }
0x15: {  	[smem:$0x3FAD] =	sst s0;
	s0 =	simm.s32 @!p2 $0x0  }
0x16: {  	s3 =	sld [smem:$0x3FDB];
	s0 =	simm.s32 @p2 $0x1  }
0x17: {  	s4 =	simm.s32 $0x1BF5;
	[smem:$0x3FAF] =	sst s0  }
0x18: {  	s0 =	sld [smem:$0x3F92];
	_ =	swait.ge [sflag:s4], $0x0  }
0x19: {  	s7 =	sld [smem:$0x3F93]  }
0x1a: {  	s8 =	sadd.s32 $0xFFFFE003, lr  }
0x1b: {  	s9 =	sadd.s32 $0xFFFFFEF7, lr;
	s5 =	simm.s32 $0xFFFFFFFF;
	p2 =	slt.u32 s8, $0xFFFFF086  }
0x1c: {  	p1 =	slt.u32 s9, $0xF7A;
	s5 =	simm.s32 @!p2 $0x0  }
0x1d: {  	s5 =	simm.s32 @p1 $0x1;
	p0 =	seq.s32 s7, s2  }
0x1e: {  	s7 =	smul.u32 @!p0 $0xF7A, s2;
	p2 =	seq.s32 @!p0 s5, $0x0  }
0x1f: {  	s9 =	smul.u32 $0xF7A, s1;
	s8 =	simm.s32 @!p0 $0x1BF5;
	p2 =	por !p2, p0  }
0x20: {  	[sflag:s8] =	ssyncset.s32 @!p0 $0xFFFFF086;
	s6 =	sadd.s32 @!p0 s3, s7;
	s7 =	simm.s32 @!p0 $0x108  }
0x21: {  	s3 =	sadd.s32 s3, s9;
	s6 =	sadd.s32 @!p0 $0x88, s6;
	s7 =	simm.s32 @p2 $0x1082  }
0x22: {  	[simem:s7], [sflag:s8] =	dma.local @!p0 [hbm:s6], $0xF7A  }
0x23: {  	s9 =	sor.u32 $0xD0000000, s2;
	s6 =	simm.s32 $0x108;
	_ =	swait.ge @!p0 [sflag:s8], $0x0  }
0x24: {  	s3 =	sadd.s32 $0x88, s3;
	s6 =	simm.s32 @!p1 $0x1082;
	[sflag:s4] =	ssyncset.s32 $0xFFFFF086  }
0x25: {  	[simem:s6], [sflag:s4] =	dma.local [hbm:s3], $0xF7A  }
0x26: {  	[smem:$0x3F93] =	sst s1;
	(tag) =	ssettag s2;
	_ =	strace s9  }
0x27: {  	s1 =	sld [smem:$0x3FA3]  }
0x28: {  	s2 =	sld [smem:$0x3FA4]  }
0x29: {  	s4 =	sld [smem:$0x3FA6]  }
0x2a: {  	p0 =	seq.s32 s5, $0x0;
	s5 =	sld [smem:$0x3FA7]  }
0x2b: {  	s6 =	sld [smem:$0x3FA8]  }
0x2c: {  	s7 =	sld [smem:$0x3FA9]  }
0x2d: {  	s3 =	simm.s32 $0x108;
	s8 =	sld [smem:$0x3FAA]  }
0x2e: {  	s3 =	simm.s32 @!p0 $0x1082;
	s9 =	sld [smem:$0x3FAB]  }
0x2f: {  	lr =	sadd.s32 s0, s3;
	s0 =	sld [smem:$0x3FA2]  }
0x30: {  	s3 =	sld [smem:$0x3FA5]  }
0x31: {  	[smem:$0x3FAE] =	sst s10  }
0x32: {  	s10 =	sld [smem:$0x3FAC];
	_ =	sdelay $0x3  }
0x33: {  	p0 =	seq.s32 s10, $0x1;
	s10 =	sld [smem:$0x3FAE];
	_ =	sdelay $0x3  }
0x34: {  	[smem:$0x3FAE] =	sst s10  }
0x35: {  	s10 =	sld [smem:$0x3FAD];
	_ =	sdelay $0x3  }
0x36: {  	p1 =	seq.s32 s10, $0x1;
	s10 =	sld [smem:$0x3FAE];
	_ =	sdelay $0x3  }
0x37: {  	[smem:$0x3FAE] =	sst s10  }
0x38: {  	s10 =	sld [smem:$0x3FAF]  }
0x39: {  	_ = 	snop;
	(pc) =	sbr.ind lr, $3  }
0x3a: {  	_ = 	snop  }
0x3b: {  	_ = 	snop  }
0x3c: {  	p2 =	seq.s32 s10, $0x1;
	s10 =	sld [smem:$0x3FAE]  }
0x3d: {  	_ =	shalt  }
0x3e: {  	_ =	shalt  }
0x3f: {  	_ =	shalt  }
0x40: {  	_ =	shalt  }
0x41: {  	_ =	shalt  }
0x42: {  	_ =	shalt  }
0x43: {  	_ =	shalt  }
0x44: {  	_ =	shalt  }
0x45: {  	_ =	shalt  }
0x46: {  	_ =	shalt  }
0x47: {  	_ =	shalt  }
0x48: {  	_ =	shalt  }
0x49: {  	_ =	shalt  }
0x4a: {  	_ =	shalt  }
0x4b: {  	_ =	shalt  }
0x4c: {  	_ =	shalt  }
0x4d: {  	_ =	shalt  }
0x4e: {  	_ =	shalt  }
0x4f: {  	_ =	shalt  }
0x50: {  	_ =	shalt  }
0x51: {  	_ =	shalt  }
0x52: {  	_ =	shalt  }
0x53: {  	_ =	shalt  }
0x54: {  	_ =	shalt  }
0x55: {  	_ =	shalt  }
0x56: {  	_ =	shalt  }
0x57: {  	_ =	shalt  }
0x58: {  	_ =	shalt  }
0x59: {  	_ =	shalt  }
0x5a: {  	_ =	shalt  }
0x5b: {  	_ =	shalt  }
0x5c: {  	_ =	shalt  }
0x5d: {  	_ =	shalt  }
0x5e: {  	_ =	shalt  }
0x5f: {  	_ =	shalt  }
0x60: {  	_ =	shalt  }
0x61: {  	_ =	shalt  }
0x62: {  	_ =	shalt  }
0x63: {  	_ =	shalt  }
0x64: {  	_ =	shalt  }
0x65: {  	_ =	shalt  }
0x66: {  	_ =	shalt  }
0x67: {  	_ =	shalt  }
0x68: {  	_ =	shalt  }
0x69: {  	_ =	shalt  }
0x6a: {  	_ =	shalt  }
0x6b: {  	_ =	shalt  }
0x6c: {  	_ =	shalt  }
0x6d: {  	_ =	shalt  }
0x6e: {  	_ =	shalt  }
0x6f: {  	_ =	shalt  }
0x70: {  	_ =	shalt  }
0x71: {  	_ =	shalt  }
0x72: {  	_ =	shalt  }
0x73: {  	_ =	shalt  }
0x74: {  	_ =	shalt  }
0x75: {  	_ =	shalt  }
0x76: {  	_ =	shalt  }
0x77: {  	_ =	shalt  }
0x78: {  	_ =	shalt  }
0x79: {  	_ =	shalt  }
0x7a: {  	_ =	shalt  }
0x7b: {  	_ =	shalt  }
0x7c: {  	_ =	shalt  }
0x7d: {  	_ =	shalt  }
0x7e: {  	_ =	shalt  }
0x7f: {  	_ =	shalt  }
0x80: {  	_ =	shalt  }
0x81: {  	_ =	shalt  }
0x82: {  	_ =	shalt  }
0x83: {  	_ =	shalt  }
0x84: {  	_ =	shalt  }
0x85: {  	_ =	shalt  }
0x86: {  	_ =	shalt  }
0x87: {  	_ =	shalt  }
.Lfunc_end0:
.L_simem_size_0:
called_computation_lowered:
.L_overlay_start_0:
0x88: {  	s2 =	sld [smem:$0x3FD9]  }
0x89: {  	s3 =	sld [smem:$0x3FFE];
	_ =	sdelay $0x1  }
0x8a: {  	s1 =	srdreg.scid  }
0x8b: {  	s0 =	sand.u32 $0x1, s1  }
0x8c: {  	s17 =	sshll.u32 s0, $0xA;
	s2 =	sadd.s32 s3, s2  }
0x8d: {  	s2 =	sadd.s32 s2, s17  }
0x8e: {  	[smem:$0x3FBA] =	sst s2  }
0x8f: {  	_ = 	snop  }
0x90: {  	s2 =	sld [smem:$0x3FC9]  }
0x91: {  	s18 =	sld [smem:$0x3FD0];
	(tm) =	ssettm $0x1  }
0x92: {  	s4 =	sld [smem:$0x3FFB];
	_ =	sdelay $0x3  }
0x93: {  	_ =	strace s4  }
0x94: {  	s4 =	sld [smem:$0x3FFC];
	_ =	sdelay $0x3  }
0x95: {  	_ =	strace s4  }
0x96: {  	s4 =	sld [smem:$0x3FFD];
	_ =	sdelay $0x3  }
0x97: {  	_ =	strace s4  }
0x98: {  	_ =	strace $0x8FFFFFFF  }
0x99: {  	s19 =	sld [smem:$0x3FDB];
	_ =	sdelay $0x1  }
0x9a: {  	s5 =	simm.s32 $_scs_section_size  }
0x9b: {  	s6 =	simm.s32 $_size__tile_overlayer_lowered;
	s7 =	simm.s32 $_tile_overlayer_lowered  }
0x9c: {  	s22 =	simm.s32 $0x1BFF;
	s21 =	sshll.u32 s7, $0x1;
	s4 =	sadd.s32 s5, s19  }
0x9d: {  	s8 =	simm.s32 $0x0;
	s20 =	sshll.u32 s6, $0x1;
	s6 =	sadd.s32 s21, s4  }
0x9e: {  	[timem:s8], [sflag:s22] =	dma.local [hbm:s6], s20  }
0x9f: {  	_ =	swait.ge [sflag:s22], s20  }
0xa0: {  	s5 =	ssub.s32 $0x0, s20;
	[sflag:s22] =	ssyncset.done $0x0  }
0xa1: {  	[sflag:s22] =	ssyncadd.s32 s5;
	_ =	sdelay $0x1  }
0xa2: {  	s23 =	simm.s32 $0x1B8B  }
0xa3: {  	_ =	swait.ge [sflag:s23], $0x1  }
0xa4: {  	[sflag:s23] =	ssyncset.done $0x0  }
0xa5: {  	s25 =	simm.s32 $0x1B8E;
	s24 =	sld [smem:$0x3FFE];
	[sflag:s23] =	ssyncadd.s32 $0xFFFFFFFF  }
0xa6: {  	s26 =	simm.s32 $execute0_lowered;
	[smem:$0x3FD2] =	sst s25  }
0xa7: {  	s6 =	sshll.u32 s26, $0x1;
	_ =	strace $0x80000046;
	[dreg:$0x1] =	wrdreg $0xFFFFFFFF  }
0xa8: {  	s28 =	simm.s32 $_size_execute0_lowered;
	s4 =	sadd.s32 s4, s6;
	[dreg:$0x0] =	wrdreg $0x0  }
0xa9: {  	s6 =	sshll.u32 s28, $0x1;
	[dreg:$0x2] =	wrdreg s4  }
0xaa: {  	[dreg:$0x3] =	wrdreg s6  }
0xab: {  	[dreg:$0x4] =	wrdreg $0xC0  }
0xac: {  	_ =	task [dreg:s8], $0x5FFFF  }
0xad: {  	[dreg:$0x1] =	wrdreg $0xFFFFFFFF  }
0xae: {  	[dreg:$0x0] =	wrdreg $0x60  }
0xaf: {  	[dreg:$0x2] =	wrdreg s2  }
0xb0: {  	[dreg:$0x3] =	wrdreg s24  }
0xb1: {  	[dreg:$0x4] =	wrdreg s18  }
0xb2: {  	[dreg:$0x5] =	wrdreg $0xA8000  }
0xb3: {  	[dreg:$0x6] =	wrdreg $0x9  }
0xb4: {  	_ =	task.clear_ibuf [dreg:s8], $0x7FFFF;
	_ =	strace $0x90000046  }
0xb5: {  	s29 =	simm.s32 $0x9;
	_ =	strace $0x80000048  }
0xb6: {  	_ =	swait.ge [sflag:s29], $0x1  }
0xb7: {  	[sflag:s29] =	ssyncadd.s32 $0xFFFFFFFF  }
0xb8: {  	_ =	strace $0x90000048  }
0xb9: {  	_ =	sfence  }
0xba: {  	s30 =	sld [smem:$0x0];
	_ =	sdelay $0x2  }
0xbb: {  	s31 =	sshll.u32 s1, $0xD;
	s1 =	sshrl.u32 s1, $0x2  }
0xbc: {  	s3 =	sand.u32 $0x4000, s31;
	s1 =	sadd.s32 s1, s30  }
0xbd: {  	s0 =	sor.u32 s3, s0;
	s1 =	sshll.u32 s1, $0x11  }
0xbe: {  	s0 =	sor.u32 s1, s0  }
0xbf: {  	s0 =	sadd.s32 $0x8F2B, s0  }
0xc0: {  	[sflag:s0] =	ssyncadd.remote.s32 $0x1  }
0xc1: {  	_ =	sfence.sel $0xFFFF  }
0xc2: {  	[dreg:$0x0] =	wrdreg $0xFFFFFFFF;
	(pc) =	sbr.abs _section_cstart, $3  }
0xc3: {  	[dreg:$0x1] =	wrdreg $0xFFFFFFFF  }
0xc4: {  	_ =	task.clear_ibuf [dreg:s8], $0x2FFFF;
	_ =	strace $0x9FFFFFFF  }
0xc5: {  	(tm) =	ssettm $0x7FFFFFFF  }
tec
execute0_lowered:
.L_overlay_start_1:
0x0: {  	(tag) =	ssettag $0x1  }
0x1: {  	s1 =	rddreg [dreg:$0x0]  }
0x2: {  	s0 =	rddreg [dreg:$0x1]  }
0x3: {  	s13 =	rddreg [dreg:$0x2]  }
0x4: {  	s3 =	rddreg [dreg:$0x3]  }
0x5: {  	s5 =	simm.s32 $0x0;
	s2 =	srdreg.scid;
	s15 =	stileid.u32  }
0x6: {  	s28 =	simm.s32 $0x80;
	s29 =	simm.s32 $0x2800;
	s30 =	simm.s32 $0x2700  }
0x7: {  	s31 =	simm.s32 $0x6800;
	[smem:$0x7FF] =	sst s5;
	s2 =	sand.u32 $0x1, s2  }
0x8: {  	s4 =	smul.u32 $0x4E000, s15;
	s6 =	sadd.s32 $0xCE00, s0;
	s8 =	sadd.s32 $0x3000, s0  }
0x9: {  	s20 =	sadd.s32 $0x16C00, s0;
	s9 =	sshll.u32 s15, $0x1;
	s24 =	smul.u32 $0x13800, s15  }
0xa: {  	s12 =	sadd.s32 $0x138000, s3;
	s21 =	smul.u32 $0x9C, s15;
	s22 =	sadd.s32 $0x27000, s1  }
0xb: {  	p1 =	sne.s32 s15, $0xF;
	p2 =	sgt.u32 s15, $0x1;
	p3 =	seq.s32 s15, $0xF  }
0xc: {  	_ =	strace $0x80000047;
	s7 =	ssub.s32 $0x2, s2;
	[dreg:$0xd] =	wrdreg s22  }
0xd: {  	s17 =	sor.u32 s2, s9;
	[dreg:$0x5] =	wrdreg s20;
	p0 =	sne.s32 s2, $0x0  }
0xe: {  	s9 =	simm.s32 $0x2;
	s14 =	sshrl.u32 s7, $0x1;
	s4 =	sshrl.u32 s4, $0x2  }
0xf: {  	s26 =	sshrl.u32 s24, $0x3;
	s11 =	smul.u32 $0x4E0, s17;
	s18 =	sadd.s32 s24, s3  }
0x10: {  	s0 =	ssub.s32 s7, s14;
	s16 =	sadd.s32 s4, s3;
	[dreg:$0xb] =	wrdreg s18  }
0x11: {  	s19 =	sadd.s32 s1, s26;
	s4 =	sshll.u32 s17, $0x4;
	[dreg:$0x6] =	wrdreg s16  }
0x12: {  	s14 =	smul.u32 $0x4E, s2;
	s24 =	sadd.s32 s20, s26;
	[dreg:$0xc] =	wrdreg s19  }
0x13: {  	s2 =	simm.s32 $0x1;
	s23 =	sadd.s32 $0x4000, s16;
	[dreg:$0xe] =	wrdreg s24  }
0x14: {  	s10 =	sadd.s32 $0x8000, s16;
	s25 =	sadd.s32 $0xC000, s16;
	[dreg:$0x7] =	wrdreg s23  }
0x15: {  	s7 =	sadd.s32 $0x10000, s16;
	s16 =	sadd.s32 s6, s11;
	[dreg:$0x8] =	wrdreg s10  }
0x16: {  	s17 =	sadd.s32 s8, s11;
	s4 =	sor.u32 $0x9C00, s4;
	[dreg:$0x9] =	wrdreg s25  }
0x17: {  	s22 =	smax.u32 s0, $0x1;
	s0 =	simm.s32 $0x2780;
	[dreg:$0xa] =	wrdreg s7  }
.Ltmp0:
0x18: {  	s18 =	sadd.s32 s6, s4;
	s19 =	sadd.s32 s8, s4;
	(pc) =	sbr.rel .LBB2_1-.Ltmp0, $4  }
0x19: {  	s23 =	sadd.s32 s14, s21;
	s25 =	sadd.s32 s13, s26;
	s10 =	simm.s32 $0x4  }
0x1a: {  	s14 =	simm.s32 $0x0;
	[dreg:$0xf] =	wrdreg s25;
	s4 =	sshll.u32 s23, $0x4  }
0x1b: {  	s23 =	sadd.s32 $0x4D0, s17;
	s26 =	sadd.s32 s4, s8;
	s8 =	simm.s32 $0x3  }
0x1c: {  	v0 =	vimm.f32 $0.0e+00;
	s24 =	sadd.s32 $0x20, s26;
	s25 =	sadd.s32 $0x10, s26;
	s26 =	simm.s32 $0x5  }
.LBB2_10:
0x1d: {  	s4 =	sadd.s32 $0x27000, s4;
	s6 =	sshrl.u32 s12, $0x3  }
0x1e: {  	[hbm:s4], [sflag:s15] =	dma.local [spmem:s6], $0x100  }
0x1f: {  	_ =	swait.ge [sflag:s26], $0x100  }
0x20: {  	[sflag:s26] =	ssyncset.done $0x0  }
0x21: {  	[sflag:s26] =	ssyncadd.s32 $0xFFFFFF00  }
.LBB2_11:
0x22: {  	s14 =	sadd.s32 $0x1, s14  }
0x23: {  	p4 =	sne.s32 s14, s22  }
.Ltmp1:
0x24: {  	_ = 	snop;
	(pc) =	sbr.rel @!p4 .LBB2_12-.Ltmp1, $1  }
0x25: {  	_ =	sdelay $0x3  }
.LBB2_1:
.Ltmp2:
0x26: {  	(pc) =	sbr.rel @p0 .LBB2_2-.Ltmp2, $4  }
0x27: {  	_ = 	snop  }
0x28: {  	s4 =	stileid.u32  }
0x29: {  	s21 =	rddreg [dreg:$0xb];
	s20 =	sshll.u32 s4, $0x6  }
0x2a: {  	s6 =	sshrl.u32 s21, $0x3;
	s15 =	sor.u32 $0x1C05, s20  }
0x2b: {  	s4 =	sor.u32 $0x1C05, s20;
	s7 =	rddreg [dreg:$0xc]  }
0x2c: {  	[spmem:s6], [sflag:s4] =	dma.local [hbm:s7], $0x2700  }
0x2d: {  	_ =	swait.ge [sflag:s26], $0x2700  }
0x2e: {  	[sflag:s26] =	ssyncset.done $0x0  }
0x2f: {  	s11 =	sshrl.u32 @!p1 s12, $0x3;
	s7 =	rddreg [dreg:$0xd];
	[sflag:s26] =	ssyncadd.s32 $0xFFFFD900  }
0x30: {  	[spmem:s11], [sflag:s4] =	dma.local @!p1 [hbm:s7], $0x100  }
.Ltmp3:
0x31: {  	_ = 	snop;
	(pc) =	sbr.rel .LBB2_5-.Ltmp3, $4  }
0x32: {  	s4 =	simm.s32 @!p1 $0x5  }
0x33: {  	_ =	swait.ge @!p1 [sflag:s4], $0x100  }
0x34: {  	[sflag:s4] =	ssyncset.done @!p1 $0x0  }
0x35: {  	[sflag:s4] =	ssyncadd.s32 @!p1 $0xFFFFFF00  }
.LBB2_2:
0x36: {  	s4 =	simm.s32 $0x2840  }
0x37: {  	[tilespmem:s4+$0xFFFFFFC0] =	vst v0  }
0x38: {  	[tilespmem:s4+$0x30] =	vst v0  }
0x39: {  	[tilespmem:s4+$0x20] =	vst v0  }
0x3a: {  	[tilespmem:s4+$0x10] =	vst v0  }
0x3b: {  	[tilespmem:s4+$0x0] =	vst v0  }
0x3c: {  	[tilespmem:s4+$0xFFFFFFF0] =	vst v0  }
0x3d: {  	s11 =	simm.s32 $0x0;
	[tilespmem:s4+$0xFFFFFFE0] =	vst v0  }
.LBB2_3:
0x3e: {  	s11 =	sadd.s32 $0x8, s11;
	[tilespmem:s4+$0xFFFFFFD0] =	vst v0;
	s4 =	sadd.s32 $0x80, s4  }
0x3f: {  	[tilespmem:s4+$0xFFFFFFC0] =	vst v0;
	p4 =	slt.u32 s11, $0x3F8  }
0x40: {  	[tilespmem:s4+$0x30] =	vst v0  }
.Ltmp4:
0x41: {  	[tilespmem:s4+$0x20] =	vst v0;
	(pc) =	sbr.rel @p4 .LBB2_3-.Ltmp4, $4  }
0x42: {  	[tilespmem:s4+$0x10] =	vst v0  }
0x43: {  	[tilespmem:s4+$0x0] =	vst v0  }
0x44: {  	[tilespmem:s4+$0xFFFFFFF0] =	vst v0  }
0x45: {  	[tilespmem:s4+$0xFFFFFFE0] =	vst v0  }
0x46: {  	[tilespmem:s4+$0xFFFFFFD0] =	vst v0;
	s21 =	rddreg [dreg:$0x6]  }
0x47: {  	[spmem:s21] =	stream.linear.scatter [tilespmem:s29], [sflag:$0x5], $0x4000, $0x38;
	[tilespmem:$0x1E080] =	vst v63  }
0x48: {  	_ =	swait.ge [sflag:s26], $0x4000  }
0x49: {  	[sflag:s26] =	ssyncset.done $0x0  }
0x4a: {  	s7 =	rddreg [dreg:$0x7];
	[sflag:s26] =	ssyncadd.s32 $0xFFFFC000  }
0x4b: {  	[spmem:s7] =	stream.linear.scatter [tilespmem:s29], [sflag:$0x5], $0x4000, $0x38;
	[tilespmem:$0x1E080] =	vst v63  }
0x4c: {  	_ =	swait.ge [sflag:s26], $0x4000  }
0x4d: {  	[sflag:s26] =	ssyncset.done $0x0  }
0x4e: {  	s11 =	rddreg [dreg:$0x8];
	[sflag:s26] =	ssyncadd.s32 $0xFFFFC000  }
0x4f: {  	[spmem:s11] =	stream.linear.scatter [tilespmem:s29], [sflag:$0x5], $0x4000, $0x38;
	[tilespmem:$0x1E080] =	vst v63  }
0x50: {  	_ =	swait.ge [sflag:s26], $0x4000  }
0x51: {  	[sflag:s26] =	ssyncset.done $0x0  }
0x52: {  	s13 =	rddreg [dreg:$0x9];
	[sflag:s26] =	ssyncadd.s32 $0xFFFFC000  }
0x53: {  	[spmem:s13] =	stream.linear.scatter [tilespmem:s29], [sflag:$0x5], $0x4000, $0x38;
	[tilespmem:$0x1E080] =	vst v63  }
0x54: {  	_ =	swait.ge [sflag:s26], $0x4000  }
0x55: {  	[sflag:s26] =	ssyncset.done $0x0  }
0x56: {  	s21 =	rddreg [dreg:$0xa];
	[sflag:s26] =	ssyncadd.s32 $0xFFFFC000  }
0x57: {  	[spmem:s21] =	stream.linear.scatter [tilespmem:s29], [sflag:$0x5], $0x3800, $0x38;
	[tilespmem:$0x1E080] =	vst v63  }
0x58: {  	_ =	swait.ge [sflag:s26], $0x3800  }
0x59: {  	[sflag:s26] =	ssyncset.done $0x0  }
0x5a: {  	s4 =	simm.s32 @!p1 $0x2800;
	[sflag:s26] =	ssyncadd.s32 $0xFFFFC800  }
0x5b: {  	[spmem:s12] =	stream.linear.scatter @!p1 [tilespmem:s4], [sflag:$0x5], $0x800, $0x38;
	[tilespmem:$0x1E080] =	vst v63  }
0x5c: {  	s4 =	simm.s32 @!p1 $0x5  }
0x5d: {  	_ =	swait.ge @!p1 [sflag:s4], $0x800  }
0x5e: {  	[sflag:s4] =	ssyncset.done @!p1 $0x0  }
0x5f: {  	[sflag:s4] =	ssyncadd.s32 @!p1 $0xFFFFF800  }
.LBB2_5:
0x60: {  	s4 =	simm.s32 $0x0  }
0x61: {  	[tilespmem:s4], [sflag:$0x5] =	stream.linear.gather [hbm4b:s16+s4], $0x2700, $0x38;
	[tilespmem:$0x1E080] =	vst v63  }
0x62: {  	_ =	swait.ge [sflag:s26], $0x2700  }
0x63: {  	[sflag:s26] =	ssyncset.done $0x0  }
0x64: {  	[sflag:s26] =	ssyncadd.s32 $0xFFFFD900  }
0x65: {  	[tilespmem:s29], [sflag:$0x1] =	stream.indirect.gather [hbm4b:s1+s28], $0x80, s4, s28, $0xb8;
	[tilespmem:$0x1E080] =	vst v63  }
0x66: {  	_ = 	snop  }
0x67: {  	[tilespmem:s30], [sflag:$0x3] =	stream.linear.gather [hbm4b:s17+s4], $0x80, $0x38;
	[tilespmem:$0x1E080] =	vst v63  }
0x68: {  	s7 =	simm.s32 $0x80;
	[bflag:$0x0] =	sbarrier.arrive $0xFFFF  }
0x69: {  	[tilespmem:s31], [sflag:$0x2] =	stream.indirect.gather [hbm4b:s1+s28], $0x80, s7, s28, $0xb8;
	[tilespmem:$0x1E080] =	vst v63  }
0x6a: {  	s11 =	sadd.s32 $0x0, s25  }
0x6b: {  	[tilespmem:s0], [sflag:$0x4] =	stream.linear.gather [hbm4b:s11+s5], $0x80, $0x38;
	[tilespmem:$0x1E080] =	vst v63  }
0x6c: {  	_ =	swait.ge [sflag:s2], $0x4000  }
0x6d: {  	[sflag:s2] =	ssyncset.done $0x0  }
0x6e: {  	[sflag:s2] =	ssyncadd.s32 $0xFFFFC000  }
0x6f: {  	_ =	swait.ge [sflag:s8], $0x80  }
0x70: {  	[sflag:s8] =	ssyncset.done $0x0  }
0x71: {  	[sflag:s8] =	ssyncadd.s32 $0xFFFFFF80  }
0x72: {  	[spmem:s3] =	stream.indirect.scatter.add.f32 [tilespmem:s29], [sflag:$0x5], $0x80, s30, s28, $0xb8;
	[tilespmem:$0x1E080] =	vst v63  }
0x73: {  	_ =	swait.ge [sflag:s26], $0x4000  }
0x74: {  	[sflag:s26] =	ssyncset.done $0x0  }
0x75: {  	s13 =	simm.s32 $0x100;
	[sflag:s26] =	ssyncadd.s32 $0xFFFFC000  }
0x76: {  	[tilespmem:s29], [sflag:$0x1] =	stream.indirect.gather [hbm4b:s1+s28], $0x80, s13, s28, $0xb8;
	[tilespmem:$0x1E080] =	vst v63  }
0x77: {  	s21 =	sadd.s32 $0x0, s24  }
0x78: {  	[tilespmem:s30], [sflag:$0x3] =	stream.linear.gather [hbm4b:s21+s5], $0x80, $0x38;
	[tilespmem:$0x1E080] =	vst v63  }
0x79: {  	_ =	swait.ge [sflag:s9], $0x4000  }
0x7a: {  	[sflag:s9] =	ssyncset.done $0x0  }
0x7b: {  	[sflag:s9] =	ssyncadd.s32 $0xFFFFC000  }
0x7c: {  	_ =	swait.ge [sflag:s10], $0x80  }
0x7d: {  	[sflag:s10] =	ssyncset.done $0x0  }
0x7e: {  	[sflag:s10] =	ssyncadd.s32 $0xFFFFFF80  }
0x7f: {  	[spmem:s3] =	stream.indirect.scatter.add.f32 [tilespmem:s31], [sflag:$0x5], $0x80, s0, s28, $0xb8;
	[tilespmem:$0x1E080] =	vst v63  }
0x80: {  	s4 =	simm.s32 $0x40;
	_ =	swait.ge [sflag:s26], $0x4000  }
0x81: {  	s11 =	simm.s32 $0x200;
	s21 =	simm.s32 $0x20;
	[sflag:s26] =	ssyncset.done $0x0  }
.LBB2_6:
0x82: {  	p4 =	sne.s32 s4, $0x4A0;
	s7 =	sadd.s32 $0xFFFFFF80, s11;
	[sflag:s26] =	ssyncadd.s32 $0xFFFFC000  }
0x83: {  	[tilespmem:s31], [sflag:$0x2] =	stream.indirect.gather [hbm4b:s1+s28], $0x80, s7, s28, $0xb8;
	[tilespmem:$0x1E080] =	vst v63  }
0x84: {  	s13 =	smov.u32 s4;
	s4 =	sadd.s32 $0x20, s4;
	s7 =	sadd.s32 s21, s25  }
0x85: {  	[tilespmem:s0], [sflag:$0x4] =	stream.linear.gather [hbm4b:s7+s5], $0x80, $0x38;
	[tilespmem:$0x1E080] =	vst v63  }
0x86: {  	_ =	swait.ge [sflag:s2], $0x4000  }
0x87: {  	[sflag:s2] =	ssyncset.done $0x0  }
0x88: {  	[sflag:s2] =	ssyncadd.s32 $0xFFFFC000  }
0x89: {  	_ =	swait.ge [sflag:s8], $0x80  }
0x8a: {  	[sflag:s8] =	ssyncset.done $0x0  }
0x8b: {  	[sflag:s8] =	ssyncadd.s32 $0xFFFFFF80  }
0x8c: {  	[spmem:s3] =	stream.indirect.scatter.add.f32 [tilespmem:s29], [sflag:$0x5], $0x80, s30, s28, $0xb8;
	[tilespmem:$0x1E080] =	vst v63  }
0x8d: {  	_ =	swait.ge [sflag:s26], $0x4000  }
0x8e: {  	[sflag:s26] =	ssyncset.done $0x0  }
0x8f: {  	[sflag:s26] =	ssyncadd.s32 $0xFFFFC000  }
0x90: {  	[tilespmem:s29], [sflag:$0x1] =	stream.indirect.gather [hbm4b:s1+s28], $0x80, s11, s28, $0xb8;
	[tilespmem:$0x1E080] =	vst v63  }
0x91: {  	s7 =	sadd.s32 s21, s24;
	s21 =	smov.u32 s13  }
0x92: {  	[tilespmem:s30], [sflag:$0x3] =	stream.linear.gather [hbm4b:s7+s5], $0x80, $0x38;
	[tilespmem:$0x1E080] =	vst v63  }
0x93: {  	_ =	swait.ge [sflag:s9], $0x4000  }
0x94: {  	[sflag:s9] =	ssyncset.done $0x0  }
0x95: {  	[sflag:s9] =	ssyncadd.s32 $0xFFFFC000  }
0x96: {  	_ =	swait.ge [sflag:s10], $0x80  }
.Ltmp5:
0x97: {  	[sflag:s10] =	ssyncset.done $0x0;
	(pc) =	sbr.rel @p4 .LBB2_6-.Ltmp5, $4  }
0x98: {  	[sflag:s10] =	ssyncadd.s32 $0xFFFFFF80  }
0x99: {  	[spmem:s3] =	stream.indirect.scatter.add.f32 [tilespmem:s31], [sflag:$0x5], $0x80, s0, s28, $0xb8;
	[tilespmem:$0x1E080] =	vst v63  }
0x9a: {  	_ =	swait.ge [sflag:s26], $0x4000  }
0x9b: {  	s11 =	sadd.s32 $0x100, s11;
	[sflag:s26] =	ssyncset.done $0x0  }
0x9c: {  	s4 =	sadd.s32 $0xFFFFFF80, s11;
	[sflag:s26] =	ssyncadd.s32 $0xFFFFC000  }
0x9d: {  	[tilespmem:s31], [sflag:$0x2] =	stream.indirect.gather [hbm4b:s1+s28], $0x80, s4, s28, $0xb8;
	[tilespmem:$0x1E080] =	vst v63  }
0x9e: {  	s7 =	sadd.s32 s21, s25  }
0x9f: {  	[tilespmem:s0], [sflag:$0x4] =	stream.linear.gather [hbm4b:s7+s5], $0x80, $0x38;
	[tilespmem:$0x1E080] =	vst v63  }
0xa0: {  	_ =	swait.ge [sflag:s2], $0x4000  }
0xa1: {  	[sflag:s2] =	ssyncset.done $0x0  }
0xa2: {  	[sflag:s2] =	ssyncadd.s32 $0xFFFFC000  }
0xa3: {  	_ =	swait.ge [sflag:s8], $0x80  }
0xa4: {  	[sflag:s8] =	ssyncset.done $0x0  }
0xa5: {  	[sflag:s8] =	ssyncadd.s32 $0xFFFFFF80  }
0xa6: {  	[spmem:s3] =	stream.indirect.scatter.add.f32 [tilespmem:s29], [sflag:$0x5], $0x80, s30, s28, $0xb8;
	[tilespmem:$0x1E080] =	vst v63  }
0xa7: {  	_ =	swait.ge [sflag:s26], $0x4000  }
0xa8: {  	[sflag:s26] =	ssyncset.done $0x0  }
0xa9: {  	[sflag:s26] =	ssyncadd.s32 $0xFFFFC000  }
0xaa: {  	[tilespmem:s29], [sflag:$0x1] =	stream.indirect.gather [hbm4b:s1+s28], $0x80, s11, s28, $0xb8;
	[tilespmem:$0x1E080] =	vst v63  }
0xab: {  	s13 =	sadd.s32 s21, s24  }
0xac: {  	[tilespmem:s30], [sflag:$0x3] =	stream.linear.gather [hbm4b:s13+s5], $0x80, $0x38;
	[tilespmem:$0x1E080] =	vst v63  }
0xad: {  	_ =	swait.ge [sflag:s9], $0x4000  }
0xae: {  	[sflag:s9] =	ssyncset.done $0x0  }
0xaf: {  	[sflag:s9] =	ssyncadd.s32 $0xFFFFC000  }
0xb0: {  	_ =	swait.ge [sflag:s10], $0x80  }
0xb1: {  	[sflag:s10] =	ssyncset.done $0x0  }
0xb2: {  	[sflag:s10] =	ssyncadd.s32 $0xFFFFFF80  }
0xb3: {  	[spmem:s3] =	stream.indirect.scatter.add.f32 [tilespmem:s31], [sflag:$0x5], $0x80, s0, s28, $0xb8;
	[tilespmem:$0x1E080] =	vst v63  }
0xb4: {  	_ =	swait.ge [sflag:s26], $0x4000  }
0xb5: {  	[sflag:s26] =	ssyncset.done $0x0  }
0xb6: {  	s21 =	simm.s32 $0x2680;
	[sflag:s26] =	ssyncadd.s32 $0xFFFFC000  }
0xb7: {  	[tilespmem:s31], [sflag:$0x2] =	stream.indirect.gather [hbm4b:s1+s28], $0x80, s21, s28, $0xb8;
	[tilespmem:$0x1E080] =	vst v63  }
0xb8: {  	_ = 	snop  }
0xb9: {  	[tilespmem:s0], [sflag:$0x4] =	stream.linear.gather [hbm4b:s23+s5], $0x80, $0x38;
	[tilespmem:$0x1E080] =	vst v63  }
0xba: {  	_ =	swait.ge [sflag:s2], $0x4000  }
0xbb: {  	[sflag:s2] =	ssyncset.done $0x0  }
0xbc: {  	[sflag:s2] =	ssyncadd.s32 $0xFFFFC000  }
0xbd: {  	_ =	swait.ge [sflag:s8], $0x80  }
0xbe: {  	[sflag:s8] =	ssyncset.done $0x0  }
0xbf: {  	[sflag:s8] =	ssyncadd.s32 $0xFFFFFF80  }
0xc0: {  	[spmem:s3] =	stream.indirect.scatter.add.f32 [tilespmem:s29], [sflag:$0x5], $0x80, s30, s28, $0xb8;
	[tilespmem:$0x1E080] =	vst v63  }
0xc1: {  	_ =	swait.ge [sflag:s26], $0x4000  }
0xc2: {  	[sflag:s26] =	ssyncset.done $0x0  }
0xc3: {  	[sflag:s26] =	ssyncadd.s32 $0xFFFFC000  }
0xc4: {  	_ =	swait.ge [sflag:s9], $0x4000  }
0xc5: {  	[sflag:s9] =	ssyncset.done $0x0  }
0xc6: {  	[sflag:s9] =	ssyncadd.s32 $0xFFFFC000  }
0xc7: {  	_ =	swait.ge [sflag:s10], $0x80  }
0xc8: {  	[sflag:s10] =	ssyncset.done $0x0  }
0xc9: {  	[sflag:s10] =	ssyncadd.s32 $0xFFFFFF80  }
0xca: {  	[spmem:s3] =	stream.indirect.scatter.add.f32 [tilespmem:s31], [sflag:$0x5], $0x80, s0, s28, $0xb8;
	[tilespmem:$0x1E080] =	vst v63  }
0xcb: {  	_ =	swait.ge [sflag:s26], $0x4000  }
0xcc: {  	[sflag:s26] =	ssyncset.done $0x0  }
0xcd: {  	s4 =	simm.s32 @!p2 $0x0;
	s7 =	simm.s32 @!p2 $0x5;
	[sflag:s26] =	ssyncadd.s32 $0xFFFFC000  }
0xce: {  	[tilespmem:s4], [sflag:$0x5] =	stream.linear.gather @!p2 [hbm4b:s18+s4], $0x80, $0x38;
	[tilespmem:$0x1E080] =	vst v63  }
0xcf: {  	_ =	swait.ge @!p2 [sflag:s7], $0x80  }
0xd0: {  	[sflag:s7] =	ssyncset.done @!p2 $0x0  }
0xd1: {  	s11 =	simm.s32 @!p2 $0x2700;
	[sflag:s7] =	ssyncadd.s32 @!p2 $0xFFFFFF80  }
0xd2: {  	[tilespmem:s11], [sflag:$0x5] =	stream.linear.gather @!p2 [hbm4b:s19+s4], $0x80, $0x38;
	[tilespmem:$0x1E080] =	vst v63  }
0xd3: {  	_ =	swait.ge @!p2 [sflag:s7], $0x80  }
0xd4: {  	[sflag:s7] =	ssyncset.done @!p2 $0x0  }
0xd5: {  	s13 =	simm.s32 @!p2 $0x80;
	s21 =	simm.s32 @!p2 $0x2800;
	[sflag:s7] =	ssyncadd.s32 @!p2 $0xFFFFFF80  }
0xd6: {  	[tilespmem:s21], [sflag:$0x1] =	stream.indirect.gather @!p2 [hbm4b:s1+s13], $0x80, s4, s13, $0xb8;
	[tilespmem:$0x1E080] =	vst v63  }
0xd7: {  	s4 =	simm.s32 @!p2 $0x1  }
0xd8: {  	_ =	swait.ge @!p2 [sflag:s4], $0x4000  }
0xd9: {  	[sflag:s4] =	ssyncset.done @!p2 $0x0  }
0xda: {  	[sflag:s4] =	ssyncadd.s32 @!p2 $0xFFFFC000  }
0xdb: {  	[spmem:s3] =	stream.indirect.scatter.add.f32 @!p2 [tilespmem:s21], [sflag:$0x5], $0x80, s11, s13, $0xb8;
	[tilespmem:$0x1E080] =	vst v63  }
.Ltmp6:
0xdc: {  	_ =	swait.ge @!p2 [sflag:s7], $0x4000;
	(pc) =	sbr.rel @p0 .LBB2_9-.Ltmp6, $3  }
0xdd: {  	[sflag:s7] =	ssyncset.done @!p2 $0x0  }
0xde: {  	[sflag:s7] =	ssyncadd.s32 @!p2 $0xFFFFC000  }
0xdf: {  	[bflag:$0x0] =	sbarrier.arrive $0xFFFF;
	_ =	sdelay $0x1  }
0xe0: {  	s15 =	sor.u32 $0x1C05, s20;
	s4 =	rddreg [dreg:$0xf]  }
0xe1: {  	[hbm:s4], [sflag:s15] =	dma.local [spmem:s6], $0x2700  }
.Ltmp7:
0xe2: {  	_ = 	snop;
	(pc) =	sbr.rel @p3 .LBB2_10-.Ltmp7, $4  }
.Ltmp8:
0xe3: {  	_ =	swait.ge [sflag:s26], $0x2700;
	(pc) =	sbr.rel @!p3 .LBB2_11-.Ltmp8, $4  }
0xe4: {  	[sflag:s26] =	ssyncset.done $0x0  }
0xe5: {  	[sflag:s26] =	ssyncadd.s32 $0xFFFFD900  }
0xe6: {  	s4 =	rddreg [dreg:$0x2]  }
0xe7: {  	_ = 	snop  }
.LBB2_9:
0xe8: {  	s4 =	rddreg [dreg:$0xe]  }
0xe9: {  	[hbm:s4], [sflag:s15] =	dma.local [spmem:s6], $0x2700  }
.Ltmp9:
0xea: {  	_ = 	snop;
	(pc) =	sbr.rel @p1 .LBB2_11-.Ltmp9, $4  }
.Ltmp10:
0xeb: {  	_ = 	snop;
	(pc) =	sbr.rel @!p1 .LBB2_10-.Ltmp10, $4  }
0xec: {  	_ =	swait.ge [sflag:s26], $0x2700  }
0xed: {  	[sflag:s26] =	ssyncset.done $0x0  }
0xee: {  	s4 =	rddreg [dreg:$0x5];
	[sflag:s26] =	ssyncadd.s32 $0xFFFFD900  }
0xef: {  	_ = 	snop  }
.LBB2_12:
0xf0: {  	_ =	sfence.sel $0x180000  }
0xf1: {  	[bflag:$0x0] =	sbarrier.arrive $0xFFFF  }
0xf2: {  	_ =	strace $0x90000047  }
0xf3: {  	s0 =	stileid.u32;
	[bflag:$0x2] =	sbarrier.arrive $0xFFFF  }
0xf4: {  	p0 =	sne.s32 s0, $0x0;
	s0 =	rddreg [dreg:$0x4]  }
0xf5: {  	s0 =	sadd.s32 @!p0 $0x100000, s0  }
0xf6: {  	[sflag:s0] =	ssyncadd.tile.s32 @!p0 $0x1;
	_ =	shalt  }
.Lfunc_end2:
_tile_overlayer_lowered:
.L_overlay_start_2:
0xf7: {  	(tag) =	ssettag $0x2  }
0xf8: {  	s0 =	rddreg [dreg:$0x0];
	s2 =	stileid.u32  }
0xf9: {  	s1 =	rddreg [dreg:$0x1];
	p0 =	sne.s32 s2, $0x0  }
0xfa: {  	s3 =	rddreg [dreg:$0x2];
	[bflag:$0x3] =	sbarrier.arrive $0xFFFF;
	s2 =	simm.s32 @!p0 $0x1C05  }
0xfb: {  	[timem:s3], [sflag:s2] =	dma.local @!p0 [hbm:s0], s1  }
0xfc: {  	s0 =	simm.s32 @!p0 $0x5  }
0xfd: {  	_ =	swait.ge @!p0 [sflag:s0], s1  }
0xfe: {  	s1 =	ssub.s32 @!p0 $0x0, s1;
	[sflag:s0] =	ssyncset.done @!p0 $0x0  }
0xff: {  	[sflag:s0] =	ssyncadd.s32 @!p0 s1  }
0x100: {  	[bflag:$0x3] =	sbarrier.arrive $0xFFFF  }
0x101: {  	_ =	shalt  }

</sc_bundles>
